<compile_context>
chip_gen: v7x
topology: tpu7x:2x2x1
jax: 0.10.2.dev20260603
libtpu: 0.0.44.dev20260713+nightly
codegen_flags: <defaults>
</compile_context>

<pallas_src>
import functools

import jax
import jax.numpy as jnp
from jax import lax
from jax.experimental import pallas as pl
from jax.experimental.pallas import tpu as pltpu
from jax.experimental.pallas import tpu_sc as plsc

N_NODES = 10000
D = 128
DH = 64
NT = 16
CHUNK = 128
ACC_ROWS = 10112
RPT = ACC_ROWS // NT
SENT = 10048
ROW_BLK = 1000

_SC_PARAMS = pltpu.CompilerParams(use_tc_tiling_on_sc=False)



def _make_agg(n_chunks):
  mesh = plsc.VectorSubcoreMesh(core_axis_name="c", subcore_axis_name="s")

  @functools.partial(
      pl.kernel,
      out_type=[
          jax.ShapeDtypeStruct((ACC_ROWS, DH), jnp.float32),
          jax.ShapeDtypeStruct((ACC_ROWS, DH), jnp.float32),
      ],
      mesh=mesh,
      compiler_params=_SC_PARAMS,
      scratch_types=[
          pltpu.VMEM_SHARED((ACC_ROWS, DH), jnp.float32),
          pltpu.VMEM_SHARED((N_NODES, DH), jnp.float32),
          pltpu.VMEM((n_chunks // 2, CHUNK), jnp.int32),
          pltpu.VMEM((n_chunks // 2, CHUNK), jnp.int32),
          pltpu.VMEM((CHUNK, DH), jnp.float32),
          pltpu.VMEM((CHUNK, DH), jnp.float32),
          pltpu.SemaphoreType.DMA,
          pltpu.SemaphoreType.DMA,
          pltpu.SemaphoreType.DMA,
          pltpu.SemaphoreType.DMA,
      ],
  )
  def agg(y_lo, y_hi, src3, dst3, zeros_hbm, out_lo, out_hi,
          acc, y_spm, sidx, didx, r0, r1, g0, g1, u0, u1):
    c = lax.axis_index("c")
    s = lax.axis_index("s")
    rows = [r0, r1]
    gsem = [g0, g1]
    hc = n_chunks // 2
    ypt = N_NODES // NT

    def run(table, out):
      cp_y = pltpu.async_copy(table.at[pl.ds(s * ypt, ypt)],
                              y_spm.at[pl.ds(s * ypt, ypt)], u0)
      cp_z = pltpu.async_copy(zeros_hbm, acc.at[pl.ds(s * RPT, RPT)], u1)
      cp_s = pltpu.async_copy(src3.at[s, pl.ds(0, hc)], sidx, g0)
      cp_d = pltpu.async_copy(dst3.at[s, pl.ds(0, hc)], didx, g1)
      cp_y.wait()
      cp_z.wait()
      cp_s.wait()
      cp_d.wait()
      plsc.subcore_barrier()

      def phase(p):
        pltpu.async_copy(y_spm.at[sidx.at[0]], rows[0], gsem[0])

        def body(j, carry):
          even = j % 2 == 0
          jn = jnp.minimum(j + 1, hc - 1)

          @pl.when(even)
          def _():
            pltpu.async_copy(y_spm.at[sidx.at[jn]], rows[1], gsem[1])
            pltpu.make_async_copy(
                y_spm.at[sidx.at[0]], rows[0], gsem[0]).wait()
            pltpu.sync_copy(rows[0], acc.at[didx.at[j]], add=True)

          @pl.when(~even)
          def _():
            pltpu.async_copy(y_spm.at[sidx.at[jn]], rows[0], gsem[0])
            pltpu.make_async_copy(
                y_spm.at[sidx.at[0]], rows[1], gsem[1]).wait()
            pltpu.sync_copy(rows[1], acc.at[didx.at[j]], add=True)

          return carry

        lax.fori_loop(0, hc, body, 0)
        pltpu.make_async_copy(
            y_spm.at[sidx.at[0]], rows[hc % 2], gsem[hc % 2]).wait()

      phase(0)
      pltpu.sync_copy(src3.at[s, pl.ds(hc, hc)], sidx)
      pltpu.sync_copy(dst3.at[s, pl.ds(hc, hc)], didx)
      phase(1)
      plsc.subcore_barrier()

      pltpu.sync_copy(acc.at[pl.ds(s * RPT, RPT)],
                      out.at[pl.ds(s * RPT, RPT)])

    @pl.when(c == 0)
    def _():
      run(y_lo, out_lo)

    @pl.when(c == 1)
    def _():
      run(y_hi, out_hi)

  return agg


def _make_deg(n_chunks):
  mesh = plsc.VectorSubcoreMesh(core_axis_name="c", subcore_axis_name="s")

  @functools.partial(
      pl.kernel,
      out_type=[
          jax.ShapeDtypeStruct((ACC_ROWS, 16), jnp.float32),
          jax.ShapeDtypeStruct((ACC_ROWS, 16), jnp.float32),
      ],
      mesh=mesh,
      compiler_params=_SC_PARAMS,
      scratch_types=[
          pltpu.VMEM_SHARED((ACC_ROWS, 16), jnp.float32),
          pltpu.VMEM((n_chunks // 2, CHUNK), jnp.int32),
          pltpu.VMEM((CHUNK, 16), jnp.float32),
      ],
  )
  def deg_kernel(dst3, ones_hbm, zeros16_hbm, deg0, deg1,
                 deg_sh, didx, ones_v):
    c = lax.axis_index("c")
    s = lax.axis_index("s")
    hc = n_chunks // 2

    pltpu.sync_copy(dst3.at[s, pl.ds(c * hc, hc)], didx)
    pltpu.sync_copy(ones_hbm, ones_v)
    pltpu.sync_copy(zeros16_hbm, deg_sh.at[pl.ds(s * RPT, RPT)])
    plsc.subcore_barrier()

    def body(j, carry):
      pltpu.sync_copy(ones_v, deg_sh.at[didx.at[j]], add=True)
      return carry

    lax.fori_loop(0, hc, body, 0)
    plsc.subcore_barrier()

    @pl.when(c == 0)
    def _():
      pltpu.sync_copy(deg_sh.at[pl.ds(s * RPT, RPT)],
                      deg0.at[pl.ds(s * RPT, RPT)])

    @pl.when(c == 1)
    def _():
      pltpu.sync_copy(deg_sh.at[pl.ds(s * RPT, RPT)],
                      deg1.at[pl.ds(s * RPT, RPT)])

  return deg_kernel



def _row_spec(cols):
  return pl.BlockSpec((ROW_BLK, cols), lambda i: (i, 0))


def _full_spec(shape):
  return pl.BlockSpec(shape, lambda i: (0,) * len(shape))


def _tc_first(x, w_self, w_neigh, b):
  def body(x_ref, ws_ref, wn_ref, b_ref, s_ref, ylo_ref, yhi_ref):
    x = x_ref[...]
    s_ref[...] = (
        jnp.dot(x, ws_ref[...], preferred_element_type=jnp.float32)
        + b_ref[...])
    y = jnp.dot(x, wn_ref[...], preferred_element_type=jnp.float32)
    ylo_ref[...] = y[:, :DH]
    yhi_ref[...] = y[:, DH:]

  n = x.shape[0]
  return pl.pallas_call(
      body,
      grid=(n // ROW_BLK,),
      in_specs=[_row_spec(D), _full_spec((D, D)), _full_spec((D, D)),
                _full_spec((1, D))],
      out_specs=[_row_spec(D), _row_spec(DH), _row_spec(DH)],
      out_shape=[
          jax.ShapeDtypeStruct((n, D), jnp.float32),
          jax.ShapeDtypeStruct((n, DH), jnp.float32),
          jax.ShapeDtypeStruct((n, DH), jnp.float32),
      ],
  )(x, w_self, w_neigh, b)


def _tc_mid(s_prev, a_lo, a_hi, dg0, dg1, w_self, w_neigh, b):
  def body(s_ref, alo_ref, ahi_ref, dg0_ref, dg1_ref, ws_ref, wn_ref, b_ref,
           so_ref, ylo_ref, yhi_ref):
    deg = dg0_ref[...][:, 0:1] + dg1_ref[...][:, 0:1]
    inv = 1.0 / jnp.maximum(deg, 1.0)
    a = jnp.concatenate([alo_ref[...], ahi_ref[...]], axis=1) * inv
    h = jnp.maximum(s_ref[...] + a, 0.0)
    so_ref[...] = (
        jnp.dot(h, ws_ref[...], preferred_element_type=jnp.float32)
        + b_ref[...])
    y = jnp.dot(h, wn_ref[...], preferred_element_type=jnp.float32)
    ylo_ref[...] = y[:, :DH]
    yhi_ref[...] = y[:, DH:]

  n = s_prev.shape[0]
  return pl.pallas_call(
      body,
      grid=(n // ROW_BLK,),
      in_specs=[_row_spec(D), _row_spec(DH), _row_spec(DH), _row_spec(16),
                _row_spec(16), _full_spec((D, D)), _full_spec((D, D)),
                _full_spec((1, D))],
      out_specs=[_row_spec(D), _row_spec(DH), _row_spec(DH)],
      out_shape=[
          jax.ShapeDtypeStruct((n, D), jnp.float32),
          jax.ShapeDtypeStruct((n, DH), jnp.float32),
          jax.ShapeDtypeStruct((n, DH), jnp.float32),
      ],
  )(s_prev, a_lo, a_hi, dg0, dg1, w_self, w_neigh, b)


def _tc_final(s_prev, a_lo, a_hi, dg0, dg1):
  def body(s_ref, alo_ref, ahi_ref, dg0_ref, dg1_ref, out_ref):
    deg = dg0_ref[...][:, 0:1] + dg1_ref[...][:, 0:1]
    inv = 1.0 / jnp.maximum(deg, 1.0)
    a = jnp.concatenate([alo_ref[...], ahi_ref[...]], axis=1) * inv
    out_ref[...] = s_ref[...] + a

  n = s_prev.shape[0]
  return pl.pallas_call(
      body,
      grid=(n // ROW_BLK,),
      in_specs=[_row_spec(D), _row_spec(DH), _row_spec(DH), _row_spec(16),
                _row_spec(16)],
      out_specs=_row_spec(D),
      out_shape=jax.ShapeDtypeStruct((n, D), jnp.float32),
  )(s_prev, a_lo, a_hi, dg0, dg1)



@jax.jit
def kernel(in_feat, edge_index, W_self0, W_neigh0, b0,
           W_self1, W_neigh1, b1, W_self2, W_neigh2, b2):
  n, _ = in_feat.shape
  e = edge_index.shape[1]

  per_tile = -(-e // NT)
  n_chunks = -(-per_tile // CHUNK)
  n_chunks = -(-n_chunks // 4) * 4
  e_pad = NT * n_chunks * CHUNK
  src = jnp.concatenate(
      [edge_index[0], jnp.zeros((e_pad - e,), jnp.int32)])
  dst = jnp.concatenate(
      [edge_index[1], jnp.full((e_pad - e,), SENT, jnp.int32)])
  src3 = src.reshape(NT, n_chunks, CHUNK)
  dst3 = dst.reshape(NT, n_chunks, CHUNK)

  zeros_hbm = jnp.zeros((RPT, DH), jnp.float32)
  zeros16 = jnp.zeros((RPT, 16), jnp.float32)
  ones_hbm = jnp.ones((CHUNK, 16), jnp.float32)

  agg = _make_agg(n_chunks)
  deg_kernel = _make_deg(n_chunks)

  dg0, dg1 = deg_kernel(dst3, ones_hbm, zeros16)

  s0, ylo, yhi = _tc_first(in_feat, W_self0, W_neigh0, b0.reshape(1, D))
  alo, ahi = agg(ylo, yhi, src3, dst3, zeros_hbm)
  s1, ylo, yhi = _tc_mid(s0, alo, ahi, dg0, dg1,
                         W_self1, W_neigh1, b1.reshape(1, D))
  alo, ahi = agg(ylo, yhi, src3, dst3, zeros_hbm)
  s2, ylo, yhi = _tc_mid(s1, alo, ahi, dg0, dg1,
                         W_self2, W_neigh2, b2.reshape(1, D))
  alo, ahi = agg(ylo, yhi, src3, dst3, zeros_hbm)
  return _tc_final(s2, alo, ahi, dg0, dg1)

# --- scband reference (transcript-rebuilt; emitter-appended) ---
"""Pipeline reference for scband-graph-sage-18476949307563 (READ-ONLY COPY).

The authoritative reference and input builder live on the scoring server;
editing this copy changes nothing except your own understanding.
"""

import jax, jax.numpy as jnp
import numpy as np

N = 10000
E = 320000
D_IN = 128
D_H = 128
N_LAYERS = 3


def setup_inputs(seed: int = 0) -> dict:
    key = jax.random.key(seed)
    ks = jax.random.split(key, 2 + 3 * N_LAYERS)
    x = jax.random.normal(ks[0], (N, D_IN), dtype=jnp.float32)
    edge_index = jax.random.randint(ks[1], (2, E), 0, N, dtype=jnp.int32)
    inp = {"in_feat": x, "edge_index": edge_index}
    dims = [(D_IN, D_H)] + [(D_H, D_H)] * (N_LAYERS - 1)
    for l, (din, dout) in enumerate(dims):
        s = 1.0 / np.sqrt(din)
        inp[f"W_self{l}"] = jax.random.normal(ks[2 + 3 * l], (din, dout), dtype=jnp.float32) * s
        inp[f"W_neigh{l}"] = jax.random.normal(ks[3 + 3 * l], (din, dout), dtype=jnp.float32) * s
        inp[f"b{l}"] = jnp.zeros((dout,), dtype=jnp.float32)
    return inp


def _sage_conv(x, edge_index, W_self, W_neigh, b):
    # DGL SAGEConv with 'mean' aggregator:
    # h_neigh = mean over incoming edges of src features; rst = fc_self(x) + fc_neigh(h_neigh) + bias
    src = edge_index[0]
    dst = edge_index[1]
    msgs = jnp.take(x, src, axis=0)                      # gather  [E, d]
    agg = jax.ops.segment_sum(msgs, dst, num_segments=N)  # scatter-add [N, d]
    deg = jax.ops.segment_sum(jnp.ones((msgs.shape[0], 1), dtype=x.dtype), dst, num_segments=N)
    h_neigh = agg / jnp.maximum(deg, 1.0)
    return x @ W_self + h_neigh @ W_neigh + b


def reference(in_feat, edge_index, W_self0, W_neigh0, b0, W_self1, W_neigh1, b1, W_self2, W_neigh2, b2):
    # GraphSAGE forward (eval mode: dropout is identity)
    h = _sage_conv(in_feat, edge_index, W_self0, W_neigh0, b0)
    h = jax.nn.relu(h)
    h = _sage_conv(h, edge_index, W_self1, W_neigh1, b1)
    h = jax.nn.relu(h)
    h = _sage_conv(h, edge_index, W_self2, W_neigh2, b2)
    return h

if __name__ == "__main__":
    import jax
    _d = setup_inputs()
    print(jax.jit(kernel)(*tuple(_d.values())))

</pallas_src>

<mosaic_0001>
#map = affine_map<(d0, d1) -> (0, 0)>
#map1 = affine_map<(d0, d1) -> (0, 0, 0)>
module attributes {stable_mosaic.version = 14 : i64} {
  func.func @agg(%arg0: i32, %arg1: i32, %arg2: memref<10000x64xf32, #tpu.memory_space<hbm>>, %arg3: memref<10000x64xf32, #tpu.memory_space<hbm>>, %arg4: memref<16x160x128xi32, #tpu.memory_space<hbm>>, %arg5: memref<16x160x128xi32, #tpu.memory_space<hbm>>, %arg6: memref<632x64xf32, #tpu.memory_space<hbm>>, %arg7: memref<10112x64xf32, #tpu.memory_space<hbm>>, %arg8: memref<10112x64xf32, #tpu.memory_space<hbm>>, %arg9: memref<10112x64xf32, #tpu.memory_space<vmem_shared>>, %arg10: memref<10000x64xf32, #tpu.memory_space<vmem_shared>>, %arg11: memref<80x128xi32, #tpu.memory_space<vmem>>, %arg12: memref<80x128xi32, #tpu.memory_space<vmem>>, %arg13: memref<128x64xf32, #tpu.memory_space<vmem>>, %arg14: memref<128x64xf32, #tpu.memory_space<vmem>>, %arg15: memref<!tpu.dma_semaphore, #tpu.memory_space<semaphore_mem>>, %arg16: memref<!tpu.dma_semaphore, #tpu.memory_space<semaphore_mem>>, %arg17: memref<!tpu.dma_semaphore, #tpu.memory_space<semaphore_mem>>, %arg18: memref<!tpu.dma_semaphore, #tpu.memory_space<semaphore_mem>>) attributes {dimension_semantics = [#tpu.dimension_semantics<core_parallel>, #tpu.dimension_semantics<subcore_parallel>], iteration_bounds = array<i64: 2, 16>, scalar_prefetch = 0 : i64, scratch_operands = 10 : i64, tpu.core_type = #tpu.core_type<sc_vector_subcore>, window_params = [{transform_indices = #map}, {transform_indices = #map}, {transform_indices = #map1}, {transform_indices = #map1}, {transform_indices = #map}, {transform_indices = #map}, {transform_indices = #map}]} {
    %eq3A = arith.constant 0 : i32
    %eq3A_0 = arith.cmpi eq, %arg0, %eq3A : i32
    %convert_element_type3A = arith.extui %eq3A_0 : i1 to i32
    %cond3A = arith.constant 0 : i32
    %cond3A_1 = arith.cmpi ne, %convert_element_type3A, %cond3A : i32
    scf.if %cond3A_1 {
      %mul3A = arith.constant 625 : i32
      %mul3A_7 = arith.muli %arg1, %mul3A : i32
      %mul3A_8 = arith.constant 625 : i32
      %mul3A_9 = arith.muli %arg1, %mul3A_8 : i32
      %dma_start3A = arith.constant 0 : i32
      %dma_start3A_10 = tpu.memref_slice %arg10[%mul3A_9, %dma_start3A] : memref<10000x64xf32, #tpu.memory_space<vmem_shared>> -> memref<625x64xf32, #tpu.memory_space<vmem_shared>>
      %dma_start3A_11 = arith.constant 0 : i32
      %dma_start3A_12 = tpu.memref_slice %arg2[%mul3A_7, %dma_start3A_11] : memref<10000x64xf32, #tpu.memory_space<hbm>> -> memref<625x64xf32, #tpu.memory_space<hbm>>
      tpu.enqueue_dma source(%dma_start3A_12 : memref<625x64xf32, #tpu.memory_space<hbm>>) target(%dma_start3A_10 : memref<625x64xf32, #tpu.memory_space<vmem_shared>>) target_semaphore(%arg17 : memref<!tpu.dma_semaphore, #tpu.memory_space<semaphore_mem>>)
      %mul3A_13 = arith.constant 632 : i32
      %mul3A_14 = arith.muli %arg1, %mul3A_13 : i32
      %dma_start3A_15 = arith.constant 0 : i32
      %dma_start3A_16 = tpu.memref_slice %arg9[%mul3A_14, %dma_start3A_15] : memref<10112x64xf32, #tpu.memory_space<vmem_shared>> -> memref<632x64xf32, #tpu.memory_space<vmem_shared>>
      tpu.enqueue_dma source(%arg6 : memref<632x64xf32, #tpu.memory_space<hbm>>) target(%dma_start3A_16 : memref<632x64xf32, #tpu.memory_space<vmem_shared>>) target_semaphore(%arg18 : memref<!tpu.dma_semaphore, #tpu.memory_space<semaphore_mem>>)
      %dma_start3A_17 = arith.constant 0 : i32
      %dma_start3A_18 = arith.constant 0 : i32
      %dma_start3A_19 = tpu.memref_slice %arg4[%arg1, %dma_start3A_17, %dma_start3A_18] : memref<16x160x128xi32, #tpu.memory_space<hbm>> -> memref<1x80x128xi32, #tpu.memory_space<hbm>>
      %dma_start3A_20 = tpu.memref_squeeze %dma_start3A_19 : memref<1x80x128xi32, #tpu.memory_space<hbm>> -> memref<80x128xi32, #tpu.memory_space<hbm>>
      %dma_start3A_21 = arith.constant 0 : i32
      %dma_start3A_22 = arith.constant 0 : i32
      %dma_start3A_23 = tpu.memref_slice %arg4[%arg1, %dma_start3A_21, %dma_start3A_22] : memref<16x160x128xi32, #tpu.memory_space<hbm>> -> memref<1x80x128xi32, #tpu.memory_space<hbm>>
      %dma_start3A_24 = tpu.memref_squeeze %dma_start3A_23 : memref<1x80x128xi32, #tpu.memory_space<hbm>> -> memref<80x128xi32, #tpu.memory_space<hbm>>
      tpu.enqueue_dma source(%dma_start3A_24 : memref<80x128xi32, #tpu.memory_space<hbm>>) target(%arg11 : memref<80x128xi32, #tpu.memory_space<vmem>>) target_semaphore(%arg15 : memref<!tpu.dma_semaphore, #tpu.memory_space<semaphore_mem>>)
      %dma_start3A_25 = arith.constant 0 : i32
      %dma_start3A_26 = arith.constant 0 : i32
      %dma_start3A_27 = tpu.memref_slice %arg5[%arg1, %dma_start3A_25, %dma_start3A_26] : memref<16x160x128xi32, #tpu.memory_space<hbm>> -> memref<1x80x128xi32, #tpu.memory_space<hbm>>
      %dma_start3A_28 = tpu.memref_squeeze %dma_start3A_27 : memref<1x80x128xi32, #tpu.memory_space<hbm>> -> memref<80x128xi32, #tpu.memory_space<hbm>>
      %dma_start3A_29 = arith.constant 0 : i32
      %dma_start3A_30 = arith.constant 0 : i32
      %dma_start3A_31 = tpu.memref_slice %arg5[%arg1, %dma_start3A_29, %dma_start3A_30] : memref<16x160x128xi32, #tpu.memory_space<hbm>> -> memref<1x80x128xi32, #tpu.memory_space<hbm>>
      %dma_start3A_32 = tpu.memref_squeeze %dma_start3A_31 : memref<1x80x128xi32, #tpu.memory_space<hbm>> -> memref<80x128xi32, #tpu.memory_space<hbm>>
      tpu.enqueue_dma source(%dma_start3A_32 : memref<80x128xi32, #tpu.memory_space<hbm>>) target(%arg12 : memref<80x128xi32, #tpu.memory_space<vmem>>) target_semaphore(%arg16 : memref<!tpu.dma_semaphore, #tpu.memory_space<semaphore_mem>>)
      %dma_wait3A = arith.constant 0 : i32
      %dma_wait3A_33 = tpu.memref_slice %arg10[%mul3A_9, %dma_wait3A] : memref<10000x64xf32, #tpu.memory_space<vmem_shared>> -> memref<625x64xf32, #tpu.memory_space<vmem_shared>>
      %dma_wait3A_34 = arith.constant 0 : i32
      %dma_wait3A_35 = tpu.memref_slice %arg2[%mul3A_7, %dma_wait3A_34] : memref<10000x64xf32, #tpu.memory_space<hbm>> -> memref<625x64xf32, #tpu.memory_space<hbm>>
      tpu.wait_dma2 semaphore(%arg17 : memref<!tpu.dma_semaphore, #tpu.memory_space<semaphore_mem>>) src(%dma_wait3A_35 : memref<625x64xf32, #tpu.memory_space<hbm>>) dst(%dma_wait3A_33 : memref<625x64xf32, #tpu.memory_space<vmem_shared>>)
      %dma_wait3A_36 = arith.constant 0 : i32
      %dma_wait3A_37 = tpu.memref_slice %arg9[%mul3A_14, %dma_wait3A_36] : memref<10112x64xf32, #tpu.memory_space<vmem_shared>> -> memref<632x64xf32, #tpu.memory_space<vmem_shared>>
      tpu.wait_dma2 semaphore(%arg18 : memref<!tpu.dma_semaphore, #tpu.memory_space<semaphore_mem>>) src(%arg6 : memref<632x64xf32, #tpu.memory_space<hbm>>) dst(%dma_wait3A_37 : memref<632x64xf32, #tpu.memory_space<vmem_shared>>)
      %dma_wait3A_38 = arith.constant 0 : i32
      %dma_wait3A_39 = arith.constant 0 : i32
      %dma_wait3A_40 = tpu.memref_slice %arg4[%arg1, %dma_wait3A_38, %dma_wait3A_39] : memref<16x160x128xi32, #tpu.memory_space<hbm>> -> memref<1x80x128xi32, #tpu.memory_space<hbm>>
      %dma_wait3A_41 = tpu.memref_squeeze %dma_wait3A_40 : memref<1x80x128xi32, #tpu.memory_space<hbm>> -> memref<80x128xi32, #tpu.memory_space<hbm>>
      %dma_wait3A_42 = arith.constant 0 : i32
      %dma_wait3A_43 = arith.constant 0 : i32
      %dma_wait3A_44 = tpu.memref_slice %arg4[%arg1, %dma_wait3A_42, %dma_wait3A_43] : memref<16x160x128xi32, #tpu.memory_space<hbm>> -> memref<1x80x128xi32, #tpu.memory_space<hbm>>
      %dma_wait3A_45 = tpu.memref_squeeze %dma_wait3A_44 : memref<1x80x128xi32, #tpu.memory_space<hbm>> -> memref<80x128xi32, #tpu.memory_space<hbm>>
      tpu.wait_dma2 semaphore(%arg15 : memref<!tpu.dma_semaphore, #tpu.memory_space<semaphore_mem>>) src(%dma_wait3A_45 : memref<80x128xi32, #tpu.memory_space<hbm>>) dst(%arg11 : memref<80x128xi32, #tpu.memory_space<vmem>>)
      %dma_wait3A_46 = arith.constant 0 : i32
      %dma_wait3A_47 = arith.constant 0 : i32
      %dma_wait3A_48 = tpu.memref_slice %arg5[%arg1, %dma_wait3A_46, %dma_wait3A_47] : memref<16x160x128xi32, #tpu.memory_space<hbm>> -> memref<1x80x128xi32, #tpu.memory_space<hbm>>
      %dma_wait3A_49 = tpu.memref_squeeze %dma_wait3A_48 : memref<1x80x128xi32, #tpu.memory_space<hbm>> -> memref<80x128xi32, #tpu.memory_space<hbm>>
      %dma_wait3A_50 = arith.constant 0 : i32
      %dma_wait3A_51 = arith.constant 0 : i32
      %dma_wait3A_52 = tpu.memref_slice %arg5[%arg1, %dma_wait3A_50, %dma_wait3A_51] : memref<16x160x128xi32, #tpu.memory_space<hbm>> -> memref<1x80x128xi32, #tpu.memory_space<hbm>>
      %dma_wait3A_53 = tpu.memref_squeeze %dma_wait3A_52 : memref<1x80x128xi32, #tpu.memory_space<hbm>> -> memref<80x128xi32, #tpu.memory_space<hbm>>
      tpu.wait_dma2 semaphore(%arg16 : memref<!tpu.dma_semaphore, #tpu.memory_space<semaphore_mem>>) src(%dma_wait3A_53 : memref<80x128xi32, #tpu.memory_space<hbm>>) dst(%arg12 : memref<80x128xi32, #tpu.memory_space<vmem>>)
      %barrier3A = arith.constant 0 : index
      tpu.barrier barrier_id(%barrier3A)
      %dma_start3A_54 = arith.constant 0 : i32
      %dma_start3A_55 = arith.constant 0 : i32
      %dma_start3A_56 = tpu.memref_slice %arg11[%dma_start3A_54, %dma_start3A_55] : memref<80x128xi32, #tpu.memory_space<vmem>> -> memref<1x128xi32, #tpu.memory_space<vmem>>
      %dma_start3A_57 = tpu.memref_squeeze %dma_start3A_56 : memref<1x128xi32, #tpu.memory_space<vmem>> -> memref<128xi32, #tpu.memory_space<vmem>>
      %dma_start3A_58 = arith.constant 0 : i32
      %dma_start3A_59 = arith.constant 0 : i32
      %dma_start3A_60 = tpu.memref_slice %arg10[%dma_start3A_58, %dma_start3A_59] : memref<10000x64xf32, #tpu.memory_space<vmem_shared>> -> memref<10000x64xf32, #tpu.memory_space<vmem_shared>>
      tpu.enqueue_indirect_dma source(%dma_start3A_60 : memref<10000x64xf32, #tpu.memory_space<vmem_shared>>) target(%arg13 : memref<128x64xf32, #tpu.memory_space<vmem>>) offsets(%dma_start3A_57 : memref<128xi32, #tpu.memory_space<vmem>>) semaphore(%arg15 : memref<!tpu.dma_semaphore, #tpu.memory_space<semaphore_mem>>)
      %scan3A = arith.constant 0 : i32
      %scan3A_61 = arith.constant 0 : i32
      %scan3A_62 = arith.constant 80 : i32
      %scan3A_63 = arith.addi %scan3A_61, %scan3A_62 : i32
      %scan3A_64 = arith.constant 1 : i32
      scf.for %scan3A_98 = %scan3A_61 to %scan3A_63 step %scan3A_64  : i32 {
        %jit3A = arith.constant 2 : i32
        %eq3A_99 = arith.constant 0 : i32
        %eq3A_100 = arith.cmpi eq, %jit3A, %eq3A_99 : i32
        %jit3A_101 = arith.constant 1 : i32
        %select_n3A = arith.select %eq3A_100, %jit3A_101, %jit3A : i32
        %rem3A = arith.remsi %scan3A_98, %select_n3A : i32
        %ne3A = arith.constant 0 : i32
        %ne3A_102 = arith.cmpi ne, %rem3A, %ne3A : i32
        %lt3A = arith.constant 0 : i32
        %lt3A_103 = arith.cmpi slt, %rem3A, %lt3A : i32
        %lt3A_104 = arith.constant 0 : i32
        %lt3A_105 = arith.cmpi slt, %select_n3A, %lt3A_104 : i32
        %ne3A_106 = arith.xori %lt3A_103, %lt3A_105 : i1
        %and3A = arith.andi %ne3A_106, %ne3A_102 : i1
        %add3A = arith.addi %rem3A, %select_n3A : i32
        %select_n3A_107 = arith.select %and3A, %add3A, %rem3A : i32
        %eq3A_108 = arith.constant 0 : i32
        %eq3A_109 = arith.cmpi eq, %select_n3A_107, %eq3A_108 : i32
        %add3A_110 = arith.constant 1 : i32
        %add3A_111 = arith.addi %scan3A_98, %add3A_110 : i32
        %min3A = arith.constant 79 : i32
        %min3A_112 = arith.minsi %add3A_111, %min3A : i32
        %convert_element_type3A_113 = arith.extui %eq3A_109 : i1 to i32
        %cond3A_114 = arith.constant 0 : i32
        %cond3A_115 = arith.cmpi ne, %convert_element_type3A_113, %cond3A_114 : i32
        scf.if %cond3A_115 {
          %dma_start3A_120 = arith.constant 0 : i32
          %dma_start3A_121 = tpu.memref_slice %arg11[%min3A_112, %dma_start3A_120] : memref<80x128xi32, #tpu.memory_space<vmem>> -> memref<1x128xi32, #tpu.memory_space<vmem>>
          %dma_start3A_122 = tpu.memref_squeeze %dma_start3A_121 : memref<1x128xi32, #tpu.memory_space<vmem>> -> memref<128xi32, #tpu.memory_space<vmem>>
          %dma_start3A_123 = arith.constant 0 : i32
          %dma_start3A_124 = arith.constant 0 : i32
          %dma_start3A_125 = tpu.memref_slice %arg10[%dma_start3A_123, %dma_start3A_124] : memref<10000x64xf32, #tpu.memory_space<vmem_shared>> -> memref<10000x64xf32, #tpu.memory_space<vmem_shared>>
          tpu.enqueue_indirect_dma source(%dma_start3A_125 : memref<10000x64xf32, #tpu.memory_space<vmem_shared>>) target(%arg14 : memref<128x64xf32, #tpu.memory_space<vmem>>) offsets(%dma_start3A_122 : memref<128xi32, #tpu.memory_space<vmem>>) semaphore(%arg16 : memref<!tpu.dma_semaphore, #tpu.memory_space<semaphore_mem>>)
          %dma_wait3A_126 = arith.constant 0 : i32
          %dma_wait3A_127 = arith.constant 0 : i32
          %dma_wait3A_128 = tpu.memref_slice %arg11[%dma_wait3A_126, %dma_wait3A_127] : memref<80x128xi32, #tpu.memory_space<vmem>> -> memref<1x128xi32, #tpu.memory_space<vmem>>
          %dma_wait3A_129 = tpu.memref_squeeze %dma_wait3A_128 : memref<1x128xi32, #tpu.memory_space<vmem>> -> memref<128xi32, #tpu.memory_space<vmem>>
          %dma_wait3A_130 = arith.constant 0 : i32
          %dma_wait3A_131 = arith.constant 0 : i32
          %dma_wait3A_132 = tpu.memref_slice %arg10[%dma_wait3A_130, %dma_wait3A_131] : memref<10000x64xf32, #tpu.memory_space<vmem_shared>> -> memref<10000x64xf32, #tpu.memory_space<vmem_shared>>
          tpu.wait_indirect_dma semaphore(%arg15 : memref<!tpu.dma_semaphore, #tpu.memory_space<semaphore_mem>>) src(%dma_wait3A_132 : memref<10000x64xf32, #tpu.memory_space<vmem_shared>>) dst(%arg13 : memref<128x64xf32, #tpu.memory_space<vmem>>)
          "tpu.region"() ({
            %run_scoped3A = tpu.sem_alloc : memref<!tpu.dma_semaphore, #tpu.memory_space<semaphore_mem>>
            %dma_start3A_133 = arith.constant 0 : i32
            %dma_start3A_134 = tpu.memref_slice %arg12[%scan3A_98, %dma_start3A_133] : memref<80x128xi32, #tpu.memory_space<vmem>> -> memref<1x128xi32, #tpu.memory_space<vmem>>
            %dma_start3A_135 = tpu.memref_squeeze %dma_start3A_134 : memref<1x128xi32, #tpu.memory_space<vmem>> -> memref<128xi32, #tpu.memory_space<vmem>>
            %dma_start3A_136 = arith.constant 0 : i32
            %dma_start3A_137 = arith.constant 0 : i32
            %dma_start3A_138 = tpu.memref_slice %arg9[%dma_start3A_136, %dma_start3A_137] : memref<10112x64xf32, #tpu.memory_space<vmem_shared>> -> memref<10112x64xf32, #tpu.memory_space<vmem_shared>>
            tpu.enqueue_indirect_dma source(%arg13 : memref<128x64xf32, #tpu.memory_space<vmem>>) target(%dma_start3A_138 : memref<10112x64xf32, #tpu.memory_space<vmem_shared>>) offsets(%dma_start3A_135 : memref<128xi32, #tpu.memory_space<vmem>>) semaphore(%run_scoped3A : memref<!tpu.dma_semaphore, #tpu.memory_space<semaphore_mem>>) {add = true}
            %dma_wait3A_139 = arith.constant 0 : i32
            %dma_wait3A_140 = tpu.memref_slice %arg12[%scan3A_98, %dma_wait3A_139] : memref<80x128xi32, #tpu.memory_space<vmem>> -> memref<1x128xi32, #tpu.memory_space<vmem>>
            %dma_wait3A_141 = tpu.memref_squeeze %dma_wait3A_140 : memref<1x128xi32, #tpu.memory_space<vmem>> -> memref<128xi32, #tpu.memory_space<vmem>>
            %dma_wait3A_142 = arith.constant 0 : i32
            %dma_wait3A_143 = arith.constant 0 : i32
            %dma_wait3A_144 = tpu.memref_slice %arg9[%dma_wait3A_142, %dma_wait3A_143] : memref<10112x64xf32, #tpu.memory_space<vmem_shared>> -> memref<10112x64xf32, #tpu.memory_space<vmem_shared>>
            tpu.wait_indirect_dma semaphore(%run_scoped3A : memref<!tpu.dma_semaphore, #tpu.memory_space<semaphore_mem>>) src(%arg13 : memref<128x64xf32, #tpu.memory_space<vmem>>) dst(%dma_wait3A_144 : memref<10112x64xf32, #tpu.memory_space<vmem_shared>>)
            tpu.yield
          }) : () -> ()
        } else {
        }
        %not3A = arith.constant true
        %not3A_116 = arith.xori %eq3A_109, %not3A : i1
        %convert_element_type3A_117 = arith.extui %not3A_116 : i1 to i32
        %cond3A_118 = arith.constant 0 : i32
        %cond3A_119 = arith.cmpi ne, %convert_element_type3A_117, %cond3A_118 : i32
        scf.if %cond3A_119 {
          %dma_start3A_120 = arith.constant 0 : i32
          %dma_start3A_121 = tpu.memref_slice %arg11[%min3A_112, %dma_start3A_120] : memref<80x128xi32, #tpu.memory_space<vmem>> -> memref<1x128xi32, #tpu.memory_space<vmem>>
          %dma_start3A_122 = tpu.memref_squeeze %dma_start3A_121 : memref<1x128xi32, #tpu.memory_space<vmem>> -> memref<128xi32, #tpu.memory_space<vmem>>
          %dma_start3A_123 = arith.constant 0 : i32
          %dma_start3A_124 = arith.constant 0 : i32
          %dma_start3A_125 = tpu.memref_slice %arg10[%dma_start3A_123, %dma_start3A_124] : memref<10000x64xf32, #tpu.memory_space<vmem_shared>> -> memref<10000x64xf32, #tpu.memory_space<vmem_shared>>
          tpu.enqueue_indirect_dma source(%dma_start3A_125 : memref<10000x64xf32, #tpu.memory_space<vmem_shared>>) target(%arg13 : memref<128x64xf32, #tpu.memory_space<vmem>>) offsets(%dma_start3A_122 : memref<128xi32, #tpu.memory_space<vmem>>) semaphore(%arg15 : memref<!tpu.dma_semaphore, #tpu.memory_space<semaphore_mem>>)
          %dma_wait3A_126 = arith.constant 0 : i32
          %dma_wait3A_127 = arith.constant 0 : i32
          %dma_wait3A_128 = tpu.memref_slice %arg11[%dma_wait3A_126, %dma_wait3A_127] : memref<80x128xi32, #tpu.memory_space<vmem>> -> memref<1x128xi32, #tpu.memory_space<vmem>>
          %dma_wait3A_129 = tpu.memref_squeeze %dma_wait3A_128 : memref<1x128xi32, #tpu.memory_space<vmem>> -> memref<128xi32, #tpu.memory_space<vmem>>
          %dma_wait3A_130 = arith.constant 0 : i32
          %dma_wait3A_131 = arith.constant 0 : i32
          %dma_wait3A_132 = tpu.memref_slice %arg10[%dma_wait3A_130, %dma_wait3A_131] : memref<10000x64xf32, #tpu.memory_space<vmem_shared>> -> memref<10000x64xf32, #tpu.memory_space<vmem_shared>>
          tpu.wait_indirect_dma semaphore(%arg16 : memref<!tpu.dma_semaphore, #tpu.memory_space<semaphore_mem>>) src(%dma_wait3A_132 : memref<10000x64xf32, #tpu.memory_space<vmem_shared>>) dst(%arg14 : memref<128x64xf32, #tpu.memory_space<vmem>>)
          "tpu.region"() ({
            %run_scoped3A = tpu.sem_alloc : memref<!tpu.dma_semaphore, #tpu.memory_space<semaphore_mem>>
            %dma_start3A_133 = arith.constant 0 : i32
            %dma_start3A_134 = tpu.memref_slice %arg12[%scan3A_98, %dma_start3A_133] : memref<80x128xi32, #tpu.memory_space<vmem>> -> memref<1x128xi32, #tpu.memory_space<vmem>>
            %dma_start3A_135 = tpu.memref_squeeze %dma_start3A_134 : memref<1x128xi32, #tpu.memory_space<vmem>> -> memref<128xi32, #tpu.memory_space<vmem>>
            %dma_start3A_136 = arith.constant 0 : i32
            %dma_start3A_137 = arith.constant 0 : i32
            %dma_start3A_138 = tpu.memref_slice %arg9[%dma_start3A_136, %dma_start3A_137] : memref<10112x64xf32, #tpu.memory_space<vmem_shared>> -> memref<10112x64xf32, #tpu.memory_space<vmem_shared>>
            tpu.enqueue_indirect_dma source(%arg14 : memref<128x64xf32, #tpu.memory_space<vmem>>) target(%dma_start3A_138 : memref<10112x64xf32, #tpu.memory_space<vmem_shared>>) offsets(%dma_start3A_135 : memref<128xi32, #tpu.memory_space<vmem>>) semaphore(%run_scoped3A : memref<!tpu.dma_semaphore, #tpu.memory_space<semaphore_mem>>) {add = true}
            %dma_wait3A_139 = arith.constant 0 : i32
            %dma_wait3A_140 = tpu.memref_slice %arg12[%scan3A_98, %dma_wait3A_139] : memref<80x128xi32, #tpu.memory_space<vmem>> -> memref<1x128xi32, #tpu.memory_space<vmem>>
            %dma_wait3A_141 = tpu.memref_squeeze %dma_wait3A_140 : memref<1x128xi32, #tpu.memory_space<vmem>> -> memref<128xi32, #tpu.memory_space<vmem>>
            %dma_wait3A_142 = arith.constant 0 : i32
            %dma_wait3A_143 = arith.constant 0 : i32
            %dma_wait3A_144 = tpu.memref_slice %arg9[%dma_wait3A_142, %dma_wait3A_143] : memref<10112x64xf32, #tpu.memory_space<vmem_shared>> -> memref<10112x64xf32, #tpu.memory_space<vmem_shared>>
            tpu.wait_indirect_dma semaphore(%run_scoped3A : memref<!tpu.dma_semaphore, #tpu.memory_space<semaphore_mem>>) src(%arg14 : memref<128x64xf32, #tpu.memory_space<vmem>>) dst(%dma_wait3A_144 : memref<10112x64xf32, #tpu.memory_space<vmem_shared>>)
            tpu.yield
          }) : () -> ()
        } else {
        }
      }
      %scan3A_65 = arith.constant 80 : i32
      %dma_wait3A_66 = arith.constant 0 : i32
      %dma_wait3A_67 = arith.constant 0 : i32
      %dma_wait3A_68 = tpu.memref_slice %arg11[%dma_wait3A_66, %dma_wait3A_67] : memref<80x128xi32, #tpu.memory_space<vmem>> -> memref<1x128xi32, #tpu.memory_space<vmem>>
      %dma_wait3A_69 = tpu.memref_squeeze %dma_wait3A_68 : memref<1x128xi32, #tpu.memory_space<vmem>> -> memref<128xi32, #tpu.memory_space<vmem>>
      %dma_wait3A_70 = arith.constant 0 : i32
      %dma_wait3A_71 = arith.constant 0 : i32
      %dma_wait3A_72 = tpu.memref_slice %arg10[%dma_wait3A_70, %dma_wait3A_71] : memref<10000x64xf32, #tpu.memory_space<vmem_shared>> -> memref<10000x64xf32, #tpu.memory_space<vmem_shared>>
      tpu.wait_indirect_dma semaphore(%arg15 : memref<!tpu.dma_semaphore, #tpu.memory_space<semaphore_mem>>) src(%dma_wait3A_72 : memref<10000x64xf32, #tpu.memory_space<vmem_shared>>) dst(%arg13 : memref<128x64xf32, #tpu.memory_space<vmem>>)
      "tpu.region"() ({
        %run_scoped3A = tpu.sem_alloc : memref<!tpu.dma_semaphore, #tpu.memory_space<semaphore_mem>>
        %dma_start3A_98 = arith.constant 80 : i32
        %dma_start3A_99 = arith.constant 0 : i32
        %dma_start3A_100 = tpu.memref_slice %arg4[%arg1, %dma_start3A_98, %dma_start3A_99] : memref<16x160x128xi32, #tpu.memory_space<hbm>> -> memref<1x80x128xi32, #tpu.memory_space<hbm>>
        %dma_start3A_101 = tpu.memref_squeeze %dma_start3A_100 : memref<1x80x128xi32, #tpu.memory_space<hbm>> -> memref<80x128xi32, #tpu.memory_space<hbm>>
        %dma_start3A_102 = arith.constant 80 : i32
        %dma_start3A_103 = arith.constant 0 : i32
        %dma_start3A_104 = tpu.memref_slice %arg4[%arg1, %dma_start3A_102, %dma_start3A_103] : memref<16x160x128xi32, #tpu.memory_space<hbm>> -> memref<1x80x128xi32, #tpu.memory_space<hbm>>
        %dma_start3A_105 = tpu.memref_squeeze %dma_start3A_104 : memref<1x80x128xi32, #tpu.memory_space<hbm>> -> memref<80x128xi32, #tpu.memory_space<hbm>>
        tpu.enqueue_dma source(%dma_start3A_105 : memref<80x128xi32, #tpu.memory_space<hbm>>) target(%arg11 : memref<80x128xi32, #tpu.memory_space<vmem>>) target_semaphore(%run_scoped3A : memref<!tpu.dma_semaphore, #tpu.memory_space<semaphore_mem>>)
        %dma_wait3A_106 = arith.constant 80 : i32
        %dma_wait3A_107 = arith.constant 0 : i32
        %dma_wait3A_108 = tpu.memref_slice %arg4[%arg1, %dma_wait3A_106, %dma_wait3A_107] : memref<16x160x128xi32, #tpu.memory_space<hbm>> -> memref<1x80x128xi32, #tpu.memory_space<hbm>>
        %dma_wait3A_109 = tpu.memref_squeeze %dma_wait3A_108 : memref<1x80x128xi32, #tpu.memory_space<hbm>> -> memref<80x128xi32, #tpu.memory_space<hbm>>
        %dma_wait3A_110 = arith.constant 80 : i32
        %dma_wait3A_111 = arith.constant 0 : i32
        %dma_wait3A_112 = tpu.memref_slice %arg4[%arg1, %dma_wait3A_110, %dma_wait3A_111] : memref<16x160x128xi32, #tpu.memory_space<hbm>> -> memref<1x80x128xi32, #tpu.memory_space<hbm>>
        %dma_wait3A_113 = tpu.memref_squeeze %dma_wait3A_112 : memref<1x80x128xi32, #tpu.memory_space<hbm>> -> memref<80x128xi32, #tpu.memory_space<hbm>>
        tpu.wait_dma2 semaphore(%run_scoped3A : memref<!tpu.dma_semaphore, #tpu.memory_space<semaphore_mem>>) src(%dma_wait3A_113 : memref<80x128xi32, #tpu.memory_space<hbm>>) dst(%arg11 : memref<80x128xi32, #tpu.memory_space<vmem>>)
        tpu.yield
      }) : () -> ()
      "tpu.region"() ({
        %run_scoped3A = tpu.sem_alloc : memref<!tpu.dma_semaphore, #tpu.memory_space<semaphore_mem>>
        %dma_start3A_98 = arith.constant 80 : i32
        %dma_start3A_99 = arith.constant 0 : i32
        %dma_start3A_100 = tpu.memref_slice %arg5[%arg1, %dma_start3A_98, %dma_start3A_99] : memref<16x160x128xi32, #tpu.memory_space<hbm>> -> memref<1x80x128xi32, #tpu.memory_space<hbm>>
        %dma_start3A_101 = tpu.memref_squeeze %dma_start3A_100 : memref<1x80x128xi32, #tpu.memory_space<hbm>> -> memref<80x128xi32, #tpu.memory_space<hbm>>
        %dma_start3A_102 = arith.constant 80 : i32
        %dma_start3A_103 = arith.constant 0 : i32
        %dma_start3A_104 = tpu.memref_slice %arg5[%arg1, %dma_start3A_102, %dma_start3A_103] : memref<16x160x128xi32, #tpu.memory_space<hbm>> -> memref<1x80x128xi32, #tpu.memory_space<hbm>>
        %dma_start3A_105 = tpu.memref_squeeze %dma_start3A_104 : memref<1x80x128xi32, #tpu.memory_space<hbm>> -> memref<80x128xi32, #tpu.memory_space<hbm>>
        tpu.enqueue_dma source(%dma_start3A_105 : memref<80x128xi32, #tpu.memory_space<hbm>>) target(%arg12 : memref<80x128xi32, #tpu.memory_space<vmem>>) target_semaphore(%run_scoped3A : memref<!tpu.dma_semaphore, #tpu.memory_space<semaphore_mem>>)
        %dma_wait3A_106 = arith.constant 80 : i32
        %dma_wait3A_107 = arith.constant 0 : i32
        %dma_wait3A_108 = tpu.memref_slice %arg5[%arg1, %dma_wait3A_106, %dma_wait3A_107] : memref<16x160x128xi32, #tpu.memory_space<hbm>> -> memref<1x80x128xi32, #tpu.memory_space<hbm>>
        %dma_wait3A_109 = tpu.memref_squeeze %dma_wait3A_108 : memref<1x80x128xi32, #tpu.memory_space<hbm>> -> memref<80x128xi32, #tpu.memory_space<hbm>>
        %dma_wait3A_110 = arith.constant 80 : i32
        %dma_wait3A_111 = arith.constant 0 : i32
        %dma_wait3A_112 = tpu.memref_slice %arg5[%arg1, %dma_wait3A_110, %dma_wait3A_111] : memref<16x160x128xi32, #tpu.memory_space<hbm>> -> memref<1x80x128xi32, #tpu.memory_space<hbm>>
        %dma_wait3A_113 = tpu.memref_squeeze %dma_wait3A_112 : memref<1x80x128xi32, #tpu.memory_space<hbm>> -> memref<80x128xi32, #tpu.memory_space<hbm>>
        tpu.wait_dma2 semaphore(%run_scoped3A : memref<!tpu.dma_semaphore, #tpu.memory_space<semaphore_mem>>) src(%dma_wait3A_113 : memref<80x128xi32, #tpu.memory_space<hbm>>) dst(%arg12 : memref<80x128xi32, #tpu.memory_space<vmem>>)
        tpu.yield
      }) : () -> ()
      %dma_start3A_73 = arith.constant 0 : i32
      %dma_start3A_74 = arith.constant 0 : i32
      %dma_start3A_75 = tpu.memref_slice %arg11[%dma_start3A_73, %dma_start3A_74] : memref<80x128xi32, #tpu.memory_space<vmem>> -> memref<1x128xi32, #tpu.memory_space<vmem>>
      %dma_start3A_76 = tpu.memref_squeeze %dma_start3A_75 : memref<1x128xi32, #tpu.memory_space<vmem>> -> memref<128xi32, #tpu.memory_space<vmem>>
      %dma_start3A_77 = arith.constant 0 : i32
      %dma_start3A_78 = arith.constant 0 : i32
      %dma_start3A_79 = tpu.memref_slice %arg10[%dma_start3A_77, %dma_start3A_78] : memref<10000x64xf32, #tpu.memory_space<vmem_shared>> -> memref<10000x64xf32, #tpu.memory_space<vmem_shared>>
      tpu.enqueue_indirect_dma source(%dma_start3A_79 : memref<10000x64xf32, #tpu.memory_space<vmem_shared>>) target(%arg13 : memref<128x64xf32, #tpu.memory_space<vmem>>) offsets(%dma_start3A_76 : memref<128xi32, #tpu.memory_space<vmem>>) semaphore(%arg15 : memref<!tpu.dma_semaphore, #tpu.memory_space<semaphore_mem>>)
      %scan3A_80 = arith.constant 0 : i32
      %scan3A_81 = arith.constant 0 : i32
      %scan3A_82 = arith.constant 80 : i32
      %scan3A_83 = arith.addi %scan3A_81, %scan3A_82 : i32
      %scan3A_84 = arith.constant 1 : i32
      scf.for %scan3A_98 = %scan3A_81 to %scan3A_83 step %scan3A_84  : i32 {
        %jit3A = arith.constant 2 : i32
        %eq3A_99 = arith.constant 0 : i32
        %eq3A_100 = arith.cmpi eq, %jit3A, %eq3A_99 : i32
        %jit3A_101 = arith.constant 1 : i32
        %select_n3A = arith.select %eq3A_100, %jit3A_101, %jit3A : i32
        %rem3A = arith.remsi %scan3A_98, %select_n3A : i32
        %ne3A = arith.constant 0 : i32
        %ne3A_102 = arith.cmpi ne, %rem3A, %ne3A : i32
        %lt3A = arith.constant 0 : i32
        %lt3A_103 = arith.cmpi slt, %rem3A, %lt3A : i32
        %lt3A_104 = arith.constant 0 : i32
        %lt3A_105 = arith.cmpi slt, %select_n3A, %lt3A_104 : i32
        %ne3A_106 = arith.xori %lt3A_103, %lt3A_105 : i1
        %and3A = arith.andi %ne3A_106, %ne3A_102 : i1
        %add3A = arith.addi %rem3A, %select_n3A : i32
        %select_n3A_107 = arith.select %and3A, %add3A, %rem3A : i32
        %eq3A_108 = arith.constant 0 : i32
        %eq3A_109 = arith.cmpi eq, %select_n3A_107, %eq3A_108 : i32
        %add3A_110 = arith.constant 1 : i32
        %add3A_111 = arith.addi %scan3A_98, %add3A_110 : i32
        %min3A = arith.constant 79 : i32
        %min3A_112 = arith.minsi %add3A_111, %min3A : i32
        %convert_element_type3A_113 = arith.extui %eq3A_109 : i1 to i32
        %cond3A_114 = arith.constant 0 : i32
        %cond3A_115 = arith.cmpi ne, %convert_element_type3A_113, %cond3A_114 : i32
        scf.if %cond3A_115 {
          %dma_start3A_120 = arith.constant 0 : i32
          %dma_start3A_121 = tpu.memref_slice %arg11[%min3A_112, %dma_start3A_120] : memref<80x128xi32, #tpu.memory_space<vmem>> -> memref<1x128xi32, #tpu.memory_space<vmem>>
          %dma_start3A_122 = tpu.memref_squeeze %dma_start3A_121 : memref<1x128xi32, #tpu.memory_space<vmem>> -> memref<128xi32, #tpu.memory_space<vmem>>
          %dma_start3A_123 = arith.constant 0 : i32
          %dma_start3A_124 = arith.constant 0 : i32
          %dma_start3A_125 = tpu.memref_slice %arg10[%dma_start3A_123, %dma_start3A_124] : memref<10000x64xf32, #tpu.memory_space<vmem_shared>> -> memref<10000x64xf32, #tpu.memory_space<vmem_shared>>
          tpu.enqueue_indirect_dma source(%dma_start3A_125 : memref<10000x64xf32, #tpu.memory_space<vmem_shared>>) target(%arg14 : memref<128x64xf32, #tpu.memory_space<vmem>>) offsets(%dma_start3A_122 : memref<128xi32, #tpu.memory_space<vmem>>) semaphore(%arg16 : memref<!tpu.dma_semaphore, #tpu.memory_space<semaphore_mem>>)
          %dma_wait3A_126 = arith.constant 0 : i32
          %dma_wait3A_127 = arith.constant 0 : i32
          %dma_wait3A_128 = tpu.memref_slice %arg11[%dma_wait3A_126, %dma_wait3A_127] : memref<80x128xi32, #tpu.memory_space<vmem>> -> memref<1x128xi32, #tpu.memory_space<vmem>>
          %dma_wait3A_129 = tpu.memref_squeeze %dma_wait3A_128 : memref<1x128xi32, #tpu.memory_space<vmem>> -> memref<128xi32, #tpu.memory_space<vmem>>
          %dma_wait3A_130 = arith.constant 0 : i32
          %dma_wait3A_131 = arith.constant 0 : i32
          %dma_wait3A_132 = tpu.memref_slice %arg10[%dma_wait3A_130, %dma_wait3A_131] : memref<10000x64xf32, #tpu.memory_space<vmem_shared>> -> memref<10000x64xf32, #tpu.memory_space<vmem_shared>>
          tpu.wait_indirect_dma semaphore(%arg15 : memref<!tpu.dma_semaphore, #tpu.memory_space<semaphore_mem>>) src(%dma_wait3A_132 : memref<10000x64xf32, #tpu.memory_space<vmem_shared>>) dst(%arg13 : memref<128x64xf32, #tpu.memory_space<vmem>>)
          "tpu.region"() ({
            %run_scoped3A = tpu.sem_alloc : memref<!tpu.dma_semaphore, #tpu.memory_space<semaphore_mem>>
            %dma_start3A_133 = arith.constant 0 : i32
            %dma_start3A_134 = tpu.memref_slice %arg12[%scan3A_98, %dma_start3A_133] : memref<80x128xi32, #tpu.memory_space<vmem>> -> memref<1x128xi32, #tpu.memory_space<vmem>>
            %dma_start3A_135 = tpu.memref_squeeze %dma_start3A_134 : memref<1x128xi32, #tpu.memory_space<vmem>> -> memref<128xi32, #tpu.memory_space<vmem>>
            %dma_start3A_136 = arith.constant 0 : i32
            %dma_start3A_137 = arith.constant 0 : i32
            %dma_start3A_138 = tpu.memref_slice %arg9[%dma_start3A_136, %dma_start3A_137] : memref<10112x64xf32, #tpu.memory_space<vmem_shared>> -> memref<10112x64xf32, #tpu.memory_space<vmem_shared>>
            tpu.enqueue_indirect_dma source(%arg13 : memref<128x64xf32, #tpu.memory_space<vmem>>) target(%dma_start3A_138 : memref<10112x64xf32, #tpu.memory_space<vmem_shared>>) offsets(%dma_start3A_135 : memref<128xi32, #tpu.memory_space<vmem>>) semaphore(%run_scoped3A : memref<!tpu.dma_semaphore, #tpu.memory_space<semaphore_mem>>) {add = true}
            %dma_wait3A_139 = arith.constant 0 : i32
            %dma_wait3A_140 = tpu.memref_slice %arg12[%scan3A_98, %dma_wait3A_139] : memref<80x128xi32, #tpu.memory_space<vmem>> -> memref<1x128xi32, #tpu.memory_space<vmem>>
            %dma_wait3A_141 = tpu.memref_squeeze %dma_wait3A_140 : memref<1x128xi32, #tpu.memory_space<vmem>> -> memref<128xi32, #tpu.memory_space<vmem>>
            %dma_wait3A_142 = arith.constant 0 : i32
            %dma_wait3A_143 = arith.constant 0 : i32
            %dma_wait3A_144 = tpu.memref_slice %arg9[%dma_wait3A_142, %dma_wait3A_143] : memref<10112x64xf32, #tpu.memory_space<vmem_shared>> -> memref<10112x64xf32, #tpu.memory_space<vmem_shared>>
            tpu.wait_indirect_dma semaphore(%run_scoped3A : memref<!tpu.dma_semaphore, #tpu.memory_space<semaphore_mem>>) src(%arg13 : memref<128x64xf32, #tpu.memory_space<vmem>>) dst(%dma_wait3A_144 : memref<10112x64xf32, #tpu.memory_space<vmem_shared>>)
            tpu.yield
          }) : () -> ()
        } else {
        }
        %not3A = arith.constant true
        %not3A_116 = arith.xori %eq3A_109, %not3A : i1
        %convert_element_type3A_117 = arith.extui %not3A_116 : i1 to i32
        %cond3A_118 = arith.constant 0 : i32
        %cond3A_119 = arith.cmpi ne, %convert_element_type3A_117, %cond3A_118 : i32
        scf.if %cond3A_119 {
          %dma_start3A_120 = arith.constant 0 : i32
          %dma_start3A_121 = tpu.memref_slice %arg11[%min3A_112, %dma_start3A_120] : memref<80x128xi32, #tpu.memory_space<vmem>> -> memref<1x128xi32, #tpu.memory_space<vmem>>
          %dma_start3A_122 = tpu.memref_squeeze %dma_start3A_121 : memref<1x128xi32, #tpu.memory_space<vmem>> -> memref<128xi32, #tpu.memory_space<vmem>>
          %dma_start3A_123 = arith.constant 0 : i32
          %dma_start3A_124 = arith.constant 0 : i32
          %dma_start3A_125 = tpu.memref_slice %arg10[%dma_start3A_123, %dma_start3A_124] : memref<10000x64xf32, #tpu.memory_space<vmem_shared>> -> memref<10000x64xf32, #tpu.memory_space<vmem_shared>>
          tpu.enqueue_indirect_dma source(%dma_start3A_125 : memref<10000x64xf32, #tpu.memory_space<vmem_shared>>) target(%arg13 : memref<128x64xf32, #tpu.memory_space<vmem>>) offsets(%dma_start3A_122 : memref<128xi32, #tpu.memory_space<vmem>>) semaphore(%arg15 : memref<!tpu.dma_semaphore, #tpu.memory_space<semaphore_mem>>)
          %dma_wait3A_126 = arith.constant 0 : i32
          %dma_wait3A_127 = arith.constant 0 : i32
          %dma_wait3A_128 = tpu.memref_slice %arg11[%dma_wait3A_126, %dma_wait3A_127] : memref<80x128xi32, #tpu.memory_space<vmem>> -> memref<1x128xi32, #tpu.memory_space<vmem>>
          %dma_wait3A_129 = tpu.memref_squeeze %dma_wait3A_128 : memref<1x128xi32, #tpu.memory_space<vmem>> -> memref<128xi32, #tpu.memory_space<vmem>>
          %dma_wait3A_130 = arith.constant 0 : i32
          %dma_wait3A_131 = arith.constant 0 : i32
          %dma_wait3A_132 = tpu.memref_slice %arg10[%dma_wait3A_130, %dma_wait3A_131] : memref<10000x64xf32, #tpu.memory_space<vmem_shared>> -> memref<10000x64xf32, #tpu.memory_space<vmem_shared>>
          tpu.wait_indirect_dma semaphore(%arg16 : memref<!tpu.dma_semaphore, #tpu.memory_space<semaphore_mem>>) src(%dma_wait3A_132 : memref<10000x64xf32, #tpu.memory_space<vmem_shared>>) dst(%arg14 : memref<128x64xf32, #tpu.memory_space<vmem>>)
          "tpu.region"() ({
            %run_scoped3A = tpu.sem_alloc : memref<!tpu.dma_semaphore, #tpu.memory_space<semaphore_mem>>
            %dma_start3A_133 = arith.constant 0 : i32
            %dma_start3A_134 = tpu.memref_slice %arg12[%scan3A_98, %dma_start3A_133] : memref<80x128xi32, #tpu.memory_space<vmem>> -> memref<1x128xi32, #tpu.memory_space<vmem>>
            %dma_start3A_135 = tpu.memref_squeeze %dma_start3A_134 : memref<1x128xi32, #tpu.memory_space<vmem>> -> memref<128xi32, #tpu.memory_space<vmem>>
            %dma_start3A_136 = arith.constant 0 : i32
            %dma_start3A_137 = arith.constant 0 : i32
            %dma_start3A_138 = tpu.memref_slice %arg9[%dma_start3A_136, %dma_start3A_137] : memref<10112x64xf32, #tpu.memory_space<vmem_shared>> -> memref<10112x64xf32, #tpu.memory_space<vmem_shared>>
            tpu.enqueue_indirect_dma source(%arg14 : memref<128x64xf32, #tpu.memory_space<vmem>>) target(%dma_start3A_138 : memref<10112x64xf32, #tpu.memory_space<vmem_shared>>) offsets(%dma_start3A_135 : memref<128xi32, #tpu.memory_space<vmem>>) semaphore(%run_scoped3A : memref<!tpu.dma_semaphore, #tpu.memory_space<semaphore_mem>>) {add = true}
            %dma_wait3A_139 = arith.constant 0 : i32
            %dma_wait3A_140 = tpu.memref_slice %arg12[%scan3A_98, %dma_wait3A_139] : memref<80x128xi32, #tpu.memory_space<vmem>> -> memref<1x128xi32, #tpu.memory_space<vmem>>
            %dma_wait3A_141 = tpu.memref_squeeze %dma_wait3A_140 : memref<1x128xi32, #tpu.memory_space<vmem>> -> memref<128xi32, #tpu.memory_space<vmem>>
            %dma_wait3A_142 = arith.constant 0 : i32
            %dma_wait3A_143 = arith.constant 0 : i32
            %dma_wait3A_144 = tpu.memref_slice %arg9[%dma_wait3A_142, %dma_wait3A_143] : memref<10112x64xf32, #tpu.memory_space<vmem_shared>> -> memref<10112x64xf32, #tpu.memory_space<vmem_shared>>
            tpu.wait_indirect_dma semaphore(%run_scoped3A : memref<!tpu.dma_semaphore, #tpu.memory_space<semaphore_mem>>) src(%arg14 : memref<128x64xf32, #tpu.memory_space<vmem>>) dst(%dma_wait3A_144 : memref<10112x64xf32, #tpu.memory_space<vmem_shared>>)
            tpu.yield
          }) : () -> ()
        } else {
        }
      }
      %scan3A_85 = arith.constant 80 : i32
      %dma_wait3A_86 = arith.constant 0 : i32
      %dma_wait3A_87 = arith.constant 0 : i32
      %dma_wait3A_88 = tpu.memref_slice %arg11[%dma_wait3A_86, %dma_wait3A_87] : memref<80x128xi32, #tpu.memory_space<vmem>> -> memref<1x128xi32, #tpu.memory_space<vmem>>
      %dma_wait3A_89 = tpu.memref_squeeze %dma_wait3A_88 : memref<1x128xi32, #tpu.memory_space<vmem>> -> memref<128xi32, #tpu.memory_space<vmem>>
      %dma_wait3A_90 = arith.constant 0 : i32
      %dma_wait3A_91 = arith.constant 0 : i32
      %dma_wait3A_92 = tpu.memref_slice %arg10[%dma_wait3A_90, %dma_wait3A_91] : memref<10000x64xf32, #tpu.memory_space<vmem_shared>> -> memref<10000x64xf32, #tpu.memory_space<vmem_shared>>
      tpu.wait_indirect_dma semaphore(%arg15 : memref<!tpu.dma_semaphore, #tpu.memory_space<semaphore_mem>>) src(%dma_wait3A_92 : memref<10000x64xf32, #tpu.memory_space<vmem_shared>>) dst(%arg13 : memref<128x64xf32, #tpu.memory_space<vmem>>)
      %barrier3A_93 = arith.constant 0 : index
      tpu.barrier barrier_id(%barrier3A_93)
      %mul3A_94 = arith.constant 632 : i32
      %mul3A_95 = arith.muli %arg1, %mul3A_94 : i32
      %mul3A_96 = arith.constant 632 : i32
      %mul3A_97 = arith.muli %arg1, %mul3A_96 : i32
      "tpu.region"() ({
        %run_scoped3A = tpu.sem_alloc : memref<!tpu.dma_semaphore, #tpu.memory_space<semaphore_mem>>
        %dma_start3A_98 = arith.constant 0 : i32
        %dma_start3A_99 = tpu.memref_slice %arg7[%mul3A_97, %dma_start3A_98] : memref<10112x64xf32, #tpu.memory_space<hbm>> -> memref<632x64xf32, #tpu.memory_space<hbm>>
        %dma_start3A_100 = arith.constant 0 : i32
        %dma_start3A_101 = tpu.memref_slice %arg9[%mul3A_95, %dma_start3A_100] : memref<10112x64xf32, #tpu.memory_space<vmem_shared>> -> memref<632x64xf32, #tpu.memory_space<vmem_shared>>
        tpu.enqueue_dma source(%dma_start3A_101 : memref<632x64xf32, #tpu.memory_space<vmem_shared>>) target(%dma_start3A_99 : memref<632x64xf32, #tpu.memory_space<hbm>>) target_semaphore(%run_scoped3A : memref<!tpu.dma_semaphore, #tpu.memory_space<semaphore_mem>>)
        %dma_wait3A_102 = arith.constant 0 : i32
        %dma_wait3A_103 = tpu.memref_slice %arg7[%mul3A_97, %dma_wait3A_102] : memref<10112x64xf32, #tpu.memory_space<hbm>> -> memref<632x64xf32, #tpu.memory_space<hbm>>
        %dma_wait3A_104 = arith.constant 0 : i32
        %dma_wait3A_105 = tpu.memref_slice %arg9[%mul3A_95, %dma_wait3A_104] : memref<10112x64xf32, #tpu.memory_space<vmem_shared>> -> memref<632x64xf32, #tpu.memory_space<vmem_shared>>
        tpu.wait_dma2 semaphore(%run_scoped3A : memref<!tpu.dma_semaphore, #tpu.memory_space<semaphore_mem>>) src(%dma_wait3A_105 : memref<632x64xf32, #tpu.memory_space<vmem_shared>>) dst(%dma_wait3A_103 : memref<632x64xf32, #tpu.memory_space<hbm>>)
        tpu.yield
      }) : () -> ()
    } else {
    }
    %eq3A_2 = arith.constant 1 : i32
    %eq3A_3 = arith.cmpi eq, %arg0, %eq3A_2 : i32
    %convert_element_type3A_4 = arith.extui %eq3A_3 : i1 to i32
    %cond3A_5 = arith.constant 0 : i32
    %cond3A_6 = arith.cmpi ne, %convert_element_type3A_4, %cond3A_5 : i32
    scf.if %cond3A_6 {
      %mul3A = arith.constant 625 : i32
      %mul3A_7 = arith.muli %arg1, %mul3A : i32
      %mul3A_8 = arith.constant 625 : i32
      %mul3A_9 = arith.muli %arg1, %mul3A_8 : i32
      %dma_start3A = arith.constant 0 : i32
      %dma_start3A_10 = tpu.memref_slice %arg10[%mul3A_9, %dma_start3A] : memref<10000x64xf32, #tpu.memory_space<vmem_shared>> -> memref<625x64xf32, #tpu.memory_space<vmem_shared>>
      %dma_start3A_11 = arith.constant 0 : i32
      %dma_start3A_12 = tpu.memref_slice %arg3[%mul3A_7, %dma_start3A_11] : memref<10000x64xf32, #tpu.memory_space<hbm>> -> memref<625x64xf32, #tpu.memory_space<hbm>>
      tpu.enqueue_dma source(%dma_start3A_12 : memref<625x64xf32, #tpu.memory_space<hbm>>) target(%dma_start3A_10 : memref<625x64xf32, #tpu.memory_space<vmem_shared>>) target_semaphore(%arg17 : memref<!tpu.dma_semaphore, #tpu.memory_space<semaphore_mem>>)
      %mul3A_13 = arith.constant 632 : i32
      %mul3A_14 = arith.muli %arg1, %mul3A_13 : i32
      %dma_start3A_15 = arith.constant 0 : i32
      %dma_start3A_16 = tpu.memref_slice %arg9[%mul3A_14, %dma_start3A_15] : memref<10112x64xf32, #tpu.memory_space<vmem_shared>> -> memref<632x64xf32, #tpu.memory_space<vmem_shared>>
      tpu.enqueue_dma source(%arg6 : memref<632x64xf32, #tpu.memory_space<hbm>>) target(%dma_start3A_16 : memref<632x64xf32, #tpu.memory_space<vmem_shared>>) target_semaphore(%arg18 : memref<!tpu.dma_semaphore, #tpu.memory_space<semaphore_mem>>)
      %dma_start3A_17 = arith.constant 0 : i32
      %dma_start3A_18 = arith.constant 0 : i32
      %dma_start3A_19 = tpu.memref_slice %arg4[%arg1, %dma_start3A_17, %dma_start3A_18] : memref<16x160x128xi32, #tpu.memory_space<hbm>> -> memref<1x80x128xi32, #tpu.memory_space<hbm>>
      %dma_start3A_20 = tpu.memref_squeeze %dma_start3A_19 : memref<1x80x128xi32, #tpu.memory_space<hbm>> -> memref<80x128xi32, #tpu.memory_space<hbm>>
      %dma_start3A_21 = arith.constant 0 : i32
      %dma_start3A_22 = arith.constant 0 : i32
      %dma_start3A_23 = tpu.memref_slice %arg4[%arg1, %dma_start3A_21, %dma_start3A_22] : memref<16x160x128xi32, #tpu.memory_space<hbm>> -> memref<1x80x128xi32, #tpu.memory_space<hbm>>
      %dma_start3A_24 = tpu.memref_squeeze %dma_start3A_23 : memref<1x80x128xi32, #tpu.memory_space<hbm>> -> memref<80x128xi32, #tpu.memory_space<hbm>>
      tpu.enqueue_dma source(%dma_start3A_24 : memref<80x128xi32, #tpu.memory_space<hbm>>) target(%arg11 : memref<80x128xi32, #tpu.memory_space<vmem>>) target_semaphore(%arg15 : memref<!tpu.dma_semaphore, #tpu.memory_space<semaphore_mem>>)
      %dma_start3A_25 = arith.constant 0 : i32
      %dma_start3A_26 = arith.constant 0 : i32
      %dma_start3A_27 = tpu.memref_slice %arg5[%arg1, %dma_start3A_25, %dma_start3A_26] : memref<16x160x128xi32, #tpu.memory_space<hbm>> -> memref<1x80x128xi32, #tpu.memory_space<hbm>>
      %dma_start3A_28 = tpu.memref_squeeze %dma_start3A_27 : memref<1x80x128xi32, #tpu.memory_space<hbm>> -> memref<80x128xi32, #tpu.memory_space<hbm>>
      %dma_start3A_29 = arith.constant 0 : i32
      %dma_start3A_30 = arith.constant 0 : i32
      %dma_start3A_31 = tpu.memref_slice %arg5[%arg1, %dma_start3A_29, %dma_start3A_30] : memref<16x160x128xi32, #tpu.memory_space<hbm>> -> memref<1x80x128xi32, #tpu.memory_space<hbm>>
      %dma_start3A_32 = tpu.memref_squeeze %dma_start3A_31 : memref<1x80x128xi32, #tpu.memory_space<hbm>> -> memref<80x128xi32, #tpu.memory_space<hbm>>
      tpu.enqueue_dma source(%dma_start3A_32 : memref<80x128xi32, #tpu.memory_space<hbm>>) target(%arg12 : memref<80x128xi32, #tpu.memory_space<vmem>>) target_semaphore(%arg16 : memref<!tpu.dma_semaphore, #tpu.memory_space<semaphore_mem>>)
      %dma_wait3A = arith.constant 0 : i32
      %dma_wait3A_33 = tpu.memref_slice %arg10[%mul3A_9, %dma_wait3A] : memref<10000x64xf32, #tpu.memory_space<vmem_shared>> -> memref<625x64xf32, #tpu.memory_space<vmem_shared>>
      %dma_wait3A_34 = arith.constant 0 : i32
      %dma_wait3A_35 = tpu.memref_slice %arg3[%mul3A_7, %dma_wait3A_34] : memref<10000x64xf32, #tpu.memory_space<hbm>> -> memref<625x64xf32, #tpu.memory_space<hbm>>
      tpu.wait_dma2 semaphore(%arg17 : memref<!tpu.dma_semaphore, #tpu.memory_space<semaphore_mem>>) src(%dma_wait3A_35 : memref<625x64xf32, #tpu.memory_space<hbm>>) dst(%dma_wait3A_33 : memref<625x64xf32, #tpu.memory_space<vmem_shared>>)
      %dma_wait3A_36 = arith.constant 0 : i32
      %dma_wait3A_37 = tpu.memref_slice %arg9[%mul3A_14, %dma_wait3A_36] : memref<10112x64xf32, #tpu.memory_space<vmem_shared>> -> memref<632x64xf32, #tpu.memory_space<vmem_shared>>
      tpu.wait_dma2 semaphore(%arg18 : memref<!tpu.dma_semaphore, #tpu.memory_space<semaphore_mem>>) src(%arg6 : memref<632x64xf32, #tpu.memory_space<hbm>>) dst(%dma_wait3A_37 : memref<632x64xf32, #tpu.memory_space<vmem_shared>>)
      %dma_wait3A_38 = arith.constant 0 : i32
      %dma_wait3A_39 = arith.constant 0 : i32
      %dma_wait3A_40 = tpu.memref_slice %arg4[%arg1, %dma_wait3A_38, %dma_wait3A_39] : memref<16x160x128xi32, #tpu.memory_space<hbm>> -> memref<1x80x128xi32, #tpu.memory_space<hbm>>
      %dma_wait3A_41 = tpu.memref_squeeze %dma_wait3A_40 : memref<1x80x128xi32, #tpu.memory_space<hbm>> -> memref<80x128xi32, #tpu.memory_space<hbm>>
      %dma_wait3A_42 = arith.constant 0 : i32
      %dma_wait3A_43 = arith.constant 0 : i32
      %dma_wait3A_44 = tpu.memref_slice %arg4[%arg1, %dma_wait3A_42, %dma_wait3A_43] : memref<16x160x128xi32, #tpu.memory_space<hbm>> -> memref<1x80x128xi32, #tpu.memory_space<hbm>>
      %dma_wait3A_45 = tpu.memref_squeeze %dma_wait3A_44 : memref<1x80x128xi32, #tpu.memory_space<hbm>> -> memref<80x128xi32, #tpu.memory_space<hbm>>
      tpu.wait_dma2 semaphore(%arg15 : memref<!tpu.dma_semaphore, #tpu.memory_space<semaphore_mem>>) src(%dma_wait3A_45 : memref<80x128xi32, #tpu.memory_space<hbm>>) dst(%arg11 : memref<80x128xi32, #tpu.memory_space<vmem>>)
      %dma_wait3A_46 = arith.constant 0 : i32
      %dma_wait3A_47 = arith.constant 0 : i32
      %dma_wait3A_48 = tpu.memref_slice %arg5[%arg1, %dma_wait3A_46, %dma_wait3A_47] : memref<16x160x128xi32, #tpu.memory_space<hbm>> -> memref<1x80x128xi32, #tpu.memory_space<hbm>>
      %dma_wait3A_49 = tpu.memref_squeeze %dma_wait3A_48 : memref<1x80x128xi32, #tpu.memory_space<hbm>> -> memref<80x128xi32, #tpu.memory_space<hbm>>
      %dma_wait3A_50 = arith.constant 0 : i32
      %dma_wait3A_51 = arith.constant 0 : i32
      %dma_wait3A_52 = tpu.memref_slice %arg5[%arg1, %dma_wait3A_50, %dma_wait3A_51] : memref<16x160x128xi32, #tpu.memory_space<hbm>> -> memref<1x80x128xi32, #tpu.memory_space<hbm>>
      %dma_wait3A_53 = tpu.memref_squeeze %dma_wait3A_52 : memref<1x80x128xi32, #tpu.memory_space<hbm>> -> memref<80x128xi32, #tpu.memory_space<hbm>>
      tpu.wait_dma2 semaphore(%arg16 : memref<!tpu.dma_semaphore, #tpu.memory_space<semaphore_mem>>) src(%dma_wait3A_53 : memref<80x128xi32, #tpu.memory_space<hbm>>) dst(%arg12 : memref<80x128xi32, #tpu.memory_space<vmem>>)
      %barrier3A = arith.constant 0 : index
      tpu.barrier barrier_id(%barrier3A)
      %dma_start3A_54 = arith.constant 0 : i32
      %dma_start3A_55 = arith.constant 0 : i32
      %dma_start3A_56 = tpu.memref_slice %arg11[%dma_start3A_54, %dma_start3A_55] : memref<80x128xi32, #tpu.memory_space<vmem>> -> memref<1x128xi32, #tpu.memory_space<vmem>>
      %dma_start3A_57 = tpu.memref_squeeze %dma_start3A_56 : memref<1x128xi32, #tpu.memory_space<vmem>> -> memref<128xi32, #tpu.memory_space<vmem>>
      %dma_start3A_58 = arith.constant 0 : i32
      %dma_start3A_59 = arith.constant 0 : i32
      %dma_start3A_60 = tpu.memref_slice %arg10[%dma_start3A_58, %dma_start3A_59] : memref<10000x64xf32, #tpu.memory_space<vmem_shared>> -> memref<10000x64xf32, #tpu.memory_space<vmem_shared>>
      tpu.enqueue_indirect_dma source(%dma_start3A_60 : memref<10000x64xf32, #tpu.memory_space<vmem_shared>>) target(%arg13 : memref<128x64xf32, #tpu.memory_space<vmem>>) offsets(%dma_start3A_57 : memref<128xi32, #tpu.memory_space<vmem>>) semaphore(%arg15 : memref<!tpu.dma_semaphore, #tpu.memory_space<semaphore_mem>>)
      %scan3A = arith.constant 0 : i32
      %scan3A_61 = arith.constant 0 : i32
      %scan3A_62 = arith.constant 80 : i32
      %scan3A_63 = arith.addi %scan3A_61, %scan3A_62 : i32
      %scan3A_64 = arith.constant 1 : i32
      scf.for %scan3A_98 = %scan3A_61 to %scan3A_63 step %scan3A_64  : i32 {
        %jit3A = arith.constant 2 : i32
        %eq3A_99 = arith.constant 0 : i32
        %eq3A_100 = arith.cmpi eq, %jit3A, %eq3A_99 : i32
        %jit3A_101 = arith.constant 1 : i32
        %select_n3A = arith.select %eq3A_100, %jit3A_101, %jit3A : i32
        %rem3A = arith.remsi %scan3A_98, %select_n3A : i32
        %ne3A = arith.constant 0 : i32
        %ne3A_102 = arith.cmpi ne, %rem3A, %ne3A : i32
        %lt3A = arith.constant 0 : i32
        %lt3A_103 = arith.cmpi slt, %rem3A, %lt3A : i32
        %lt3A_104 = arith.constant 0 : i32
        %lt3A_105 = arith.cmpi slt, %select_n3A, %lt3A_104 : i32
        %ne3A_106 = arith.xori %lt3A_103, %lt3A_105 : i1
        %and3A = arith.andi %ne3A_106, %ne3A_102 : i1
        %add3A = arith.addi %rem3A, %select_n3A : i32
        %select_n3A_107 = arith.select %and3A, %add3A, %rem3A : i32
        %eq3A_108 = arith.constant 0 : i32
        %eq3A_109 = arith.cmpi eq, %select_n3A_107, %eq3A_108 : i32
        %add3A_110 = arith.constant 1 : i32
        %add3A_111 = arith.addi %scan3A_98, %add3A_110 : i32
        %min3A = arith.constant 79 : i32
        %min3A_112 = arith.minsi %add3A_111, %min3A : i32
        %convert_element_type3A_113 = arith.extui %eq3A_109 : i1 to i32
        %cond3A_114 = arith.constant 0 : i32
        %cond3A_115 = arith.cmpi ne, %convert_element_type3A_113, %cond3A_114 : i32
        scf.if %cond3A_115 {
          %dma_start3A_120 = arith.constant 0 : i32
          %dma_start3A_121 = tpu.memref_slice %arg11[%min3A_112, %dma_start3A_120] : memref<80x128xi32, #tpu.memory_space<vmem>> -> memref<1x128xi32, #tpu.memory_space<vmem>>
          %dma_start3A_122 = tpu.memref_squeeze %dma_start3A_121 : memref<1x128xi32, #tpu.memory_space<vmem>> -> memref<128xi32, #tpu.memory_space<vmem>>
          %dma_start3A_123 = arith.constant 0 : i32
          %dma_start3A_124 = arith.constant 0 : i32
          %dma_start3A_125 = tpu.memref_slice %arg10[%dma_start3A_123, %dma_start3A_124] : memref<10000x64xf32, #tpu.memory_space<vmem_shared>> -> memref<10000x64xf32, #tpu.memory_space<vmem_shared>>
          tpu.enqueue_indirect_dma source(%dma_start3A_125 : memref<10000x64xf32, #tpu.memory_space<vmem_shared>>) target(%arg14 : memref<128x64xf32, #tpu.memory_space<vmem>>) offsets(%dma_start3A_122 : memref<128xi32, #tpu.memory_space<vmem>>) semaphore(%arg16 : memref<!tpu.dma_semaphore, #tpu.memory_space<semaphore_mem>>)
          %dma_wait3A_126 = arith.constant 0 : i32
          %dma_wait3A_127 = arith.constant 0 : i32
          %dma_wait3A_128 = tpu.memref_slice %arg11[%dma_wait3A_126, %dma_wait3A_127] : memref<80x128xi32, #tpu.memory_space<vmem>> -> memref<1x128xi32, #tpu.memory_space<vmem>>
          %dma_wait3A_129 = tpu.memref_squeeze %dma_wait3A_128 : memref<1x128xi32, #tpu.memory_space<vmem>> -> memref<128xi32, #tpu.memory_space<vmem>>
          %dma_wait3A_130 = arith.constant 0 : i32
          %dma_wait3A_131 = arith.constant 0 : i32
          %dma_wait3A_132 = tpu.memref_slice %arg10[%dma_wait3A_130, %dma_wait3A_131] : memref<10000x64xf32, #tpu.memory_space<vmem_shared>> -> memref<10000x64xf32, #tpu.memory_space<vmem_shared>>
          tpu.wait_indirect_dma semaphore(%arg15 : memref<!tpu.dma_semaphore, #tpu.memory_space<semaphore_mem>>) src(%dma_wait3A_132 : memref<10000x64xf32, #tpu.memory_space<vmem_shared>>) dst(%arg13 : memref<128x64xf32, #tpu.memory_space<vmem>>)
          "tpu.region"() ({
            %run_scoped3A = tpu.sem_alloc : memref<!tpu.dma_semaphore, #tpu.memory_space<semaphore_mem>>
            %dma_start3A_133 = arith.constant 0 : i32
            %dma_start3A_134 = tpu.memref_slice %arg12[%scan3A_98, %dma_start3A_133] : memref<80x128xi32, #tpu.memory_space<vmem>> -> memref<1x128xi32, #tpu.memory_space<vmem>>
            %dma_start3A_135 = tpu.memref_squeeze %dma_start3A_134 : memref<1x128xi32, #tpu.memory_space<vmem>> -> memref<128xi32, #tpu.memory_space<vmem>>
            %dma_start3A_136 = arith.constant 0 : i32
            %dma_start3A_137 = arith.constant 0 : i32
            %dma_start3A_138 = tpu.memref_slice %arg9[%dma_start3A_136, %dma_start3A_137] : memref<10112x64xf32, #tpu.memory_space<vmem_shared>> -> memref<10112x64xf32, #tpu.memory_space<vmem_shared>>
            tpu.enqueue_indirect_dma source(%arg13 : memref<128x64xf32, #tpu.memory_space<vmem>>) target(%dma_start3A_138 : memref<10112x64xf32, #tpu.memory_space<vmem_shared>>) offsets(%dma_start3A_135 : memref<128xi32, #tpu.memory_space<vmem>>) semaphore(%run_scoped3A : memref<!tpu.dma_semaphore, #tpu.memory_space<semaphore_mem>>) {add = true}
            %dma_wait3A_139 = arith.constant 0 : i32
            %dma_wait3A_140 = tpu.memref_slice %arg12[%scan3A_98, %dma_wait3A_139] : memref<80x128xi32, #tpu.memory_space<vmem>> -> memref<1x128xi32, #tpu.memory_space<vmem>>
            %dma_wait3A_141 = tpu.memref_squeeze %dma_wait3A_140 : memref<1x128xi32, #tpu.memory_space<vmem>> -> memref<128xi32, #tpu.memory_space<vmem>>
            %dma_wait3A_142 = arith.constant 0 : i32
            %dma_wait3A_143 = arith.constant 0 : i32
            %dma_wait3A_144 = tpu.memref_slice %arg9[%dma_wait3A_142, %dma_wait3A_143] : memref<10112x64xf32, #tpu.memory_space<vmem_shared>> -> memref<10112x64xf32, #tpu.memory_space<vmem_shared>>
            tpu.wait_indirect_dma semaphore(%run_scoped3A : memref<!tpu.dma_semaphore, #tpu.memory_space<semaphore_mem>>) src(%arg13 : memref<128x64xf32, #tpu.memory_space<vmem>>) dst(%dma_wait3A_144 : memref<10112x64xf32, #tpu.memory_space<vmem_shared>>)
            tpu.yield
          }) : () -> ()
        } else {
        }
        %not3A = arith.constant true
        %not3A_116 = arith.xori %eq3A_109, %not3A : i1
        %convert_element_type3A_117 = arith.extui %not3A_116 : i1 to i32
        %cond3A_118 = arith.constant 0 : i32
        %cond3A_119 = arith.cmpi ne, %convert_element_type3A_117, %cond3A_118 : i32
        scf.if %cond3A_119 {
          %dma_start3A_120 = arith.constant 0 : i32
          %dma_start3A_121 = tpu.memref_slice %arg11[%min3A_112, %dma_start3A_120] : memref<80x128xi32, #tpu.memory_space<vmem>> -> memref<1x128xi32, #tpu.memory_space<vmem>>
          %dma_start3A_122 = tpu.memref_squeeze %dma_start3A_121 : memref<1x128xi32, #tpu.memory_space<vmem>> -> memref<128xi32, #tpu.memory_space<vmem>>
          %dma_start3A_123 = arith.constant 0 : i32
          %dma_start3A_124 = arith.constant 0 : i32
          %dma_start3A_125 = tpu.memref_slice %arg10[%dma_start3A_123, %dma_start3A_124] : memref<10000x64xf32, #tpu.memory_space<vmem_shared>> -> memref<10000x64xf32, #tpu.memory_space<vmem_shared>>
          tpu.enqueue_indirect_dma source(%dma_start3A_125 : memref<10000x64xf32, #tpu.memory_space<vmem_shared>>) target(%arg13 : memref<128x64xf32, #tpu.memory_space<vmem>>) offsets(%dma_start3A_122 : memref<128xi32, #tpu.memory_space<vmem>>) semaphore(%arg15 : memref<!tpu.dma_semaphore, #tpu.memory_space<semaphore_mem>>)
          %dma_wait3A_126 = arith.constant 0 : i32
          %dma_wait3A_127 = arith.constant 0 : i32
          %dma_wait3A_128 = tpu.memref_slice %arg11[%dma_wait3A_126, %dma_wait3A_127] : memref<80x128xi32, #tpu.memory_space<vmem>> -> memref<1x128xi32, #tpu.memory_space<vmem>>
          %dma_wait3A_129 = tpu.memref_squeeze %dma_wait3A_128 : memref<1x128xi32, #tpu.memory_space<vmem>> -> memref<128xi32, #tpu.memory_space<vmem>>
          %dma_wait3A_130 = arith.constant 0 : i32
          %dma_wait3A_131 = arith.constant 0 : i32
          %dma_wait3A_132 = tpu.memref_slice %arg10[%dma_wait3A_130, %dma_wait3A_131] : memref<10000x64xf32, #tpu.memory_space<vmem_shared>> -> memref<10000x64xf32, #tpu.memory_space<vmem_shared>>
          tpu.wait_indirect_dma semaphore(%arg16 : memref<!tpu.dma_semaphore, #tpu.memory_space<semaphore_mem>>) src(%dma_wait3A_132 : memref<10000x64xf32, #tpu.memory_space<vmem_shared>>) dst(%arg14 : memref<128x64xf32, #tpu.memory_space<vmem>>)
          "tpu.region"() ({
            %run_scoped3A = tpu.sem_alloc : memref<!tpu.dma_semaphore, #tpu.memory_space<semaphore_mem>>
            %dma_start3A_133 = arith.constant 0 : i32
            %dma_start3A_134 = tpu.memref_slice %arg12[%scan3A_98, %dma_start3A_133] : memref<80x128xi32, #tpu.memory_space<vmem>> -> memref<1x128xi32, #tpu.memory_space<vmem>>
            %dma_start3A_135 = tpu.memref_squeeze %dma_start3A_134 : memref<1x128xi32, #tpu.memory_space<vmem>> -> memref<128xi32, #tpu.memory_space<vmem>>
            %dma_start3A_136 = arith.constant 0 : i32
            %dma_start3A_137 = arith.constant 0 : i32
            %dma_start3A_138 = tpu.memref_slice %arg9[%dma_start3A_136, %dma_start3A_137] : memref<10112x64xf32, #tpu.memory_space<vmem_shared>> -> memref<10112x64xf32, #tpu.memory_space<vmem_shared>>
            tpu.enqueue_indirect_dma source(%arg14 : memref<128x64xf32, #tpu.memory_space<vmem>>) target(%dma_start3A_138 : memref<10112x64xf32, #tpu.memory_space<vmem_shared>>) offsets(%dma_start3A_135 : memref<128xi32, #tpu.memory_space<vmem>>) semaphore(%run_scoped3A : memref<!tpu.dma_semaphore, #tpu.memory_space<semaphore_mem>>) {add = true}
            %dma_wait3A_139 = arith.constant 0 : i32
            %dma_wait3A_140 = tpu.memref_slice %arg12[%scan3A_98, %dma_wait3A_139] : memref<80x128xi32, #tpu.memory_space<vmem>> -> memref<1x128xi32, #tpu.memory_space<vmem>>
            %dma_wait3A_141 = tpu.memref_squeeze %dma_wait3A_140 : memref<1x128xi32, #tpu.memory_space<vmem>> -> memref<128xi32, #tpu.memory_space<vmem>>
            %dma_wait3A_142 = arith.constant 0 : i32
            %dma_wait3A_143 = arith.constant 0 : i32
            %dma_wait3A_144 = tpu.memref_slice %arg9[%dma_wait3A_142, %dma_wait3A_143] : memref<10112x64xf32, #tpu.memory_space<vmem_shared>> -> memref<10112x64xf32, #tpu.memory_space<vmem_shared>>
            tpu.wait_indirect_dma semaphore(%run_scoped3A : memref<!tpu.dma_semaphore, #tpu.memory_space<semaphore_mem>>) src(%arg14 : memref<128x64xf32, #tpu.memory_space<vmem>>) dst(%dma_wait3A_144 : memref<10112x64xf32, #tpu.memory_space<vmem_shared>>)
            tpu.yield
          }) : () -> ()
        } else {
        }
      }
      %scan3A_65 = arith.constant 80 : i32
      %dma_wait3A_66 = arith.constant 0 : i32
      %dma_wait3A_67 = arith.constant 0 : i32
      %dma_wait3A_68 = tpu.memref_slice %arg11[%dma_wait3A_66, %dma_wait3A_67] : memref<80x128xi32, #tpu.memory_space<vmem>> -> memref<1x128xi32, #tpu.memory_space<vmem>>
      %dma_wait3A_69 = tpu.memref_squeeze %dma_wait3A_68 : memref<1x128xi32, #tpu.memory_space<vmem>> -> memref<128xi32, #tpu.memory_space<vmem>>
      %dma_wait3A_70 = arith.constant 0 : i32
      %dma_wait3A_71 = arith.constant 0 : i32
      %dma_wait3A_72 = tpu.memref_slice %arg10[%dma_wait3A_70, %dma_wait3A_71] : memref<10000x64xf32, #tpu.memory_space<vmem_shared>> -> memref<10000x64xf32, #tpu.memory_space<vmem_shared>>
      tpu.wait_indirect_dma semaphore(%arg15 : memref<!tpu.dma_semaphore, #tpu.memory_space<semaphore_mem>>) src(%dma_wait3A_72 : memref<10000x64xf32, #tpu.memory_space<vmem_shared>>) dst(%arg13 : memref<128x64xf32, #tpu.memory_space<vmem>>)
      "tpu.region"() ({
        %run_scoped3A = tpu.sem_alloc : memref<!tpu.dma_semaphore, #tpu.memory_space<semaphore_mem>>
        %dma_start3A_98 = arith.constant 80 : i32
        %dma_start3A_99 = arith.constant 0 : i32
        %dma_start3A_100 = tpu.memref_slice %arg4[%arg1, %dma_start3A_98, %dma_start3A_99] : memref<16x160x128xi32, #tpu.memory_space<hbm>> -> memref<1x80x128xi32, #tpu.memory_space<hbm>>
        %dma_start3A_101 = tpu.memref_squeeze %dma_start3A_100 : memref<1x80x128xi32, #tpu.memory_space<hbm>> -> memref<80x128xi32, #tpu.memory_space<hbm>>
        %dma_start3A_102 = arith.constant 80 : i32
        %dma_start3A_103 = arith.constant 0 : i32
        %dma_start3A_104 = tpu.memref_slice %arg4[%arg1, %dma_start3A_102, %dma_start3A_103] : memref<16x160x128xi32, #tpu.memory_space<hbm>> -> memref<1x80x128xi32, #tpu.memory_space<hbm>>
        %dma_start3A_105 = tpu.memref_squeeze %dma_start3A_104 : memref<1x80x128xi32, #tpu.memory_space<hbm>> -> memref<80x128xi32, #tpu.memory_space<hbm>>
        tpu.enqueue_dma source(%dma_start3A_105 : memref<80x128xi32, #tpu.memory_space<hbm>>) target(%arg11 : memref<80x128xi32, #tpu.memory_space<vmem>>) target_semaphore(%run_scoped3A : memref<!tpu.dma_semaphore, #tpu.memory_space<semaphore_mem>>)
        %dma_wait3A_106 = arith.constant 80 : i32
        %dma_wait3A_107 = arith.constant 0 : i32
        %dma_wait3A_108 = tpu.memref_slice %arg4[%arg1, %dma_wait3A_106, %dma_wait3A_107] : memref<16x160x128xi32, #tpu.memory_space<hbm>> -> memref<1x80x128xi32, #tpu.memory_space<hbm>>
        %dma_wait3A_109 = tpu.memref_squeeze %dma_wait3A_108 : memref<1x80x128xi32, #tpu.memory_space<hbm>> -> memref<80x128xi32, #tpu.memory_space<hbm>>
        %dma_wait3A_110 = arith.constant 80 : i32
        %dma_wait3A_111 = arith.constant 0 : i32
        %dma_wait3A_112 = tpu.memref_slice %arg4[%arg1, %dma_wait3A_110, %dma_wait3A_111] : memref<16x160x128xi32, #tpu.memory_space<hbm>> -> memref<1x80x128xi32, #tpu.memory_space<hbm>>
        %dma_wait3A_113 = tpu.memref_squeeze %dma_wait3A_112 : memref<1x80x128xi32, #tpu.memory_space<hbm>> -> memref<80x128xi32, #tpu.memory_space<hbm>>
        tpu.wait_dma2 semaphore(%run_scoped3A : memref<!tpu.dma_semaphore, #tpu.memory_space<semaphore_mem>>) src(%dma_wait3A_113 : memref<80x128xi32, #tpu.memory_space<hbm>>) dst(%arg11 : memref<80x128xi32, #tpu.memory_space<vmem>>)
        tpu.yield
      }) : () -> ()
      "tpu.region"() ({
        %run_scoped3A = tpu.sem_alloc : memref<!tpu.dma_semaphore, #tpu.memory_space<semaphore_mem>>
        %dma_start3A_98 = arith.constant 80 : i32
        %dma_start3A_99 = arith.constant 0 : i32
        %dma_start3A_100 = tpu.memref_slice %arg5[%arg1, %dma_start3A_98, %dma_start3A_99] : memref<16x160x128xi32, #tpu.memory_space<hbm>> -> memref<1x80x128xi32, #tpu.memory_space<hbm>>
        %dma_start3A_101 = tpu.memref_squeeze %dma_start3A_100 : memref<1x80x128xi32, #tpu.memory_space<hbm>> -> memref<80x128xi32, #tpu.memory_space<hbm>>
        %dma_start3A_102 = arith.constant 80 : i32
        %dma_start3A_103 = arith.constant 0 : i32
        %dma_start3A_104 = tpu.memref_slice %arg5[%arg1, %dma_start3A_102, %dma_start3A_103] : memref<16x160x128xi32, #tpu.memory_space<hbm>> -> memref<1x80x128xi32, #tpu.memory_space<hbm>>
        %dma_start3A_105 = tpu.memref_squeeze %dma_start3A_104 : memref<1x80x128xi32, #tpu.memory_space<hbm>> -> memref<80x128xi32, #tpu.memory_space<hbm>>
        tpu.enqueue_dma source(%dma_start3A_105 : memref<80x128xi32, #tpu.memory_space<hbm>>) target(%arg12 : memref<80x128xi32, #tpu.memory_space<vmem>>) target_semaphore(%run_scoped3A : memref<!tpu.dma_semaphore, #tpu.memory_space<semaphore_mem>>)
        %dma_wait3A_106 = arith.constant 80 : i32
        %dma_wait3A_107 = arith.constant 0 : i32
        %dma_wait3A_108 = tpu.memref_slice %arg5[%arg1, %dma_wait3A_106, %dma_wait3A_107] : memref<16x160x128xi32, #tpu.memory_space<hbm>> -> memref<1x80x128xi32, #tpu.memory_space<hbm>>
        %dma_wait3A_109 = tpu.memref_squeeze %dma_wait3A_108 : memref<1x80x128xi32, #tpu.memory_space<hbm>> -> memref<80x128xi32, #tpu.memory_space<hbm>>
        %dma_wait3A_110 = arith.constant 80 : i32
        %dma_wait3A_111 = arith.constant 0 : i32
        %dma_wait3A_112 = tpu.memref_slice %arg5[%arg1, %dma_wait3A_110, %dma_wait3A_111] : memref<16x160x128xi32, #tpu.memory_space<hbm>> -> memref<1x80x128xi32, #tpu.memory_space<hbm>>
        %dma_wait3A_113 = tpu.memref_squeeze %dma_wait3A_112 : memref<1x80x128xi32, #tpu.memory_space<hbm>> -> memref<80x128xi32, #tpu.memory_space<hbm>>
        tpu.wait_dma2 semaphore(%run_scoped3A : memref<!tpu.dma_semaphore, #tpu.memory_space<semaphore_mem>>) src(%dma_wait3A_113 : memref<80x128xi32, #tpu.memory_space<hbm>>) dst(%arg12 : memref<80x128xi32, #tpu.memory_space<vmem>>)
        tpu.yield
      }) : () -> ()
      %dma_start3A_73 = arith.constant 0 : i32
      %dma_start3A_74 = arith.constant 0 : i32
      %dma_start3A_75 = tpu.memref_slice %arg11[%dma_start3A_73, %dma_start3A_74] : memref<80x128xi32, #tpu.memory_space<vmem>> -> memref<1x128xi32, #tpu.memory_space<vmem>>
      %dma_start3A_76 = tpu.memref_squeeze %dma_start3A_75 : memref<1x128xi32, #tpu.memory_space<vmem>> -> memref<128xi32, #tpu.memory_space<vmem>>
      %dma_start3A_77 = arith.constant 0 : i32
      %dma_start3A_78 = arith.constant 0 : i32
      %dma_start3A_79 = tpu.memref_slice %arg10[%dma_start3A_77, %dma_start3A_78] : memref<10000x64xf32, #tpu.memory_space<vmem_shared>> -> memref<10000x64xf32, #tpu.memory_space<vmem_shared>>
      tpu.enqueue_indirect_dma source(%dma_start3A_79 : memref<10000x64xf32, #tpu.memory_space<vmem_shared>>) target(%arg13 : memref<128x64xf32, #tpu.memory_space<vmem>>) offsets(%dma_start3A_76 : memref<128xi32, #tpu.memory_space<vmem>>) semaphore(%arg15 : memref<!tpu.dma_semaphore, #tpu.memory_space<semaphore_mem>>)
      %scan3A_80 = arith.constant 0 : i32
      %scan3A_81 = arith.constant 0 : i32
      %scan3A_82 = arith.constant 80 : i32
      %scan3A_83 = arith.addi %scan3A_81, %scan3A_82 : i32
      %scan3A_84 = arith.constant 1 : i32
      scf.for %scan3A_98 = %scan3A_81 to %scan3A_83 step %scan3A_84  : i32 {
        %jit3A = arith.constant 2 : i32
        %eq3A_99 = arith.constant 0 : i32
        %eq3A_100 = arith.cmpi eq, %jit3A, %eq3A_99 : i32
        %jit3A_101 = arith.constant 1 : i32
        %select_n3A = arith.select %eq3A_100, %jit3A_101, %jit3A : i32
        %rem3A = arith.remsi %scan3A_98, %select_n3A : i32
        %ne3A = arith.constant 0 : i32
        %ne3A_102 = arith.cmpi ne, %rem3A, %ne3A : i32
        %lt3A = arith.constant 0 : i32
        %lt3A_103 = arith.cmpi slt, %rem3A, %lt3A : i32
        %lt3A_104 = arith.constant 0 : i32
        %lt3A_105 = arith.cmpi slt, %select_n3A, %lt3A_104 : i32
        %ne3A_106 = arith.xori %lt3A_103, %lt3A_105 : i1
        %and3A = arith.andi %ne3A_106, %ne3A_102 : i1
        %add3A = arith.addi %rem3A, %select_n3A : i32
        %select_n3A_107 = arith.select %and3A, %add3A, %rem3A : i32
        %eq3A_108 = arith.constant 0 : i32
        %eq3A_109 = arith.cmpi eq, %select_n3A_107, %eq3A_108 : i32
        %add3A_110 = arith.constant 1 : i32
        %add3A_111 = arith.addi %scan3A_98, %add3A_110 : i32
        %min3A = arith.constant 79 : i32
        %min3A_112 = arith.minsi %add3A_111, %min3A : i32
        %convert_element_type3A_113 = arith.extui %eq3A_109 : i1 to i32
        %cond3A_114 = arith.constant 0 : i32
        %cond3A_115 = arith.cmpi ne, %convert_element_type3A_113, %cond3A_114 : i32
        scf.if %cond3A_115 {
          %dma_start3A_120 = arith.constant 0 : i32
          %dma_start3A_121 = tpu.memref_slice %arg11[%min3A_112, %dma_start3A_120] : memref<80x128xi32, #tpu.memory_space<vmem>> -> memref<1x128xi32, #tpu.memory_space<vmem>>
          %dma_start3A_122 = tpu.memref_squeeze %dma_start3A_121 : memref<1x128xi32, #tpu.memory_space<vmem>> -> memref<128xi32, #tpu.memory_space<vmem>>
          %dma_start3A_123 = arith.constant 0 : i32
          %dma_start3A_124 = arith.constant 0 : i32
          %dma_start3A_125 = tpu.memref_slice %arg10[%dma_start3A_123, %dma_start3A_124] : memref<10000x64xf32, #tpu.memory_space<vmem_shared>> -> memref<10000x64xf32, #tpu.memory_space<vmem_shared>>
          tpu.enqueue_indirect_dma source(%dma_start3A_125 : memref<10000x64xf32, #tpu.memory_space<vmem_shared>>) target(%arg14 : memref<128x64xf32, #tpu.memory_space<vmem>>) offsets(%dma_start3A_122 : memref<128xi32, #tpu.memory_space<vmem>>) semaphore(%arg16 : memref<!tpu.dma_semaphore, #tpu.memory_space<semaphore_mem>>)
          %dma_wait3A_126 = arith.constant 0 : i32
          %dma_wait3A_127 = arith.constant 0 : i32
          %dma_wait3A_128 = tpu.memref_slice %arg11[%dma_wait3A_126, %dma_wait3A_127] : memref<80x128xi32, #tpu.memory_space<vmem>> -> memref<1x128xi32, #tpu.memory_space<vmem>>
          %dma_wait3A_129 = tpu.memref_squeeze %dma_wait3A_128 : memref<1x128xi32, #tpu.memory_space<vmem>> -> memref<128xi32, #tpu.memory_space<vmem>>
          %dma_wait3A_130 = arith.constant 0 : i32
          %dma_wait3A_131 = arith.constant 0 : i32
          %dma_wait3A_132 = tpu.memref_slice %arg10[%dma_wait3A_130, %dma_wait3A_131] : memref<10000x64xf32, #tpu.memory_space<vmem_shared>> -> memref<10000x64xf32, #tpu.memory_space<vmem_shared>>
          tpu.wait_indirect_dma semaphore(%arg15 : memref<!tpu.dma_semaphore, #tpu.memory_space<semaphore_mem>>) src(%dma_wait3A_132 : memref<10000x64xf32, #tpu.memory_space<vmem_shared>>) dst(%arg13 : memref<128x64xf32, #tpu.memory_space<vmem>>)
          "tpu.region"() ({
            %run_scoped3A = tpu.sem_alloc : memref<!tpu.dma_semaphore, #tpu.memory_space<semaphore_mem>>
            %dma_start3A_133 = arith.constant 0 : i32
            %dma_start3A_134 = tpu.memref_slice %arg12[%scan3A_98, %dma_start3A_133] : memref<80x128xi32, #tpu.memory_space<vmem>> -> memref<1x128xi32, #tpu.memory_space<vmem>>
            %dma_start3A_135 = tpu.memref_squeeze %dma_start3A_134 : memref<1x128xi32, #tpu.memory_space<vmem>> -> memref<128xi32, #tpu.memory_space<vmem>>
            %dma_start3A_136 = arith.constant 0 : i32
            %dma_start3A_137 = arith.constant 0 : i32
            %dma_start3A_138 = tpu.memref_slice %arg9[%dma_start3A_136, %dma_start3A_137] : memref<10112x64xf32, #tpu.memory_space<vmem_shared>> -> memref<10112x64xf32, #tpu.memory_space<vmem_shared>>
            tpu.enqueue_indirect_dma source(%arg13 : memref<128x64xf32, #tpu.memory_space<vmem>>) target(%dma_start3A_138 : memref<10112x64xf32, #tpu.memory_space<vmem_shared>>) offsets(%dma_start3A_135 : memref<128xi32, #tpu.memory_space<vmem>>) semaphore(%run_scoped3A : memref<!tpu.dma_semaphore, #tpu.memory_space<semaphore_mem>>) {add = true}
            %dma_wait3A_139 = arith.constant 0 : i32
            %dma_wait3A_140 = tpu.memref_slice %arg12[%scan3A_98, %dma_wait3A_139] : memref<80x128xi32, #tpu.memory_space<vmem>> -> memref<1x128xi32, #tpu.memory_space<vmem>>
            %dma_wait3A_141 = tpu.memref_squeeze %dma_wait3A_140 : memref<1x128xi32, #tpu.memory_space<vmem>> -> memref<128xi32, #tpu.memory_space<vmem>>
            %dma_wait3A_142 = arith.constant 0 : i32
            %dma_wait3A_143 = arith.constant 0 : i32
            %dma_wait3A_144 = tpu.memref_slice %arg9[%dma_wait3A_142, %dma_wait3A_143] : memref<10112x64xf32, #tpu.memory_space<vmem_shared>> -> memref<10112x64xf32, #tpu.memory_space<vmem_shared>>
            tpu.wait_indirect_dma semaphore(%run_scoped3A : memref<!tpu.dma_semaphore, #tpu.memory_space<semaphore_mem>>) src(%arg13 : memref<128x64xf32, #tpu.memory_space<vmem>>) dst(%dma_wait3A_144 : memref<10112x64xf32, #tpu.memory_space<vmem_shared>>)
            tpu.yield
          }) : () -> ()
        } else {
        }
        %not3A = arith.constant true
        %not3A_116 = arith.xori %eq3A_109, %not3A : i1
        %convert_element_type3A_117 = arith.extui %not3A_116 : i1 to i32
        %cond3A_118 = arith.constant 0 : i32
        %cond3A_119 = arith.cmpi ne, %convert_element_type3A_117, %cond3A_118 : i32
        scf.if %cond3A_119 {
          %dma_start3A_120 = arith.constant 0 : i32
          %dma_start3A_121 = tpu.memref_slice %arg11[%min3A_112, %dma_start3A_120] : memref<80x128xi32, #tpu.memory_space<vmem>> -> memref<1x128xi32, #tpu.memory_space<vmem>>
          %dma_start3A_122 = tpu.memref_squeeze %dma_start3A_121 : memref<1x128xi32, #tpu.memory_space<vmem>> -> memref<128xi32, #tpu.memory_space<vmem>>
          %dma_start3A_123 = arith.constant 0 : i32
          %dma_start3A_124 = arith.constant 0 : i32
          %dma_start3A_125 = tpu.memref_slice %arg10[%dma_start3A_123, %dma_start3A_124] : memref<10000x64xf32, #tpu.memory_space<vmem_shared>> -> memref<10000x64xf32, #tpu.memory_space<vmem_shared>>
          tpu.enqueue_indirect_dma source(%dma_start3A_125 : memref<10000x64xf32, #tpu.memory_space<vmem_shared>>) target(%arg13 : memref<128x64xf32, #tpu.memory_space<vmem>>) offsets(%dma_start3A_122 : memref<128xi32, #tpu.memory_space<vmem>>) semaphore(%arg15 : memref<!tpu.dma_semaphore, #tpu.memory_space<semaphore_mem>>)
          %dma_wait3A_126 = arith.constant 0 : i32
          %dma_wait3A_127 = arith.constant 0 : i32
          %dma_wait3A_128 = tpu.memref_slice %arg11[%dma_wait3A_126, %dma_wait3A_127] : memref<80x128xi32, #tpu.memory_space<vmem>> -> memref<1x128xi32, #tpu.memory_space<vmem>>
          %dma_wait3A_129 = tpu.memref_squeeze %dma_wait3A_128 : memref<1x128xi32, #tpu.memory_space<vmem>> -> memref<128xi32, #tpu.memory_space<vmem>>
          %dma_wait3A_130 = arith.constant 0 : i32
          %dma_wait3A_131 = arith.constant 0 : i32
          %dma_wait3A_132 = tpu.memref_slice %arg10[%dma_wait3A_130, %dma_wait3A_131] : memref<10000x64xf32, #tpu.memory_space<vmem_shared>> -> memref<10000x64xf32, #tpu.memory_space<vmem_shared>>
          tpu.wait_indirect_dma semaphore(%arg16 : memref<!tpu.dma_semaphore, #tpu.memory_space<semaphore_mem>>) src(%dma_wait3A_132 : memref<10000x64xf32, #tpu.memory_space<vmem_shared>>) dst(%arg14 : memref<128x64xf32, #tpu.memory_space<vmem>>)
          "tpu.region"() ({
            %run_scoped3A = tpu.sem_alloc : memref<!tpu.dma_semaphore, #tpu.memory_space<semaphore_mem>>
            %dma_start3A_133 = arith.constant 0 : i32
            %dma_start3A_134 = tpu.memref_slice %arg12[%scan3A_98, %dma_start3A_133] : memref<80x128xi32, #tpu.memory_space<vmem>> -> memref<1x128xi32, #tpu.memory_space<vmem>>
            %dma_start3A_135 = tpu.memref_squeeze %dma_start3A_134 : memref<1x128xi32, #tpu.memory_space<vmem>> -> memref<128xi32, #tpu.memory_space<vmem>>
            %dma_start3A_136 = arith.constant 0 : i32
            %dma_start3A_137 = arith.constant 0 : i32
            %dma_start3A_138 = tpu.memref_slice %arg9[%dma_start3A_136, %dma_start3A_137] : memref<10112x64xf32, #tpu.memory_space<vmem_shared>> -> memref<10112x64xf32, #tpu.memory_space<vmem_shared>>
            tpu.enqueue_indirect_dma source(%arg14 : memref<128x64xf32, #tpu.memory_space<vmem>>) target(%dma_start3A_138 : memref<10112x64xf32, #tpu.memory_space<vmem_shared>>) offsets(%dma_start3A_135 : memref<128xi32, #tpu.memory_space<vmem>>) semaphore(%run_scoped3A : memref<!tpu.dma_semaphore, #tpu.memory_space<semaphore_mem>>) {add = true}
            %dma_wait3A_139 = arith.constant 0 : i32
            %dma_wait3A_140 = tpu.memref_slice %arg12[%scan3A_98, %dma_wait3A_139] : memref<80x128xi32, #tpu.memory_space<vmem>> -> memref<1x128xi32, #tpu.memory_space<vmem>>
            %dma_wait3A_141 = tpu.memref_squeeze %dma_wait3A_140 : memref<1x128xi32, #tpu.memory_space<vmem>> -> memref<128xi32, #tpu.memory_space<vmem>>
            %dma_wait3A_142 = arith.constant 0 : i32
            %dma_wait3A_143 = arith.constant 0 : i32
            %dma_wait3A_144 = tpu.memref_slice %arg9[%dma_wait3A_142, %dma_wait3A_143] : memref<10112x64xf32, #tpu.memory_space<vmem_shared>> -> memref<10112x64xf32, #tpu.memory_space<vmem_shared>>
            tpu.wait_indirect_dma semaphore(%run_scoped3A : memref<!tpu.dma_semaphore, #tpu.memory_space<semaphore_mem>>) src(%arg14 : memref<128x64xf32, #tpu.memory_space<vmem>>) dst(%dma_wait3A_144 : memref<10112x64xf32, #tpu.memory_space<vmem_shared>>)
            tpu.yield
          }) : () -> ()
        } else {
        }
      }
      %scan3A_85 = arith.constant 80 : i32
      %dma_wait3A_86 = arith.constant 0 : i32
      %dma_wait3A_87 = arith.constant 0 : i32
      %dma_wait3A_88 = tpu.memref_slice %arg11[%dma_wait3A_86, %dma_wait3A_87] : memref<80x128xi32, #tpu.memory_space<vmem>> -> memref<1x128xi32, #tpu.memory_space<vmem>>
      %dma_wait3A_89 = tpu.memref_squeeze %dma_wait3A_88 : memref<1x128xi32, #tpu.memory_space<vmem>> -> memref<128xi32, #tpu.memory_space<vmem>>
      %dma_wait3A_90 = arith.constant 0 : i32
      %dma_wait3A_91 = arith.constant 0 : i32
      %dma_wait3A_92 = tpu.memref_slice %arg10[%dma_wait3A_90, %dma_wait3A_91] : memref<10000x64xf32, #tpu.memory_space<vmem_shared>> -> memref<10000x64xf32, #tpu.memory_space<vmem_shared>>
      tpu.wait_indirect_dma semaphore(%arg15 : memref<!tpu.dma_semaphore, #tpu.memory_space<semaphore_mem>>) src(%dma_wait3A_92 : memref<10000x64xf32, #tpu.memory_space<vmem_shared>>) dst(%arg13 : memref<128x64xf32, #tpu.memory_space<vmem>>)
      %barrier3A_93 = arith.constant 0 : index
      tpu.barrier barrier_id(%barrier3A_93)
      %mul3A_94 = arith.constant 632 : i32
      %mul3A_95 = arith.muli %arg1, %mul3A_94 : i32
      %mul3A_96 = arith.constant 632 : i32
      %mul3A_97 = arith.muli %arg1, %mul3A_96 : i32
      "tpu.region"() ({
        %run_scoped3A = tpu.sem_alloc : memref<!tpu.dma_semaphore, #tpu.memory_space<semaphore_mem>>
        %dma_start3A_98 = arith.constant 0 : i32
        %dma_start3A_99 = tpu.memref_slice %arg8[%mul3A_97, %dma_start3A_98] : memref<10112x64xf32, #tpu.memory_space<hbm>> -> memref<632x64xf32, #tpu.memory_space<hbm>>
        %dma_start3A_100 = arith.constant 0 : i32
        %dma_start3A_101 = tpu.memref_slice %arg9[%mul3A_95, %dma_start3A_100] : memref<10112x64xf32, #tpu.memory_space<vmem_shared>> -> memref<632x64xf32, #tpu.memory_space<vmem_shared>>
        tpu.enqueue_dma source(%dma_start3A_101 : memref<632x64xf32, #tpu.memory_space<vmem_shared>>) target(%dma_start3A_99 : memref<632x64xf32, #tpu.memory_space<hbm>>) target_semaphore(%run_scoped3A : memref<!tpu.dma_semaphore, #tpu.memory_space<semaphore_mem>>)
        %dma_wait3A_102 = arith.constant 0 : i32
        %dma_wait3A_103 = tpu.memref_slice %arg8[%mul3A_97, %dma_wait3A_102] : memref<10112x64xf32, #tpu.memory_space<hbm>> -> memref<632x64xf32, #tpu.memory_space<hbm>>
        %dma_wait3A_104 = arith.constant 0 : i32
        %dma_wait3A_105 = tpu.memref_slice %arg9[%mul3A_95, %dma_wait3A_104] : memref<10112x64xf32, #tpu.memory_space<vmem_shared>> -> memref<632x64xf32, #tpu.memory_space<vmem_shared>>
        tpu.wait_dma2 semaphore(%run_scoped3A : memref<!tpu.dma_semaphore, #tpu.memory_space<semaphore_mem>>) src(%dma_wait3A_105 : memref<632x64xf32, #tpu.memory_space<vmem_shared>>) dst(%dma_wait3A_103 : memref<632x64xf32, #tpu.memory_space<hbm>>)
        tpu.yield
      }) : () -> ()
    } else {
    }
    return
  }
}

#map = affine_map<(d0, d1) -> (0, 0, 0)>
#map1 = affine_map<(d0, d1) -> (0, 0)>
module attributes {stable_mosaic.version = 14 : i64} {
  func.func @deg_kernel(%arg0: i32, %arg1: i32, %arg2: memref<16x160x128xi32, #tpu.memory_space<hbm>>, %arg3: memref<128x16xf32, #tpu.memory_space<hbm>>, %arg4: memref<632x16xf32, #tpu.memory_space<hbm>>, %arg5: memref<10112x16xf32, #tpu.memory_space<hbm>>, %arg6: memref<10112x16xf32, #tpu.memory_space<hbm>>, %arg7: memref<10112x16xf32, #tpu.memory_space<vmem_shared>>, %arg8: memref<80x128xi32, #tpu.memory_space<vmem>>, %arg9: memref<128x16xf32, #tpu.memory_space<vmem>>) attributes {dimension_semantics = [#tpu.dimension_semantics<core_parallel>, #tpu.dimension_semantics<subcore_parallel>], iteration_bounds = array<i64: 2, 16>, scalar_prefetch = 0 : i64, scratch_operands = 3 : i64, tpu.core_type = #tpu.core_type<sc_vector_subcore>, window_params = [{transform_indices = #map}, {transform_indices = #map1}, {transform_indices = #map1}, {transform_indices = #map1}, {transform_indices = #map1}]} {
    %mul3A = arith.constant 80 : i32
    %mul3A_0 = arith.muli %arg0, %mul3A : i32
    "tpu.region"() ({
      %run_scoped3A = tpu.sem_alloc : memref<!tpu.dma_semaphore, #tpu.memory_space<semaphore_mem>>
      %dma_start3A = arith.constant 0 : i32
      %dma_start3A_16 = tpu.memref_slice %arg2[%arg1, %mul3A_0, %dma_start3A] : memref<16x160x128xi32, #tpu.memory_space<hbm>> -> memref<1x80x128xi32, #tpu.memory_space<hbm>>
      %dma_start3A_17 = tpu.memref_squeeze %dma_start3A_16 : memref<1x80x128xi32, #tpu.memory_space<hbm>> -> memref<80x128xi32, #tpu.memory_space<hbm>>
      %dma_start3A_18 = arith.constant 0 : i32
      %dma_start3A_19 = tpu.memref_slice %arg2[%arg1, %mul3A_0, %dma_start3A_18] : memref<16x160x128xi32, #tpu.memory_space<hbm>> -> memref<1x80x128xi32, #tpu.memory_space<hbm>>
      %dma_start3A_20 = tpu.memref_squeeze %dma_start3A_19 : memref<1x80x128xi32, #tpu.memory_space<hbm>> -> memref<80x128xi32, #tpu.memory_space<hbm>>
      tpu.enqueue_dma source(%dma_start3A_20 : memref<80x128xi32, #tpu.memory_space<hbm>>) target(%arg8 : memref<80x128xi32, #tpu.memory_space<vmem>>) target_semaphore(%run_scoped3A : memref<!tpu.dma_semaphore, #tpu.memory_space<semaphore_mem>>)
      %dma_wait3A = arith.constant 0 : i32
      %dma_wait3A_21 = tpu.memref_slice %arg2[%arg1, %mul3A_0, %dma_wait3A] : memref<16x160x128xi32, #tpu.memory_space<hbm>> -> memref<1x80x128xi32, #tpu.memory_space<hbm>>
      %dma_wait3A_22 = tpu.memref_squeeze %dma_wait3A_21 : memref<1x80x128xi32, #tpu.memory_space<hbm>> -> memref<80x128xi32, #tpu.memory_space<hbm>>
      %dma_wait3A_23 = arith.constant 0 : i32
      %dma_wait3A_24 = tpu.memref_slice %arg2[%arg1, %mul3A_0, %dma_wait3A_23] : memref<16x160x128xi32, #tpu.memory_space<hbm>> -> memref<1x80x128xi32, #tpu.memory_space<hbm>>
      %dma_wait3A_25 = tpu.memref_squeeze %dma_wait3A_24 : memref<1x80x128xi32, #tpu.memory_space<hbm>> -> memref<80x128xi32, #tpu.memory_space<hbm>>
      tpu.wait_dma2 semaphore(%run_scoped3A : memref<!tpu.dma_semaphore, #tpu.memory_space<semaphore_mem>>) src(%dma_wait3A_25 : memref<80x128xi32, #tpu.memory_space<hbm>>) dst(%arg8 : memref<80x128xi32, #tpu.memory_space<vmem>>)
      tpu.yield
    }) : () -> ()
    "tpu.region"() ({
      %run_scoped3A = tpu.sem_alloc : memref<!tpu.dma_semaphore, #tpu.memory_space<semaphore_mem>>
      tpu.enqueue_dma source(%arg3 : memref<128x16xf32, #tpu.memory_space<hbm>>) target(%arg9 : memref<128x16xf32, #tpu.memory_space<vmem>>) target_semaphore(%run_scoped3A : memref<!tpu.dma_semaphore, #tpu.memory_space<semaphore_mem>>)
      tpu.wait_dma2 semaphore(%run_scoped3A : memref<!tpu.dma_semaphore, #tpu.memory_space<semaphore_mem>>) src(%arg3 : memref<128x16xf32, #tpu.memory_space<hbm>>) dst(%arg9 : memref<128x16xf32, #tpu.memory_space<vmem>>)
      tpu.yield
    }) : () -> ()
    %mul3A_1 = arith.constant 632 : i32
    %mul3A_2 = arith.muli %arg1, %mul3A_1 : i32
    "tpu.region"() ({
      %run_scoped3A = tpu.sem_alloc : memref<!tpu.dma_semaphore, #tpu.memory_space<semaphore_mem>>
      %dma_start3A = arith.constant 0 : i32
      %dma_start3A_16 = tpu.memref_slice %arg7[%mul3A_2, %dma_start3A] : memref<10112x16xf32, #tpu.memory_space<vmem_shared>> -> memref<632x16xf32, #tpu.memory_space<vmem_shared>>
      tpu.enqueue_dma source(%arg4 : memref<632x16xf32, #tpu.memory_space<hbm>>) target(%dma_start3A_16 : memref<632x16xf32, #tpu.memory_space<vmem_shared>>) target_semaphore(%run_scoped3A : memref<!tpu.dma_semaphore, #tpu.memory_space<semaphore_mem>>)
      %dma_wait3A = arith.constant 0 : i32
      %dma_wait3A_17 = tpu.memref_slice %arg7[%mul3A_2, %dma_wait3A] : memref<10112x16xf32, #tpu.memory_space<vmem_shared>> -> memref<632x16xf32, #tpu.memory_space<vmem_shared>>
      tpu.wait_dma2 semaphore(%run_scoped3A : memref<!tpu.dma_semaphore, #tpu.memory_space<semaphore_mem>>) src(%arg4 : memref<632x16xf32, #tpu.memory_space<hbm>>) dst(%dma_wait3A_17 : memref<632x16xf32, #tpu.memory_space<vmem_shared>>)
      tpu.yield
    }) : () -> ()
    %barrier3A = arith.constant 0 : index
    tpu.barrier barrier_id(%barrier3A)
    %scan3A = arith.constant 0 : i32
    %scan3A_3 = arith.constant 0 : i32
    %scan3A_4 = arith.constant 80 : i32
    %scan3A_5 = arith.addi %scan3A_3, %scan3A_4 : i32
    %scan3A_6 = arith.constant 1 : i32
    scf.for %scan3A_16 = %scan3A_3 to %scan3A_5 step %scan3A_6  : i32 {
      "tpu.region"() ({
        %run_scoped3A = tpu.sem_alloc : memref<!tpu.dma_semaphore, #tpu.memory_space<semaphore_mem>>
        %dma_start3A = arith.constant 0 : i32
        %dma_start3A_17 = tpu.memref_slice %arg8[%scan3A_16, %dma_start3A] : memref<80x128xi32, #tpu.memory_space<vmem>> -> memref<1x128xi32, #tpu.memory_space<vmem>>
        %dma_start3A_18 = tpu.memref_squeeze %dma_start3A_17 : memref<1x128xi32, #tpu.memory_space<vmem>> -> memref<128xi32, #tpu.memory_space<vmem>>
        %dma_start3A_19 = arith.constant 0 : i32
        %dma_start3A_20 = arith.constant 0 : i32
        %dma_start3A_21 = tpu.memref_slice %arg7[%dma_start3A_19, %dma_start3A_20] : memref<10112x16xf32, #tpu.memory_space<vmem_shared>> -> memref<10112x16xf32, #tpu.memory_space<vmem_shared>>
        tpu.enqueue_indirect_dma source(%arg9 : memref<128x16xf32, #tpu.memory_space<vmem>>) target(%dma_start3A_21 : memref<10112x16xf32, #tpu.memory_space<vmem_shared>>) offsets(%dma_start3A_18 : memref<128xi32, #tpu.memory_space<vmem>>) semaphore(%run_scoped3A : memref<!tpu.dma_semaphore, #tpu.memory_space<semaphore_mem>>) {add = true}
        %dma_wait3A = arith.constant 0 : i32
        %dma_wait3A_22 = tpu.memref_slice %arg8[%scan3A_16, %dma_wait3A] : memref<80x128xi32, #tpu.memory_space<vmem>> -> memref<1x128xi32, #tpu.memory_space<vmem>>
        %dma_wait3A_23 = tpu.memref_squeeze %dma_wait3A_22 : memref<1x128xi32, #tpu.memory_space<vmem>> -> memref<128xi32, #tpu.memory_space<vmem>>
        %dma_wait3A_24 = arith.constant 0 : i32
        %dma_wait3A_25 = arith.constant 0 : i32
        %dma_wait3A_26 = tpu.memref_slice %arg7[%dma_wait3A_24, %dma_wait3A_25] : memref<10112x16xf32, #tpu.memory_space<vmem_shared>> -> memref<10112x16xf32, #tpu.memory_space<vmem_shared>>
        tpu.wait_indirect_dma semaphore(%run_scoped3A : memref<!tpu.dma_semaphore, #tpu.memory_space<semaphore_mem>>) src(%arg9 : memref<128x16xf32, #tpu.memory_space<vmem>>) dst(%dma_wait3A_26 : memref<10112x16xf32, #tpu.memory_space<vmem_shared>>)
        tpu.yield
      }) : () -> ()
    }
    %scan3A_7 = arith.constant 80 : i32
    %barrier3A_8 = arith.constant 0 : index
    tpu.barrier barrier_id(%barrier3A_8)
    %eq3A = arith.constant 0 : i32
    %eq3A_9 = arith.cmpi eq, %arg0, %eq3A : i32
    %convert_element_type3A = arith.extui %eq3A_9 : i1 to i32
    %cond3A = arith.constant 0 : i32
    %cond3A_10 = arith.cmpi ne, %convert_element_type3A, %cond3A : i32
    scf.if %cond3A_10 {
      %mul3A_16 = arith.constant 632 : i32
      %mul3A_17 = arith.muli %arg1, %mul3A_16 : i32
      %mul3A_18 = arith.constant 632 : i32
      %mul3A_19 = arith.muli %arg1, %mul3A_18 : i32
      "tpu.region"() ({
        %run_scoped3A = tpu.sem_alloc : memref<!tpu.dma_semaphore, #tpu.memory_space<semaphore_mem>>
        %dma_start3A = arith.constant 0 : i32
        %dma_start3A_20 = tpu.memref_slice %arg5[%mul3A_19, %dma_start3A] : memref<10112x16xf32, #tpu.memory_space<hbm>> -> memref<632x16xf32, #tpu.memory_space<hbm>>
        %dma_start3A_21 = arith.constant 0 : i32
        %dma_start3A_22 = tpu.memref_slice %arg7[%mul3A_17, %dma_start3A_21] : memref<10112x16xf32, #tpu.memory_space<vmem_shared>> -> memref<632x16xf32, #tpu.memory_space<vmem_shared>>
        tpu.enqueue_dma source(%dma_start3A_22 : memref<632x16xf32, #tpu.memory_space<vmem_shared>>) target(%dma_start3A_20 : memref<632x16xf32, #tpu.memory_space<hbm>>) target_semaphore(%run_scoped3A : memref<!tpu.dma_semaphore, #tpu.memory_space<semaphore_mem>>)
        %dma_wait3A = arith.constant 0 : i32
        %dma_wait3A_23 = tpu.memref_slice %arg5[%mul3A_19, %dma_wait3A] : memref<10112x16xf32, #tpu.memory_space<hbm>> -> memref<632x16xf32, #tpu.memory_space<hbm>>
        %dma_wait3A_24 = arith.constant 0 : i32
        %dma_wait3A_25 = tpu.memref_slice %arg7[%mul3A_17, %dma_wait3A_24] : memref<10112x16xf32, #tpu.memory_space<vmem_shared>> -> memref<632x16xf32, #tpu.memory_space<vmem_shared>>
        tpu.wait_dma2 semaphore(%run_scoped3A : memref<!tpu.dma_semaphore, #tpu.memory_space<semaphore_mem>>) src(%dma_wait3A_25 : memref<632x16xf32, #tpu.memory_space<vmem_shared>>) dst(%dma_wait3A_23 : memref<632x16xf32, #tpu.memory_space<hbm>>)
        tpu.yield
      }) : () -> ()
    } else {
    }
    %eq3A_11 = arith.constant 1 : i32
    %eq3A_12 = arith.cmpi eq, %arg0, %eq3A_11 : i32
    %convert_element_type3A_13 = arith.extui %eq3A_12 : i1 to i32
    %cond3A_14 = arith.constant 0 : i32
    %cond3A_15 = arith.cmpi ne, %convert_element_type3A_13, %cond3A_14 : i32
    scf.if %cond3A_15 {
      %mul3A_16 = arith.constant 632 : i32
      %mul3A_17 = arith.muli %arg1, %mul3A_16 : i32
      %mul3A_18 = arith.constant 632 : i32
      %mul3A_19 = arith.muli %arg1, %mul3A_18 : i32
      "tpu.region"() ({
        %run_scoped3A = tpu.sem_alloc : memref<!tpu.dma_semaphore, #tpu.memory_space<semaphore_mem>>
        %dma_start3A = arith.constant 0 : i32
        %dma_start3A_20 = tpu.memref_slice %arg6[%mul3A_19, %dma_start3A] : memref<10112x16xf32, #tpu.memory_space<hbm>> -> memref<632x16xf32, #tpu.memory_space<hbm>>
        %dma_start3A_21 = arith.constant 0 : i32
        %dma_start3A_22 = tpu.memref_slice %arg7[%mul3A_17, %dma_start3A_21] : memref<10112x16xf32, #tpu.memory_space<vmem_shared>> -> memref<632x16xf32, #tpu.memory_space<vmem_shared>>
        tpu.enqueue_dma source(%dma_start3A_22 : memref<632x16xf32, #tpu.memory_space<vmem_shared>>) target(%dma_start3A_20 : memref<632x16xf32, #tpu.memory_space<hbm>>) target_semaphore(%run_scoped3A : memref<!tpu.dma_semaphore, #tpu.memory_space<semaphore_mem>>)
        %dma_wait3A = arith.constant 0 : i32
        %dma_wait3A_23 = tpu.memref_slice %arg6[%mul3A_19, %dma_wait3A] : memref<10112x16xf32, #tpu.memory_space<hbm>> -> memref<632x16xf32, #tpu.memory_space<hbm>>
        %dma_wait3A_24 = arith.constant 0 : i32
        %dma_wait3A_25 = tpu.memref_slice %arg7[%mul3A_17, %dma_wait3A_24] : memref<10112x16xf32, #tpu.memory_space<vmem_shared>> -> memref<632x16xf32, #tpu.memory_space<vmem_shared>>
        tpu.wait_dma2 semaphore(%run_scoped3A : memref<!tpu.dma_semaphore, #tpu.memory_space<semaphore_mem>>) src(%dma_wait3A_25 : memref<632x16xf32, #tpu.memory_space<vmem_shared>>) dst(%dma_wait3A_23 : memref<632x16xf32, #tpu.memory_space<hbm>>)
        tpu.yield
      }) : () -> ()
    } else {
    }
    return
  }
}

#map = affine_map<(d0, d1) -> (0, 0)>
#map1 = affine_map<(d0, d1) -> (0, 0, 0)>
module attributes {stable_mosaic.version = 14 : i64} {
  func.func @agg(%arg0: i32, %arg1: i32, %arg2: memref<10000x64xf32, #tpu.memory_space<hbm>>, %arg3: memref<10000x64xf32, #tpu.memory_space<hbm>>, %arg4: memref<16x160x128xi32, #tpu.memory_space<hbm>>, %arg5: memref<16x160x128xi32, #tpu.memory_space<hbm>>, %arg6: memref<632x64xf32, #tpu.memory_space<hbm>>, %arg7: memref<10112x64xf32, #tpu.memory_space<hbm>>, %arg8: memref<10112x64xf32, #tpu.memory_space<hbm>>, %arg9: memref<10112x64xf32, #tpu.memory_space<vmem_shared>>, %arg10: memref<10000x64xf32, #tpu.memory_space<vmem_shared>>, %arg11: memref<80x128xi32, #tpu.memory_space<vmem>>, %arg12: memref<80x128xi32, #tpu.memory_space<vmem>>, %arg13: memref<128x64xf32, #tpu.memory_space<vmem>>, %arg14: memref<128x64xf32, #tpu.memory_space<vmem>>, %arg15: memref<!tpu.dma_semaphore, #tpu.memory_space<semaphore_mem>>, %arg16: memref<!tpu.dma_semaphore, #tpu.memory_space<semaphore_mem>>, %arg17: memref<!tpu.dma_semaphore, #tpu.memory_space<semaphore_mem>>, %arg18: memref<!tpu.dma_semaphore, #tpu.memory_space<semaphore_mem>>) attributes {dimension_semantics = [#tpu.dimension_semantics<core_parallel>, #tpu.dimension_semantics<subcore_parallel>], iteration_bounds = array<i64: 2, 16>, scalar_prefetch = 0 : i64, scratch_operands = 10 : i64, tpu.core_type = #tpu.core_type<sc_vector_subcore>, window_params = [{transform_indices = #map}, {transform_indices = #map}, {transform_indices = #map1}, {transform_indices = #map1}, {transform_indices = #map}, {transform_indices = #map}, {transform_indices = #map}]} {
    %eq3A = arith.constant 0 : i32
    %eq3A_0 = arith.cmpi eq, %arg0, %eq3A : i32
    %convert_element_type3A = arith.extui %eq3A_0 : i1 to i32
    %cond3A = arith.constant 0 : i32
    %cond3A_1 = arith.cmpi ne, %convert_element_type3A, %cond3A : i32
    scf.if %cond3A_1 {
      %mul3A = arith.constant 625 : i32
      %mul3A_7 = arith.muli %arg1, %mul3A : i32
      %mul3A_8 = arith.constant 625 : i32
      %mul3A_9 = arith.muli %arg1, %mul3A_8 : i32
      %dma_start3A = arith.constant 0 : i32
      %dma_start3A_10 = tpu.memref_slice %arg10[%mul3A_9, %dma_start3A] : memref<10000x64xf32, #tpu.memory_space<vmem_shared>> -> memref<625x64xf32, #tpu.memory_space<vmem_shared>>
      %dma_start3A_11 = arith.constant 0 : i32
      %dma_start3A_12 = tpu.memref_slice %arg2[%mul3A_7, %dma_start3A_11] : memref<10000x64xf32, #tpu.memory_space<hbm>> -> memref<625x64xf32, #tpu.memory_space<hbm>>
      tpu.enqueue_dma source(%dma_start3A_12 : memref<625x64xf32, #tpu.memory_space<hbm>>) target(%dma_start3A_10 : memref<625x64xf32, #tpu.memory_space<vmem_shared>>) target_semaphore(%arg17 : memref<!tpu.dma_semaphore, #tpu.memory_space<semaphore_mem>>)
      %mul3A_13 = arith.constant 632 : i32
      %mul3A_14 = arith.muli %arg1, %mul3A_13 : i32
      %dma_start3A_15 = arith.constant 0 : i32
      %dma_start3A_16 = tpu.memref_slice %arg9[%mul3A_14, %dma_start3A_15] : memref<10112x64xf32, #tpu.memory_space<vmem_shared>> -> memref<632x64xf32, #tpu.memory_space<vmem_shared>>
      tpu.enqueue_dma source(%arg6 : memref<632x64xf32, #tpu.memory_space<hbm>>) target(%dma_start3A_16 : memref<632x64xf32, #tpu.memory_space<vmem_shared>>) target_semaphore(%arg18 : memref<!tpu.dma_semaphore, #tpu.memory_space<semaphore_mem>>)
      %dma_start3A_17 = arith.constant 0 : i32
      %dma_start3A_18 = arith.constant 0 : i32
      %dma_start3A_19 = tpu.memref_slice %arg4[%arg1, %dma_start3A_17, %dma_start3A_18] : memref<16x160x128xi32, #tpu.memory_space<hbm>> -> memref<1x80x128xi32, #tpu.memory_space<hbm>>
      %dma_start3A_20 = tpu.memref_squeeze %dma_start3A_19 : memref<1x80x128xi32, #tpu.memory_space<hbm>> -> memref<80x128xi32, #tpu.memory_space<hbm>>
      %dma_start3A_21 = arith.constant 0 : i32
      %dma_start3A_22 = arith.constant 0 : i32
      %dma_start3A_23 = tpu.memref_slice %arg4[%arg1, %dma_start3A_21, %dma_start3A_22] : memref<16x160x128xi32, #tpu.memory_space<hbm>> -> memref<1x80x128xi32, #tpu.memory_space<hbm>>
      %dma_start3A_24 = tpu.memref_squeeze %dma_start3A_23 : memref<1x80x128xi32, #tpu.memory_space<hbm>> -> memref<80x128xi32, #tpu.memory_space<hbm>>
      tpu.enqueue_dma source(%dma_start3A_24 : memref<80x128xi32, #tpu.memory_space<hbm>>) target(%arg11 : memref<80x128xi32, #tpu.memory_space<vmem>>) target_semaphore(%arg15 : memref<!tpu.dma_semaphore, #tpu.memory_space<semaphore_mem>>)
      %dma_start3A_25 = arith.constant 0 : i32
      %dma_start3A_26 = arith.constant 0 : i32
      %dma_start3A_27 = tpu.memref_slice %arg5[%arg1, %dma_start3A_25, %dma_start3A_26] : memref<16x160x128xi32, #tpu.memory_space<hbm>> -> memref<1x80x128xi32, #tpu.memory_space<hbm>>
      %dma_start3A_28 = tpu.memref_squeeze %dma_start3A_27 : memref<1x80x128xi32, #tpu.memory_space<hbm>> -> memref<80x128xi32, #tpu.memory_space<hbm>>
      %dma_start3A_29 = arith.constant 0 : i32
      %dma_start3A_30 = arith.constant 0 : i32
      %dma_start3A_31 = tpu.memref_slice %arg5[%arg1, %dma_start3A_29, %dma_start3A_30] : memref<16x160x128xi32, #tpu.memory_space<hbm>> -> memref<1x80x128xi32, #tpu.memory_space<hbm>>
      %dma_start3A_32 = tpu.memref_squeeze %dma_start3A_31 : memref<1x80x128xi32, #tpu.memory_space<hbm>> -> memref<80x128xi32, #tpu.memory_space<hbm>>
      tpu.enqueue_dma source(%dma_start3A_32 : memref<80x128xi32, #tpu.memory_space<hbm>>) target(%arg12 : memref<80x128xi32, #tpu.memory_space<vmem>>) target_semaphore(%arg16 : memref<!tpu.dma_semaphore, #tpu.memory_space<semaphore_mem>>)
      %dma_wait3A = arith.constant 0 : i32
      %dma_wait3A_33 = tpu.memref_slice %arg10[%mul3A_9, %dma_wait3A] : memref<10000x64xf32, #tpu.memory_space<vmem_shared>> -> memref<625x64xf32, #tpu.memory_space<vmem_shared>>
      %dma_wait3A_34 = arith.constant 0 : i32
      %dma_wait3A_35 = tpu.memref_slice %arg2[%mul3A_7, %dma_wait3A_34] : memref<10000x64xf32, #tpu.memory_space<hbm>> -> memref<625x64xf32, #tpu.memory_space<hbm>>
      tpu.wait_dma2 semaphore(%arg17 : memref<!tpu.dma_semaphore, #tpu.memory_space<semaphore_mem>>) src(%dma_wait3A_35 : memref<625x64xf32, #tpu.memory_space<hbm>>) dst(%dma_wait3A_33 : memref<625x64xf32, #tpu.memory_space<vmem_shared>>)
      %dma_wait3A_36 = arith.constant 0 : i32
      %dma_wait3A_37 = tpu.memref_slice %arg9[%mul3A_14, %dma_wait3A_36] : memref<10112x64xf32, #tpu.memory_space<vmem_shared>> -> memref<632x64xf32, #tpu.memory_space<vmem_shared>>
      tpu.wait_dma2 semaphore(%arg18 : memref<!tpu.dma_semaphore, #tpu.memory_space<semaphore_mem>>) src(%arg6 : memref<632x64xf32, #tpu.memory_space<hbm>>) dst(%dma_wait3A_37 : memref<632x64xf32, #tpu.memory_space<vmem_shared>>)
      %dma_wait3A_38 = arith.constant 0 : i32
      %dma_wait3A_39 = arith.constant 0 : i32
      %dma_wait3A_40 = tpu.memref_slice %arg4[%arg1, %dma_wait3A_38, %dma_wait3A_39] : memref<16x160x128xi32, #tpu.memory_space<hbm>> -> memref<1x80x128xi32, #tpu.memory_space<hbm>>
      %dma_wait3A_41 = tpu.memref_squeeze %dma_wait3A_40 : memref<1x80x128xi32, #tpu.memory_space<hbm>> -> memref<80x128xi32, #tpu.memory_space<hbm>>
      %dma_wait3A_42 = arith.constant 0 : i32
      %dma_wait3A_43 = arith.constant 0 : i32
      %dma_wait3A_44 = tpu.memref_slice %arg4[%arg1, %dma_wait3A_42, %dma_wait3A_43] : memref<16x160x128xi32, #tpu.memory_space<hbm>> -> memref<1x80x128xi32, #tpu.memory_space<hbm>>
      %dma_wait3A_45 = tpu.memref_squeeze %dma_wait3A_44 : memref<1x80x128xi32, #tpu.memory_space<hbm>> -> memref<80x128xi32, #tpu.memory_space<hbm>>
      tpu.wait_dma2 semaphore(%arg15 : memref<!tpu.dma_semaphore, #tpu.memory_space<semaphore_mem>>) src(%dma_wait3A_45 : memref<80x128xi32, #tpu.memory_space<hbm>>) dst(%arg11 : memref<80x128xi32, #tpu.memory_space<vmem>>)
      %dma_wait3A_46 = arith.constant 0 : i32
      %dma_wait3A_47 = arith.constant 0 : i32
      %dma_wait3A_48 = tpu.memref_slice %arg5[%arg1, %dma_wait3A_46, %dma_wait3A_47] : memref<16x160x128xi32, #tpu.memory_space<hbm>> -> memref<1x80x128xi32, #tpu.memory_space<hbm>>
      %dma_wait3A_49 = tpu.memref_squeeze %dma_wait3A_48 : memref<1x80x128xi32, #tpu.memory_space<hbm>> -> memref<80x128xi32, #tpu.memory_space<hbm>>
      %dma_wait3A_50 = arith.constant 0 : i32
      %dma_wait3A_51 = arith.constant 0 : i32
      %dma_wait3A_52 = tpu.memref_slice %arg5[%arg1, %dma_wait3A_50, %dma_wait3A_51] : memref<16x160x128xi32, #tpu.memory_space<hbm>> -> memref<1x80x128xi32, #tpu.memory_space<hbm>>
      %dma_wait3A_53 = tpu.memref_squeeze %dma_wait3A_52 : memref<1x80x128xi32, #tpu.memory_space<hbm>> -> memref<80x128xi32, #tpu.memory_space<hbm>>
      tpu.wait_dma2 semaphore(%arg16 : memref<!tpu.dma_semaphore, #tpu.memory_space<semaphore_mem>>) src(%dma_wait3A_53 : memref<80x128xi32, #tpu.memory_space<hbm>>) dst(%arg12 : memref<80x128xi32, #tpu.memory_space<vmem>>)
      %barrier3A = arith.constant 0 : index
      tpu.barrier barrier_id(%barrier3A)
      %dma_start3A_54 = arith.constant 0 : i32
      %dma_start3A_55 = arith.constant 0 : i32
      %dma_start3A_56 = tpu.memref_slice %arg11[%dma_start3A_54, %dma_start3A_55] : memref<80x128xi32, #tpu.memory_space<vmem>> -> memref<1x128xi32, #tpu.memory_space<vmem>>
      %dma_start3A_57 = tpu.memref_squeeze %dma_start3A_56 : memref<1x128xi32, #tpu.memory_space<vmem>> -> memref<128xi32, #tpu.memory_space<vmem>>
      %dma_start3A_58 = arith.constant 0 : i32
      %dma_start3A_59 = arith.constant 0 : i32
      %dma_start3A_60 = tpu.memref_slice %arg10[%dma_start3A_58, %dma_start3A_59] : memref<10000x64xf32, #tpu.memory_space<vmem_shared>> -> memref<10000x64xf32, #tpu.memory_space<vmem_shared>>
      tpu.enqueue_indirect_dma source(%dma_start3A_60 : memref<10000x64xf32, #tpu.memory_space<vmem_shared>>) target(%arg13 : memref<128x64xf32, #tpu.memory_space<vmem>>) offsets(%dma_start3A_57 : memref<128xi32, #tpu.memory_space<vmem>>) semaphore(%arg15 : memref<!tpu.dma_semaphore, #tpu.memory_space<semaphore_mem>>)
      %scan3A = arith.constant 0 : i32
      %scan3A_61 = arith.constant 0 : i32
      %scan3A_62 = arith.constant 80 : i32
      %scan3A_63 = arith.addi %scan3A_61, %scan3A_62 : i32
      %scan3A_64 = arith.constant 1 : i32
      scf.for %scan3A_98 = %scan3A_61 to %scan3A_63 step %scan3A_64  : i32 {
        %jit3A = arith.constant 2 : i32
        %eq3A_99 = arith.constant 0 : i32
        %eq3A_100 = arith.cmpi eq, %jit3A, %eq3A_99 : i32
        %jit3A_101 = arith.constant 1 : i32
        %select_n3A = arith.select %eq3A_100, %jit3A_101, %jit3A : i32
        %rem3A = arith.remsi %scan3A_98, %select_n3A : i32
        %ne3A = arith.constant 0 : i32
        %ne3A_102 = arith.cmpi ne, %rem3A, %ne3A : i32
        %lt3A = arith.constant 0 : i32
        %lt3A_103 = arith.cmpi slt, %rem3A, %lt3A : i32
        %lt3A_104 = arith.constant 0 : i32
        %lt3A_105 = arith.cmpi slt, %select_n3A, %lt3A_104 : i32
        %ne3A_106 = arith.xori %lt3A_103, %lt3A_105 : i1
        %and3A = arith.andi %ne3A_106, %ne3A_102 : i1
        %add3A = arith.addi %rem3A, %select_n3A : i32
        %select_n3A_107 = arith.select %and3A, %add3A, %rem3A : i32
        %eq3A_108 = arith.constant 0 : i32
        %eq3A_109 = arith.cmpi eq, %select_n3A_107, %eq3A_108 : i32
        %add3A_110 = arith.constant 1 : i32
        %add3A_111 = arith.addi %scan3A_98, %add3A_110 : i32
        %min3A = arith.constant 79 : i32
        %min3A_112 = arith.minsi %add3A_111, %min3A : i32
        %convert_element_type3A_113 = arith.extui %eq3A_109 : i1 to i32
        %cond3A_114 = arith.constant 0 : i32
        %cond3A_115 = arith.cmpi ne, %convert_element_type3A_113, %cond3A_114 : i32
        scf.if %cond3A_115 {
          %dma_start3A_120 = arith.constant 0 : i32
          %dma_start3A_121 = tpu.memref_slice %arg11[%min3A_112, %dma_start3A_120] : memref<80x128xi32, #tpu.memory_space<vmem>> -> memref<1x128xi32, #tpu.memory_space<vmem>>
          %dma_start3A_122 = tpu.memref_squeeze %dma_start3A_121 : memref<1x128xi32, #tpu.memory_space<vmem>> -> memref<128xi32, #tpu.memory_space<vmem>>
          %dma_start3A_123 = arith.constant 0 : i32
          %dma_start3A_124 = arith.constant 0 : i32
          %dma_start3A_125 = tpu.memref_slice %arg10[%dma_start3A_123, %dma_start3A_124] : memref<10000x64xf32, #tpu.memory_space<vmem_shared>> -> memref<10000x64xf32, #tpu.memory_space<vmem_shared>>
          tpu.enqueue_indirect_dma source(%dma_start3A_125 : memref<10000x64xf32, #tpu.memory_space<vmem_shared>>) target(%arg14 : memref<128x64xf32, #tpu.memory_space<vmem>>) offsets(%dma_start3A_122 : memref<128xi32, #tpu.memory_space<vmem>>) semaphore(%arg16 : memref<!tpu.dma_semaphore, #tpu.memory_space<semaphore_mem>>)
          %dma_wait3A_126 = arith.constant 0 : i32
          %dma_wait3A_127 = arith.constant 0 : i32
          %dma_wait3A_128 = tpu.memref_slice %arg11[%dma_wait3A_126, %dma_wait3A_127] : memref<80x128xi32, #tpu.memory_space<vmem>> -> memref<1x128xi32, #tpu.memory_space<vmem>>
          %dma_wait3A_129 = tpu.memref_squeeze %dma_wait3A_128 : memref<1x128xi32, #tpu.memory_space<vmem>> -> memref<128xi32, #tpu.memory_space<vmem>>
          %dma_wait3A_130 = arith.constant 0 : i32
          %dma_wait3A_131 = arith.constant 0 : i32
          %dma_wait3A_132 = tpu.memref_slice %arg10[%dma_wait3A_130, %dma_wait3A_131] : memref<10000x64xf32, #tpu.memory_space<vmem_shared>> -> memref<10000x64xf32, #tpu.memory_space<vmem_shared>>
          tpu.wait_indirect_dma semaphore(%arg15 : memref<!tpu.dma_semaphore, #tpu.memory_space<semaphore_mem>>) src(%dma_wait3A_132 : memref<10000x64xf32, #tpu.memory_space<vmem_shared>>) dst(%arg13 : memref<128x64xf32, #tpu.memory_space<vmem>>)
          "tpu.region"() ({
            %run_scoped3A = tpu.sem_alloc : memref<!tpu.dma_semaphore, #tpu.memory_space<semaphore_mem>>
            %dma_start3A_133 = arith.constant 0 : i32
            %dma_start3A_134 = tpu.memref_slice %arg12[%scan3A_98, %dma_start3A_133] : memref<80x128xi32, #tpu.memory_space<vmem>> -> memref<1x128xi32, #tpu.memory_space<vmem>>
            %dma_start3A_135 = tpu.memref_squeeze %dma_start3A_134 : memref<1x128xi32, #tpu.memory_space<vmem>> -> memref<128xi32, #tpu.memory_space<vmem>>
            %dma_start3A_136 = arith.constant 0 : i32
            %dma_start3A_137 = arith.constant 0 : i32
            %dma_start3A_138 = tpu.memref_slice %arg9[%dma_start3A_136, %dma_start3A_137] : memref<10112x64xf32, #tpu.memory_space<vmem_shared>> -> memref<10112x64xf32, #tpu.memory_space<vmem_shared>>
            tpu.enqueue_indirect_dma source(%arg13 : memref<128x64xf32, #tpu.memory_space<vmem>>) target(%dma_start3A_138 : memref<10112x64xf32, #tpu.memory_space<vmem_shared>>) offsets(%dma_start3A_135 : memref<128xi32, #tpu.memory_space<vmem>>) semaphore(%run_scoped3A : memref<!tpu.dma_semaphore, #tpu.memory_space<semaphore_mem>>) {add = true}
            %dma_wait3A_139 = arith.constant 0 : i32
            %dma_wait3A_140 = tpu.memref_slice %arg12[%scan3A_98, %dma_wait3A_139] : memref<80x128xi32, #tpu.memory_space<vmem>> -> memref<1x128xi32, #tpu.memory_space<vmem>>
            %dma_wait3A_141 = tpu.memref_squeeze %dma_wait3A_140 : memref<1x128xi32, #tpu.memory_space<vmem>> -> memref<128xi32, #tpu.memory_space<vmem>>
            %dma_wait3A_142 = arith.constant 0 : i32
            %dma_wait3A_143 = arith.constant 0 : i32
            %dma_wait3A_144 = tpu.memref_slice %arg9[%dma_wait3A_142, %dma_wait3A_143] : memref<10112x64xf32, #tpu.memory_space<vmem_shared>> -> memref<10112x64xf32, #tpu.memory_space<vmem_shared>>
            tpu.wait_indirect_dma semaphore(%run_scoped3A : memref<!tpu.dma_semaphore, #tpu.memory_space<semaphore_mem>>) src(%arg13 : memref<128x64xf32, #tpu.memory_space<vmem>>) dst(%dma_wait3A_144 : memref<10112x64xf32, #tpu.memory_space<vmem_shared>>)
            tpu.yield
          }) : () -> ()
        } else {
        }
        %not3A = arith.constant true
        %not3A_116 = arith.xori %eq3A_109, %not3A : i1
        %convert_element_type3A_117 = arith.extui %not3A_116 : i1 to i32
        %cond3A_118 = arith.constant 0 : i32
        %cond3A_119 = arith.cmpi ne, %convert_element_type3A_117, %cond3A_118 : i32
        scf.if %cond3A_119 {
          %dma_start3A_120 = arith.constant 0 : i32
          %dma_start3A_121 = tpu.memref_slice %arg11[%min3A_112, %dma_start3A_120] : memref<80x128xi32, #tpu.memory_space<vmem>> -> memref<1x128xi32, #tpu.memory_space<vmem>>
          %dma_start3A_122 = tpu.memref_squeeze %dma_start3A_121 : memref<1x128xi32, #tpu.memory_space<vmem>> -> memref<128xi32, #tpu.memory_space<vmem>>
          %dma_start3A_123 = arith.constant 0 : i32
          %dma_start3A_124 = arith.constant 0 : i32
          %dma_start3A_125 = tpu.memref_slice %arg10[%dma_start3A_123, %dma_start3A_124] : memref<10000x64xf32, #tpu.memory_space<vmem_shared>> -> memref<10000x64xf32, #tpu.memory_space<vmem_shared>>
          tpu.enqueue_indirect_dma source(%dma_start3A_125 : memref<10000x64xf32, #tpu.memory_space<vmem_shared>>) target(%arg13 : memref<128x64xf32, #tpu.memory_space<vmem>>) offsets(%dma_start3A_122 : memref<128xi32, #tpu.memory_space<vmem>>) semaphore(%arg15 : memref<!tpu.dma_semaphore, #tpu.memory_space<semaphore_mem>>)
          %dma_wait3A_126 = arith.constant 0 : i32
          %dma_wait3A_127 = arith.constant 0 : i32
          %dma_wait3A_128 = tpu.memref_slice %arg11[%dma_wait3A_126, %dma_wait3A_127] : memref<80x128xi32, #tpu.memory_space<vmem>> -> memref<1x128xi32, #tpu.memory_space<vmem>>
          %dma_wait3A_129 = tpu.memref_squeeze %dma_wait3A_128 : memref<1x128xi32, #tpu.memory_space<vmem>> -> memref<128xi32, #tpu.memory_space<vmem>>
          %dma_wait3A_130 = arith.constant 0 : i32
          %dma_wait3A_131 = arith.constant 0 : i32
          %dma_wait3A_132 = tpu.memref_slice %arg10[%dma_wait3A_130, %dma_wait3A_131] : memref<10000x64xf32, #tpu.memory_space<vmem_shared>> -> memref<10000x64xf32, #tpu.memory_space<vmem_shared>>
          tpu.wait_indirect_dma semaphore(%arg16 : memref<!tpu.dma_semaphore, #tpu.memory_space<semaphore_mem>>) src(%dma_wait3A_132 : memref<10000x64xf32, #tpu.memory_space<vmem_shared>>) dst(%arg14 : memref<128x64xf32, #tpu.memory_space<vmem>>)
          "tpu.region"() ({
            %run_scoped3A = tpu.sem_alloc : memref<!tpu.dma_semaphore, #tpu.memory_space<semaphore_mem>>
            %dma_start3A_133 = arith.constant 0 : i32
            %dma_start3A_134 = tpu.memref_slice %arg12[%scan3A_98, %dma_start3A_133] : memref<80x128xi32, #tpu.memory_space<vmem>> -> memref<1x128xi32, #tpu.memory_space<vmem>>
            %dma_start3A_135 = tpu.memref_squeeze %dma_start3A_134 : memref<1x128xi32, #tpu.memory_space<vmem>> -> memref<128xi32, #tpu.memory_space<vmem>>
            %dma_start3A_136 = arith.constant 0 : i32
            %dma_start3A_137 = arith.constant 0 : i32
            %dma_start3A_138 = tpu.memref_slice %arg9[%dma_start3A_136, %dma_start3A_137] : memref<10112x64xf32, #tpu.memory_space<vmem_shared>> -> memref<10112x64xf32, #tpu.memory_space<vmem_shared>>
            tpu.enqueue_indirect_dma source(%arg14 : memref<128x64xf32, #tpu.memory_space<vmem>>) target(%dma_start3A_138 : memref<10112x64xf32, #tpu.memory_space<vmem_shared>>) offsets(%dma_start3A_135 : memref<128xi32, #tpu.memory_space<vmem>>) semaphore(%run_scoped3A : memref<!tpu.dma_semaphore, #tpu.memory_space<semaphore_mem>>) {add = true}
            %dma_wait3A_139 = arith.constant 0 : i32
            %dma_wait3A_140 = tpu.memref_slice %arg12[%scan3A_98, %dma_wait3A_139] : memref<80x128xi32, #tpu.memory_space<vmem>> -> memref<1x128xi32, #tpu.memory_space<vmem>>
            %dma_wait3A_141 = tpu.memref_squeeze %dma_wait3A_140 : memref<1x128xi32, #tpu.memory_space<vmem>> -> memref<128xi32, #tpu.memory_space<vmem>>
            %dma_wait3A_142 = arith.constant 0 : i32
            %dma_wait3A_143 = arith.constant 0 : i32
            %dma_wait3A_144 = tpu.memref_slice %arg9[%dma_wait3A_142, %dma_wait3A_143] : memref<10112x64xf32, #tpu.memory_space<vmem_shared>> -> memref<10112x64xf32, #tpu.memory_space<vmem_shared>>
            tpu.wait_indirect_dma semaphore(%run_scoped3A : memref<!tpu.dma_semaphore, #tpu.memory_space<semaphore_mem>>) src(%arg14 : memref<128x64xf32, #tpu.memory_space<vmem>>) dst(%dma_wait3A_144 : memref<10112x64xf32, #tpu.memory_space<vmem_shared>>)
            tpu.yield
          }) : () -> ()
        } else {
        }
      }
      %scan3A_65 = arith.constant 80 : i32
      %dma_wait3A_66 = arith.constant 0 : i32
      %dma_wait3A_67 = arith.constant 0 : i32
      %dma_wait3A_68 = tpu.memref_slice %arg11[%dma_wait3A_66, %dma_wait3A_67] : memref<80x128xi32, #tpu.memory_space<vmem>> -> memref<1x128xi32, #tpu.memory_space<vmem>>
      %dma_wait3A_69 = tpu.memref_squeeze %dma_wait3A_68 : memref<1x128xi32, #tpu.memory_space<vmem>> -> memref<128xi32, #tpu.memory_space<vmem>>
      %dma_wait3A_70 = arith.constant 0 : i32
      %dma_wait3A_71 = arith.constant 0 : i32
      %dma_wait3A_72 = tpu.memref_slice %arg10[%dma_wait3A_70, %dma_wait3A_71] : memref<10000x64xf32, #tpu.memory_space<vmem_shared>> -> memref<10000x64xf32, #tpu.memory_space<vmem_shared>>
      tpu.wait_indirect_dma semaphore(%arg15 : memref<!tpu.dma_semaphore, #tpu.memory_space<semaphore_mem>>) src(%dma_wait3A_72 : memref<10000x64xf32, #tpu.memory_space<vmem_shared>>) dst(%arg13 : memref<128x64xf32, #tpu.memory_space<vmem>>)
      "tpu.region"() ({
        %run_scoped3A = tpu.sem_alloc : memref<!tpu.dma_semaphore, #tpu.memory_space<semaphore_mem>>
        %dma_start3A_98 = arith.constant 80 : i32
        %dma_start3A_99 = arith.constant 0 : i32
        %dma_start3A_100 = tpu.memref_slice %arg4[%arg1, %dma_start3A_98, %dma_start3A_99] : memref<16x160x128xi32, #tpu.memory_space<hbm>> -> memref<1x80x128xi32, #tpu.memory_space<hbm>>
        %dma_start3A_101 = tpu.memref_squeeze %dma_start3A_100 : memref<1x80x128xi32, #tpu.memory_space<hbm>> -> memref<80x128xi32, #tpu.memory_space<hbm>>
        %dma_start3A_102 = arith.constant 80 : i32
        %dma_start3A_103 = arith.constant 0 : i32
        %dma_start3A_104 = tpu.memref_slice %arg4[%arg1, %dma_start3A_102, %dma_start3A_103] : memref<16x160x128xi32, #tpu.memory_space<hbm>> -> memref<1x80x128xi32, #tpu.memory_space<hbm>>
        %dma_start3A_105 = tpu.memref_squeeze %dma_start3A_104 : memref<1x80x128xi32, #tpu.memory_space<hbm>> -> memref<80x128xi32, #tpu.memory_space<hbm>>
        tpu.enqueue_dma source(%dma_start3A_105 : memref<80x128xi32, #tpu.memory_space<hbm>>) target(%arg11 : memref<80x128xi32, #tpu.memory_space<vmem>>) target_semaphore(%run_scoped3A : memref<!tpu.dma_semaphore, #tpu.memory_space<semaphore_mem>>)
        %dma_wait3A_106 = arith.constant 80 : i32
        %dma_wait3A_107 = arith.constant 0 : i32
        %dma_wait3A_108 = tpu.memref_slice %arg4[%arg1, %dma_wait3A_106, %dma_wait3A_107] : memref<16x160x128xi32, #tpu.memory_space<hbm>> -> memref<1x80x128xi32, #tpu.memory_space<hbm>>
        %dma_wait3A_109 = tpu.memref_squeeze %dma_wait3A_108 : memref<1x80x128xi32, #tpu.memory_space<hbm>> -> memref<80x128xi32, #tpu.memory_space<hbm>>
        %dma_wait3A_110 = arith.constant 80 : i32
        %dma_wait3A_111 = arith.constant 0 : i32
        %dma_wait3A_112 = tpu.memref_slice %arg4[%arg1, %dma_wait3A_110, %dma_wait3A_111] : memref<16x160x128xi32, #tpu.memory_space<hbm>> -> memref<1x80x128xi32, #tpu.memory_space<hbm>>
        %dma_wait3A_113 = tpu.memref_squeeze %dma_wait3A_112 : memref<1x80x128xi32, #tpu.memory_space<hbm>> -> memref<80x128xi32, #tpu.memory_space<hbm>>
        tpu.wait_dma2 semaphore(%run_scoped3A : memref<!tpu.dma_semaphore, #tpu.memory_space<semaphore_mem>>) src(%dma_wait3A_113 : memref<80x128xi32, #tpu.memory_space<hbm>>) dst(%arg11 : memref<80x128xi32, #tpu.memory_space<vmem>>)
        tpu.yield
      }) : () -> ()
      "tpu.region"() ({
        %run_scoped3A = tpu.sem_alloc : memref<!tpu.dma_semaphore, #tpu.memory_space<semaphore_mem>>
        %dma_start3A_98 = arith.constant 80 : i32
        %dma_start3A_99 = arith.constant 0 : i32
        %dma_start3A_100 = tpu.memref_slice %arg5[%arg1, %dma_start3A_98, %dma_start3A_99] : memref<16x160x128xi32, #tpu.memory_space<hbm>> -> memref<1x80x128xi32, #tpu.memory_space<hbm>>
        %dma_start3A_101 = tpu.memref_squeeze %dma_start3A_100 : memref<1x80x128xi32, #tpu.memory_space<hbm>> -> memref<80x128xi32, #tpu.memory_space<hbm>>
        %dma_start3A_102 = arith.constant 80 : i32
        %dma_start3A_103 = arith.constant 0 : i32
        %dma_start3A_104 = tpu.memref_slice %arg5[%arg1, %dma_start3A_102, %dma_start3A_103] : memref<16x160x128xi32, #tpu.memory_space<hbm>> -> memref<1x80x128xi32, #tpu.memory_space<hbm>>
        %dma_start3A_105 = tpu.memref_squeeze %dma_start3A_104 : memref<1x80x128xi32, #tpu.memory_space<hbm>> -> memref<80x128xi32, #tpu.memory_space<hbm>>
        tpu.enqueue_dma source(%dma_start3A_105 : memref<80x128xi32, #tpu.memory_space<hbm>>) target(%arg12 : memref<80x128xi32, #tpu.memory_space<vmem>>) target_semaphore(%run_scoped3A : memref<!tpu.dma_semaphore, #tpu.memory_space<semaphore_mem>>)
        %dma_wait3A_106 = arith.constant 80 : i32
        %dma_wait3A_107 = arith.constant 0 : i32
        %dma_wait3A_108 = tpu.memref_slice %arg5[%arg1, %dma_wait3A_106, %dma_wait3A_107] : memref<16x160x128xi32, #tpu.memory_space<hbm>> -> memref<1x80x128xi32, #tpu.memory_space<hbm>>
        %dma_wait3A_109 = tpu.memref_squeeze %dma_wait3A_108 : memref<1x80x128xi32, #tpu.memory_space<hbm>> -> memref<80x128xi32, #tpu.memory_space<hbm>>
        %dma_wait3A_110 = arith.constant 80 : i32
        %dma_wait3A_111 = arith.constant 0 : i32
        %dma_wait3A_112 = tpu.memref_slice %arg5[%arg1, %dma_wait3A_110, %dma_wait3A_111] : memref<16x160x128xi32, #tpu.memory_space<hbm>> -> memref<1x80x128xi32, #tpu.memory_space<hbm>>
        %dma_wait3A_113 = tpu.memref_squeeze %dma_wait3A_112 : memref<1x80x128xi32, #tpu.memory_space<hbm>> -> memref<80x128xi32, #tpu.memory_space<hbm>>
        tpu.wait_dma2 semaphore(%run_scoped3A : memref<!tpu.dma_semaphore, #tpu.memory_space<semaphore_mem>>) src(%dma_wait3A_113 : memref<80x128xi32, #tpu.memory_space<hbm>>) dst(%arg12 : memref<80x128xi32, #tpu.memory_space<vmem>>)
        tpu.yield
      }) : () -> ()
      %dma_start3A_73 = arith.constant 0 : i32
      %dma_start3A_74 = arith.constant 0 : i32
      %dma_start3A_75 = tpu.memref_slice %arg11[%dma_start3A_73, %dma_start3A_74] : memref<80x128xi32, #tpu.memory_space<vmem>> -> memref<1x128xi32, #tpu.memory_space<vmem>>
      %dma_start3A_76 = tpu.memref_squeeze %dma_start3A_75 : memref<1x128xi32, #tpu.memory_space<vmem>> -> memref<128xi32, #tpu.memory_space<vmem>>
      %dma_start3A_77 = arith.constant 0 : i32
      %dma_start3A_78 = arith.constant 0 : i32
      %dma_start3A_79 = tpu.memref_slice %arg10[%dma_start3A_77, %dma_start3A_78] : memref<10000x64xf32, #tpu.memory_space<vmem_shared>> -> memref<10000x64xf32, #tpu.memory_space<vmem_shared>>
      tpu.enqueue_indirect_dma source(%dma_start3A_79 : memref<10000x64xf32, #tpu.memory_space<vmem_shared>>) target(%arg13 : memref<128x64xf32, #tpu.memory_space<vmem>>) offsets(%dma_start3A_76 : memref<128xi32, #tpu.memory_space<vmem>>) semaphore(%arg15 : memref<!tpu.dma_semaphore, #tpu.memory_space<semaphore_mem>>)
      %scan3A_80 = arith.constant 0 : i32
      %scan3A_81 = arith.constant 0 : i32
      %scan3A_82 = arith.constant 80 : i32
      %scan3A_83 = arith.addi %scan3A_81, %scan3A_82 : i32
      %scan3A_84 = arith.constant 1 : i32
      scf.for %scan3A_98 = %scan3A_81 to %scan3A_83 step %scan3A_84  : i32 {
        %jit3A = arith.constant 2 : i32
        %eq3A_99 = arith.constant 0 : i32
        %eq3A_100 = arith.cmpi eq, %jit3A, %eq3A_99 : i32
        %jit3A_101 = arith.constant 1 : i32
        %select_n3A = arith.select %eq3A_100, %jit3A_101, %jit3A : i32
        %rem3A = arith.remsi %scan3A_98, %select_n3A : i32
        %ne3A = arith.constant 0 : i32
        %ne3A_102 = arith.cmpi ne, %rem3A, %ne3A : i32
        %lt3A = arith.constant 0 : i32
        %lt3A_103 = arith.cmpi slt, %rem3A, %lt3A : i32
        %lt3A_104 = arith.constant 0 : i32
        %lt3A_105 = arith.cmpi slt, %select_n3A, %lt3A_104 : i32
        %ne3A_106 = arith.xori %lt3A_103, %lt3A_105 : i1
        %and3A = arith.andi %ne3A_106, %ne3A_102 : i1
        %add3A = arith.addi %rem3A, %select_n3A : i32
        %select_n3A_107 = arith.select %and3A, %add3A, %rem3A : i32
        %eq3A_108 = arith.constant 0 : i32
        %eq3A_109 = arith.cmpi eq, %select_n3A_107, %eq3A_108 : i32
        %add3A_110 = arith.constant 1 : i32
        %add3A_111 = arith.addi %scan3A_98, %add3A_110 : i32
        %min3A = arith.constant 79 : i32
        %min3A_112 = arith.minsi %add3A_111, %min3A : i32
        %convert_element_type3A_113 = arith.extui %eq3A_109 : i1 to i32
        %cond3A_114 = arith.constant 0 : i32
        %cond3A_115 = arith.cmpi ne, %convert_element_type3A_113, %cond3A_114 : i32
        scf.if %cond3A_115 {
          %dma_start3A_120 = arith.constant 0 : i32
          %dma_start3A_121 = tpu.memref_slice %arg11[%min3A_112, %dma_start3A_120] : memref<80x128xi32, #tpu.memory_space<vmem>> -> memref<1x128xi32, #tpu.memory_space<vmem>>
          %dma_start3A_122 = tpu.memref_squeeze %dma_start3A_121 : memref<1x128xi32, #tpu.memory_space<vmem>> -> memref<128xi32, #tpu.memory_space<vmem>>
          %dma_start3A_123 = arith.constant 0 : i32
          %dma_start3A_124 = arith.constant 0 : i32
          %dma_start3A_125 = tpu.memref_slice %arg10[%dma_start3A_123, %dma_start3A_124] : memref<10000x64xf32, #tpu.memory_space<vmem_shared>> -> memref<10000x64xf32, #tpu.memory_space<vmem_shared>>
          tpu.enqueue_indirect_dma source(%dma_start3A_125 : memref<10000x64xf32, #tpu.memory_space<vmem_shared>>) target(%arg14 : memref<128x64xf32, #tpu.memory_space<vmem>>) offsets(%dma_start3A_122 : memref<128xi32, #tpu.memory_space<vmem>>) semaphore(%arg16 : memref<!tpu.dma_semaphore, #tpu.memory_space<semaphore_mem>>)
          %dma_wait3A_126 = arith.constant 0 : i32
          %dma_wait3A_127 = arith.constant 0 : i32
          %dma_wait3A_128 = tpu.memref_slice %arg11[%dma_wait3A_126, %dma_wait3A_127] : memref<80x128xi32, #tpu.memory_space<vmem>> -> memref<1x128xi32, #tpu.memory_space<vmem>>
          %dma_wait3A_129 = tpu.memref_squeeze %dma_wait3A_128 : memref<1x128xi32, #tpu.memory_space<vmem>> -> memref<128xi32, #tpu.memory_space<vmem>>
          %dma_wait3A_130 = arith.constant 0 : i32
          %dma_wait3A_131 = arith.constant 0 : i32
          %dma_wait3A_132 = tpu.memref_slice %arg10[%dma_wait3A_130, %dma_wait3A_131] : memref<10000x64xf32, #tpu.memory_space<vmem_shared>> -> memref<10000x64xf32, #tpu.memory_space<vmem_shared>>
          tpu.wait_indirect_dma semaphore(%arg15 : memref<!tpu.dma_semaphore, #tpu.memory_space<semaphore_mem>>) src(%dma_wait3A_132 : memref<10000x64xf32, #tpu.memory_space<vmem_shared>>) dst(%arg13 : memref<128x64xf32, #tpu.memory_space<vmem>>)
          "tpu.region"() ({
            %run_scoped3A = tpu.sem_alloc : memref<!tpu.dma_semaphore, #tpu.memory_space<semaphore_mem>>
            %dma_start3A_133 = arith.constant 0 : i32
            %dma_start3A_134 = tpu.memref_slice %arg12[%scan3A_98, %dma_start3A_133] : memref<80x128xi32, #tpu.memory_space<vmem>> -> memref<1x128xi32, #tpu.memory_space<vmem>>
            %dma_start3A_135 = tpu.memref_squeeze %dma_start3A_134 : memref<1x128xi32, #tpu.memory_space<vmem>> -> memref<128xi32, #tpu.memory_space<vmem>>
            %dma_start3A_136 = arith.constant 0 : i32
            %dma_start3A_137 = arith.constant 0 : i32
            %dma_start3A_138 = tpu.memref_slice %arg9[%dma_start3A_136, %dma_start3A_137] : memref<10112x64xf32, #tpu.memory_space<vmem_shared>> -> memref<10112x64xf32, #tpu.memory_space<vmem_shared>>
            tpu.enqueue_indirect_dma source(%arg13 : memref<128x64xf32, #tpu.memory_space<vmem>>) target(%dma_start3A_138 : memref<10112x64xf32, #tpu.memory_space<vmem_shared>>) offsets(%dma_start3A_135 : memref<128xi32, #tpu.memory_space<vmem>>) semaphore(%run_scoped3A : memref<!tpu.dma_semaphore, #tpu.memory_space<semaphore_mem>>) {add = true}
            %dma_wait3A_139 = arith.constant 0 : i32
            %dma_wait3A_140 = tpu.memref_slice %arg12[%scan3A_98, %dma_wait3A_139] : memref<80x128xi32, #tpu.memory_space<vmem>> -> memref<1x128xi32, #tpu.memory_space<vmem>>
            %dma_wait3A_141 = tpu.memref_squeeze %dma_wait3A_140 : memref<1x128xi32, #tpu.memory_space<vmem>> -> memref<128xi32, #tpu.memory_space<vmem>>
            %dma_wait3A_142 = arith.constant 0 : i32
            %dma_wait3A_143 = arith.constant 0 : i32
            %dma_wait3A_144 = tpu.memref_slice %arg9[%dma_wait3A_142, %dma_wait3A_143] : memref<10112x64xf32, #tpu.memory_space<vmem_shared>> -> memref<10112x64xf32, #tpu.memory_space<vmem_shared>>
            tpu.wait_indirect_dma semaphore(%run_scoped3A : memref<!tpu.dma_semaphore, #tpu.memory_space<semaphore_mem>>) src(%arg13 : memref<128x64xf32, #tpu.memory_space<vmem>>) dst(%dma_wait3A_144 : memref<10112x64xf32, #tpu.memory_space<vmem_shared>>)
            tpu.yield
          }) : () -> ()
        } else {
        }
        %not3A = arith.constant true
        %not3A_116 = arith.xori %eq3A_109, %not3A : i1
        %convert_element_type3A_117 = arith.extui %not3A_116 : i1 to i32
        %cond3A_118 = arith.constant 0 : i32
        %cond3A_119 = arith.cmpi ne, %convert_element_type3A_117, %cond3A_118 : i32
        scf.if %cond3A_119 {
          %dma_start3A_120 = arith.constant 0 : i32
          %dma_start3A_121 = tpu.memref_slice %arg11[%min3A_112, %dma_start3A_120] : memref<80x128xi32, #tpu.memory_space<vmem>> -> memref<1x128xi32, #tpu.memory_space<vmem>>
          %dma_start3A_122 = tpu.memref_squeeze %dma_start3A_121 : memref<1x128xi32, #tpu.memory_space<vmem>> -> memref<128xi32, #tpu.memory_space<vmem>>
          %dma_start3A_123 = arith.constant 0 : i32
          %dma_start3A_124 = arith.constant 0 : i32
          %dma_start3A_125 = tpu.memref_slice %arg10[%dma_start3A_123, %dma_start3A_124] : memref<10000x64xf32, #tpu.memory_space<vmem_shared>> -> memref<10000x64xf32, #tpu.memory_space<vmem_shared>>
          tpu.enqueue_indirect_dma source(%dma_start3A_125 : memref<10000x64xf32, #tpu.memory_space<vmem_shared>>) target(%arg13 : memref<128x64xf32, #tpu.memory_space<vmem>>) offsets(%dma_start3A_122 : memref<128xi32, #tpu.memory_space<vmem>>) semaphore(%arg15 : memref<!tpu.dma_semaphore, #tpu.memory_space<semaphore_mem>>)
          %dma_wait3A_126 = arith.constant 0 : i32
          %dma_wait3A_127 = arith.constant 0 : i32
          %dma_wait3A_128 = tpu.memref_slice %arg11[%dma_wait3A_126, %dma_wait3A_127] : memref<80x128xi32, #tpu.memory_space<vmem>> -> memref<1x128xi32, #tpu.memory_space<vmem>>
          %dma_wait3A_129 = tpu.memref_squeeze %dma_wait3A_128 : memref<1x128xi32, #tpu.memory_space<vmem>> -> memref<128xi32, #tpu.memory_space<vmem>>
          %dma_wait3A_130 = arith.constant 0 : i32
          %dma_wait3A_131 = arith.constant 0 : i32
          %dma_wait3A_132 = tpu.memref_slice %arg10[%dma_wait3A_130, %dma_wait3A_131] : memref<10000x64xf32, #tpu.memory_space<vmem_shared>> -> memref<10000x64xf32, #tpu.memory_space<vmem_shared>>
          tpu.wait_indirect_dma semaphore(%arg16 : memref<!tpu.dma_semaphore, #tpu.memory_space<semaphore_mem>>) src(%dma_wait3A_132 : memref<10000x64xf32, #tpu.memory_space<vmem_shared>>) dst(%arg14 : memref<128x64xf32, #tpu.memory_space<vmem>>)
          "tpu.region"() ({
            %run_scoped3A = tpu.sem_alloc : memref<!tpu.dma_semaphore, #tpu.memory_space<semaphore_mem>>
            %dma_start3A_133 = arith.constant 0 : i32
            %dma_start3A_134 = tpu.memref_slice %arg12[%scan3A_98, %dma_start3A_133] : memref<80x128xi32, #tpu.memory_space<vmem>> -> memref<1x128xi32, #tpu.memory_space<vmem>>
            %dma_start3A_135 = tpu.memref_squeeze %dma_start3A_134 : memref<1x128xi32, #tpu.memory_space<vmem>> -> memref<128xi32, #tpu.memory_space<vmem>>
            %dma_start3A_136 = arith.constant 0 : i32
            %dma_start3A_137 = arith.constant 0 : i32
            %dma_start3A_138 = tpu.memref_slice %arg9[%dma_start3A_136, %dma_start3A_137] : memref<10112x64xf32, #tpu.memory_space<vmem_shared>> -> memref<10112x64xf32, #tpu.memory_space<vmem_shared>>
            tpu.enqueue_indirect_dma source(%arg14 : memref<128x64xf32, #tpu.memory_space<vmem>>) target(%dma_start3A_138 : memref<10112x64xf32, #tpu.memory_space<vmem_shared>>) offsets(%dma_start3A_135 : memref<128xi32, #tpu.memory_space<vmem>>) semaphore(%run_scoped3A : memref<!tpu.dma_semaphore, #tpu.memory_space<semaphore_mem>>) {add = true}
            %dma_wait3A_139 = arith.constant 0 : i32
            %dma_wait3A_140 = tpu.memref_slice %arg12[%scan3A_98, %dma_wait3A_139] : memref<80x128xi32, #tpu.memory_space<vmem>> -> memref<1x128xi32, #tpu.memory_space<vmem>>
            %dma_wait3A_141 = tpu.memref_squeeze %dma_wait3A_140 : memref<1x128xi32, #tpu.memory_space<vmem>> -> memref<128xi32, #tpu.memory_space<vmem>>
            %dma_wait3A_142 = arith.constant 0 : i32
            %dma_wait3A_143 = arith.constant 0 : i32
            %dma_wait3A_144 = tpu.memref_slice %arg9[%dma_wait3A_142, %dma_wait3A_143] : memref<10112x64xf32, #tpu.memory_space<vmem_shared>> -> memref<10112x64xf32, #tpu.memory_space<vmem_shared>>
            tpu.wait_indirect_dma semaphore(%run_scoped3A : memref<!tpu.dma_semaphore, #tpu.memory_space<semaphore_mem>>) src(%arg14 : memref<128x64xf32, #tpu.memory_space<vmem>>) dst(%dma_wait3A_144 : memref<10112x64xf32, #tpu.memory_space<vmem_shared>>)
            tpu.yield
          }) : () -> ()
        } else {
        }
      }
      %scan3A_85 = arith.constant 80 : i32
      %dma_wait3A_86 = arith.constant 0 : i32
      %dma_wait3A_87 = arith.constant 0 : i32
      %dma_wait3A_88 = tpu.memref_slice %arg11[%dma_wait3A_86, %dma_wait3A_87] : memref<80x128xi32, #tpu.memory_space<vmem>> -> memref<1x128xi32, #tpu.memory_space<vmem>>
      %dma_wait3A_89 = tpu.memref_squeeze %dma_wait3A_88 : memref<1x128xi32, #tpu.memory_space<vmem>> -> memref<128xi32, #tpu.memory_space<vmem>>
      %dma_wait3A_90 = arith.constant 0 : i32
      %dma_wait3A_91 = arith.constant 0 : i32
      %dma_wait3A_92 = tpu.memref_slice %arg10[%dma_wait3A_90, %dma_wait3A_91] : memref<10000x64xf32, #tpu.memory_space<vmem_shared>> -> memref<10000x64xf32, #tpu.memory_space<vmem_shared>>
      tpu.wait_indirect_dma semaphore(%arg15 : memref<!tpu.dma_semaphore, #tpu.memory_space<semaphore_mem>>) src(%dma_wait3A_92 : memref<10000x64xf32, #tpu.memory_space<vmem_shared>>) dst(%arg13 : memref<128x64xf32, #tpu.memory_space<vmem>>)
      %barrier3A_93 = arith.constant 0 : index
      tpu.barrier barrier_id(%barrier3A_93)
      %mul3A_94 = arith.constant 632 : i32
      %mul3A_95 = arith.muli %arg1, %mul3A_94 : i32
      %mul3A_96 = arith.constant 632 : i32
      %mul3A_97 = arith.muli %arg1, %mul3A_96 : i32
      "tpu.region"() ({
        %run_scoped3A = tpu.sem_alloc : memref<!tpu.dma_semaphore, #tpu.memory_space<semaphore_mem>>
        %dma_start3A_98 = arith.constant 0 : i32
        %dma_start3A_99 = tpu.memref_slice %arg7[%mul3A_97, %dma_start3A_98] : memref<10112x64xf32, #tpu.memory_space<hbm>> -> memref<632x64xf32, #tpu.memory_space<hbm>>
        %dma_start3A_100 = arith.constant 0 : i32
        %dma_start3A_101 = tpu.memref_slice %arg9[%mul3A_95, %dma_start3A_100] : memref<10112x64xf32, #tpu.memory_space<vmem_shared>> -> memref<632x64xf32, #tpu.memory_space<vmem_shared>>
        tpu.enqueue_dma source(%dma_start3A_101 : memref<632x64xf32, #tpu.memory_space<vmem_shared>>) target(%dma_start3A_99 : memref<632x64xf32, #tpu.memory_space<hbm>>) target_semaphore(%run_scoped3A : memref<!tpu.dma_semaphore, #tpu.memory_space<semaphore_mem>>)
        %dma_wait3A_102 = arith.constant 0 : i32
        %dma_wait3A_103 = tpu.memref_slice %arg7[%mul3A_97, %dma_wait3A_102] : memref<10112x64xf32, #tpu.memory_space<hbm>> -> memref<632x64xf32, #tpu.memory_space<hbm>>
        %dma_wait3A_104 = arith.constant 0 : i32
        %dma_wait3A_105 = tpu.memref_slice %arg9[%mul3A_95, %dma_wait3A_104] : memref<10112x64xf32, #tpu.memory_space<vmem_shared>> -> memref<632x64xf32, #tpu.memory_space<vmem_shared>>
        tpu.wait_dma2 semaphore(%run_scoped3A : memref<!tpu.dma_semaphore, #tpu.memory_space<semaphore_mem>>) src(%dma_wait3A_105 : memref<632x64xf32, #tpu.memory_space<vmem_shared>>) dst(%dma_wait3A_103 : memref<632x64xf32, #tpu.memory_space<hbm>>)
        tpu.yield
      }) : () -> ()
    } else {
    }
    %eq3A_2 = arith.constant 1 : i32
    %eq3A_3 = arith.cmpi eq, %arg0, %eq3A_2 : i32
    %convert_element_type3A_4 = arith.extui %eq3A_3 : i1 to i32
    %cond3A_5 = arith.constant 0 : i32
    %cond3A_6 = arith.cmpi ne, %convert_element_type3A_4, %cond3A_5 : i32
    scf.if %cond3A_6 {
      %mul3A = arith.constant 625 : i32
      %mul3A_7 = arith.muli %arg1, %mul3A : i32
      %mul3A_8 = arith.constant 625 : i32
      %mul3A_9 = arith.muli %arg1, %mul3A_8 : i32
      %dma_start3A = arith.constant 0 : i32
      %dma_start3A_10 = tpu.memref_slice %arg10[%mul3A_9, %dma_start3A] : memref<10000x64xf32, #tpu.memory_space<vmem_shared>> -> memref<625x64xf32, #tpu.memory_space<vmem_shared>>
      %dma_start3A_11 = arith.constant 0 : i32
      %dma_start3A_12 = tpu.memref_slice %arg3[%mul3A_7, %dma_start3A_11] : memref<10000x64xf32, #tpu.memory_space<hbm>> -> memref<625x64xf32, #tpu.memory_space<hbm>>
      tpu.enqueue_dma source(%dma_start3A_12 : memref<625x64xf32, #tpu.memory_space<hbm>>) target(%dma_start3A_10 : memref<625x64xf32, #tpu.memory_space<vmem_shared>>) target_semaphore(%arg17 : memref<!tpu.dma_semaphore, #tpu.memory_space<semaphore_mem>>)
      %mul3A_13 = arith.constant 632 : i32
      %mul3A_14 = arith.muli %arg1, %mul3A_13 : i32
      %dma_start3A_15 = arith.constant 0 : i32
      %dma_start3A_16 = tpu.memref_slice %arg9[%mul3A_14, %dma_start3A_15] : memref<10112x64xf32, #tpu.memory_space<vmem_shared>> -> memref<632x64xf32, #tpu.memory_space<vmem_shared>>
      tpu.enqueue_dma source(%arg6 : memref<632x64xf32, #tpu.memory_space<hbm>>) target(%dma_start3A_16 : memref<632x64xf32, #tpu.memory_space<vmem_shared>>) target_semaphore(%arg18 : memref<!tpu.dma_semaphore, #tpu.memory_space<semaphore_mem>>)
      %dma_start3A_17 = arith.constant 0 : i32
      %dma_start3A_18 = arith.constant 0 : i32
      %dma_start3A_19 = tpu.memref_slice %arg4[%arg1, %dma_start3A_17, %dma_start3A_18] : memref<16x160x128xi32, #tpu.memory_space<hbm>> -> memref<1x80x128xi32, #tpu.memory_space<hbm>>
      %dma_start3A_20 = tpu.memref_squeeze %dma_start3A_19 : memref<1x80x128xi32, #tpu.memory_space<hbm>> -> memref<80x128xi32, #tpu.memory_space<hbm>>
      %dma_start3A_21 = arith.constant 0 : i32
      %dma_start3A_22 = arith.constant 0 : i32
      %dma_start3A_23 = tpu.memref_slice %arg4[%arg1, %dma_start3A_21, %dma_start3A_22] : memref<16x160x128xi32, #tpu.memory_space<hbm>> -> memref<1x80x128xi32, #tpu.memory_space<hbm>>
      %dma_start3A_24 = tpu.memref_squeeze %dma_start3A_23 : memref<1x80x128xi32, #tpu.memory_space<hbm>> -> memref<80x128xi32, #tpu.memory_space<hbm>>
      tpu.enqueue_dma source(%dma_start3A_24 : memref<80x128xi32, #tpu.memory_space<hbm>>) target(%arg11 : memref<80x128xi32, #tpu.memory_space<vmem>>) target_semaphore(%arg15 : memref<!tpu.dma_semaphore, #tpu.memory_space<semaphore_mem>>)
      %dma_start3A_25 = arith.constant 0 : i32
      %dma_start3A_26 = arith.constant 0 : i32
      %dma_start3A_27 = tpu.memref_slice %arg5[%arg1, %dma_start3A_25, %dma_start3A_26] : memref<16x160x128xi32, #tpu.memory_space<hbm>> -> memref<1x80x128xi32, #tpu.memory_space<hbm>>
      %dma_start3A_28 = tpu.memref_squeeze %dma_start3A_27 : memref<1x80x128xi32, #tpu.memory_space<hbm>> -> memref<80x128xi32, #tpu.memory_space<hbm>>
      %dma_start3A_29 = arith.constant 0 : i32
      %dma_start3A_30 = arith.constant 0 : i32
      %dma_start3A_31 = tpu.memref_slice %arg5[%arg1, %dma_start3A_29, %dma_start3A_30] : memref<16x160x128xi32, #tpu.memory_space<hbm>> -> memref<1x80x128xi32, #tpu.memory_space<hbm>>
      %dma_start3A_32 = tpu.memref_squeeze %dma_start3A_31 : memref<1x80x128xi32, #tpu.memory_space<hbm>> -> memref<80x128xi32, #tpu.memory_space<hbm>>
      tpu.enqueue_dma source(%dma_start3A_32 : memref<80x128xi32, #tpu.memory_space<hbm>>) target(%arg12 : memref<80x128xi32, #tpu.memory_space<vmem>>) target_semaphore(%arg16 : memref<!tpu.dma_semaphore, #tpu.memory_space<semaphore_mem>>)
      %dma_wait3A = arith.constant 0 : i32
      %dma_wait3A_33 = tpu.memref_slice %arg10[%mul3A_9, %dma_wait3A] : memref<10000x64xf32, #tpu.memory_space<vmem_shared>> -> memref<625x64xf32, #tpu.memory_space<vmem_shared>>
      %dma_wait3A_34 = arith.constant 0 : i32
      %dma_wait3A_35 = tpu.memref_slice %arg3[%mul3A_7, %dma_wait3A_34] : memref<10000x64xf32, #tpu.memory_space<hbm>> -> memref<625x64xf32, #tpu.memory_space<hbm>>
      tpu.wait_dma2 semaphore(%arg17 : memref<!tpu.dma_semaphore, #tpu.memory_space<semaphore_mem>>) src(%dma_wait3A_35 : memref<625x64xf32, #tpu.memory_space<hbm>>) dst(%dma_wait3A_33 : memref<625x64xf32, #tpu.memory_space<vmem_shared>>)
      %dma_wait3A_36 = arith.constant 0 : i32
      %dma_wait3A_37 = tpu.memref_slice %arg9[%mul3A_14, %dma_wait3A_36] : memref<10112x64xf32, #tpu.memory_space<vmem_shared>> -> memref<632x64xf32, #tpu.memory_space<vmem_shared>>
      tpu.wait_dma2 semaphore(%arg18 : memref<!tpu.dma_semaphore, #tpu.memory_space<semaphore_mem>>) src(%arg6 : memref<632x64xf32, #tpu.memory_space<hbm>>) dst(%dma_wait3A_37 : memref<632x64xf32, #tpu.memory_space<vmem_shared>>)
      %dma_wait3A_38 = arith.constant 0 : i32
      %dma_wait3A_39 = arith.constant 0 : i32
      %dma_wait3A_40 = tpu.memref_slice %arg4[%arg1, %dma_wait3A_38, %dma_wait3A_39] : memref<16x160x128xi32, #tpu.memory_space<hbm>> -> memref<1x80x128xi32, #tpu.memory_space<hbm>>
      %dma_wait3A_41 = tpu.memref_squeeze %dma_wait3A_40 : memref<1x80x128xi32, #tpu.memory_space<hbm>> -> memref<80x128xi32, #tpu.memory_space<hbm>>
      %dma_wait3A_42 = arith.constant 0 : i32
      %dma_wait3A_43 = arith.constant 0 : i32
      %dma_wait3A_44 = tpu.memref_slice %arg4[%arg1, %dma_wait3A_42, %dma_wait3A_43] : memref<16x160x128xi32, #tpu.memory_space<hbm>> -> memref<1x80x128xi32, #tpu.memory_space<hbm>>
      %dma_wait3A_45 = tpu.memref_squeeze %dma_wait3A_44 : memref<1x80x128xi32, #tpu.memory_space<hbm>> -> memref<80x128xi32, #tpu.memory_space<hbm>>
      tpu.wait_dma2 semaphore(%arg15 : memref<!tpu.dma_semaphore, #tpu.memory_space<semaphore_mem>>) src(%dma_wait3A_45 : memref<80x128xi32, #tpu.memory_space<hbm>>) dst(%arg11 : memref<80x128xi32, #tpu.memory_space<vmem>>)
      %dma_wait3A_46 = arith.constant 0 : i32
      %dma_wait3A_47 = arith.constant 0 : i32
      %dma_wait3A_48 = tpu.memref_slice %arg5[%arg1, %dma_wait3A_46, %dma_wait3A_47] : memref<16x160x128xi32, #tpu.memory_space<hbm>> -> memref<1x80x128xi32, #tpu.memory_space<hbm>>
      %dma_wait3A_49 = tpu.memref_squeeze %dma_wait3A_48 : memref<1x80x128xi32, #tpu.memory_space<hbm>> -> memref<80x128xi32, #tpu.memory_space<hbm>>
      %dma_wait3A_50 = arith.constant 0 : i32
      %dma_wait3A_51 = arith.constant 0 : i32
      %dma_wait3A_52 = tpu.memref_slice %arg5[%arg1, %dma_wait3A_50, %dma_wait3A_51] : memref<16x160x128xi32, #tpu.memory_space<hbm>> -> memref<1x80x128xi32, #tpu.memory_space<hbm>>
      %dma_wait3A_53 = tpu.memref_squeeze %dma_wait3A_52 : memref<1x80x128xi32, #tpu.memory_space<hbm>> -> memref<80x128xi32, #tpu.memory_space<hbm>>
      tpu.wait_dma2 semaphore(%arg16 : memref<!tpu.dma_semaphore, #tpu.memory_space<semaphore_mem>>) src(%dma_wait3A_53 : memref<80x128xi32, #tpu.memory_space<hbm>>) dst(%arg12 : memref<80x128xi32, #tpu.memory_space<vmem>>)
      %barrier3A = arith.constant 0 : index
      tpu.barrier barrier_id(%barrier3A)
      %dma_start3A_54 = arith.constant 0 : i32
      %dma_start3A_55 = arith.constant 0 : i32
      %dma_start3A_56 = tpu.memref_slice %arg11[%dma_start3A_54, %dma_start3A_55] : memref<80x128xi32, #tpu.memory_space<vmem>> -> memref<1x128xi32, #tpu.memory_space<vmem>>
      %dma_start3A_57 = tpu.memref_squeeze %dma_start3A_56 : memref<1x128xi32, #tpu.memory_space<vmem>> -> memref<128xi32, #tpu.memory_space<vmem>>
      %dma_start3A_58 = arith.constant 0 : i32
      %dma_start3A_59 = arith.constant 0 : i32
      %dma_start3A_60 = tpu.memref_slice %arg10[%dma_start3A_58, %dma_start3A_59] : memref<10000x64xf32, #tpu.memory_space<vmem_shared>> -> memref<10000x64xf32, #tpu.memory_space<vmem_shared>>
      tpu.enqueue_indirect_dma source(%dma_start3A_60 : memref<10000x64xf32, #tpu.memory_space<vmem_shared>>) target(%arg13 : memref<128x64xf32, #tpu.memory_space<vmem>>) offsets(%dma_start3A_57 : memref<128xi32, #tpu.memory_space<vmem>>) semaphore(%arg15 : memref<!tpu.dma_semaphore, #tpu.memory_space<semaphore_mem>>)
      %scan3A = arith.constant 0 : i32
      %scan3A_61 = arith.constant 0 : i32
      %scan3A_62 = arith.constant 80 : i32
      %scan3A_63 = arith.addi %scan3A_61, %scan3A_62 : i32
      %scan3A_64 = arith.constant 1 : i32
      scf.for %scan3A_98 = %scan3A_61 to %scan3A_63 step %scan3A_64  : i32 {
        %jit3A = arith.constant 2 : i32
        %eq3A_99 = arith.constant 0 : i32
        %eq3A_100 = arith.cmpi eq, %jit3A, %eq3A_99 : i32
        %jit3A_101 = arith.constant 1 : i32
        %select_n3A = arith.select %eq3A_100, %jit3A_101, %jit3A : i32
        %rem3A = arith.remsi %scan3A_98, %select_n3A : i32
        %ne3A = arith.constant 0 : i32
        %ne3A_102 = arith.cmpi ne, %rem3A, %ne3A : i32
        %lt3A = arith.constant 0 : i32
        %lt3A_103 = arith.cmpi slt, %rem3A, %lt3A : i32
        %lt3A_104 = arith.constant 0 : i32
        %lt3A_105 = arith.cmpi slt, %select_n3A, %lt3A_104 : i32
        %ne3A_106 = arith.xori %lt3A_103, %lt3A_105 : i1
        %and3A = arith.andi %ne3A_106, %ne3A_102 : i1
        %add3A = arith.addi %rem3A, %select_n3A : i32
        %select_n3A_107 = arith.select %and3A, %add3A, %rem3A : i32
        %eq3A_108 = arith.constant 0 : i32
        %eq3A_109 = arith.cmpi eq, %select_n3A_107, %eq3A_108 : i32
        %add3A_110 = arith.constant 1 : i32
        %add3A_111 = arith.addi %scan3A_98, %add3A_110 : i32
        %min3A = arith.constant 79 : i32
        %min3A_112 = arith.minsi %add3A_111, %min3A : i32
        %convert_element_type3A_113 = arith.extui %eq3A_109 : i1 to i32
        %cond3A_114 = arith.constant 0 : i32
        %cond3A_115 = arith.cmpi ne, %convert_element_type3A_113, %cond3A_114 : i32
        scf.if %cond3A_115 {
          %dma_start3A_120 = arith.constant 0 : i32
          %dma_start3A_121 = tpu.memref_slice %arg11[%min3A_112, %dma_start3A_120] : memref<80x128xi32, #tpu.memory_space<vmem>> -> memref<1x128xi32, #tpu.memory_space<vmem>>
          %dma_start3A_122 = tpu.memref_squeeze %dma_start3A_121 : memref<1x128xi32, #tpu.memory_space<vmem>> -> memref<128xi32, #tpu.memory_space<vmem>>
          %dma_start3A_123 = arith.constant 0 : i32
          %dma_start3A_124 = arith.constant 0 : i32
          %dma_start3A_125 = tpu.memref_slice %arg10[%dma_start3A_123, %dma_start3A_124] : memref<10000x64xf32, #tpu.memory_space<vmem_shared>> -> memref<10000x64xf32, #tpu.memory_space<vmem_shared>>
          tpu.enqueue_indirect_dma source(%dma_start3A_125 : memref<10000x64xf32, #tpu.memory_space<vmem_shared>>) target(%arg14 : memref<128x64xf32, #tpu.memory_space<vmem>>) offsets(%dma_start3A_122 : memref<128xi32, #tpu.memory_space<vmem>>) semaphore(%arg16 : memref<!tpu.dma_semaphore, #tpu.memory_space<semaphore_mem>>)
          %dma_wait3A_126 = arith.constant 0 : i32
          %dma_wait3A_127 = arith.constant 0 : i32
          %dma_wait3A_128 = tpu.memref_slice %arg11[%dma_wait3A_126, %dma_wait3A_127] : memref<80x128xi32, #tpu.memory_space<vmem>> -> memref<1x128xi32, #tpu.memory_space<vmem>>
          %dma_wait3A_129 = tpu.memref_squeeze %dma_wait3A_128 : memref<1x128xi32, #tpu.memory_space<vmem>> -> memref<128xi32, #tpu.memory_space<vmem>>
          %dma_wait3A_130 = arith.constant 0 : i32
          %dma_wait3A_131 = arith.constant 0 : i32
          %dma_wait3A_132 = tpu.memref_slice %arg10[%dma_wait3A_130, %dma_wait3A_131] : memref<10000x64xf32, #tpu.memory_space<vmem_shared>> -> memref<10000x64xf32, #tpu.memory_space<vmem_shared>>
          tpu.wait_indirect_dma semaphore(%arg15 : memref<!tpu.dma_semaphore, #tpu.memory_space<semaphore_mem>>) src(%dma_wait3A_132 : memref<10000x64xf32, #tpu.memory_space<vmem_shared>>) dst(%arg13 : memref<128x64xf32, #tpu.memory_space<vmem>>)
          "tpu.region"() ({
            %run_scoped3A = tpu.sem_alloc : memref<!tpu.dma_semaphore, #tpu.memory_space<semaphore_mem>>
            %dma_start3A_133 = arith.constant 0 : i32
            %dma_start3A_134 = tpu.memref_slice %arg12[%scan3A_98, %dma_start3A_133] : memref<80x128xi32, #tpu.memory_space<vmem>> -> memref<1x128xi32, #tpu.memory_space<vmem>>
            %dma_start3A_135 = tpu.memref_squeeze %dma_start3A_134 : memref<1x128xi32, #tpu.memory_space<vmem>> -> memref<128xi32, #tpu.memory_space<vmem>>
            %dma_start3A_136 = arith.constant 0 : i32
            %dma_start3A_137 = arith.constant 0 : i32
            %dma_start3A_138 = tpu.memref_slice %arg9[%dma_start3A_136, %dma_start3A_137] : memref<10112x64xf32, #tpu.memory_space<vmem_shared>> -> memref<10112x64xf32, #tpu.memory_space<vmem_shared>>
            tpu.enqueue_indirect_dma source(%arg13 : memref<128x64xf32, #tpu.memory_space<vmem>>) target(%dma_start3A_138 : memref<10112x64xf32, #tpu.memory_space<vmem_shared>>) offsets(%dma_start3A_135 : memref<128xi32, #tpu.memory_space<vmem>>) semaphore(%run_scoped3A : memref<!tpu.dma_semaphore, #tpu.memory_space<semaphore_mem>>) {add = true}
            %dma_wait3A_139 = arith.constant 0 : i32
            %dma_wait3A_140 = tpu.memref_slice %arg12[%scan3A_98, %dma_wait3A_139] : memref<80x128xi32, #tpu.memory_space<vmem>> -> memref<1x128xi32, #tpu.memory_space<vmem>>
            %dma_wait3A_141 = tpu.memref_squeeze %dma_wait3A_140 : memref<1x128xi32, #tpu.memory_space<vmem>> -> memref<128xi32, #tpu.memory_space<vmem>>
            %dma_wait3A_142 = arith.constant 0 : i32
            %dma_wait3A_143 = arith.constant 0 : i32
            %dma_wait3A_144 = tpu.memref_slice %arg9[%dma_wait3A_142, %dma_wait3A_143] : memref<10112x64xf32, #tpu.memory_space<vmem_shared>> -> memref<10112x64xf32, #tpu.memory_space<vmem_shared>>
            tpu.wait_indirect_dma semaphore(%run_scoped3A : memref<!tpu.dma_semaphore, #tpu.memory_space<semaphore_mem>>) src(%arg13 : memref<128x64xf32, #tpu.memory_space<vmem>>) dst(%dma_wait3A_144 : memref<10112x64xf32, #tpu.memory_space<vmem_shared>>)
            tpu.yield
          }) : () -> ()
        } else {
        }
        %not3A = arith.constant true
        %not3A_116 = arith.xori %eq3A_109, %not3A : i1
        %convert_element_type3A_117 = arith.extui %not3A_116 : i1 to i32
        %cond3A_118 = arith.constant 0 : i32
        %cond3A_119 = arith.cmpi ne, %convert_element_type3A_117, %cond3A_118 : i32
        scf.if %cond3A_119 {
          %dma_start3A_120 = arith.constant 0 : i32
          %dma_start3A_121 = tpu.memref_slice %arg11[%min3A_112, %dma_start3A_120] : memref<80x128xi32, #tpu.memory_space<vmem>> -> memref<1x128xi32, #tpu.memory_space<vmem>>
          %dma_start3A_122 = tpu.memref_squeeze %dma_start3A_121 : memref<1x128xi32, #tpu.memory_space<vmem>> -> memref<128xi32, #tpu.memory_space<vmem>>
          %dma_start3A_123 = arith.constant 0 : i32
          %dma_start3A_124 = arith.constant 0 : i32
          %dma_start3A_125 = tpu.memref_slice %arg10[%dma_start3A_123, %dma_start3A_124] : memref<10000x64xf32, #tpu.memory_space<vmem_shared>> -> memref<10000x64xf32, #tpu.memory_space<vmem_shared>>
          tpu.enqueue_indirect_dma source(%dma_start3A_125 : memref<10000x64xf32, #tpu.memory_space<vmem_shared>>) target(%arg13 : memref<128x64xf32, #tpu.memory_space<vmem>>) offsets(%dma_start3A_122 : memref<128xi32, #tpu.memory_space<vmem>>) semaphore(%arg15 : memref<!tpu.dma_semaphore, #tpu.memory_space<semaphore_mem>>)
          %dma_wait3A_126 = arith.constant 0 : i32
          %dma_wait3A_127 = arith.constant 0 : i32
          %dma_wait3A_128 = tpu.memref_slice %arg11[%dma_wait3A_126, %dma_wait3A_127] : memref<80x128xi32, #tpu.memory_space<vmem>> -> memref<1x128xi32, #tpu.memory_space<vmem>>
          %dma_wait3A_129 = tpu.memref_squeeze %dma_wait3A_128 : memref<1x128xi32, #tpu.memory_space<vmem>> -> memref<128xi32, #tpu.memory_space<vmem>>
          %dma_wait3A_130 = arith.constant 0 : i32
          %dma_wait3A_131 = arith.constant 0 : i32
          %dma_wait3A_132 = tpu.memref_slice %arg10[%dma_wait3A_130, %dma_wait3A_131] : memref<10000x64xf32, #tpu.memory_space<vmem_shared>> -> memref<10000x64xf32, #tpu.memory_space<vmem_shared>>
          tpu.wait_indirect_dma semaphore(%arg16 : memref<!tpu.dma_semaphore, #tpu.memory_space<semaphore_mem>>) src(%dma_wait3A_132 : memref<10000x64xf32, #tpu.memory_space<vmem_shared>>) dst(%arg14 : memref<128x64xf32, #tpu.memory_space<vmem>>)
          "tpu.region"() ({
            %run_scoped3A = tpu.sem_alloc : memref<!tpu.dma_semaphore, #tpu.memory_space<semaphore_mem>>
            %dma_start3A_133 = arith.constant 0 : i32
            %dma_start3A_134 = tpu.memref_slice %arg12[%scan3A_98, %dma_start3A_133] : memref<80x128xi32, #tpu.memory_space<vmem>> -> memref<1x128xi32, #tpu.memory_space<vmem>>
            %dma_start3A_135 = tpu.memref_squeeze %dma_start3A_134 : memref<1x128xi32, #tpu.memory_space<vmem>> -> memref<128xi32, #tpu.memory_space<vmem>>
            %dma_start3A_136 = arith.constant 0 : i32
            %dma_start3A_137 = arith.constant 0 : i32
            %dma_start3A_138 = tpu.memref_slice %arg9[%dma_start3A_136, %dma_start3A_137] : memref<10112x64xf32, #tpu.memory_space<vmem_shared>> -> memref<10112x64xf32, #tpu.memory_space<vmem_shared>>
            tpu.enqueue_indirect_dma source(%arg14 : memref<128x64xf32, #tpu.memory_space<vmem>>) target(%dma_start3A_138 : memref<10112x64xf32, #tpu.memory_space<vmem_shared>>) offsets(%dma_start3A_135 : memref<128xi32, #tpu.memory_space<vmem>>) semaphore(%run_scoped3A : memref<!tpu.dma_semaphore, #tpu.memory_space<semaphore_mem>>) {add = true}
            %dma_wait3A_139 = arith.constant 0 : i32
            %dma_wait3A_140 = tpu.memref_slice %arg12[%scan3A_98, %dma_wait3A_139] : memref<80x128xi32, #tpu.memory_space<vmem>> -> memref<1x128xi32, #tpu.memory_space<vmem>>
            %dma_wait3A_141 = tpu.memref_squeeze %dma_wait3A_140 : memref<1x128xi32, #tpu.memory_space<vmem>> -> memref<128xi32, #tpu.memory_space<vmem>>
            %dma_wait3A_142 = arith.constant 0 : i32
            %dma_wait3A_143 = arith.constant 0 : i32
            %dma_wait3A_144 = tpu.memref_slice %arg9[%dma_wait3A_142, %dma_wait3A_143] : memref<10112x64xf32, #tpu.memory_space<vmem_shared>> -> memref<10112x64xf32, #tpu.memory_space<vmem_shared>>
            tpu.wait_indirect_dma semaphore(%run_scoped3A : memref<!tpu.dma_semaphore, #tpu.memory_space<semaphore_mem>>) src(%arg14 : memref<128x64xf32, #tpu.memory_space<vmem>>) dst(%dma_wait3A_144 : memref<10112x64xf32, #tpu.memory_space<vmem_shared>>)
            tpu.yield
          }) : () -> ()
        } else {
        }
      }
      %scan3A_65 = arith.constant 80 : i32
      %dma_wait3A_66 = arith.constant 0 : i32
      %dma_wait3A_67 = arith.constant 0 : i32
      %dma_wait3A_68 = tpu.memref_slice %arg11[%dma_wait3A_66, %dma_wait3A_67] : memref<80x128xi32, #tpu.memory_space<vmem>> -> memref<1x128xi32, #tpu.memory_space<vmem>>
      %dma_wait3A_69 = tpu.memref_squeeze %dma_wait3A_68 : memref<1x128xi32, #tpu.memory_space<vmem>> -> memref<128xi32, #tpu.memory_space<vmem>>
      %dma_wait3A_70 = arith.constant 0 : i32
      %dma_wait3A_71 = arith.constant 0 : i32
      %dma_wait3A_72 = tpu.memref_slice %arg10[%dma_wait3A_70, %dma_wait3A_71] : memref<10000x64xf32, #tpu.memory_space<vmem_shared>> -> memref<10000x64xf32, #tpu.memory_space<vmem_shared>>
      tpu.wait_indirect_dma semaphore(%arg15 : memref<!tpu.dma_semaphore, #tpu.memory_space<semaphore_mem>>) src(%dma_wait3A_72 : memref<10000x64xf32, #tpu.memory_space<vmem_shared>>) dst(%arg13 : memref<128x64xf32, #tpu.memory_space<vmem>>)
      "tpu.region"() ({
        %run_scoped3A = tpu.sem_alloc : memref<!tpu.dma_semaphore, #tpu.memory_space<semaphore_mem>>
        %dma_start3A_98 = arith.constant 80 : i32
        %dma_start3A_99 = arith.constant 0 : i32
        %dma_start3A_100 = tpu.memref_slice %arg4[%arg1, %dma_start3A_98, %dma_start3A_99] : memref<16x160x128xi32, #tpu.memory_space<hbm>> -> memref<1x80x128xi32, #tpu.memory_space<hbm>>
        %dma_start3A_101 = tpu.memref_squeeze %dma_start3A_100 : memref<1x80x128xi32, #tpu.memory_space<hbm>> -> memref<80x128xi32, #tpu.memory_space<hbm>>
        %dma_start3A_102 = arith.constant 80 : i32
        %dma_start3A_103 = arith.constant 0 : i32
        %dma_start3A_104 = tpu.memref_slice %arg4[%arg1, %dma_start3A_102, %dma_start3A_103] : memref<16x160x128xi32, #tpu.memory_space<hbm>> -> memref<1x80x128xi32, #tpu.memory_space<hbm>>
        %dma_start3A_105 = tpu.memref_squeeze %dma_start3A_104 : memref<1x80x128xi32, #tpu.memory_space<hbm>> -> memref<80x128xi32, #tpu.memory_space<hbm>>
        tpu.enqueue_dma source(%dma_start3A_105 : memref<80x128xi32, #tpu.memory_space<hbm>>) target(%arg11 : memref<80x128xi32, #tpu.memory_space<vmem>>) target_semaphore(%run_scoped3A : memref<!tpu.dma_semaphore, #tpu.memory_space<semaphore_mem>>)
        %dma_wait3A_106 = arith.constant 80 : i32
        %dma_wait3A_107 = arith.constant 0 : i32
        %dma_wait3A_108 = tpu.memref_slice %arg4[%arg1, %dma_wait3A_106, %dma_wait3A_107] : memref<16x160x128xi32, #tpu.memory_space<hbm>> -> memref<1x80x128xi32, #tpu.memory_space<hbm>>
        %dma_wait3A_109 = tpu.memref_squeeze %dma_wait3A_108 : memref<1x80x128xi32, #tpu.memory_space<hbm>> -> memref<80x128xi32, #tpu.memory_space<hbm>>
        %dma_wait3A_110 = arith.constant 80 : i32
        %dma_wait3A_111 = arith.constant 0 : i32
        %dma_wait3A_112 = tpu.memref_slice %arg4[%arg1, %dma_wait3A_110, %dma_wait3A_111] : memref<16x160x128xi32, #tpu.memory_space<hbm>> -> memref<1x80x128xi32, #tpu.memory_space<hbm>>
        %dma_wait3A_113 = tpu.memref_squeeze %dma_wait3A_112 : memref<1x80x128xi32, #tpu.memory_space<hbm>> -> memref<80x128xi32, #tpu.memory_space<hbm>>
        tpu.wait_dma2 semaphore(%run_scoped3A : memref<!tpu.dma_semaphore, #tpu.memory_space<semaphore_mem>>) src(%dma_wait3A_113 : memref<80x128xi32, #tpu.memory_space<hbm>>) dst(%arg11 : memref<80x128xi32, #tpu.memory_space<vmem>>)
        tpu.yield
      }) : () -> ()
      "tpu.region"() ({
        %run_scoped3A = tpu.sem_alloc : memref<!tpu.dma_semaphore, #tpu.memory_space<semaphore_mem>>
        %dma_start3A_98 = arith.constant 80 : i32
        %dma_start3A_99 = arith.constant 0 : i32
        %dma_start3A_100 = tpu.memref_slice %arg5[%arg1, %dma_start3A_98, %dma_start3A_99] : memref<16x160x128xi32, #tpu.memory_space<hbm>> -> memref<1x80x128xi32, #tpu.memory_space<hbm>>
        %dma_start3A_101 = tpu.memref_squeeze %dma_start3A_100 : memref<1x80x128xi32, #tpu.memory_space<hbm>> -> memref<80x128xi32, #tpu.memory_space<hbm>>
        %dma_start3A_102 = arith.constant 80 : i32
        %dma_start3A_103 = arith.constant 0 : i32
        %dma_start3A_104 = tpu.memref_slice %arg5[%arg1, %dma_start3A_102, %dma_start3A_103] : memref<16x160x128xi32, #tpu.memory_space<hbm>> -> memref<1x80x128xi32, #tpu.memory_space<hbm>>
        %dma_start3A_105 = tpu.memref_squeeze %dma_start3A_104 : memref<1x80x128xi32, #tpu.memory_space<hbm>> -> memref<80x128xi32, #tpu.memory_space<hbm>>
        tpu.enqueue_dma source(%dma_start3A_105 : memref<80x128xi32, #tpu.memory_space<hbm>>) target(%arg12 : memref<80x128xi32, #tpu.memory_space<vmem>>) target_semaphore(%run_scoped3A : memref<!tpu.dma_semaphore, #tpu.memory_space<semaphore_mem>>)
        %dma_wait3A_106 = arith.constant 80 : i32
        %dma_wait3A_107 = arith.constant 0 : i32
        %dma_wait3A_108 = tpu.memref_slice %arg5[%arg1, %dma_wait3A_106, %dma_wait3A_107] : memref<16x160x128xi32, #tpu.memory_space<hbm>> -> memref<1x80x128xi32, #tpu.memory_space<hbm>>
        %dma_wait3A_109 = tpu.memref_squeeze %dma_wait3A_108 : memref<1x80x128xi32, #tpu.memory_space<hbm>> -> memref<80x128xi32, #tpu.memory_space<hbm>>
        %dma_wait3A_110 = arith.constant 80 : i32
        %dma_wait3A_111 = arith.constant 0 : i32
        %dma_wait3A_112 = tpu.memref_slice %arg5[%arg1, %dma_wait3A_110, %dma_wait3A_111] : memref<16x160x128xi32, #tpu.memory_space<hbm>> -> memref<1x80x128xi32, #tpu.memory_space<hbm>>
        %dma_wait3A_113 = tpu.memref_squeeze %dma_wait3A_112 : memref<1x80x128xi32, #tpu.memory_space<hbm>> -> memref<80x128xi32, #tpu.memory_space<hbm>>
        tpu.wait_dma2 semaphore(%run_scoped3A : memref<!tpu.dma_semaphore, #tpu.memory_space<semaphore_mem>>) src(%dma_wait3A_113 : memref<80x128xi32, #tpu.memory_space<hbm>>) dst(%arg12 : memref<80x128xi32, #tpu.memory_space<vmem>>)
        tpu.yield
      }) : () -> ()
      %dma_start3A_73 = arith.constant 0 : i32
      %dma_start3A_74 = arith.constant 0 : i32
      %dma_start3A_75 = tpu.memref_slice %arg11[%dma_start3A_73, %dma_start3A_74] : memref<80x128xi32, #tpu.memory_space<vmem>> -> memref<1x128xi32, #tpu.memory_space<vmem>>
      %dma_start3A_76 = tpu.memref_squeeze %dma_start3A_75 : memref<1x128xi32, #tpu.memory_space<vmem>> -> memref<128xi32, #tpu.memory_space<vmem>>
      %dma_start3A_77 = arith.constant 0 : i32
      %dma_start3A_78 = arith.constant 0 : i32
      %dma_start3A_79 = tpu.memref_slice %arg10[%dma_start3A_77, %dma_start3A_78] : memref<10000x64xf32, #tpu.memory_space<vmem_shared>> -> memref<10000x64xf32, #tpu.memory_space<vmem_shared>>
      tpu.enqueue_indirect_dma source(%dma_start3A_79 : memref<10000x64xf32, #tpu.memory_space<vmem_shared>>) target(%arg13 : memref<128x64xf32, #tpu.memory_space<vmem>>) offsets(%dma_start3A_76 : memref<128xi32, #tpu.memory_space<vmem>>) semaphore(%arg15 : memref<!tpu.dma_semaphore, #tpu.memory_space<semaphore_mem>>)
      %scan3A_80 = arith.constant 0 : i32
      %scan3A_81 = arith.constant 0 : i32
      %scan3A_82 = arith.constant 80 : i32
      %scan3A_83 = arith.addi %scan3A_81, %scan3A_82 : i32
      %scan3A_84 = arith.constant 1 : i32
      scf.for %scan3A_98 = %scan3A_81 to %scan3A_83 step %scan3A_84  : i32 {
        %jit3A = arith.constant 2 : i32
        %eq3A_99 = arith.constant 0 : i32
        %eq3A_100 = arith.cmpi eq, %jit3A, %eq3A_99 : i32
        %jit3A_101 = arith.constant 1 : i32
        %select_n3A = arith.select %eq3A_100, %jit3A_101, %jit3A : i32
        %rem3A = arith.remsi %scan3A_98, %select_n3A : i32
        %ne3A = arith.constant 0 : i32
        %ne3A_102 = arith.cmpi ne, %rem3A, %ne3A : i32
        %lt3A = arith.constant 0 : i32
        %lt3A_103 = arith.cmpi slt, %rem3A, %lt3A : i32
        %lt3A_104 = arith.constant 0 : i32
        %lt3A_105 = arith.cmpi slt, %select_n3A, %lt3A_104 : i32
        %ne3A_106 = arith.xori %lt3A_103, %lt3A_105 : i1
        %and3A = arith.andi %ne3A_106, %ne3A_102 : i1
        %add3A = arith.addi %rem3A, %select_n3A : i32
        %select_n3A_107 = arith.select %and3A, %add3A, %rem3A : i32
        %eq3A_108 = arith.constant 0 : i32
        %eq3A_109 = arith.cmpi eq, %select_n3A_107, %eq3A_108 : i32
        %add3A_110 = arith.constant 1 : i32
        %add3A_111 = arith.addi %scan3A_98, %add3A_110 : i32
        %min3A = arith.constant 79 : i32
        %min3A_112 = arith.minsi %add3A_111, %min3A : i32
        %convert_element_type3A_113 = arith.extui %eq3A_109 : i1 to i32
        %cond3A_114 = arith.constant 0 : i32
        %cond3A_115 = arith.cmpi ne, %convert_element_type3A_113, %cond3A_114 : i32
        scf.if %cond3A_115 {
          %dma_start3A_120 = arith.constant 0 : i32
          %dma_start3A_121 = tpu.memref_slice %arg11[%min3A_112, %dma_start3A_120] : memref<80x128xi32, #tpu.memory_space<vmem>> -> memref<1x128xi32, #tpu.memory_space<vmem>>
          %dma_start3A_122 = tpu.memref_squeeze %dma_start3A_121 : memref<1x128xi32, #tpu.memory_space<vmem>> -> memref<128xi32, #tpu.memory_space<vmem>>
          %dma_start3A_123 = arith.constant 0 : i32
          %dma_start3A_124 = arith.constant 0 : i32
          %dma_start3A_125 = tpu.memref_slice %arg10[%dma_start3A_123, %dma_start3A_124] : memref<10000x64xf32, #tpu.memory_space<vmem_shared>> -> memref<10000x64xf32, #tpu.memory_space<vmem_shared>>
          tpu.enqueue_indirect_dma source(%dma_start3A_125 : memref<10000x64xf32, #tpu.memory_space<vmem_shared>>) target(%arg14 : memref<128x64xf32, #tpu.memory_space<vmem>>) offsets(%dma_start3A_122 : memref<128xi32, #tpu.memory_space<vmem>>) semaphore(%arg16 : memref<!tpu.dma_semaphore, #tpu.memory_space<semaphore_mem>>)
          %dma_wait3A_126 = arith.constant 0 : i32
          %dma_wait3A_127 = arith.constant 0 : i32
          %dma_wait3A_128 = tpu.memref_slice %arg11[%dma_wait3A_126, %dma_wait3A_127] : memref<80x128xi32, #tpu.memory_space<vmem>> -> memref<1x128xi32, #tpu.memory_space<vmem>>
          %dma_wait3A_129 = tpu.memref_squeeze %dma_wait3A_128 : memref<1x128xi32, #tpu.memory_space<vmem>> -> memref<128xi32, #tpu.memory_space<vmem>>
          %dma_wait3A_130 = arith.constant 0 : i32
          %dma_wait3A_131 = arith.constant 0 : i32
          %dma_wait3A_132 = tpu.memref_slice %arg10[%dma_wait3A_130, %dma_wait3A_131] : memref<10000x64xf32, #tpu.memory_space<vmem_shared>> -> memref<10000x64xf32, #tpu.memory_space<vmem_shared>>
          tpu.wait_indirect_dma semaphore(%arg15 : memref<!tpu.dma_semaphore, #tpu.memory_space<semaphore_mem>>) src(%dma_wait3A_132 : memref<10000x64xf32, #tpu.memory_space<vmem_shared>>) dst(%arg13 : memref<128x64xf32, #tpu.memory_space<vmem>>)
          "tpu.region"() ({
            %run_scoped3A = tpu.sem_alloc : memref<!tpu.dma_semaphore, #tpu.memory_space<semaphore_mem>>
            %dma_start3A_133 = arith.constant 0 : i32
            %dma_start3A_134 = tpu.memref_slice %arg12[%scan3A_98, %dma_start3A_133] : memref<80x128xi32, #tpu.memory_space<vmem>> -> memref<1x128xi32, #tpu.memory_space<vmem>>
            %dma_start3A_135 = tpu.memref_squeeze %dma_start3A_134 : memref<1x128xi32, #tpu.memory_space<vmem>> -> memref<128xi32, #tpu.memory_space<vmem>>
            %dma_start3A_136 = arith.constant 0 : i32
            %dma_start3A_137 = arith.constant 0 : i32
            %dma_start3A_138 = tpu.memref_slice %arg9[%dma_start3A_136, %dma_start3A_137] : memref<10112x64xf32, #tpu.memory_space<vmem_shared>> -> memref<10112x64xf32, #tpu.memory_space<vmem_shared>>
            tpu.enqueue_indirect_dma source(%arg13 : memref<128x64xf32, #tpu.memory_space<vmem>>) target(%dma_start3A_138 : memref<10112x64xf32, #tpu.memory_space<vmem_shared>>) offsets(%dma_start3A_135 : memref<128xi32, #tpu.memory_space<vmem>>) semaphore(%run_scoped3A : memref<!tpu.dma_semaphore, #tpu.memory_space<semaphore_mem>>) {add = true}
            %dma_wait3A_139 = arith.constant 0 : i32
            %dma_wait3A_140 = tpu.memref_slice %arg12[%scan3A_98, %dma_wait3A_139] : memref<80x128xi32, #tpu.memory_space<vmem>> -> memref<1x128xi32, #tpu.memory_space<vmem>>
            %dma_wait3A_141 = tpu.memref_squeeze %dma_wait3A_140 : memref<1x128xi32, #tpu.memory_space<vmem>> -> memref<128xi32, #tpu.memory_space<vmem>>
            %dma_wait3A_142 = arith.constant 0 : i32
            %dma_wait3A_143 = arith.constant 0 : i32
            %dma_wait3A_144 = tpu.memref_slice %arg9[%dma_wait3A_142, %dma_wait3A_143] : memref<10112x64xf32, #tpu.memory_space<vmem_shared>> -> memref<10112x64xf32, #tpu.memory_space<vmem_shared>>
            tpu.wait_indirect_dma semaphore(%run_scoped3A : memref<!tpu.dma_semaphore, #tpu.memory_space<semaphore_mem>>) src(%arg13 : memref<128x64xf32, #tpu.memory_space<vmem>>) dst(%dma_wait3A_144 : memref<10112x64xf32, #tpu.memory_space<vmem_shared>>)
            tpu.yield
          }) : () -> ()
        } else {
        }
        %not3A = arith.constant true
        %not3A_116 = arith.xori %eq3A_109, %not3A : i1
        %convert_element_type3A_117 = arith.extui %not3A_116 : i1 to i32
        %cond3A_118 = arith.constant 0 : i32
        %cond3A_119 = arith.cmpi ne, %convert_element_type3A_117, %cond3A_118 : i32
        scf.if %cond3A_119 {
          %dma_start3A_120 = arith.constant 0 : i32
          %dma_start3A_121 = tpu.memref_slice %arg11[%min3A_112, %dma_start3A_120] : memref<80x128xi32, #tpu.memory_space<vmem>> -> memref<1x128xi32, #tpu.memory_space<vmem>>
          %dma_start3A_122 = tpu.memref_squeeze %dma_start3A_121 : memref<1x128xi32, #tpu.memory_space<vmem>> -> memref<128xi32, #tpu.memory_space<vmem>>
          %dma_start3A_123 = arith.constant 0 : i32
          %dma_start3A_124 = arith.constant 0 : i32
          %dma_start3A_125 = tpu.memref_slice %arg10[%dma_start3A_123, %dma_start3A_124] : memref<10000x64xf32, #tpu.memory_space<vmem_shared>> -> memref<10000x64xf32, #tpu.memory_space<vmem_shared>>
          tpu.enqueue_indirect_dma source(%dma_start3A_125 : memref<10000x64xf32, #tpu.memory_space<vmem_shared>>) target(%arg13 : memref<128x64xf32, #tpu.memory_space<vmem>>) offsets(%dma_start3A_122 : memref<128xi32, #tpu.memory_space<vmem>>) semaphore(%arg15 : memref<!tpu.dma_semaphore, #tpu.memory_space<semaphore_mem>>)
          %dma_wait3A_126 = arith.constant 0 : i32
          %dma_wait3A_127 = arith.constant 0 : i32
          %dma_wait3A_128 = tpu.memref_slice %arg11[%dma_wait3A_126, %dma_wait3A_127] : memref<80x128xi32, #tpu.memory_space<vmem>> -> memref<1x128xi32, #tpu.memory_space<vmem>>
          %dma_wait3A_129 = tpu.memref_squeeze %dma_wait3A_128 : memref<1x128xi32, #tpu.memory_space<vmem>> -> memref<128xi32, #tpu.memory_space<vmem>>
          %dma_wait3A_130 = arith.constant 0 : i32
          %dma_wait3A_131 = arith.constant 0 : i32
          %dma_wait3A_132 = tpu.memref_slice %arg10[%dma_wait3A_130, %dma_wait3A_131] : memref<10000x64xf32, #tpu.memory_space<vmem_shared>> -> memref<10000x64xf32, #tpu.memory_space<vmem_shared>>
          tpu.wait_indirect_dma semaphore(%arg16 : memref<!tpu.dma_semaphore, #tpu.memory_space<semaphore_mem>>) src(%dma_wait3A_132 : memref<10000x64xf32, #tpu.memory_space<vmem_shared>>) dst(%arg14 : memref<128x64xf32, #tpu.memory_space<vmem>>)
          "tpu.region"() ({
            %run_scoped3A = tpu.sem_alloc : memref<!tpu.dma_semaphore, #tpu.memory_space<semaphore_mem>>
            %dma_start3A_133 = arith.constant 0 : i32
            %dma_start3A_134 = tpu.memref_slice %arg12[%scan3A_98, %dma_start3A_133] : memref<80x128xi32, #tpu.memory_space<vmem>> -> memref<1x128xi32, #tpu.memory_space<vmem>>
            %dma_start3A_135 = tpu.memref_squeeze %dma_start3A_134 : memref<1x128xi32, #tpu.memory_space<vmem>> -> memref<128xi32, #tpu.memory_space<vmem>>
            %dma_start3A_136 = arith.constant 0 : i32
            %dma_start3A_137 = arith.constant 0 : i32
            %dma_start3A_138 = tpu.memref_slice %arg9[%dma_start3A_136, %dma_start3A_137] : memref<10112x64xf32, #tpu.memory_space<vmem_shared>> -> memref<10112x64xf32, #tpu.memory_space<vmem_shared>>
            tpu.enqueue_indirect_dma source(%arg14 : memref<128x64xf32, #tpu.memory_space<vmem>>) target(%dma_start3A_138 : memref<10112x64xf32, #tpu.memory_space<vmem_shared>>) offsets(%dma_start3A_135 : memref<128xi32, #tpu.memory_space<vmem>>) semaphore(%run_scoped3A : memref<!tpu.dma_semaphore, #tpu.memory_space<semaphore_mem>>) {add = true}
            %dma_wait3A_139 = arith.constant 0 : i32
            %dma_wait3A_140 = tpu.memref_slice %arg12[%scan3A_98, %dma_wait3A_139] : memref<80x128xi32, #tpu.memory_space<vmem>> -> memref<1x128xi32, #tpu.memory_space<vmem>>
            %dma_wait3A_141 = tpu.memref_squeeze %dma_wait3A_140 : memref<1x128xi32, #tpu.memory_space<vmem>> -> memref<128xi32, #tpu.memory_space<vmem>>
            %dma_wait3A_142 = arith.constant 0 : i32
            %dma_wait3A_143 = arith.constant 0 : i32
            %dma_wait3A_144 = tpu.memref_slice %arg9[%dma_wait3A_142, %dma_wait3A_143] : memref<10112x64xf32, #tpu.memory_space<vmem_shared>> -> memref<10112x64xf32, #tpu.memory_space<vmem_shared>>
            tpu.wait_indirect_dma semaphore(%run_scoped3A : memref<!tpu.dma_semaphore, #tpu.memory_space<semaphore_mem>>) src(%arg14 : memref<128x64xf32, #tpu.memory_space<vmem>>) dst(%dma_wait3A_144 : memref<10112x64xf32, #tpu.memory_space<vmem_shared>>)
            tpu.yield
          }) : () -> ()
        } else {
        }
      }
      %scan3A_85 = arith.constant 80 : i32
      %dma_wait3A_86 = arith.constant 0 : i32
      %dma_wait3A_87 = arith.constant 0 : i32
      %dma_wait3A_88 = tpu.memref_slice %arg11[%dma_wait3A_86, %dma_wait3A_87] : memref<80x128xi32, #tpu.memory_space<vmem>> -> memref<1x128xi32, #tpu.memory_space<vmem>>
      %dma_wait3A_89 = tpu.memref_squeeze %dma_wait3A_88 : memref<1x128xi32, #tpu.memory_space<vmem>> -> memref<128xi32, #tpu.memory_space<vmem>>
      %dma_wait3A_90 = arith.constant 0 : i32
      %dma_wait3A_91 = arith.constant 0 : i32
      %dma_wait3A_92 = tpu.memref_slice %arg10[%dma_wait3A_90, %dma_wait3A_91] : memref<10000x64xf32, #tpu.memory_space<vmem_shared>> -> memref<10000x64xf32, #tpu.memory_space<vmem_shared>>
      tpu.wait_indirect_dma semaphore(%arg15 : memref<!tpu.dma_semaphore, #tpu.memory_space<semaphore_mem>>) src(%dma_wait3A_92 : memref<10000x64xf32, #tpu.memory_space<vmem_shared>>) dst(%arg13 : memref<128x64xf32, #tpu.memory_space<vmem>>)
      %barrier3A_93 = arith.constant 0 : index
      tpu.barrier barrier_id(%barrier3A_93)
      %mul3A_94 = arith.constant 632 : i32
      %mul3A_95 = arith.muli %arg1, %mul3A_94 : i32
      %mul3A_96 = arith.constant 632 : i32
      %mul3A_97 = arith.muli %arg1, %mul3A_96 : i32
      "tpu.region"() ({
        %run_scoped3A = tpu.sem_alloc : memref<!tpu.dma_semaphore, #tpu.memory_space<semaphore_mem>>
        %dma_start3A_98 = arith.constant 0 : i32
        %dma_start3A_99 = tpu.memref_slice %arg8[%mul3A_97, %dma_start3A_98] : memref<10112x64xf32, #tpu.memory_space<hbm>> -> memref<632x64xf32, #tpu.memory_space<hbm>>
        %dma_start3A_100 = arith.constant 0 : i32
        %dma_start3A_101 = tpu.memref_slice %arg9[%mul3A_95, %dma_start3A_100] : memref<10112x64xf32, #tpu.memory_space<vmem_shared>> -> memref<632x64xf32, #tpu.memory_space<vmem_shared>>
        tpu.enqueue_dma source(%dma_start3A_101 : memref<632x64xf32, #tpu.memory_space<vmem_shared>>) target(%dma_start3A_99 : memref<632x64xf32, #tpu.memory_space<hbm>>) target_semaphore(%run_scoped3A : memref<!tpu.dma_semaphore, #tpu.memory_space<semaphore_mem>>)
        %dma_wait3A_102 = arith.constant 0 : i32
        %dma_wait3A_103 = tpu.memref_slice %arg8[%mul3A_97, %dma_wait3A_102] : memref<10112x64xf32, #tpu.memory_space<hbm>> -> memref<632x64xf32, #tpu.memory_space<hbm>>
        %dma_wait3A_104 = arith.constant 0 : i32
        %dma_wait3A_105 = tpu.memref_slice %arg9[%mul3A_95, %dma_wait3A_104] : memref<10112x64xf32, #tpu.memory_space<vmem_shared>> -> memref<632x64xf32, #tpu.memory_space<vmem_shared>>
        tpu.wait_dma2 semaphore(%run_scoped3A : memref<!tpu.dma_semaphore, #tpu.memory_space<semaphore_mem>>) src(%dma_wait3A_105 : memref<632x64xf32, #tpu.memory_space<vmem_shared>>) dst(%dma_wait3A_103 : memref<632x64xf32, #tpu.memory_space<hbm>>)
        tpu.yield
      }) : () -> ()
    } else {
    }
    return
  }
}

#map = affine_map<(d0, d1) -> (0, 0)>
#map1 = affine_map<(d0, d1) -> (0, 0, 0)>
module attributes {stable_mosaic.version = 14 : i64} {
  func.func @agg(%arg0: i32, %arg1: i32, %arg2: memref<10000x64xf32, #tpu.memory_space<hbm>>, %arg3: memref<10000x64xf32, #tpu.memory_space<hbm>>, %arg4: memref<16x160x128xi32, #tpu.memory_space<hbm>>, %arg5: memref<16x160x128xi32, #tpu.memory_space<hbm>>, %arg6: memref<632x64xf32, #tpu.memory_space<hbm>>, %arg7: memref<10112x64xf32, #tpu.memory_space<hbm>>, %arg8: memref<10112x64xf32, #tpu.memory_space<hbm>>, %arg9: memref<10112x64xf32, #tpu.memory_space<vmem_shared>>, %arg10: memref<10000x64xf32, #tpu.memory_space<vmem_shared>>, %arg11: memref<80x128xi32, #tpu.memory_space<vmem>>, %arg12: memref<80x128xi32, #tpu.memory_space<vmem>>, %arg13: memref<128x64xf32, #tpu.memory_space<vmem>>, %arg14: memref<128x64xf32, #tpu.memory_space<vmem>>, %arg15: memref<!tpu.dma_semaphore, #tpu.memory_space<semaphore_mem>>, %arg16: memref<!tpu.dma_semaphore, #tpu.memory_space<semaphore_mem>>, %arg17: memref<!tpu.dma_semaphore, #tpu.memory_space<semaphore_mem>>, %arg18: memref<!tpu.dma_semaphore, #tpu.memory_space<semaphore_mem>>) attributes {dimension_semantics = [#tpu.dimension_semantics<core_parallel>, #tpu.dimension_semantics<subcore_parallel>], iteration_bounds = array<i64: 2, 16>, scalar_prefetch = 0 : i64, scratch_operands = 10 : i64, tpu.core_type = #tpu.core_type<sc_vector_subcore>, window_params = [{transform_indices = #map}, {transform_indices = #map}, {transform_indices = #map1}, {transform_indices = #map1}, {transform_indices = #map}, {transform_indices = #map}, {transform_indices = #map}]} {
    %eq3A = arith.constant 0 : i32
    %eq3A_0 = arith.cmpi eq, %arg0, %eq3A : i32
    %convert_element_type3A = arith.extui %eq3A_0 : i1 to i32
    %cond3A = arith.constant 0 : i32
    %cond3A_1 = arith.cmpi ne, %convert_element_type3A, %cond3A : i32
    scf.if %cond3A_1 {
      %mul3A = arith.constant 625 : i32
      %mul3A_7 = arith.muli %arg1, %mul3A : i32
      %mul3A_8 = arith.constant 625 : i32
      %mul3A_9 = arith.muli %arg1, %mul3A_8 : i32
      %dma_start3A = arith.constant 0 : i32
      %dma_start3A_10 = tpu.memref_slice %arg10[%mul3A_9, %dma_start3A] : memref<10000x64xf32, #tpu.memory_space<vmem_shared>> -> memref<625x64xf32, #tpu.memory_space<vmem_shared>>
      %dma_start3A_11 = arith.constant 0 : i32
      %dma_start3A_12 = tpu.memref_slice %arg2[%mul3A_7, %dma_start3A_11] : memref<10000x64xf32, #tpu.memory_space<hbm>> -> memref<625x64xf32, #tpu.memory_space<hbm>>
      tpu.enqueue_dma source(%dma_start3A_12 : memref<625x64xf32, #tpu.memory_space<hbm>>) target(%dma_start3A_10 : memref<625x64xf32, #tpu.memory_space<vmem_shared>>) target_semaphore(%arg17 : memref<!tpu.dma_semaphore, #tpu.memory_space<semaphore_mem>>)
      %mul3A_13 = arith.constant 632 : i32
      %mul3A_14 = arith.muli %arg1, %mul3A_13 : i32
      %dma_start3A_15 = arith.constant 0 : i32
      %dma_start3A_16 = tpu.memref_slice %arg9[%mul3A_14, %dma_start3A_15] : memref<10112x64xf32, #tpu.memory_space<vmem_shared>> -> memref<632x64xf32, #tpu.memory_space<vmem_shared>>
      tpu.enqueue_dma source(%arg6 : memref<632x64xf32, #tpu.memory_space<hbm>>) target(%dma_start3A_16 : memref<632x64xf32, #tpu.memory_space<vmem_shared>>) target_semaphore(%arg18 : memref<!tpu.dma_semaphore, #tpu.memory_space<semaphore_mem>>)
      %dma_start3A_17 = arith.constant 0 : i32
      %dma_start3A_18 = arith.constant 0 : i32
      %dma_start3A_19 = tpu.memref_slice %arg4[%arg1, %dma_start3A_17, %dma_start3A_18] : memref<16x160x128xi32, #tpu.memory_space<hbm>> -> memref<1x80x128xi32, #tpu.memory_space<hbm>>
      %dma_start3A_20 = tpu.memref_squeeze %dma_start3A_19 : memref<1x80x128xi32, #tpu.memory_space<hbm>> -> memref<80x128xi32, #tpu.memory_space<hbm>>
      %dma_start3A_21 = arith.constant 0 : i32
      %dma_start3A_22 = arith.constant 0 : i32
      %dma_start3A_23 = tpu.memref_slice %arg4[%arg1, %dma_start3A_21, %dma_start3A_22] : memref<16x160x128xi32, #tpu.memory_space<hbm>> -> memref<1x80x128xi32, #tpu.memory_space<hbm>>
      %dma_start3A_24 = tpu.memref_squeeze %dma_start3A_23 : memref<1x80x128xi32, #tpu.memory_space<hbm>> -> memref<80x128xi32, #tpu.memory_space<hbm>>
      tpu.enqueue_dma source(%dma_start3A_24 : memref<80x128xi32, #tpu.memory_space<hbm>>) target(%arg11 : memref<80x128xi32, #tpu.memory_space<vmem>>) target_semaphore(%arg15 : memref<!tpu.dma_semaphore, #tpu.memory_space<semaphore_mem>>)
      %dma_start3A_25 = arith.constant 0 : i32
      %dma_start3A_26 = arith.constant 0 : i32
      %dma_start3A_27 = tpu.memref_slice %arg5[%arg1, %dma_start3A_25, %dma_start3A_26] : memref<16x160x128xi32, #tpu.memory_space<hbm>> -> memref<1x80x128xi32, #tpu.memory_space<hbm>>
      %dma_start3A_28 = tpu.memref_squeeze %dma_start3A_27 : memref<1x80x128xi32, #tpu.memory_space<hbm>> -> memref<80x128xi32, #tpu.memory_space<hbm>>
      %dma_start3A_29 = arith.constant 0 : i32
      %dma_start3A_30 = arith.constant 0 : i32
      %dma_start3A_31 = tpu.memref_slice %arg5[%arg1, %dma_start3A_29, %dma_start3A_30] : memref<16x160x128xi32, #tpu.memory_space<hbm>> -> memref<1x80x128xi32, #tpu.memory_space<hbm>>
      %dma_start3A_32 = tpu.memref_squeeze %dma_start3A_31 : memref<1x80x128xi32, #tpu.memory_space<hbm>> -> memref<80x128xi32, #tpu.memory_space<hbm>>
      tpu.enqueue_dma source(%dma_start3A_32 : memref<80x128xi32, #tpu.memory_space<hbm>>) target(%arg12 : memref<80x128xi32, #tpu.memory_space<vmem>>) target_semaphore(%arg16 : memref<!tpu.dma_semaphore, #tpu.memory_space<semaphore_mem>>)
      %dma_wait3A = arith.constant 0 : i32
      %dma_wait3A_33 = tpu.memref_slice %arg10[%mul3A_9, %dma_wait3A] : memref<10000x64xf32, #tpu.memory_space<vmem_shared>> -> memref<625x64xf32, #tpu.memory_space<vmem_shared>>
      %dma_wait3A_34 = arith.constant 0 : i32
      %dma_wait3A_35 = tpu.memref_slice %arg2[%mul3A_7, %dma_wait3A_34] : memref<10000x64xf32, #tpu.memory_space<hbm>> -> memref<625x64xf32, #tpu.memory_space<hbm>>
      tpu.wait_dma2 semaphore(%arg17 : memref<!tpu.dma_semaphore, #tpu.memory_space<semaphore_mem>>) src(%dma_wait3A_35 : memref<625x64xf32, #tpu.memory_space<hbm>>) dst(%dma_wait3A_33 : memref<625x64xf32, #tpu.memory_space<vmem_shared>>)
      %dma_wait3A_36 = arith.constant 0 : i32
      %dma_wait3A_37 = tpu.memref_slice %arg9[%mul3A_14, %dma_wait3A_36] : memref<10112x64xf32, #tpu.memory_space<vmem_shared>> -> memref<632x64xf32, #tpu.memory_space<vmem_shared>>
      tpu.wait_dma2 semaphore(%arg18 : memref<!tpu.dma_semaphore, #tpu.memory_space<semaphore_mem>>) src(%arg6 : memref<632x64xf32, #tpu.memory_space<hbm>>) dst(%dma_wait3A_37 : memref<632x64xf32, #tpu.memory_space<vmem_shared>>)
      %dma_wait3A_38 = arith.constant 0 : i32
      %dma_wait3A_39 = arith.constant 0 : i32
      %dma_wait3A_40 = tpu.memref_slice %arg4[%arg1, %dma_wait3A_38, %dma_wait3A_39] : memref<16x160x128xi32, #tpu.memory_space<hbm>> -> memref<1x80x128xi32, #tpu.memory_space<hbm>>
      %dma_wait3A_41 = tpu.memref_squeeze %dma_wait3A_40 : memref<1x80x128xi32, #tpu.memory_space<hbm>> -> memref<80x128xi32, #tpu.memory_space<hbm>>
      %dma_wait3A_42 = arith.constant 0 : i32
      %dma_wait3A_43 = arith.constant 0 : i32
      %dma_wait3A_44 = tpu.memref_slice %arg4[%arg1, %dma_wait3A_42, %dma_wait3A_43] : memref<16x160x128xi32, #tpu.memory_space<hbm>> -> memref<1x80x128xi32, #tpu.memory_space<hbm>>
      %dma_wait3A_45 = tpu.memref_squeeze %dma_wait3A_44 : memref<1x80x128xi32, #tpu.memory_space<hbm>> -> memref<80x128xi32, #tpu.memory_space<hbm>>
      tpu.wait_dma2 semaphore(%arg15 : memref<!tpu.dma_semaphore, #tpu.memory_space<semaphore_mem>>) src(%dma_wait3A_45 : memref<80x128xi32, #tpu.memory_space<hbm>>) dst(%arg11 : memref<80x128xi32, #tpu.memory_space<vmem>>)
      %dma_wait3A_46 = arith.constant 0 : i32
      %dma_wait3A_47 = arith.constant 0 : i32
      %dma_wait3A_48 = tpu.memref_slice %arg5[%arg1, %dma_wait3A_46, %dma_wait3A_47] : memref<16x160x128xi32, #tpu.memory_space<hbm>> -> memref<1x80x128xi32, #tpu.memory_space<hbm>>
      %dma_wait3A_49 = tpu.memref_squeeze %dma_wait3A_48 : memref<1x80x128xi32, #tpu.memory_space<hbm>> -> memref<80x128xi32, #tpu.memory_space<hbm>>
      %dma_wait3A_50 = arith.constant 0 : i32
      %dma_wait3A_51 = arith.constant 0 : i32
      %dma_wait3A_52 = tpu.memref_slice %arg5[%arg1, %dma_wait3A_50, %dma_wait3A_51] : memref<16x160x128xi32, #tpu.memory_space<hbm>> -> memref<1x80x128xi32, #tpu.memory_space<hbm>>
      %dma_wait3A_53 = tpu.memref_squeeze %dma_wait3A_52 : memref<1x80x128xi32, #tpu.memory_space<hbm>> -> memref<80x128xi32, #tpu.memory_space<hbm>>
      tpu.wait_dma2 semaphore(%arg16 : memref<!tpu.dma_semaphore, #tpu.memory_space<semaphore_mem>>) src(%dma_wait3A_53 : memref<80x128xi32, #tpu.memory_space<hbm>>) dst(%arg12 : memref<80x128xi32, #tpu.memory_space<vmem>>)
      %barrier3A = arith.constant 0 : index
      tpu.barrier barrier_id(%barrier3A)
      %dma_start3A_54 = arith.constant 0 : i32
      %dma_start3A_55 = arith.constant 0 : i32
      %dma_start3A_56 = tpu.memref_slice %arg11[%dma_start3A_54, %dma_start3A_55] : memref<80x128xi32, #tpu.memory_space<vmem>> -> memref<1x128xi32, #tpu.memory_space<vmem>>
      %dma_start3A_57 = tpu.memref_squeeze %dma_start3A_56 : memref<1x128xi32, #tpu.memory_space<vmem>> -> memref<128xi32, #tpu.memory_space<vmem>>
      %dma_start3A_58 = arith.constant 0 : i32
      %dma_start3A_59 = arith.constant 0 : i32
      %dma_start3A_60 = tpu.memref_slice %arg10[%dma_start3A_58, %dma_start3A_59] : memref<10000x64xf32, #tpu.memory_space<vmem_shared>> -> memref<10000x64xf32, #tpu.memory_space<vmem_shared>>
      tpu.enqueue_indirect_dma source(%dma_start3A_60 : memref<10000x64xf32, #tpu.memory_space<vmem_shared>>) target(%arg13 : memref<128x64xf32, #tpu.memory_space<vmem>>) offsets(%dma_start3A_57 : memref<128xi32, #tpu.memory_space<vmem>>) semaphore(%arg15 : memref<!tpu.dma_semaphore, #tpu.memory_space<semaphore_mem>>)
      %scan3A = arith.constant 0 : i32
      %scan3A_61 = arith.constant 0 : i32
      %scan3A_62 = arith.constant 80 : i32
      %scan3A_63 = arith.addi %scan3A_61, %scan3A_62 : i32
      %scan3A_64 = arith.constant 1 : i32
      scf.for %scan3A_98 = %scan3A_61 to %scan3A_63 step %scan3A_64  : i32 {
        %jit3A = arith.constant 2 : i32
        %eq3A_99 = arith.constant 0 : i32
        %eq3A_100 = arith.cmpi eq, %jit3A, %eq3A_99 : i32
        %jit3A_101 = arith.constant 1 : i32
        %select_n3A = arith.select %eq3A_100, %jit3A_101, %jit3A : i32
        %rem3A = arith.remsi %scan3A_98, %select_n3A : i32
        %ne3A = arith.constant 0 : i32
        %ne3A_102 = arith.cmpi ne, %rem3A, %ne3A : i32
        %lt3A = arith.constant 0 : i32
        %lt3A_103 = arith.cmpi slt, %rem3A, %lt3A : i32
        %lt3A_104 = arith.constant 0 : i32
        %lt3A_105 = arith.cmpi slt, %select_n3A, %lt3A_104 : i32
        %ne3A_106 = arith.xori %lt3A_103, %lt3A_105 : i1
        %and3A = arith.andi %ne3A_106, %ne3A_102 : i1
        %add3A = arith.addi %rem3A, %select_n3A : i32
        %select_n3A_107 = arith.select %and3A, %add3A, %rem3A : i32
        %eq3A_108 = arith.constant 0 : i32
        %eq3A_109 = arith.cmpi eq, %select_n3A_107, %eq3A_108 : i32
        %add3A_110 = arith.constant 1 : i32
        %add3A_111 = arith.addi %scan3A_98, %add3A_110 : i32
        %min3A = arith.constant 79 : i32
        %min3A_112 = arith.minsi %add3A_111, %min3A : i32
        %convert_element_type3A_113 = arith.extui %eq3A_109 : i1 to i32
        %cond3A_114 = arith.constant 0 : i32
        %cond3A_115 = arith.cmpi ne, %convert_element_type3A_113, %cond3A_114 : i32
        scf.if %cond3A_115 {
          %dma_start3A_120 = arith.constant 0 : i32
          %dma_start3A_121 = tpu.memref_slice %arg11[%min3A_112, %dma_start3A_120] : memref<80x128xi32, #tpu.memory_space<vmem>> -> memref<1x128xi32, #tpu.memory_space<vmem>>
          %dma_start3A_122 = tpu.memref_squeeze %dma_start3A_121 : memref<1x128xi32, #tpu.memory_space<vmem>> -> memref<128xi32, #tpu.memory_space<vmem>>
          %dma_start3A_123 = arith.constant 0 : i32
          %dma_start3A_124 = arith.constant 0 : i32
          %dma_start3A_125 = tpu.memref_slice %arg10[%dma_start3A_123, %dma_start3A_124] : memref<10000x64xf32, #tpu.memory_space<vmem_shared>> -> memref<10000x64xf32, #tpu.memory_space<vmem_shared>>
          tpu.enqueue_indirect_dma source(%dma_start3A_125 : memref<10000x64xf32, #tpu.memory_space<vmem_shared>>) target(%arg14 : memref<128x64xf32, #tpu.memory_space<vmem>>) offsets(%dma_start3A_122 : memref<128xi32, #tpu.memory_space<vmem>>) semaphore(%arg16 : memref<!tpu.dma_semaphore, #tpu.memory_space<semaphore_mem>>)
          %dma_wait3A_126 = arith.constant 0 : i32
          %dma_wait3A_127 = arith.constant 0 : i32
          %dma_wait3A_128 = tpu.memref_slice %arg11[%dma_wait3A_126, %dma_wait3A_127] : memref<80x128xi32, #tpu.memory_space<vmem>> -> memref<1x128xi32, #tpu.memory_space<vmem>>
          %dma_wait3A_129 = tpu.memref_squeeze %dma_wait3A_128 : memref<1x128xi32, #tpu.memory_space<vmem>> -> memref<128xi32, #tpu.memory_space<vmem>>
          %dma_wait3A_130 = arith.constant 0 : i32
          %dma_wait3A_131 = arith.constant 0 : i32
          %dma_wait3A_132 = tpu.memref_slice %arg10[%dma_wait3A_130, %dma_wait3A_131] : memref<10000x64xf32, #tpu.memory_space<vmem_shared>> -> memref<10000x64xf32, #tpu.memory_space<vmem_shared>>
          tpu.wait_indirect_dma semaphore(%arg15 : memref<!tpu.dma_semaphore, #tpu.memory_space<semaphore_mem>>) src(%dma_wait3A_132 : memref<10000x64xf32, #tpu.memory_space<vmem_shared>>) dst(%arg13 : memref<128x64xf32, #tpu.memory_space<vmem>>)
          "tpu.region"() ({
            %run_scoped3A = tpu.sem_alloc : memref<!tpu.dma_semaphore, #tpu.memory_space<semaphore_mem>>
            %dma_start3A_133 = arith.constant 0 : i32
            %dma_start3A_134 = tpu.memref_slice %arg12[%scan3A_98, %dma_start3A_133] : memref<80x128xi32, #tpu.memory_space<vmem>> -> memref<1x128xi32, #tpu.memory_space<vmem>>
            %dma_start3A_135 = tpu.memref_squeeze %dma_start3A_134 : memref<1x128xi32, #tpu.memory_space<vmem>> -> memref<128xi32, #tpu.memory_space<vmem>>
            %dma_start3A_136 = arith.constant 0 : i32
            %dma_start3A_137 = arith.constant 0 : i32
            %dma_start3A_138 = tpu.memref_slice %arg9[%dma_start3A_136, %dma_start3A_137] : memref<10112x64xf32, #tpu.memory_space<vmem_shared>> -> memref<10112x64xf32, #tpu.memory_space<vmem_shared>>
            tpu.enqueue_indirect_dma source(%arg13 : memref<128x64xf32, #tpu.memory_space<vmem>>) target(%dma_start3A_138 : memref<10112x64xf32, #tpu.memory_space<vmem_shared>>) offsets(%dma_start3A_135 : memref<128xi32, #tpu.memory_space<vmem>>) semaphore(%run_scoped3A : memref<!tpu.dma_semaphore, #tpu.memory_space<semaphore_mem>>) {add = true}
            %dma_wait3A_139 = arith.constant 0 : i32
            %dma_wait3A_140 = tpu.memref_slice %arg12[%scan3A_98, %dma_wait3A_139] : memref<80x128xi32, #tpu.memory_space<vmem>> -> memref<1x128xi32, #tpu.memory_space<vmem>>
            %dma_wait3A_141 = tpu.memref_squeeze %dma_wait3A_140 : memref<1x128xi32, #tpu.memory_space<vmem>> -> memref<128xi32, #tpu.memory_space<vmem>>
            %dma_wait3A_142 = arith.constant 0 : i32
            %dma_wait3A_143 = arith.constant 0 : i32
            %dma_wait3A_144 = tpu.memref_slice %arg9[%dma_wait3A_142, %dma_wait3A_143] : memref<10112x64xf32, #tpu.memory_space<vmem_shared>> -> memref<10112x64xf32, #tpu.memory_space<vmem_shared>>
            tpu.wait_indirect_dma semaphore(%run_scoped3A : memref<!tpu.dma_semaphore, #tpu.memory_space<semaphore_mem>>) src(%arg13 : memref<128x64xf32, #tpu.memory_space<vmem>>) dst(%dma_wait3A_144 : memref<10112x64xf32, #tpu.memory_space<vmem_shared>>)
            tpu.yield
          }) : () -> ()
        } else {
        }
        %not3A = arith.constant true
        %not3A_116 = arith.xori %eq3A_109, %not3A : i1
        %convert_element_type3A_117 = arith.extui %not3A_116 : i1 to i32
        %cond3A_118 = arith.constant 0 : i32
        %cond3A_119 = arith.cmpi ne, %convert_element_type3A_117, %cond3A_118 : i32
        scf.if %cond3A_119 {
          %dma_start3A_120 = arith.constant 0 : i32
          %dma_start3A_121 = tpu.memref_slice %arg11[%min3A_112, %dma_start3A_120] : memref<80x128xi32, #tpu.memory_space<vmem>> -> memref<1x128xi32, #tpu.memory_space<vmem>>
          %dma_start3A_122 = tpu.memref_squeeze %dma_start3A_121 : memref<1x128xi32, #tpu.memory_space<vmem>> -> memref<128xi32, #tpu.memory_space<vmem>>
          %dma_start3A_123 = arith.constant 0 : i32
          %dma_start3A_124 = arith.constant 0 : i32
          %dma_start3A_125 = tpu.memref_slice %arg10[%dma_start3A_123, %dma_start3A_124] : memref<10000x64xf32, #tpu.memory_space<vmem_shared>> -> memref<10000x64xf32, #tpu.memory_space<vmem_shared>>
          tpu.enqueue_indirect_dma source(%dma_start3A_125 : memref<10000x64xf32, #tpu.memory_space<vmem_shared>>) target(%arg13 : memref<128x64xf32, #tpu.memory_space<vmem>>) offsets(%dma_start3A_122 : memref<128xi32, #tpu.memory_space<vmem>>) semaphore(%arg15 : memref<!tpu.dma_semaphore, #tpu.memory_space<semaphore_mem>>)
          %dma_wait3A_126 = arith.constant 0 : i32
          %dma_wait3A_127 = arith.constant 0 : i32
          %dma_wait3A_128 = tpu.memref_slice %arg11[%dma_wait3A_126, %dma_wait3A_127] : memref<80x128xi32, #tpu.memory_space<vmem>> -> memref<1x128xi32, #tpu.memory_space<vmem>>
          %dma_wait3A_129 = tpu.memref_squeeze %dma_wait3A_128 : memref<1x128xi32, #tpu.memory_space<vmem>> -> memref<128xi32, #tpu.memory_space<vmem>>
          %dma_wait3A_130 = arith.constant 0 : i32
          %dma_wait3A_131 = arith.constant 0 : i32
          %dma_wait3A_132 = tpu.memref_slice %arg10[%dma_wait3A_130, %dma_wait3A_131] : memref<10000x64xf32, #tpu.memory_space<vmem_shared>> -> memref<10000x64xf32, #tpu.memory_space<vmem_shared>>
          tpu.wait_indirect_dma semaphore(%arg16 : memref<!tpu.dma_semaphore, #tpu.memory_space<semaphore_mem>>) src(%dma_wait3A_132 : memref<10000x64xf32, #tpu.memory_space<vmem_shared>>) dst(%arg14 : memref<128x64xf32, #tpu.memory_space<vmem>>)
          "tpu.region"() ({
            %run_scoped3A = tpu.sem_alloc : memref<!tpu.dma_semaphore, #tpu.memory_space<semaphore_mem>>
            %dma_start3A_133 = arith.constant 0 : i32
            %dma_start3A_134 = tpu.memref_slice %arg12[%scan3A_98, %dma_start3A_133] : memref<80x128xi32, #tpu.memory_space<vmem>> -> memref<1x128xi32, #tpu.memory_space<vmem>>
            %dma_start3A_135 = tpu.memref_squeeze %dma_start3A_134 : memref<1x128xi32, #tpu.memory_space<vmem>> -> memref<128xi32, #tpu.memory_space<vmem>>
            %dma_start3A_136 = arith.constant 0 : i32
            %dma_start3A_137 = arith.constant 0 : i32
            %dma_start3A_138 = tpu.memref_slice %arg9[%dma_start3A_136, %dma_start3A_137] : memref<10112x64xf32, #tpu.memory_space<vmem_shared>> -> memref<10112x64xf32, #tpu.memory_space<vmem_shared>>
            tpu.enqueue_indirect_dma source(%arg14 : memref<128x64xf32, #tpu.memory_space<vmem>>) target(%dma_start3A_138 : memref<10112x64xf32, #tpu.memory_space<vmem_shared>>) offsets(%dma_start3A_135 : memref<128xi32, #tpu.memory_space<vmem>>) semaphore(%run_scoped3A : memref<!tpu.dma_semaphore, #tpu.memory_space<semaphore_mem>>) {add = true}
            %dma_wait3A_139 = arith.constant 0 : i32
            %dma_wait3A_140 = tpu.memref_slice %arg12[%scan3A_98, %dma_wait3A_139] : memref<80x128xi32, #tpu.memory_space<vmem>> -> memref<1x128xi32, #tpu.memory_space<vmem>>
            %dma_wait3A_141 = tpu.memref_squeeze %dma_wait3A_140 : memref<1x128xi32, #tpu.memory_space<vmem>> -> memref<128xi32, #tpu.memory_space<vmem>>
            %dma_wait3A_142 = arith.constant 0 : i32
            %dma_wait3A_143 = arith.constant 0 : i32
            %dma_wait3A_144 = tpu.memref_slice %arg9[%dma_wait3A_142, %dma_wait3A_143] : memref<10112x64xf32, #tpu.memory_space<vmem_shared>> -> memref<10112x64xf32, #tpu.memory_space<vmem_shared>>
            tpu.wait_indirect_dma semaphore(%run_scoped3A : memref<!tpu.dma_semaphore, #tpu.memory_space<semaphore_mem>>) src(%arg14 : memref<128x64xf32, #tpu.memory_space<vmem>>) dst(%dma_wait3A_144 : memref<10112x64xf32, #tpu.memory_space<vmem_shared>>)
            tpu.yield
          }) : () -> ()
        } else {
        }
      }
      %scan3A_65 = arith.constant 80 : i32
      %dma_wait3A_66 = arith.constant 0 : i32
      %dma_wait3A_67 = arith.constant 0 : i32
      %dma_wait3A_68 = tpu.memref_slice %arg11[%dma_wait3A_66, %dma_wait3A_67] : memref<80x128xi32, #tpu.memory_space<vmem>> -> memref<1x128xi32, #tpu.memory_space<vmem>>
      %dma_wait3A_69 = tpu.memref_squeeze %dma_wait3A_68 : memref<1x128xi32, #tpu.memory_space<vmem>> -> memref<128xi32, #tpu.memory_space<vmem>>
      %dma_wait3A_70 = arith.constant 0 : i32
      %dma_wait3A_71 = arith.constant 0 : i32
      %dma_wait3A_72 = tpu.memref_slice %arg10[%dma_wait3A_70, %dma_wait3A_71] : memref<10000x64xf32, #tpu.memory_space<vmem_shared>> -> memref<10000x64xf32, #tpu.memory_space<vmem_shared>>
      tpu.wait_indirect_dma semaphore(%arg15 : memref<!tpu.dma_semaphore, #tpu.memory_space<semaphore_mem>>) src(%dma_wait3A_72 : memref<10000x64xf32, #tpu.memory_space<vmem_shared>>) dst(%arg13 : memref<128x64xf32, #tpu.memory_space<vmem>>)
      "tpu.region"() ({
        %run_scoped3A = tpu.sem_alloc : memref<!tpu.dma_semaphore, #tpu.memory_space<semaphore_mem>>
        %dma_start3A_98 = arith.constant 80 : i32
        %dma_start3A_99 = arith.constant 0 : i32
        %dma_start3A_100 = tpu.memref_slice %arg4[%arg1, %dma_start3A_98, %dma_start3A_99] : memref<16x160x128xi32, #tpu.memory_space<hbm>> -> memref<1x80x128xi32, #tpu.memory_space<hbm>>
        %dma_start3A_101 = tpu.memref_squeeze %dma_start3A_100 : memref<1x80x128xi32, #tpu.memory_space<hbm>> -> memref<80x128xi32, #tpu.memory_space<hbm>>
        %dma_start3A_102 = arith.constant 80 : i32
        %dma_start3A_103 = arith.constant 0 : i32
        %dma_start3A_104 = tpu.memref_slice %arg4[%arg1, %dma_start3A_102, %dma_start3A_103] : memref<16x160x128xi32, #tpu.memory_space<hbm>> -> memref<1x80x128xi32, #tpu.memory_space<hbm>>
        %dma_start3A_105 = tpu.memref_squeeze %dma_start3A_104 : memref<1x80x128xi32, #tpu.memory_space<hbm>> -> memref<80x128xi32, #tpu.memory_space<hbm>>
        tpu.enqueue_dma source(%dma_start3A_105 : memref<80x128xi32, #tpu.memory_space<hbm>>) target(%arg11 : memref<80x128xi32, #tpu.memory_space<vmem>>) target_semaphore(%run_scoped3A : memref<!tpu.dma_semaphore, #tpu.memory_space<semaphore_mem>>)
        %dma_wait3A_106 = arith.constant 80 : i32
        %dma_wait3A_107 = arith.constant 0 : i32
        %dma_wait3A_108 = tpu.memref_slice %arg4[%arg1, %dma_wait3A_106, %dma_wait3A_107] : memref<16x160x128xi32, #tpu.memory_space<hbm>> -> memref<1x80x128xi32, #tpu.memory_space<hbm>>
        %dma_wait3A_109 = tpu.memref_squeeze %dma_wait3A_108 : memref<1x80x128xi32, #tpu.memory_space<hbm>> -> memref<80x128xi32, #tpu.memory_space<hbm>>
        %dma_wait3A_110 = arith.constant 80 : i32
        %dma_wait3A_111 = arith.constant 0 : i32
        %dma_wait3A_112 = tpu.memref_slice %arg4[%arg1, %dma_wait3A_110, %dma_wait3A_111] : memref<16x160x128xi32, #tpu.memory_space<hbm>> -> memref<1x80x128xi32, #tpu.memory_space<hbm>>
        %dma_wait3A_113 = tpu.memref_squeeze %dma_wait3A_112 : memref<1x80x128xi32, #tpu.memory_space<hbm>> -> memref<80x128xi32, #tpu.memory_space<hbm>>
        tpu.wait_dma2 semaphore(%run_scoped3A : memref<!tpu.dma_semaphore, #tpu.memory_space<semaphore_mem>>) src(%dma_wait3A_113 : memref<80x128xi32, #tpu.memory_space<hbm>>) dst(%arg11 : memref<80x128xi32, #tpu.memory_space<vmem>>)
        tpu.yield
      }) : () -> ()
      "tpu.region"() ({
        %run_scoped3A = tpu.sem_alloc : memref<!tpu.dma_semaphore, #tpu.memory_space<semaphore_mem>>
        %dma_start3A_98 = arith.constant 80 : i32
        %dma_start3A_99 = arith.constant 0 : i32
        %dma_start3A_100 = tpu.memref_slice %arg5[%arg1, %dma_start3A_98, %dma_start3A_99] : memref<16x160x128xi32, #tpu.memory_space<hbm>> -> memref<1x80x128xi32, #tpu.memory_space<hbm>>
        %dma_start3A_101 = tpu.memref_squeeze %dma_start3A_100 : memref<1x80x128xi32, #tpu.memory_space<hbm>> -> memref<80x128xi32, #tpu.memory_space<hbm>>
        %dma_start3A_102 = arith.constant 80 : i32
        %dma_start3A_103 = arith.constant 0 : i32
        %dma_start3A_104 = tpu.memref_slice %arg5[%arg1, %dma_start3A_102, %dma_start3A_103] : memref<16x160x128xi32, #tpu.memory_space<hbm>> -> memref<1x80x128xi32, #tpu.memory_space<hbm>>
        %dma_start3A_105 = tpu.memref_squeeze %dma_start3A_104 : memref<1x80x128xi32, #tpu.memory_space<hbm>> -> memref<80x128xi32, #tpu.memory_space<hbm>>
        tpu.enqueue_dma source(%dma_start3A_105 : memref<80x128xi32, #tpu.memory_space<hbm>>) target(%arg12 : memref<80x128xi32, #tpu.memory_space<vmem>>) target_semaphore(%run_scoped3A : memref<!tpu.dma_semaphore, #tpu.memory_space<semaphore_mem>>)
        %dma_wait3A_106 = arith.constant 80 : i32
        %dma_wait3A_107 = arith.constant 0 : i32
        %dma_wait3A_108 = tpu.memref_slice %arg5[%arg1, %dma_wait3A_106, %dma_wait3A_107] : memref<16x160x128xi32, #tpu.memory_space<hbm>> -> memref<1x80x128xi32, #tpu.memory_space<hbm>>
        %dma_wait3A_109 = tpu.memref_squeeze %dma_wait3A_108 : memref<1x80x128xi32, #tpu.memory_space<hbm>> -> memref<80x128xi32, #tpu.memory_space<hbm>>
        %dma_wait3A_110 = arith.constant 80 : i32
        %dma_wait3A_111 = arith.constant 0 : i32
        %dma_wait3A_112 = tpu.memref_slice %arg5[%arg1, %dma_wait3A_110, %dma_wait3A_111] : memref<16x160x128xi32, #tpu.memory_space<hbm>> -> memref<1x80x128xi32, #tpu.memory_space<hbm>>
        %dma_wait3A_113 = tpu.memref_squeeze %dma_wait3A_112 : memref<1x80x128xi32, #tpu.memory_space<hbm>> -> memref<80x128xi32, #tpu.memory_space<hbm>>
        tpu.wait_dma2 semaphore(%run_scoped3A : memref<!tpu.dma_semaphore, #tpu.memory_space<semaphore_mem>>) src(%dma_wait3A_113 : memref<80x128xi32, #tpu.memory_space<hbm>>) dst(%arg12 : memref<80x128xi32, #tpu.memory_space<vmem>>)
        tpu.yield
      }) : () -> ()
      %dma_start3A_73 = arith.constant 0 : i32
      %dma_start3A_74 = arith.constant 0 : i32
      %dma_start3A_75 = tpu.memref_slice %arg11[%dma_start3A_73, %dma_start3A_74] : memref<80x128xi32, #tpu.memory_space<vmem>> -> memref<1x128xi32, #tpu.memory_space<vmem>>
      %dma_start3A_76 = tpu.memref_squeeze %dma_start3A_75 : memref<1x128xi32, #tpu.memory_space<vmem>> -> memref<128xi32, #tpu.memory_space<vmem>>
      %dma_start3A_77 = arith.constant 0 : i32
      %dma_start3A_78 = arith.constant 0 : i32
      %dma_start3A_79 = tpu.memref_slice %arg10[%dma_start3A_77, %dma_start3A_78] : memref<10000x64xf32, #tpu.memory_space<vmem_shared>> -> memref<10000x64xf32, #tpu.memory_space<vmem_shared>>
      tpu.enqueue_indirect_dma source(%dma_start3A_79 : memref<10000x64xf32, #tpu.memory_space<vmem_shared>>) target(%arg13 : memref<128x64xf32, #tpu.memory_space<vmem>>) offsets(%dma_start3A_76 : memref<128xi32, #tpu.memory_space<vmem>>) semaphore(%arg15 : memref<!tpu.dma_semaphore, #tpu.memory_space<semaphore_mem>>)
      %scan3A_80 = arith.constant 0 : i32
      %scan3A_81 = arith.constant 0 : i32
      %scan3A_82 = arith.constant 80 : i32
      %scan3A_83 = arith.addi %scan3A_81, %scan3A_82 : i32
      %scan3A_84 = arith.constant 1 : i32
      scf.for %scan3A_98 = %scan3A_81 to %scan3A_83 step %scan3A_84  : i32 {
        %jit3A = arith.constant 2 : i32
        %eq3A_99 = arith.constant 0 : i32
        %eq3A_100 = arith.cmpi eq, %jit3A, %eq3A_99 : i32
        %jit3A_101 = arith.constant 1 : i32
        %select_n3A = arith.select %eq3A_100, %jit3A_101, %jit3A : i32
        %rem3A = arith.remsi %scan3A_98, %select_n3A : i32
        %ne3A = arith.constant 0 : i32
        %ne3A_102 = arith.cmpi ne, %rem3A, %ne3A : i32
        %lt3A = arith.constant 0 : i32
        %lt3A_103 = arith.cmpi slt, %rem3A, %lt3A : i32
        %lt3A_104 = arith.constant 0 : i32
        %lt3A_105 = arith.cmpi slt, %select_n3A, %lt3A_104 : i32
        %ne3A_106 = arith.xori %lt3A_103, %lt3A_105 : i1
        %and3A = arith.andi %ne3A_106, %ne3A_102 : i1
        %add3A = arith.addi %rem3A, %select_n3A : i32
        %select_n3A_107 = arith.select %and3A, %add3A, %rem3A : i32
        %eq3A_108 = arith.constant 0 : i32
        %eq3A_109 = arith.cmpi eq, %select_n3A_107, %eq3A_108 : i32
        %add3A_110 = arith.constant 1 : i32
        %add3A_111 = arith.addi %scan3A_98, %add3A_110 : i32
        %min3A = arith.constant 79 : i32
        %min3A_112 = arith.minsi %add3A_111, %min3A : i32
        %convert_element_type3A_113 = arith.extui %eq3A_109 : i1 to i32
        %cond3A_114 = arith.constant 0 : i32
        %cond3A_115 = arith.cmpi ne, %convert_element_type3A_113, %cond3A_114 : i32
        scf.if %cond3A_115 {
          %dma_start3A_120 = arith.constant 0 : i32
          %dma_start3A_121 = tpu.memref_slice %arg11[%min3A_112, %dma_start3A_120] : memref<80x128xi32, #tpu.memory_space<vmem>> -> memref<1x128xi32, #tpu.memory_space<vmem>>
          %dma_start3A_122 = tpu.memref_squeeze %dma_start3A_121 : memref<1x128xi32, #tpu.memory_space<vmem>> -> memref<128xi32, #tpu.memory_space<vmem>>
          %dma_start3A_123 = arith.constant 0 : i32
          %dma_start3A_124 = arith.constant 0 : i32
          %dma_start3A_125 = tpu.memref_slice %arg10[%dma_start3A_123, %dma_start3A_124] : memref<10000x64xf32, #tpu.memory_space<vmem_shared>> -> memref<10000x64xf32, #tpu.memory_space<vmem_shared>>
          tpu.enqueue_indirect_dma source(%dma_start3A_125 : memref<10000x64xf32, #tpu.memory_space<vmem_shared>>) target(%arg14 : memref<128x64xf32, #tpu.memory_space<vmem>>) offsets(%dma_start3A_122 : memref<128xi32, #tpu.memory_space<vmem>>) semaphore(%arg16 : memref<!tpu.dma_semaphore, #tpu.memory_space<semaphore_mem>>)
          %dma_wait3A_126 = arith.constant 0 : i32
          %dma_wait3A_127 = arith.constant 0 : i32
          %dma_wait3A_128 = tpu.memref_slice %arg11[%dma_wait3A_126, %dma_wait3A_127] : memref<80x128xi32, #tpu.memory_space<vmem>> -> memref<1x128xi32, #tpu.memory_space<vmem>>
          %dma_wait3A_129 = tpu.memref_squeeze %dma_wait3A_128 : memref<1x128xi32, #tpu.memory_space<vmem>> -> memref<128xi32, #tpu.memory_space<vmem>>
          %dma_wait3A_130 = arith.constant 0 : i32
          %dma_wait3A_131 = arith.constant 0 : i32
          %dma_wait3A_132 = tpu.memref_slice %arg10[%dma_wait3A_130, %dma_wait3A_131] : memref<10000x64xf32, #tpu.memory_space<vmem_shared>> -> memref<10000x64xf32, #tpu.memory_space<vmem_shared>>
          tpu.wait_indirect_dma semaphore(%arg15 : memref<!tpu.dma_semaphore, #tpu.memory_space<semaphore_mem>>) src(%dma_wait3A_132 : memref<10000x64xf32, #tpu.memory_space<vmem_shared>>) dst(%arg13 : memref<128x64xf32, #tpu.memory_space<vmem>>)
          "tpu.region"() ({
            %run_scoped3A = tpu.sem_alloc : memref<!tpu.dma_semaphore, #tpu.memory_space<semaphore_mem>>
            %dma_start3A_133 = arith.constant 0 : i32
            %dma_start3A_134 = tpu.memref_slice %arg12[%scan3A_98, %dma_start3A_133] : memref<80x128xi32, #tpu.memory_space<vmem>> -> memref<1x128xi32, #tpu.memory_space<vmem>>
            %dma_start3A_135 = tpu.memref_squeeze %dma_start3A_134 : memref<1x128xi32, #tpu.memory_space<vmem>> -> memref<128xi32, #tpu.memory_space<vmem>>
            %dma_start3A_136 = arith.constant 0 : i32
            %dma_start3A_137 = arith.constant 0 : i32
            %dma_start3A_138 = tpu.memref_slice %arg9[%dma_start3A_136, %dma_start3A_137] : memref<10112x64xf32, #tpu.memory_space<vmem_shared>> -> memref<10112x64xf32, #tpu.memory_space<vmem_shared>>
            tpu.enqueue_indirect_dma source(%arg13 : memref<128x64xf32, #tpu.memory_space<vmem>>) target(%dma_start3A_138 : memref<10112x64xf32, #tpu.memory_space<vmem_shared>>) offsets(%dma_start3A_135 : memref<128xi32, #tpu.memory_space<vmem>>) semaphore(%run_scoped3A : memref<!tpu.dma_semaphore, #tpu.memory_space<semaphore_mem>>) {add = true}
            %dma_wait3A_139 = arith.constant 0 : i32
            %dma_wait3A_140 = tpu.memref_slice %arg12[%scan3A_98, %dma_wait3A_139] : memref<80x128xi32, #tpu.memory_space<vmem>> -> memref<1x128xi32, #tpu.memory_space<vmem>>
            %dma_wait3A_141 = tpu.memref_squeeze %dma_wait3A_140 : memref<1x128xi32, #tpu.memory_space<vmem>> -> memref<128xi32, #tpu.memory_space<vmem>>
            %dma_wait3A_142 = arith.constant 0 : i32
            %dma_wait3A_143 = arith.constant 0 : i32
            %dma_wait3A_144 = tpu.memref_slice %arg9[%dma_wait3A_142, %dma_wait3A_143] : memref<10112x64xf32, #tpu.memory_space<vmem_shared>> -> memref<10112x64xf32, #tpu.memory_space<vmem_shared>>
            tpu.wait_indirect_dma semaphore(%run_scoped3A : memref<!tpu.dma_semaphore, #tpu.memory_space<semaphore_mem>>) src(%arg13 : memref<128x64xf32, #tpu.memory_space<vmem>>) dst(%dma_wait3A_144 : memref<10112x64xf32, #tpu.memory_space<vmem_shared>>)
            tpu.yield
          }) : () -> ()
        } else {
        }
        %not3A = arith.constant true
        %not3A_116 = arith.xori %eq3A_109, %not3A : i1
        %convert_element_type3A_117 = arith.extui %not3A_116 : i1 to i32
        %cond3A_118 = arith.constant 0 : i32
        %cond3A_119 = arith.cmpi ne, %convert_element_type3A_117, %cond3A_118 : i32
        scf.if %cond3A_119 {
          %dma_start3A_120 = arith.constant 0 : i32
          %dma_start3A_121 = tpu.memref_slice %arg11[%min3A_112, %dma_start3A_120] : memref<80x128xi32, #tpu.memory_space<vmem>> -> memref<1x128xi32, #tpu.memory_space<vmem>>
          %dma_start3A_122 = tpu.memref_squeeze %dma_start3A_121 : memref<1x128xi32, #tpu.memory_space<vmem>> -> memref<128xi32, #tpu.memory_space<vmem>>
          %dma_start3A_123 = arith.constant 0 : i32
          %dma_start3A_124 = arith.constant 0 : i32
          %dma_start3A_125 = tpu.memref_slice %arg10[%dma_start3A_123, %dma_start3A_124] : memref<10000x64xf32, #tpu.memory_space<vmem_shared>> -> memref<10000x64xf32, #tpu.memory_space<vmem_shared>>
          tpu.enqueue_indirect_dma source(%dma_start3A_125 : memref<10000x64xf32, #tpu.memory_space<vmem_shared>>) target(%arg13 : memref<128x64xf32, #tpu.memory_space<vmem>>) offsets(%dma_start3A_122 : memref<128xi32, #tpu.memory_space<vmem>>) semaphore(%arg15 : memref<!tpu.dma_semaphore, #tpu.memory_space<semaphore_mem>>)
          %dma_wait3A_126 = arith.constant 0 : i32
          %dma_wait3A_127 = arith.constant 0 : i32
          %dma_wait3A_128 = tpu.memref_slice %arg11[%dma_wait3A_126, %dma_wait3A_127] : memref<80x128xi32, #tpu.memory_space<vmem>> -> memref<1x128xi32, #tpu.memory_space<vmem>>
          %dma_wait3A_129 = tpu.memref_squeeze %dma_wait3A_128 : memref<1x128xi32, #tpu.memory_space<vmem>> -> memref<128xi32, #tpu.memory_space<vmem>>
          %dma_wait3A_130 = arith.constant 0 : i32
          %dma_wait3A_131 = arith.constant 0 : i32
          %dma_wait3A_132 = tpu.memref_slice %arg10[%dma_wait3A_130, %dma_wait3A_131] : memref<10000x64xf32, #tpu.memory_space<vmem_shared>> -> memref<10000x64xf32, #tpu.memory_space<vmem_shared>>
          tpu.wait_indirect_dma semaphore(%arg16 : memref<!tpu.dma_semaphore, #tpu.memory_space<semaphore_mem>>) src(%dma_wait3A_132 : memref<10000x64xf32, #tpu.memory_space<vmem_shared>>) dst(%arg14 : memref<128x64xf32, #tpu.memory_space<vmem>>)
          "tpu.region"() ({
            %run_scoped3A = tpu.sem_alloc : memref<!tpu.dma_semaphore, #tpu.memory_space<semaphore_mem>>
            %dma_start3A_133 = arith.constant 0 : i32
            %dma_start3A_134 = tpu.memref_slice %arg12[%scan3A_98, %dma_start3A_133] : memref<80x128xi32, #tpu.memory_space<vmem>> -> memref<1x128xi32, #tpu.memory_space<vmem>>
            %dma_start3A_135 = tpu.memref_squeeze %dma_start3A_134 : memref<1x128xi32, #tpu.memory_space<vmem>> -> memref<128xi32, #tpu.memory_space<vmem>>
            %dma_start3A_136 = arith.constant 0 : i32
            %dma_start3A_137 = arith.constant 0 : i32
            %dma_start3A_138 = tpu.memref_slice %arg9[%dma_start3A_136, %dma_start3A_137] : memref<10112x64xf32, #tpu.memory_space<vmem_shared>> -> memref<10112x64xf32, #tpu.memory_space<vmem_shared>>
            tpu.enqueue_indirect_dma source(%arg14 : memref<128x64xf32, #tpu.memory_space<vmem>>) target(%dma_start3A_138 : memref<10112x64xf32, #tpu.memory_space<vmem_shared>>) offsets(%dma_start3A_135 : memref<128xi32, #tpu.memory_space<vmem>>) semaphore(%run_scoped3A : memref<!tpu.dma_semaphore, #tpu.memory_space<semaphore_mem>>) {add = true}
            %dma_wait3A_139 = arith.constant 0 : i32
            %dma_wait3A_140 = tpu.memref_slice %arg12[%scan3A_98, %dma_wait3A_139] : memref<80x128xi32, #tpu.memory_space<vmem>> -> memref<1x128xi32, #tpu.memory_space<vmem>>
            %dma_wait3A_141 = tpu.memref_squeeze %dma_wait3A_140 : memref<1x128xi32, #tpu.memory_space<vmem>> -> memref<128xi32, #tpu.memory_space<vmem>>
            %dma_wait3A_142 = arith.constant 0 : i32
            %dma_wait3A_143 = arith.constant 0 : i32
            %dma_wait3A_144 = tpu.memref_slice %arg9[%dma_wait3A_142, %dma_wait3A_143] : memref<10112x64xf32, #tpu.memory_space<vmem_shared>> -> memref<10112x64xf32, #tpu.memory_space<vmem_shared>>
            tpu.wait_indirect_dma semaphore(%run_scoped3A : memref<!tpu.dma_semaphore, #tpu.memory_space<semaphore_mem>>) src(%arg14 : memref<128x64xf32, #tpu.memory_space<vmem>>) dst(%dma_wait3A_144 : memref<10112x64xf32, #tpu.memory_space<vmem_shared>>)
            tpu.yield
          }) : () -> ()
        } else {
        }
      }
      %scan3A_85 = arith.constant 80 : i32
      %dma_wait3A_86 = arith.constant 0 : i32
      %dma_wait3A_87 = arith.constant 0 : i32
      %dma_wait3A_88 = tpu.memref_slice %arg11[%dma_wait3A_86, %dma_wait3A_87] : memref<80x128xi32, #tpu.memory_space<vmem>> -> memref<1x128xi32, #tpu.memory_space<vmem>>
      %dma_wait3A_89 = tpu.memref_squeeze %dma_wait3A_88 : memref<1x128xi32, #tpu.memory_space<vmem>> -> memref<128xi32, #tpu.memory_space<vmem>>
      %dma_wait3A_90 = arith.constant 0 : i32
      %dma_wait3A_91 = arith.constant 0 : i32
      %dma_wait3A_92 = tpu.memref_slice %arg10[%dma_wait3A_90, %dma_wait3A_91] : memref<10000x64xf32, #tpu.memory_space<vmem_shared>> -> memref<10000x64xf32, #tpu.memory_space<vmem_shared>>
      tpu.wait_indirect_dma semaphore(%arg15 : memref<!tpu.dma_semaphore, #tpu.memory_space<semaphore_mem>>) src(%dma_wait3A_92 : memref<10000x64xf32, #tpu.memory_space<vmem_shared>>) dst(%arg13 : memref<128x64xf32, #tpu.memory_space<vmem>>)
      %barrier3A_93 = arith.constant 0 : index
      tpu.barrier barrier_id(%barrier3A_93)
      %mul3A_94 = arith.constant 632 : i32
      %mul3A_95 = arith.muli %arg1, %mul3A_94 : i32
      %mul3A_96 = arith.constant 632 : i32
      %mul3A_97 = arith.muli %arg1, %mul3A_96 : i32
      "tpu.region"() ({
        %run_scoped3A = tpu.sem_alloc : memref<!tpu.dma_semaphore, #tpu.memory_space<semaphore_mem>>
        %dma_start3A_98 = arith.constant 0 : i32
        %dma_start3A_99 = tpu.memref_slice %arg7[%mul3A_97, %dma_start3A_98] : memref<10112x64xf32, #tpu.memory_space<hbm>> -> memref<632x64xf32, #tpu.memory_space<hbm>>
        %dma_start3A_100 = arith.constant 0 : i32
        %dma_start3A_101 = tpu.memref_slice %arg9[%mul3A_95, %dma_start3A_100] : memref<10112x64xf32, #tpu.memory_space<vmem_shared>> -> memref<632x64xf32, #tpu.memory_space<vmem_shared>>
        tpu.enqueue_dma source(%dma_start3A_101 : memref<632x64xf32, #tpu.memory_space<vmem_shared>>) target(%dma_start3A_99 : memref<632x64xf32, #tpu.memory_space<hbm>>) target_semaphore(%run_scoped3A : memref<!tpu.dma_semaphore, #tpu.memory_space<semaphore_mem>>)
        %dma_wait3A_102 = arith.constant 0 : i32
        %dma_wait3A_103 = tpu.memref_slice %arg7[%mul3A_97, %dma_wait3A_102] : memref<10112x64xf32, #tpu.memory_space<hbm>> -> memref<632x64xf32, #tpu.memory_space<hbm>>
        %dma_wait3A_104 = arith.constant 0 : i32
        %dma_wait3A_105 = tpu.memref_slice %arg9[%mul3A_95, %dma_wait3A_104] : memref<10112x64xf32, #tpu.memory_space<vmem_shared>> -> memref<632x64xf32, #tpu.memory_space<vmem_shared>>
        tpu.wait_dma2 semaphore(%run_scoped3A : memref<!tpu.dma_semaphore, #tpu.memory_space<semaphore_mem>>) src(%dma_wait3A_105 : memref<632x64xf32, #tpu.memory_space<vmem_shared>>) dst(%dma_wait3A_103 : memref<632x64xf32, #tpu.memory_space<hbm>>)
        tpu.yield
      }) : () -> ()
    } else {
    }
    %eq3A_2 = arith.constant 1 : i32
    %eq3A_3 = arith.cmpi eq, %arg0, %eq3A_2 : i32
    %convert_element_type3A_4 = arith.extui %eq3A_3 : i1 to i32
    %cond3A_5 = arith.constant 0 : i32
    %cond3A_6 = arith.cmpi ne, %convert_element_type3A_4, %cond3A_5 : i32
    scf.if %cond3A_6 {
      %mul3A = arith.constant 625 : i32
      %mul3A_7 = arith.muli %arg1, %mul3A : i32
      %mul3A_8 = arith.constant 625 : i32
      %mul3A_9 = arith.muli %arg1, %mul3A_8 : i32
      %dma_start3A = arith.constant 0 : i32
      %dma_start3A_10 = tpu.memref_slice %arg10[%mul3A_9, %dma_start3A] : memref<10000x64xf32, #tpu.memory_space<vmem_shared>> -> memref<625x64xf32, #tpu.memory_space<vmem_shared>>
      %dma_start3A_11 = arith.constant 0 : i32
      %dma_start3A_12 = tpu.memref_slice %arg3[%mul3A_7, %dma_start3A_11] : memref<10000x64xf32, #tpu.memory_space<hbm>> -> memref<625x64xf32, #tpu.memory_space<hbm>>
      tpu.enqueue_dma source(%dma_start3A_12 : memref<625x64xf32, #tpu.memory_space<hbm>>) target(%dma_start3A_10 : memref<625x64xf32, #tpu.memory_space<vmem_shared>>) target_semaphore(%arg17 : memref<!tpu.dma_semaphore, #tpu.memory_space<semaphore_mem>>)
      %mul3A_13 = arith.constant 632 : i32
      %mul3A_14 = arith.muli %arg1, %mul3A_13 : i32
      %dma_start3A_15 = arith.constant 0 : i32
      %dma_start3A_16 = tpu.memref_slice %arg9[%mul3A_14, %dma_start3A_15] : memref<10112x64xf32, #tpu.memory_space<vmem_shared>> -> memref<632x64xf32, #tpu.memory_space<vmem_shared>>
      tpu.enqueue_dma source(%arg6 : memref<632x64xf32, #tpu.memory_space<hbm>>) target(%dma_start3A_16 : memref<632x64xf32, #tpu.memory_space<vmem_shared>>) target_semaphore(%arg18 : memref<!tpu.dma_semaphore, #tpu.memory_space<semaphore_mem>>)
      %dma_start3A_17 = arith.constant 0 : i32
      %dma_start3A_18 = arith.constant 0 : i32
      %dma_start3A_19 = tpu.memref_slice %arg4[%arg1, %dma_start3A_17, %dma_start3A_18] : memref<16x160x128xi32, #tpu.memory_space<hbm>> -> memref<1x80x128xi32, #tpu.memory_space<hbm>>
      %dma_start3A_20 = tpu.memref_squeeze %dma_start3A_19 : memref<1x80x128xi32, #tpu.memory_space<hbm>> -> memref<80x128xi32, #tpu.memory_space<hbm>>
      %dma_start3A_21 = arith.constant 0 : i32
      %dma_start3A_22 = arith.constant 0 : i32
      %dma_start3A_23 = tpu.memref_slice %arg4[%arg1, %dma_start3A_21, %dma_start3A_22] : memref<16x160x128xi32, #tpu.memory_space<hbm>> -> memref<1x80x128xi32, #tpu.memory_space<hbm>>
      %dma_start3A_24 = tpu.memref_squeeze %dma_start3A_23 : memref<1x80x128xi32, #tpu.memory_space<hbm>> -> memref<80x128xi32, #tpu.memory_space<hbm>>
      tpu.enqueue_dma source(%dma_start3A_24 : memref<80x128xi32, #tpu.memory_space<hbm>>) target(%arg11 : memref<80x128xi32, #tpu.memory_space<vmem>>) target_semaphore(%arg15 : memref<!tpu.dma_semaphore, #tpu.memory_space<semaphore_mem>>)
      %dma_start3A_25 = arith.constant 0 : i32
      %dma_start3A_26 = arith.constant 0 : i32
      %dma_start3A_27 = tpu.memref_slice %arg5[%arg1, %dma_start3A_25, %dma_start3A_26] : memref<16x160x128xi32, #tpu.memory_space<hbm>> -> memref<1x80x128xi32, #tpu.memory_space<hbm>>
      %dma_start3A_28 = tpu.memref_squeeze %dma_start3A_27 : memref<1x80x128xi32, #tpu.memory_space<hbm>> -> memref<80x128xi32, #tpu.memory_space<hbm>>
      %dma_start3A_29 = arith.constant 0 : i32
      %dma_start3A_30 = arith.constant 0 : i32
      %dma_start3A_31 = tpu.memref_slice %arg5[%arg1, %dma_start3A_29, %dma_start3A_30] : memref<16x160x128xi32, #tpu.memory_space<hbm>> -> memref<1x80x128xi32, #tpu.memory_space<hbm>>
      %dma_start3A_32 = tpu.memref_squeeze %dma_start3A_31 : memref<1x80x128xi32, #tpu.memory_space<hbm>> -> memref<80x128xi32, #tpu.memory_space<hbm>>
      tpu.enqueue_dma source(%dma_start3A_32 : memref<80x128xi32, #tpu.memory_space<hbm>>) target(%arg12 : memref<80x128xi32, #tpu.memory_space<vmem>>) target_semaphore(%arg16 : memref<!tpu.dma_semaphore, #tpu.memory_space<semaphore_mem>>)
      %dma_wait3A = arith.constant 0 : i32
      %dma_wait3A_33 = tpu.memref_slice %arg10[%mul3A_9, %dma_wait3A] : memref<10000x64xf32, #tpu.memory_space<vmem_shared>> -> memref<625x64xf32, #tpu.memory_space<vmem_shared>>
      %dma_wait3A_34 = arith.constant 0 : i32
      %dma_wait3A_35 = tpu.memref_slice %arg3[%mul3A_7, %dma_wait3A_34] : memref<10000x64xf32, #tpu.memory_space<hbm>> -> memref<625x64xf32, #tpu.memory_space<hbm>>
      tpu.wait_dma2 semaphore(%arg17 : memref<!tpu.dma_semaphore, #tpu.memory_space<semaphore_mem>>) src(%dma_wait3A_35 : memref<625x64xf32, #tpu.memory_space<hbm>>) dst(%dma_wait3A_33 : memref<625x64xf32, #tpu.memory_space<vmem_shared>>)
      %dma_wait3A_36 = arith.constant 0 : i32
      %dma_wait3A_37 = tpu.memref_slice %arg9[%mul3A_14, %dma_wait3A_36] : memref<10112x64xf32, #tpu.memory_space<vmem_shared>> -> memref<632x64xf32, #tpu.memory_space<vmem_shared>>
      tpu.wait_dma2 semaphore(%arg18 : memref<!tpu.dma_semaphore, #tpu.memory_space<semaphore_mem>>) src(%arg6 : memref<632x64xf32, #tpu.memory_space<hbm>>) dst(%dma_wait3A_37 : memref<632x64xf32, #tpu.memory_space<vmem_shared>>)
      %dma_wait3A_38 = arith.constant 0 : i32
      %dma_wait3A_39 = arith.constant 0 : i32
      %dma_wait3A_40 = tpu.memref_slice %arg4[%arg1, %dma_wait3A_38, %dma_wait3A_39] : memref<16x160x128xi32, #tpu.memory_space<hbm>> -> memref<1x80x128xi32, #tpu.memory_space<hbm>>
      %dma_wait3A_41 = tpu.memref_squeeze %dma_wait3A_40 : memref<1x80x128xi32, #tpu.memory_space<hbm>> -> memref<80x128xi32, #tpu.memory_space<hbm>>
      %dma_wait3A_42 = arith.constant 0 : i32
      %dma_wait3A_43 = arith.constant 0 : i32
      %dma_wait3A_44 = tpu.memref_slice %arg4[%arg1, %dma_wait3A_42, %dma_wait3A_43] : memref<16x160x128xi32, #tpu.memory_space<hbm>> -> memref<1x80x128xi32, #tpu.memory_space<hbm>>
      %dma_wait3A_45 = tpu.memref_squeeze %dma_wait3A_44 : memref<1x80x128xi32, #tpu.memory_space<hbm>> -> memref<80x128xi32, #tpu.memory_space<hbm>>
      tpu.wait_dma2 semaphore(%arg15 : memref<!tpu.dma_semaphore, #tpu.memory_space<semaphore_mem>>) src(%dma_wait3A_45 : memref<80x128xi32, #tpu.memory_space<hbm>>) dst(%arg11 : memref<80x128xi32, #tpu.memory_space<vmem>>)
      %dma_wait3A_46 = arith.constant 0 : i32
      %dma_wait3A_47 = arith.constant 0 : i32
      %dma_wait3A_48 = tpu.memref_slice %arg5[%arg1, %dma_wait3A_46, %dma_wait3A_47] : memref<16x160x128xi32, #tpu.memory_space<hbm>> -> memref<1x80x128xi32, #tpu.memory_space<hbm>>
      %dma_wait3A_49 = tpu.memref_squeeze %dma_wait3A_48 : memref<1x80x128xi32, #tpu.memory_space<hbm>> -> memref<80x128xi32, #tpu.memory_space<hbm>>
      %dma_wait3A_50 = arith.constant 0 : i32
      %dma_wait3A_51 = arith.constant 0 : i32
      %dma_wait3A_52 = tpu.memref_slice %arg5[%arg1, %dma_wait3A_50, %dma_wait3A_51] : memref<16x160x128xi32, #tpu.memory_space<hbm>> -> memref<1x80x128xi32, #tpu.memory_space<hbm>>
      %dma_wait3A_53 = tpu.memref_squeeze %dma_wait3A_52 : memref<1x80x128xi32, #tpu.memory_space<hbm>> -> memref<80x128xi32, #tpu.memory_space<hbm>>
      tpu.wait_dma2 semaphore(%arg16 : memref<!tpu.dma_semaphore, #tpu.memory_space<semaphore_mem>>) src(%dma_wait3A_53 : memref<80x128xi32, #tpu.memory_space<hbm>>) dst(%arg12 : memref<80x128xi32, #tpu.memory_space<vmem>>)
      %barrier3A = arith.constant 0 : index
      tpu.barrier barrier_id(%barrier3A)
      %dma_start3A_54 = arith.constant 0 : i32
      %dma_start3A_55 = arith.constant 0 : i32
      %dma_start3A_56 = tpu.memref_slice %arg11[%dma_start3A_54, %dma_start3A_55] : memref<80x128xi32, #tpu.memory_space<vmem>> -> memref<1x128xi32, #tpu.memory_space<vmem>>
      %dma_start3A_57 = tpu.memref_squeeze %dma_start3A_56 : memref<1x128xi32, #tpu.memory_space<vmem>> -> memref<128xi32, #tpu.memory_space<vmem>>
      %dma_start3A_58 = arith.constant 0 : i32
      %dma_start3A_59 = arith.constant 0 : i32
      %dma_start3A_60 = tpu.memref_slice %arg10[%dma_start3A_58, %dma_start3A_59] : memref<10000x64xf32, #tpu.memory_space<vmem_shared>> -> memref<10000x64xf32, #tpu.memory_space<vmem_shared>>
      tpu.enqueue_indirect_dma source(%dma_start3A_60 : memref<10000x64xf32, #tpu.memory_space<vmem_shared>>) target(%arg13 : memref<128x64xf32, #tpu.memory_space<vmem>>) offsets(%dma_start3A_57 : memref<128xi32, #tpu.memory_space<vmem>>) semaphore(%arg15 : memref<!tpu.dma_semaphore, #tpu.memory_space<semaphore_mem>>)
      %scan3A = arith.constant 0 : i32
      %scan3A_61 = arith.constant 0 : i32
      %scan3A_62 = arith.constant 80 : i32
      %scan3A_63 = arith.addi %scan3A_61, %scan3A_62 : i32
      %scan3A_64 = arith.constant 1 : i32
      scf.for %scan3A_98 = %scan3A_61 to %scan3A_63 step %scan3A_64  : i32 {
        %jit3A = arith.constant 2 : i32
        %eq3A_99 = arith.constant 0 : i32
        %eq3A_100 = arith.cmpi eq, %jit3A, %eq3A_99 : i32
        %jit3A_101 = arith.constant 1 : i32
        %select_n3A = arith.select %eq3A_100, %jit3A_101, %jit3A : i32
        %rem3A = arith.remsi %scan3A_98, %select_n3A : i32
        %ne3A = arith.constant 0 : i32
        %ne3A_102 = arith.cmpi ne, %rem3A, %ne3A : i32
        %lt3A = arith.constant 0 : i32
        %lt3A_103 = arith.cmpi slt, %rem3A, %lt3A : i32
        %lt3A_104 = arith.constant 0 : i32
        %lt3A_105 = arith.cmpi slt, %select_n3A, %lt3A_104 : i32
        %ne3A_106 = arith.xori %lt3A_103, %lt3A_105 : i1
        %and3A = arith.andi %ne3A_106, %ne3A_102 : i1
        %add3A = arith.addi %rem3A, %select_n3A : i32
        %select_n3A_107 = arith.select %and3A, %add3A, %rem3A : i32
        %eq3A_108 = arith.constant 0 : i32
        %eq3A_109 = arith.cmpi eq, %select_n3A_107, %eq3A_108 : i32
        %add3A_110 = arith.constant 1 : i32
        %add3A_111 = arith.addi %scan3A_98, %add3A_110 : i32
        %min3A = arith.constant 79 : i32
        %min3A_112 = arith.minsi %add3A_111, %min3A : i32
        %convert_element_type3A_113 = arith.extui %eq3A_109 : i1 to i32
        %cond3A_114 = arith.constant 0 : i32
        %cond3A_115 = arith.cmpi ne, %convert_element_type3A_113, %cond3A_114 : i32
        scf.if %cond3A_115 {
          %dma_start3A_120 = arith.constant 0 : i32
          %dma_start3A_121 = tpu.memref_slice %arg11[%min3A_112, %dma_start3A_120] : memref<80x128xi32, #tpu.memory_space<vmem>> -> memref<1x128xi32, #tpu.memory_space<vmem>>
          %dma_start3A_122 = tpu.memref_squeeze %dma_start3A_121 : memref<1x128xi32, #tpu.memory_space<vmem>> -> memref<128xi32, #tpu.memory_space<vmem>>
          %dma_start3A_123 = arith.constant 0 : i32
          %dma_start3A_124 = arith.constant 0 : i32
          %dma_start3A_125 = tpu.memref_slice %arg10[%dma_start3A_123, %dma_start3A_124] : memref<10000x64xf32, #tpu.memory_space<vmem_shared>> -> memref<10000x64xf32, #tpu.memory_space<vmem_shared>>
          tpu.enqueue_indirect_dma source(%dma_start3A_125 : memref<10000x64xf32, #tpu.memory_space<vmem_shared>>) target(%arg14 : memref<128x64xf32, #tpu.memory_space<vmem>>) offsets(%dma_start3A_122 : memref<128xi32, #tpu.memory_space<vmem>>) semaphore(%arg16 : memref<!tpu.dma_semaphore, #tpu.memory_space<semaphore_mem>>)
          %dma_wait3A_126 = arith.constant 0 : i32
          %dma_wait3A_127 = arith.constant 0 : i32
          %dma_wait3A_128 = tpu.memref_slice %arg11[%dma_wait3A_126, %dma_wait3A_127] : memref<80x128xi32, #tpu.memory_space<vmem>> -> memref<1x128xi32, #tpu.memory_space<vmem>>
          %dma_wait3A_129 = tpu.memref_squeeze %dma_wait3A_128 : memref<1x128xi32, #tpu.memory_space<vmem>> -> memref<128xi32, #tpu.memory_space<vmem>>
          %dma_wait3A_130 = arith.constant 0 : i32
          %dma_wait3A_131 = arith.constant 0 : i32
          %dma_wait3A_132 = tpu.memref_slice %arg10[%dma_wait3A_130, %dma_wait3A_131] : memref<10000x64xf32, #tpu.memory_space<vmem_shared>> -> memref<10000x64xf32, #tpu.memory_space<vmem_shared>>
          tpu.wait_indirect_dma semaphore(%arg15 : memref<!tpu.dma_semaphore, #tpu.memory_space<semaphore_mem>>) src(%dma_wait3A_132 : memref<10000x64xf32, #tpu.memory_space<vmem_shared>>) dst(%arg13 : memref<128x64xf32, #tpu.memory_space<vmem>>)
          "tpu.region"() ({
            %run_scoped3A = tpu.sem_alloc : memref<!tpu.dma_semaphore, #tpu.memory_space<semaphore_mem>>
            %dma_start3A_133 = arith.constant 0 : i32
            %dma_start3A_134 = tpu.memref_slice %arg12[%scan3A_98, %dma_start3A_133] : memref<80x128xi32, #tpu.memory_space<vmem>> -> memref<1x128xi32, #tpu.memory_space<vmem>>
            %dma_start3A_135 = tpu.memref_squeeze %dma_start3A_134 : memref<1x128xi32, #tpu.memory_space<vmem>> -> memref<128xi32, #tpu.memory_space<vmem>>
            %dma_start3A_136 = arith.constant 0 : i32
            %dma_start3A_137 = arith.constant 0 : i32
            %dma_start3A_138 = tpu.memref_slice %arg9[%dma_start3A_136, %dma_start3A_137] : memref<10112x64xf32, #tpu.memory_space<vmem_shared>> -> memref<10112x64xf32, #tpu.memory_space<vmem_shared>>
            tpu.enqueue_indirect_dma source(%arg13 : memref<128x64xf32, #tpu.memory_space<vmem>>) target(%dma_start3A_138 : memref<10112x64xf32, #tpu.memory_space<vmem_shared>>) offsets(%dma_start3A_135 : memref<128xi32, #tpu.memory_space<vmem>>) semaphore(%run_scoped3A : memref<!tpu.dma_semaphore, #tpu.memory_space<semaphore_mem>>) {add = true}
            %dma_wait3A_139 = arith.constant 0 : i32
            %dma_wait3A_140 = tpu.memref_slice %arg12[%scan3A_98, %dma_wait3A_139] : memref<80x128xi32, #tpu.memory_space<vmem>> -> memref<1x128xi32, #tpu.memory_space<vmem>>
            %dma_wait3A_141 = tpu.memref_squeeze %dma_wait3A_140 : memref<1x128xi32, #tpu.memory_space<vmem>> -> memref<128xi32, #tpu.memory_space<vmem>>
            %dma_wait3A_142 = arith.constant 0 : i32
            %dma_wait3A_143 = arith.constant 0 : i32
            %dma_wait3A_144 = tpu.memref_slice %arg9[%dma_wait3A_142, %dma_wait3A_143] : memref<10112x64xf32, #tpu.memory_space<vmem_shared>> -> memref<10112x64xf32, #tpu.memory_space<vmem_shared>>
            tpu.wait_indirect_dma semaphore(%run_scoped3A : memref<!tpu.dma_semaphore, #tpu.memory_space<semaphore_mem>>) src(%arg13 : memref<128x64xf32, #tpu.memory_space<vmem>>) dst(%dma_wait3A_144 : memref<10112x64xf32, #tpu.memory_space<vmem_shared>>)
            tpu.yield
          }) : () -> ()
        } else {
        }
        %not3A = arith.constant true
        %not3A_116 = arith.xori %eq3A_109, %not3A : i1
        %convert_element_type3A_117 = arith.extui %not3A_116 : i1 to i32
        %cond3A_118 = arith.constant 0 : i32
        %cond3A_119 = arith.cmpi ne, %convert_element_type3A_117, %cond3A_118 : i32
        scf.if %cond3A_119 {
          %dma_start3A_120 = arith.constant 0 : i32
          %dma_start3A_121 = tpu.memref_slice %arg11[%min3A_112, %dma_start3A_120] : memref<80x128xi32, #tpu.memory_space<vmem>> -> memref<1x128xi32, #tpu.memory_space<vmem>>
          %dma_start3A_122 = tpu.memref_squeeze %dma_start3A_121 : memref<1x128xi32, #tpu.memory_space<vmem>> -> memref<128xi32, #tpu.memory_space<vmem>>
          %dma_start3A_123 = arith.constant 0 : i32
          %dma_start3A_124 = arith.constant 0 : i32
          %dma_start3A_125 = tpu.memref_slice %arg10[%dma_start3A_123, %dma_start3A_124] : memref<10000x64xf32, #tpu.memory_space<vmem_shared>> -> memref<10000x64xf32, #tpu.memory_space<vmem_shared>>
          tpu.enqueue_indirect_dma source(%dma_start3A_125 : memref<10000x64xf32, #tpu.memory_space<vmem_shared>>) target(%arg13 : memref<128x64xf32, #tpu.memory_space<vmem>>) offsets(%dma_start3A_122 : memref<128xi32, #tpu.memory_space<vmem>>) semaphore(%arg15 : memref<!tpu.dma_semaphore, #tpu.memory_space<semaphore_mem>>)
          %dma_wait3A_126 = arith.constant 0 : i32
          %dma_wait3A_127 = arith.constant 0 : i32
          %dma_wait3A_128 = tpu.memref_slice %arg11[%dma_wait3A_126, %dma_wait3A_127] : memref<80x128xi32, #tpu.memory_space<vmem>> -> memref<1x128xi32, #tpu.memory_space<vmem>>
          %dma_wait3A_129 = tpu.memref_squeeze %dma_wait3A_128 : memref<1x128xi32, #tpu.memory_space<vmem>> -> memref<128xi32, #tpu.memory_space<vmem>>
          %dma_wait3A_130 = arith.constant 0 : i32
          %dma_wait3A_131 = arith.constant 0 : i32
          %dma_wait3A_132 = tpu.memref_slice %arg10[%dma_wait3A_130, %dma_wait3A_131] : memref<10000x64xf32, #tpu.memory_space<vmem_shared>> -> memref<10000x64xf32, #tpu.memory_space<vmem_shared>>
          tpu.wait_indirect_dma semaphore(%arg16 : memref<!tpu.dma_semaphore, #tpu.memory_space<semaphore_mem>>) src(%dma_wait3A_132 : memref<10000x64xf32, #tpu.memory_space<vmem_shared>>) dst(%arg14 : memref<128x64xf32, #tpu.memory_space<vmem>>)
          "tpu.region"() ({
            %run_scoped3A = tpu.sem_alloc : memref<!tpu.dma_semaphore, #tpu.memory_space<semaphore_mem>>
            %dma_start3A_133 = arith.constant 0 : i32
            %dma_start3A_134 = tpu.memref_slice %arg12[%scan3A_98, %dma_start3A_133] : memref<80x128xi32, #tpu.memory_space<vmem>> -> memref<1x128xi32, #tpu.memory_space<vmem>>
            %dma_start3A_135 = tpu.memref_squeeze %dma_start3A_134 : memref<1x128xi32, #tpu.memory_space<vmem>> -> memref<128xi32, #tpu.memory_space<vmem>>
            %dma_start3A_136 = arith.constant 0 : i32
            %dma_start3A_137 = arith.constant 0 : i32
            %dma_start3A_138 = tpu.memref_slice %arg9[%dma_start3A_136, %dma_start3A_137] : memref<10112x64xf32, #tpu.memory_space<vmem_shared>> -> memref<10112x64xf32, #tpu.memory_space<vmem_shared>>
            tpu.enqueue_indirect_dma source(%arg14 : memref<128x64xf32, #tpu.memory_space<vmem>>) target(%dma_start3A_138 : memref<10112x64xf32, #tpu.memory_space<vmem_shared>>) offsets(%dma_start3A_135 : memref<128xi32, #tpu.memory_space<vmem>>) semaphore(%run_scoped3A : memref<!tpu.dma_semaphore, #tpu.memory_space<semaphore_mem>>) {add = true}
            %dma_wait3A_139 = arith.constant 0 : i32
            %dma_wait3A_140 = tpu.memref_slice %arg12[%scan3A_98, %dma_wait3A_139] : memref<80x128xi32, #tpu.memory_space<vmem>> -> memref<1x128xi32, #tpu.memory_space<vmem>>
            %dma_wait3A_141 = tpu.memref_squeeze %dma_wait3A_140 : memref<1x128xi32, #tpu.memory_space<vmem>> -> memref<128xi32, #tpu.memory_space<vmem>>
            %dma_wait3A_142 = arith.constant 0 : i32
            %dma_wait3A_143 = arith.constant 0 : i32
            %dma_wait3A_144 = tpu.memref_slice %arg9[%dma_wait3A_142, %dma_wait3A_143] : memref<10112x64xf32, #tpu.memory_space<vmem_shared>> -> memref<10112x64xf32, #tpu.memory_space<vmem_shared>>
            tpu.wait_indirect_dma semaphore(%run_scoped3A : memref<!tpu.dma_semaphore, #tpu.memory_space<semaphore_mem>>) src(%arg14 : memref<128x64xf32, #tpu.memory_space<vmem>>) dst(%dma_wait3A_144 : memref<10112x64xf32, #tpu.memory_space<vmem_shared>>)
            tpu.yield
          }) : () -> ()
        } else {
        }
      }
      %scan3A_65 = arith.constant 80 : i32
      %dma_wait3A_66 = arith.constant 0 : i32
      %dma_wait3A_67 = arith.constant 0 : i32
      %dma_wait3A_68 = tpu.memref_slice %arg11[%dma_wait3A_66, %dma_wait3A_67] : memref<80x128xi32, #tpu.memory_space<vmem>> -> memref<1x128xi32, #tpu.memory_space<vmem>>
      %dma_wait3A_69 = tpu.memref_squeeze %dma_wait3A_68 : memref<1x128xi32, #tpu.memory_space<vmem>> -> memref<128xi32, #tpu.memory_space<vmem>>
      %dma_wait3A_70 = arith.constant 0 : i32
      %dma_wait3A_71 = arith.constant 0 : i32
      %dma_wait3A_72 = tpu.memref_slice %arg10[%dma_wait3A_70, %dma_wait3A_71] : memref<10000x64xf32, #tpu.memory_space<vmem_shared>> -> memref<10000x64xf32, #tpu.memory_space<vmem_shared>>
      tpu.wait_indirect_dma semaphore(%arg15 : memref<!tpu.dma_semaphore, #tpu.memory_space<semaphore_mem>>) src(%dma_wait3A_72 : memref<10000x64xf32, #tpu.memory_space<vmem_shared>>) dst(%arg13 : memref<128x64xf32, #tpu.memory_space<vmem>>)
      "tpu.region"() ({
        %run_scoped3A = tpu.sem_alloc : memref<!tpu.dma_semaphore, #tpu.memory_space<semaphore_mem>>
        %dma_start3A_98 = arith.constant 80 : i32
        %dma_start3A_99 = arith.constant 0 : i32
        %dma_start3A_100 = tpu.memref_slice %arg4[%arg1, %dma_start3A_98, %dma_start3A_99] : memref<16x160x128xi32, #tpu.memory_space<hbm>> -> memref<1x80x128xi32, #tpu.memory_space<hbm>>
        %dma_start3A_101 = tpu.memref_squeeze %dma_start3A_100 : memref<1x80x128xi32, #tpu.memory_space<hbm>> -> memref<80x128xi32, #tpu.memory_space<hbm>>
        %dma_start3A_102 = arith.constant 80 : i32
        %dma_start3A_103 = arith.constant 0 : i32
        %dma_start3A_104 = tpu.memref_slice %arg4[%arg1, %dma_start3A_102, %dma_start3A_103] : memref<16x160x128xi32, #tpu.memory_space<hbm>> -> memref<1x80x128xi32, #tpu.memory_space<hbm>>
        %dma_start3A_105 = tpu.memref_squeeze %dma_start3A_104 : memref<1x80x128xi32, #tpu.memory_space<hbm>> -> memref<80x128xi32, #tpu.memory_space<hbm>>
        tpu.enqueue_dma source(%dma_start3A_105 : memref<80x128xi32, #tpu.memory_space<hbm>>) target(%arg11 : memref<80x128xi32, #tpu.memory_space<vmem>>) target_semaphore(%run_scoped3A : memref<!tpu.dma_semaphore, #tpu.memory_space<semaphore_mem>>)
        %dma_wait3A_106 = arith.constant 80 : i32
        %dma_wait3A_107 = arith.constant 0 : i32
        %dma_wait3A_108 = tpu.memref_slice %arg4[%arg1, %dma_wait3A_106, %dma_wait3A_107] : memref<16x160x128xi32, #tpu.memory_space<hbm>> -> memref<1x80x128xi32, #tpu.memory_space<hbm>>
        %dma_wait3A_109 = tpu.memref_squeeze %dma_wait3A_108 : memref<1x80x128xi32, #tpu.memory_space<hbm>> -> memref<80x128xi32, #tpu.memory_space<hbm>>
        %dma_wait3A_110 = arith.constant 80 : i32
        %dma_wait3A_111 = arith.constant 0 : i32
        %dma_wait3A_112 = tpu.memref_slice %arg4[%arg1, %dma_wait3A_110, %dma_wait3A_111] : memref<16x160x128xi32, #tpu.memory_space<hbm>> -> memref<1x80x128xi32, #tpu.memory_space<hbm>>
        %dma_wait3A_113 = tpu.memref_squeeze %dma_wait3A_112 : memref<1x80x128xi32, #tpu.memory_space<hbm>> -> memref<80x128xi32, #tpu.memory_space<hbm>>
        tpu.wait_dma2 semaphore(%run_scoped3A : memref<!tpu.dma_semaphore, #tpu.memory_space<semaphore_mem>>) src(%dma_wait3A_113 : memref<80x128xi32, #tpu.memory_space<hbm>>) dst(%arg11 : memref<80x128xi32, #tpu.memory_space<vmem>>)
        tpu.yield
      }) : () -> ()
      "tpu.region"() ({
        %run_scoped3A = tpu.sem_alloc : memref<!tpu.dma_semaphore, #tpu.memory_space<semaphore_mem>>
        %dma_start3A_98 = arith.constant 80 : i32
        %dma_start3A_99 = arith.constant 0 : i32
        %dma_start3A_100 = tpu.memref_slice %arg5[%arg1, %dma_start3A_98, %dma_start3A_99] : memref<16x160x128xi32, #tpu.memory_space<hbm>> -> memref<1x80x128xi32, #tpu.memory_space<hbm>>
        %dma_start3A_101 = tpu.memref_squeeze %dma_start3A_100 : memref<1x80x128xi32, #tpu.memory_space<hbm>> -> memref<80x128xi32, #tpu.memory_space<hbm>>
        %dma_start3A_102 = arith.constant 80 : i32
        %dma_start3A_103 = arith.constant 0 : i32
        %dma_start3A_104 = tpu.memref_slice %arg5[%arg1, %dma_start3A_102, %dma_start3A_103] : memref<16x160x128xi32, #tpu.memory_space<hbm>> -> memref<1x80x128xi32, #tpu.memory_space<hbm>>
        %dma_start3A_105 = tpu.memref_squeeze %dma_start3A_104 : memref<1x80x128xi32, #tpu.memory_space<hbm>> -> memref<80x128xi32, #tpu.memory_space<hbm>>
        tpu.enqueue_dma source(%dma_start3A_105 : memref<80x128xi32, #tpu.memory_space<hbm>>) target(%arg12 : memref<80x128xi32, #tpu.memory_space<vmem>>) target_semaphore(%run_scoped3A : memref<!tpu.dma_semaphore, #tpu.memory_space<semaphore_mem>>)
        %dma_wait3A_106 = arith.constant 80 : i32
        %dma_wait3A_107 = arith.constant 0 : i32
        %dma_wait3A_108 = tpu.memref_slice %arg5[%arg1, %dma_wait3A_106, %dma_wait3A_107] : memref<16x160x128xi32, #tpu.memory_space<hbm>> -> memref<1x80x128xi32, #tpu.memory_space<hbm>>
        %dma_wait3A_109 = tpu.memref_squeeze %dma_wait3A_108 : memref<1x80x128xi32, #tpu.memory_space<hbm>> -> memref<80x128xi32, #tpu.memory_space<hbm>>
        %dma_wait3A_110 = arith.constant 80 : i32
        %dma_wait3A_111 = arith.constant 0 : i32
        %dma_wait3A_112 = tpu.memref_slice %arg5[%arg1, %dma_wait3A_110, %dma_wait3A_111] : memref<16x160x128xi32, #tpu.memory_space<hbm>> -> memref<1x80x128xi32, #tpu.memory_space<hbm>>
        %dma_wait3A_113 = tpu.memref_squeeze %dma_wait3A_112 : memref<1x80x128xi32, #tpu.memory_space<hbm>> -> memref<80x128xi32, #tpu.memory_space<hbm>>
        tpu.wait_dma2 semaphore(%run_scoped3A : memref<!tpu.dma_semaphore, #tpu.memory_space<semaphore_mem>>) src(%dma_wait3A_113 : memref<80x128xi32, #tpu.memory_space<hbm>>) dst(%arg12 : memref<80x128xi32, #tpu.memory_space<vmem>>)
        tpu.yield
      }) : () -> ()
      %dma_start3A_73 = arith.constant 0 : i32
      %dma_start3A_74 = arith.constant 0 : i32
      %dma_start3A_75 = tpu.memref_slice %arg11[%dma_start3A_73, %dma_start3A_74] : memref<80x128xi32, #tpu.memory_space<vmem>> -> memref<1x128xi32, #tpu.memory_space<vmem>>
      %dma_start3A_76 = tpu.memref_squeeze %dma_start3A_75 : memref<1x128xi32, #tpu.memory_space<vmem>> -> memref<128xi32, #tpu.memory_space<vmem>>
      %dma_start3A_77 = arith.constant 0 : i32
      %dma_start3A_78 = arith.constant 0 : i32
      %dma_start3A_79 = tpu.memref_slice %arg10[%dma_start3A_77, %dma_start3A_78] : memref<10000x64xf32, #tpu.memory_space<vmem_shared>> -> memref<10000x64xf32, #tpu.memory_space<vmem_shared>>
      tpu.enqueue_indirect_dma source(%dma_start3A_79 : memref<10000x64xf32, #tpu.memory_space<vmem_shared>>) target(%arg13 : memref<128x64xf32, #tpu.memory_space<vmem>>) offsets(%dma_start3A_76 : memref<128xi32, #tpu.memory_space<vmem>>) semaphore(%arg15 : memref<!tpu.dma_semaphore, #tpu.memory_space<semaphore_mem>>)
      %scan3A_80 = arith.constant 0 : i32
      %scan3A_81 = arith.constant 0 : i32
      %scan3A_82 = arith.constant 80 : i32
      %scan3A_83 = arith.addi %scan3A_81, %scan3A_82 : i32
      %scan3A_84 = arith.constant 1 : i32
      scf.for %scan3A_98 = %scan3A_81 to %scan3A_83 step %scan3A_84  : i32 {
        %jit3A = arith.constant 2 : i32
        %eq3A_99 = arith.constant 0 : i32
        %eq3A_100 = arith.cmpi eq, %jit3A, %eq3A_99 : i32
        %jit3A_101 = arith.constant 1 : i32
        %select_n3A = arith.select %eq3A_100, %jit3A_101, %jit3A : i32
        %rem3A = arith.remsi %scan3A_98, %select_n3A : i32
        %ne3A = arith.constant 0 : i32
        %ne3A_102 = arith.cmpi ne, %rem3A, %ne3A : i32
        %lt3A = arith.constant 0 : i32
        %lt3A_103 = arith.cmpi slt, %rem3A, %lt3A : i32
        %lt3A_104 = arith.constant 0 : i32
        %lt3A_105 = arith.cmpi slt, %select_n3A, %lt3A_104 : i32
        %ne3A_106 = arith.xori %lt3A_103, %lt3A_105 : i1
        %and3A = arith.andi %ne3A_106, %ne3A_102 : i1
        %add3A = arith.addi %rem3A, %select_n3A : i32
        %select_n3A_107 = arith.select %and3A, %add3A, %rem3A : i32
        %eq3A_108 = arith.constant 0 : i32
        %eq3A_109 = arith.cmpi eq, %select_n3A_107, %eq3A_108 : i32
        %add3A_110 = arith.constant 1 : i32
        %add3A_111 = arith.addi %scan3A_98, %add3A_110 : i32
        %min3A = arith.constant 79 : i32
        %min3A_112 = arith.minsi %add3A_111, %min3A : i32
        %convert_element_type3A_113 = arith.extui %eq3A_109 : i1 to i32
        %cond3A_114 = arith.constant 0 : i32
        %cond3A_115 = arith.cmpi ne, %convert_element_type3A_113, %cond3A_114 : i32
        scf.if %cond3A_115 {
          %dma_start3A_120 = arith.constant 0 : i32
          %dma_start3A_121 = tpu.memref_slice %arg11[%min3A_112, %dma_start3A_120] : memref<80x128xi32, #tpu.memory_space<vmem>> -> memref<1x128xi32, #tpu.memory_space<vmem>>
          %dma_start3A_122 = tpu.memref_squeeze %dma_start3A_121 : memref<1x128xi32, #tpu.memory_space<vmem>> -> memref<128xi32, #tpu.memory_space<vmem>>
          %dma_start3A_123 = arith.constant 0 : i32
          %dma_start3A_124 = arith.constant 0 : i32
          %dma_start3A_125 = tpu.memref_slice %arg10[%dma_start3A_123, %dma_start3A_124] : memref<10000x64xf32, #tpu.memory_space<vmem_shared>> -> memref<10000x64xf32, #tpu.memory_space<vmem_shared>>
          tpu.enqueue_indirect_dma source(%dma_start3A_125 : memref<10000x64xf32, #tpu.memory_space<vmem_shared>>) target(%arg14 : memref<128x64xf32, #tpu.memory_space<vmem>>) offsets(%dma_start3A_122 : memref<128xi32, #tpu.memory_space<vmem>>) semaphore(%arg16 : memref<!tpu.dma_semaphore, #tpu.memory_space<semaphore_mem>>)
          %dma_wait3A_126 = arith.constant 0 : i32
          %dma_wait3A_127 = arith.constant 0 : i32
          %dma_wait3A_128 = tpu.memref_slice %arg11[%dma_wait3A_126, %dma_wait3A_127] : memref<80x128xi32, #tpu.memory_space<vmem>> -> memref<1x128xi32, #tpu.memory_space<vmem>>
          %dma_wait3A_129 = tpu.memref_squeeze %dma_wait3A_128 : memref<1x128xi32, #tpu.memory_space<vmem>> -> memref<128xi32, #tpu.memory_space<vmem>>
          %dma_wait3A_130 = arith.constant 0 : i32
          %dma_wait3A_131 = arith.constant 0 : i32
          %dma_wait3A_132 = tpu.memref_slice %arg10[%dma_wait3A_130, %dma_wait3A_131] : memref<10000x64xf32, #tpu.memory_space<vmem_shared>> -> memref<10000x64xf32, #tpu.memory_space<vmem_shared>>
          tpu.wait_indirect_dma semaphore(%arg15 : memref<!tpu.dma_semaphore, #tpu.memory_space<semaphore_mem>>) src(%dma_wait3A_132 : memref<10000x64xf32, #tpu.memory_space<vmem_shared>>) dst(%arg13 : memref<128x64xf32, #tpu.memory_space<vmem>>)
          "tpu.region"() ({
            %run_scoped3A = tpu.sem_alloc : memref<!tpu.dma_semaphore, #tpu.memory_space<semaphore_mem>>
            %dma_start3A_133 = arith.constant 0 : i32
            %dma_start3A_134 = tpu.memref_slice %arg12[%scan3A_98, %dma_start3A_133] : memref<80x128xi32, #tpu.memory_space<vmem>> -> memref<1x128xi32, #tpu.memory_space<vmem>>
            %dma_start3A_135 = tpu.memref_squeeze %dma_start3A_134 : memref<1x128xi32, #tpu.memory_space<vmem>> -> memref<128xi32, #tpu.memory_space<vmem>>
            %dma_start3A_136 = arith.constant 0 : i32
            %dma_start3A_137 = arith.constant 0 : i32
            %dma_start3A_138 = tpu.memref_slice %arg9[%dma_start3A_136, %dma_start3A_137] : memref<10112x64xf32, #tpu.memory_space<vmem_shared>> -> memref<10112x64xf32, #tpu.memory_space<vmem_shared>>
            tpu.enqueue_indirect_dma source(%arg13 : memref<128x64xf32, #tpu.memory_space<vmem>>) target(%dma_start3A_138 : memref<10112x64xf32, #tpu.memory_space<vmem_shared>>) offsets(%dma_start3A_135 : memref<128xi32, #tpu.memory_space<vmem>>) semaphore(%run_scoped3A : memref<!tpu.dma_semaphore, #tpu.memory_space<semaphore_mem>>) {add = true}
            %dma_wait3A_139 = arith.constant 0 : i32
            %dma_wait3A_140 = tpu.memref_slice %arg12[%scan3A_98, %dma_wait3A_139] : memref<80x128xi32, #tpu.memory_space<vmem>> -> memref<1x128xi32, #tpu.memory_space<vmem>>
            %dma_wait3A_141 = tpu.memref_squeeze %dma_wait3A_140 : memref<1x128xi32, #tpu.memory_space<vmem>> -> memref<128xi32, #tpu.memory_space<vmem>>
            %dma_wait3A_142 = arith.constant 0 : i32
            %dma_wait3A_143 = arith.constant 0 : i32
            %dma_wait3A_144 = tpu.memref_slice %arg9[%dma_wait3A_142, %dma_wait3A_143] : memref<10112x64xf32, #tpu.memory_space<vmem_shared>> -> memref<10112x64xf32, #tpu.memory_space<vmem_shared>>
            tpu.wait_indirect_dma semaphore(%run_scoped3A : memref<!tpu.dma_semaphore, #tpu.memory_space<semaphore_mem>>) src(%arg13 : memref<128x64xf32, #tpu.memory_space<vmem>>) dst(%dma_wait3A_144 : memref<10112x64xf32, #tpu.memory_space<vmem_shared>>)
            tpu.yield
          }) : () -> ()
        } else {
        }
        %not3A = arith.constant true
        %not3A_116 = arith.xori %eq3A_109, %not3A : i1
        %convert_element_type3A_117 = arith.extui %not3A_116 : i1 to i32
        %cond3A_118 = arith.constant 0 : i32
        %cond3A_119 = arith.cmpi ne, %convert_element_type3A_117, %cond3A_118 : i32
        scf.if %cond3A_119 {
          %dma_start3A_120 = arith.constant 0 : i32
          %dma_start3A_121 = tpu.memref_slice %arg11[%min3A_112, %dma_start3A_120] : memref<80x128xi32, #tpu.memory_space<vmem>> -> memref<1x128xi32, #tpu.memory_space<vmem>>
          %dma_start3A_122 = tpu.memref_squeeze %dma_start3A_121 : memref<1x128xi32, #tpu.memory_space<vmem>> -> memref<128xi32, #tpu.memory_space<vmem>>
          %dma_start3A_123 = arith.constant 0 : i32
          %dma_start3A_124 = arith.constant 0 : i32
          %dma_start3A_125 = tpu.memref_slice %arg10[%dma_start3A_123, %dma_start3A_124] : memref<10000x64xf32, #tpu.memory_space<vmem_shared>> -> memref<10000x64xf32, #tpu.memory_space<vmem_shared>>
          tpu.enqueue_indirect_dma source(%dma_start3A_125 : memref<10000x64xf32, #tpu.memory_space<vmem_shared>>) target(%arg13 : memref<128x64xf32, #tpu.memory_space<vmem>>) offsets(%dma_start3A_122 : memref<128xi32, #tpu.memory_space<vmem>>) semaphore(%arg15 : memref<!tpu.dma_semaphore, #tpu.memory_space<semaphore_mem>>)
          %dma_wait3A_126 = arith.constant 0 : i32
          %dma_wait3A_127 = arith.constant 0 : i32
          %dma_wait3A_128 = tpu.memref_slice %arg11[%dma_wait3A_126, %dma_wait3A_127] : memref<80x128xi32, #tpu.memory_space<vmem>> -> memref<1x128xi32, #tpu.memory_space<vmem>>
          %dma_wait3A_129 = tpu.memref_squeeze %dma_wait3A_128 : memref<1x128xi32, #tpu.memory_space<vmem>> -> memref<128xi32, #tpu.memory_space<vmem>>
          %dma_wait3A_130 = arith.constant 0 : i32
          %dma_wait3A_131 = arith.constant 0 : i32
          %dma_wait3A_132 = tpu.memref_slice %arg10[%dma_wait3A_130, %dma_wait3A_131] : memref<10000x64xf32, #tpu.memory_space<vmem_shared>> -> memref<10000x64xf32, #tpu.memory_space<vmem_shared>>
          tpu.wait_indirect_dma semaphore(%arg16 : memref<!tpu.dma_semaphore, #tpu.memory_space<semaphore_mem>>) src(%dma_wait3A_132 : memref<10000x64xf32, #tpu.memory_space<vmem_shared>>) dst(%arg14 : memref<128x64xf32, #tpu.memory_space<vmem>>)
          "tpu.region"() ({
            %run_scoped3A = tpu.sem_alloc : memref<!tpu.dma_semaphore, #tpu.memory_space<semaphore_mem>>
            %dma_start3A_133 = arith.constant 0 : i32
            %dma_start3A_134 = tpu.memref_slice %arg12[%scan3A_98, %dma_start3A_133] : memref<80x128xi32, #tpu.memory_space<vmem>> -> memref<1x128xi32, #tpu.memory_space<vmem>>
            %dma_start3A_135 = tpu.memref_squeeze %dma_start3A_134 : memref<1x128xi32, #tpu.memory_space<vmem>> -> memref<128xi32, #tpu.memory_space<vmem>>
            %dma_start3A_136 = arith.constant 0 : i32
            %dma_start3A_137 = arith.constant 0 : i32
            %dma_start3A_138 = tpu.memref_slice %arg9[%dma_start3A_136, %dma_start3A_137] : memref<10112x64xf32, #tpu.memory_space<vmem_shared>> -> memref<10112x64xf32, #tpu.memory_space<vmem_shared>>
            tpu.enqueue_indirect_dma source(%arg14 : memref<128x64xf32, #tpu.memory_space<vmem>>) target(%dma_start3A_138 : memref<10112x64xf32, #tpu.memory_space<vmem_shared>>) offsets(%dma_start3A_135 : memref<128xi32, #tpu.memory_space<vmem>>) semaphore(%run_scoped3A : memref<!tpu.dma_semaphore, #tpu.memory_space<semaphore_mem>>) {add = true}
            %dma_wait3A_139 = arith.constant 0 : i32
            %dma_wait3A_140 = tpu.memref_slice %arg12[%scan3A_98, %dma_wait3A_139] : memref<80x128xi32, #tpu.memory_space<vmem>> -> memref<1x128xi32, #tpu.memory_space<vmem>>
            %dma_wait3A_141 = tpu.memref_squeeze %dma_wait3A_140 : memref<1x128xi32, #tpu.memory_space<vmem>> -> memref<128xi32, #tpu.memory_space<vmem>>
            %dma_wait3A_142 = arith.constant 0 : i32
            %dma_wait3A_143 = arith.constant 0 : i32
            %dma_wait3A_144 = tpu.memref_slice %arg9[%dma_wait3A_142, %dma_wait3A_143] : memref<10112x64xf32, #tpu.memory_space<vmem_shared>> -> memref<10112x64xf32, #tpu.memory_space<vmem_shared>>
            tpu.wait_indirect_dma semaphore(%run_scoped3A : memref<!tpu.dma_semaphore, #tpu.memory_space<semaphore_mem>>) src(%arg14 : memref<128x64xf32, #tpu.memory_space<vmem>>) dst(%dma_wait3A_144 : memref<10112x64xf32, #tpu.memory_space<vmem_shared>>)
            tpu.yield
          }) : () -> ()
        } else {
        }
      }
      %scan3A_85 = arith.constant 80 : i32
      %dma_wait3A_86 = arith.constant 0 : i32
      %dma_wait3A_87 = arith.constant 0 : i32
      %dma_wait3A_88 = tpu.memref_slice %arg11[%dma_wait3A_86, %dma_wait3A_87] : memref<80x128xi32, #tpu.memory_space<vmem>> -> memref<1x128xi32, #tpu.memory_space<vmem>>
      %dma_wait3A_89 = tpu.memref_squeeze %dma_wait3A_88 : memref<1x128xi32, #tpu.memory_space<vmem>> -> memref<128xi32, #tpu.memory_space<vmem>>
      %dma_wait3A_90 = arith.constant 0 : i32
      %dma_wait3A_91 = arith.constant 0 : i32
      %dma_wait3A_92 = tpu.memref_slice %arg10[%dma_wait3A_90, %dma_wait3A_91] : memref<10000x64xf32, #tpu.memory_space<vmem_shared>> -> memref<10000x64xf32, #tpu.memory_space<vmem_shared>>
      tpu.wait_indirect_dma semaphore(%arg15 : memref<!tpu.dma_semaphore, #tpu.memory_space<semaphore_mem>>) src(%dma_wait3A_92 : memref<10000x64xf32, #tpu.memory_space<vmem_shared>>) dst(%arg13 : memref<128x64xf32, #tpu.memory_space<vmem>>)
      %barrier3A_93 = arith.constant 0 : index
      tpu.barrier barrier_id(%barrier3A_93)
      %mul3A_94 = arith.constant 632 : i32
      %mul3A_95 = arith.muli %arg1, %mul3A_94 : i32
      %mul3A_96 = arith.constant 632 : i32
      %mul3A_97 = arith.muli %arg1, %mul3A_96 : i32
      "tpu.region"() ({
        %run_scoped3A = tpu.sem_alloc : memref<!tpu.dma_semaphore, #tpu.memory_space<semaphore_mem>>
        %dma_start3A_98 = arith.constant 0 : i32
        %dma_start3A_99 = tpu.memref_slice %arg8[%mul3A_97, %dma_start3A_98] : memref<10112x64xf32, #tpu.memory_space<hbm>> -> memref<632x64xf32, #tpu.memory_space<hbm>>
        %dma_start3A_100 = arith.constant 0 : i32
        %dma_start3A_101 = tpu.memref_slice %arg9[%mul3A_95, %dma_start3A_100] : memref<10112x64xf32, #tpu.memory_space<vmem_shared>> -> memref<632x64xf32, #tpu.memory_space<vmem_shared>>
        tpu.enqueue_dma source(%dma_start3A_101 : memref<632x64xf32, #tpu.memory_space<vmem_shared>>) target(%dma_start3A_99 : memref<632x64xf32, #tpu.memory_space<hbm>>) target_semaphore(%run_scoped3A : memref<!tpu.dma_semaphore, #tpu.memory_space<semaphore_mem>>)
        %dma_wait3A_102 = arith.constant 0 : i32
        %dma_wait3A_103 = tpu.memref_slice %arg8[%mul3A_97, %dma_wait3A_102] : memref<10112x64xf32, #tpu.memory_space<hbm>> -> memref<632x64xf32, #tpu.memory_space<hbm>>
        %dma_wait3A_104 = arith.constant 0 : i32
        %dma_wait3A_105 = tpu.memref_slice %arg9[%mul3A_95, %dma_wait3A_104] : memref<10112x64xf32, #tpu.memory_space<vmem_shared>> -> memref<632x64xf32, #tpu.memory_space<vmem_shared>>
        tpu.wait_dma2 semaphore(%run_scoped3A : memref<!tpu.dma_semaphore, #tpu.memory_space<semaphore_mem>>) src(%dma_wait3A_105 : memref<632x64xf32, #tpu.memory_space<vmem_shared>>) dst(%dma_wait3A_103 : memref<632x64xf32, #tpu.memory_space<hbm>>)
        tpu.yield
      }) : () -> ()
    } else {
    }
    return
  }
}

module attributes {stable_mosaic.version = 14 : i64} {
  func.func @body(%arg0: i32, %arg1: memref<1000x128xf32, #tpu.memory_space<vmem>>, %arg2: memref<128x128xf32, #tpu.memory_space<vmem>>, %arg3: memref<128x128xf32, #tpu.memory_space<vmem>>, %arg4: memref<1x128xf32, #tpu.memory_space<vmem>>, %arg5: memref<1000x128xf32, #tpu.memory_space<vmem>>, %arg6: memref<1000x64xf32, #tpu.memory_space<vmem>>, %arg7: memref<1000x64xf32, #tpu.memory_space<vmem>>) attributes {dimension_semantics = [#tpu.dimension_semantics<arbitrary>], iteration_bounds = array<i64: 10>, scalar_prefetch = 0 : i64, scratch_operands = 0 : i64, tpu.core_type = #tpu.core_type<tc>, window_params = [{transform_indices = @transform_0, window_bounds = array<i64: 1000, 128>}, {pipeline_mode = #tpu.pipeline_mode<synchronous>, transform_indices = @transform_1, window_bounds = array<i64: 128, 128>}, {pipeline_mode = #tpu.pipeline_mode<synchronous>, transform_indices = @transform_2, window_bounds = array<i64: 128, 128>}, {pipeline_mode = #tpu.pipeline_mode<synchronous>, transform_indices = @transform_3, window_bounds = array<i64: 1, 128>}, {transform_indices = @transform_4, window_bounds = array<i64: 1000, 128>}, {transform_indices = @transform_5, window_bounds = array<i64: 1000, 64>}, {transform_indices = @transform_6, window_bounds = array<i64: 1000, 64>}]} {
    %get3A = arith.constant 0 : index
    %get3A_0 = arith.constant 0 : index
    %get3A_1 = vector.load %arg1[%get3A, %get3A_0] : memref<1000x128xf32, #tpu.memory_space<vmem>>, vector<1000x128xf32>
    %get3A_2 = arith.constant 0 : index
    %get3A_3 = arith.constant 0 : index
    %get3A_4 = vector.load %arg2[%get3A_2, %get3A_3] : memref<128x128xf32, #tpu.memory_space<vmem>>, vector<128x128xf32>
    %dot_general3A = arith.constant dense<0.000000e+00> : vector<1000x128xf32>
    %dot_general3A_5 = tpu.matmul %get3A_1, %get3A_4, %dot_general3A {dimension_numbers = #tpu.dot_dimension_numbers<[1], [0], [0], [1], [0, 0, 1, 1], [], []>, transpose_lhs_hint = false} : vector<1000x128xf32>, vector<128x128xf32>, vector<1000x128xf32> -> vector<1000x128xf32>
    %get3A_6 = arith.constant 0 : index
    %get3A_7 = arith.constant 0 : index
    %get3A_8 = vector.load %arg4[%get3A_6, %get3A_7] : memref<1x128xf32, #tpu.memory_space<vmem>>, vector<1x128xf32>
    %add3A = vector.broadcast %get3A_8 : vector<1x128xf32> to vector<1000x128xf32>
    %add3A_9 = arith.addf %dot_general3A_5, %add3A : vector<1000x128xf32>
    %swap3A = arith.constant 0 : index
    %swap3A_10 = arith.constant 0 : index
    %swap3A_11 = vector.load %arg5[%swap3A, %swap3A_10] : memref<1000x128xf32, #tpu.memory_space<vmem>>, vector<1000x128xf32>
    tpu.vector_store %arg5[%swap3A, %swap3A_10], %add3A_9 {strides = array<i32>} : memref<1000x128xf32, #tpu.memory_space<vmem>>, vector<1000x128xf32>,
    %get3A_12 = arith.constant 0 : index
    %get3A_13 = arith.constant 0 : index
    %get3A_14 = vector.load %arg3[%get3A_12, %get3A_13] : memref<128x128xf32, #tpu.memory_space<vmem>>, vector<128x128xf32>
    %dot_general3A_15 = arith.constant dense<0.000000e+00> : vector<1000x128xf32>
    %dot_general3A_16 = tpu.matmul %get3A_1, %get3A_14, %dot_general3A_15 {dimension_numbers = #tpu.dot_dimension_numbers<[1], [0], [0], [1], [0, 0, 1, 1], [], []>, transpose_lhs_hint = false} : vector<1000x128xf32>, vector<128x128xf32>, vector<1000x128xf32> -> vector<1000x128xf32>
    %slice3A = vector.extract_strided_slice %dot_general3A_16 {offsets = [0, 0], sizes = [1000, 64], strides = [1, 1]} : vector<1000x128xf32> to vector<1000x64xf32>
    %swap3A_17 = arith.constant 0 : index
    %swap3A_18 = arith.constant 0 : index
    %swap3A_19 = vector.load %arg6[%swap3A_17, %swap3A_18] : memref<1000x64xf32, #tpu.memory_space<vmem>>, vector<1000x64xf32>
    tpu.vector_store %arg6[%swap3A_17, %swap3A_18], %slice3A {strides = array<i32>} : memref<1000x64xf32, #tpu.memory_space<vmem>>, vector<1000x64xf32>,
    %slice3A_20 = vector.extract_strided_slice %dot_general3A_16 {offsets = [0, 64], sizes = [1000, 64], strides = [1, 1]} : vector<1000x128xf32> to vector<1000x64xf32>
    %swap3A_21 = arith.constant 0 : index
    %swap3A_22 = arith.constant 0 : index
    %swap3A_23 = vector.load %arg7[%swap3A_21, %swap3A_22] : memref<1000x64xf32, #tpu.memory_space<vmem>>, vector<1000x64xf32>
    tpu.vector_store %arg7[%swap3A_21, %swap3A_22], %slice3A_20 {strides = array<i32>} : memref<1000x64xf32, #tpu.memory_space<vmem>>, vector<1000x64xf32>,
    return
  }
  func.func @transform_0(%arg0: i32) -> (i32, i32) {
    %c0_i32 = arith.constant 0 : i32
    %c0_i32_0 = arith.constant 0 : i32
    return %arg0, %c0_i32 : i32, i32
  }
  func.func @transform_1(%arg0: i32) -> (i32, i32) {
    %c0_i32 = arith.constant 0 : i32
    %c0_i32_0 = arith.constant 0 : i32
    %c0_i32_1 = arith.constant 0 : i32
    return %c0_i32, %c0_i32_0 : i32, i32
  }
  func.func @transform_2(%arg0: i32) -> (i32, i32) {
    %c0_i32 = arith.constant 0 : i32
    %c0_i32_0 = arith.constant 0 : i32
    %c0_i32_1 = arith.constant 0 : i32
    return %c0_i32, %c0_i32_0 : i32, i32
  }
  func.func @transform_3(%arg0: i32) -> (i32, i32) {
    %c0_i32 = arith.constant 0 : i32
    %c0_i32_0 = arith.constant 0 : i32
    %c0_i32_1 = arith.constant 0 : i32
    return %c0_i32, %c0_i32_0 : i32, i32
  }
  func.func @transform_4(%arg0: i32) -> (i32, i32) {
    %c0_i32 = arith.constant 0 : i32
    %c0_i32_0 = arith.constant 0 : i32
    return %arg0, %c0_i32 : i32, i32
  }
  func.func @transform_5(%arg0: i32) -> (i32, i32) {
    %c0_i32 = arith.constant 0 : i32
    %c0_i32_0 = arith.constant 0 : i32
    return %arg0, %c0_i32 : i32, i32
  }
  func.func @transform_6(%arg0: i32) -> (i32, i32) {
    %c0_i32 = arith.constant 0 : i32
    %c0_i32_0 = arith.constant 0 : i32
    return %arg0, %c0_i32 : i32, i32
  }
}

module attributes {stable_mosaic.version = 14 : i64} {
  func.func @body(%arg0: i32, %arg1: memref<1000x128xf32, #tpu.memory_space<vmem>>, %arg2: memref<1000x64xf32, #tpu.memory_space<vmem>>, %arg3: memref<1000x64xf32, #tpu.memory_space<vmem>>, %arg4: memref<1000x16xf32, #tpu.memory_space<vmem>>, %arg5: memref<1000x16xf32, #tpu.memory_space<vmem>>, %arg6: memref<128x128xf32, #tpu.memory_space<vmem>>, %arg7: memref<128x128xf32, #tpu.memory_space<vmem>>, %arg8: memref<1x128xf32, #tpu.memory_space<vmem>>, %arg9: memref<1000x128xf32, #tpu.memory_space<vmem>>, %arg10: memref<1000x64xf32, #tpu.memory_space<vmem>>, %arg11: memref<1000x64xf32, #tpu.memory_space<vmem>>) attributes {dimension_semantics = [#tpu.dimension_semantics<arbitrary>], iteration_bounds = array<i64: 10>, scalar_prefetch = 0 : i64, scratch_operands = 0 : i64, tpu.core_type = #tpu.core_type<tc>, window_params = [{transform_indices = @transform_0, window_bounds = array<i64: 1000, 128>}, {transform_indices = @transform_1, window_bounds = array<i64: 1000, 64>}, {transform_indices = @transform_2, window_bounds = array<i64: 1000, 64>}, {transform_indices = @transform_3, window_bounds = array<i64: 1000, 16>}, {transform_indices = @transform_4, window_bounds = array<i64: 1000, 16>}, {pipeline_mode = #tpu.pipeline_mode<synchronous>, transform_indices = @transform_5, window_bounds = array<i64: 128, 128>}, {pipeline_mode = #tpu.pipeline_mode<synchronous>, transform_indices = @transform_6, window_bounds = array<i64: 128, 128>}, {pipeline_mode = #tpu.pipeline_mode<synchronous>, transform_indices = @transform_7, window_bounds = array<i64: 1, 128>}, {transform_indices = @transform_8, window_bounds = array<i64: 1000, 128>}, {transform_indices = @transform_9, window_bounds = array<i64: 1000, 64>}, {transform_indices = @transform_10, window_bounds = array<i64: 1000, 64>}]} {
    %get3A = arith.constant 0 : index
    %get3A_0 = arith.constant 0 : index
    %get3A_1 = vector.load %arg4[%get3A, %get3A_0] : memref<1000x16xf32, #tpu.memory_space<vmem>>, vector<1000x16xf32>
    %slice3A = vector.extract_strided_slice %get3A_1 {offsets = [0, 0], sizes = [1000, 1], strides = [1, 1]} : vector<1000x16xf32> to vector<1000x1xf32>
    %get3A_2 = arith.constant 0 : index
    %get3A_3 = arith.constant 0 : index
    %get3A_4 = vector.load %arg5[%get3A_2, %get3A_3] : memref<1000x16xf32, #tpu.memory_space<vmem>>, vector<1000x16xf32>
    %slice3A_5 = vector.extract_strided_slice %get3A_4 {offsets = [0, 0], sizes = [1000, 1], strides = [1, 1]} : vector<1000x16xf32> to vector<1000x1xf32>
    %add3A = arith.addf %slice3A, %slice3A_5 : vector<1000x1xf32>
    %max3A = arith.constant 1.000000e+00 : f32
    %max3A_6 = vector.broadcast %max3A : f32 to vector<1000x1xf32>
    %max3A_7 = arith.maximumf %add3A, %max3A_6 : vector<1000x1xf32>
    %div3A = arith.constant 1.000000e+00 : f32
    %div3A_8 = vector.broadcast %div3A : f32 to vector<1000x1xf32>
    %div3A_9 = arith.divf %div3A_8, %max3A_7 : vector<1000x1xf32>
    %get3A_10 = arith.constant 0 : index
    %get3A_11 = arith.constant 0 : index
    %get3A_12 = vector.load %arg2[%get3A_10, %get3A_11] : memref<1000x64xf32, #tpu.memory_space<vmem>>, vector<1000x64xf32>
    %get3A_13 = arith.constant 0 : index
    %get3A_14 = arith.constant 0 : index
    %get3A_15 = vector.load %arg3[%get3A_13, %get3A_14] : memref<1000x64xf32, #tpu.memory_space<vmem>>, vector<1000x64xf32>
    %concatenate3A = tpu.concatenate %get3A_12, %get3A_15 in 1 : vector<1000x64xf32>, vector<1000x64xf32> -> vector<1000x128xf32>
    %mul3A = vector.broadcast %div3A_9 : vector<1000x1xf32> to vector<1000x128xf32>
    %mul3A_16 = arith.mulf %concatenate3A, %mul3A : vector<1000x128xf32>
    %get3A_17 = arith.constant 0 : index
    %get3A_18 = arith.constant 0 : index
    %get3A_19 = vector.load %arg1[%get3A_17, %get3A_18] : memref<1000x128xf32, #tpu.memory_space<vmem>>, vector<1000x128xf32>
    %add3A_20 = arith.addf %get3A_19, %mul3A_16 : vector<1000x128xf32>
    %max3A_21 = arith.constant 0.000000e+00 : f32
    %max3A_22 = vector.broadcast %max3A_21 : f32 to vector<1000x128xf32>
    %max3A_23 = arith.maximumf %add3A_20, %max3A_22 : vector<1000x128xf32>
    %get3A_24 = arith.constant 0 : index
    %get3A_25 = arith.constant 0 : index
    %get3A_26 = vector.load %arg6[%get3A_24, %get3A_25] : memref<128x128xf32, #tpu.memory_space<vmem>>, vector<128x128xf32>
    %dot_general3A = arith.constant dense<0.000000e+00> : vector<1000x128xf32>
    %dot_general3A_27 = tpu.matmul %max3A_23, %get3A_26, %dot_general3A {dimension_numbers = #tpu.dot_dimension_numbers<[1], [0], [0], [1], [0, 0, 1, 1], [], []>, transpose_lhs_hint = false} : vector<1000x128xf32>, vector<128x128xf32>, vector<1000x128xf32> -> vector<1000x128xf32>
    %get3A_28 = arith.constant 0 : index
    %get3A_29 = arith.constant 0 : index
    %get3A_30 = vector.load %arg8[%get3A_28, %get3A_29] : memref<1x128xf32, #tpu.memory_space<vmem>>, vector<1x128xf32>
    %add3A_31 = vector.broadcast %get3A_30 : vector<1x128xf32> to vector<1000x128xf32>
    %add3A_32 = arith.addf %dot_general3A_27, %add3A_31 : vector<1000x128xf32>
    %swap3A = arith.constant 0 : index
    %swap3A_33 = arith.constant 0 : index
    %swap3A_34 = vector.load %arg9[%swap3A, %swap3A_33] : memref<1000x128xf32, #tpu.memory_space<vmem>>, vector<1000x128xf32>
    tpu.vector_store %arg9[%swap3A, %swap3A_33], %add3A_32 {strides = array<i32>} : memref<1000x128xf32, #tpu.memory_space<vmem>>, vector<1000x128xf32>,
    %get3A_35 = arith.constant 0 : index
    %get3A_36 = arith.constant 0 : index
    %get3A_37 = vector.load %arg7[%get3A_35, %get3A_36] : memref<128x128xf32, #tpu.memory_space<vmem>>, vector<128x128xf32>
    %dot_general3A_38 = arith.constant dense<0.000000e+00> : vector<1000x128xf32>
    %dot_general3A_39 = tpu.matmul %max3A_23, %get3A_37, %dot_general3A_38 {dimension_numbers = #tpu.dot_dimension_numbers<[1], [0], [0], [1], [0, 0, 1, 1], [], []>, transpose_lhs_hint = false} : vector<1000x128xf32>, vector<128x128xf32>, vector<1000x128xf32> -> vector<1000x128xf32>
    %slice3A_40 = vector.extract_strided_slice %dot_general3A_39 {offsets = [0, 0], sizes = [1000, 64], strides = [1, 1]} : vector<1000x128xf32> to vector<1000x64xf32>
    %swap3A_41 = arith.constant 0 : index
    %swap3A_42 = arith.constant 0 : index
    %swap3A_43 = vector.load %arg10[%swap3A_41, %swap3A_42] : memref<1000x64xf32, #tpu.memory_space<vmem>>, vector<1000x64xf32>
    tpu.vector_store %arg10[%swap3A_41, %swap3A_42], %slice3A_40 {strides = array<i32>} : memref<1000x64xf32, #tpu.memory_space<vmem>>, vector<1000x64xf32>,
    %slice3A_44 = vector.extract_strided_slice %dot_general3A_39 {offsets = [0, 64], sizes = [1000, 64], strides = [1, 1]} : vector<1000x128xf32> to vector<1000x64xf32>
    %swap3A_45 = arith.constant 0 : index
    %swap3A_46 = arith.constant 0 : index
    %swap3A_47 = vector.load %arg11[%swap3A_45, %swap3A_46] : memref<1000x64xf32, #tpu.memory_space<vmem>>, vector<1000x64xf32>
    tpu.vector_store %arg11[%swap3A_45, %swap3A_46], %slice3A_44 {strides = array<i32>} : memref<1000x64xf32, #tpu.memory_space<vmem>>, vector<1000x64xf32>,
    return
  }
  func.func @transform_0(%arg0: i32) -> (i32, i32) {
    %c0_i32 = arith.constant 0 : i32
    %c0_i32_0 = arith.constant 0 : i32
    return %arg0, %c0_i32 : i32, i32
  }
  func.func @transform_1(%arg0: i32) -> (i32, i32) {
    %c0_i32 = arith.constant 0 : i32
    %c0_i32_0 = arith.constant 0 : i32
    return %arg0, %c0_i32 : i32, i32
  }
  func.func @transform_2(%arg0: i32) -> (i32, i32) {
    %c0_i32 = arith.constant 0 : i32
    %c0_i32_0 = arith.constant 0 : i32
    return %arg0, %c0_i32 : i32, i32
  }
  func.func @transform_3(%arg0: i32) -> (i32, i32) {
    %c0_i32 = arith.constant 0 : i32
    %c0_i32_0 = arith.constant 0 : i32
    return %arg0, %c0_i32 : i32, i32
  }
  func.func @transform_4(%arg0: i32) -> (i32, i32) {
    %c0_i32 = arith.constant 0 : i32
    %c0_i32_0 = arith.constant 0 : i32
    return %arg0, %c0_i32 : i32, i32
  }
  func.func @transform_5(%arg0: i32) -> (i32, i32) {
    %c0_i32 = arith.constant 0 : i32
    %c0_i32_0 = arith.constant 0 : i32
    %c0_i32_1 = arith.constant 0 : i32
    return %c0_i32, %c0_i32_0 : i32, i32
  }
  func.func @transform_6(%arg0: i32) -> (i32, i32) {
    %c0_i32 = arith.constant 0 : i32
    %c0_i32_0 = arith.constant 0 : i32
    %c0_i32_1 = arith.constant 0 : i32
    return %c0_i32, %c0_i32_0 : i32, i32
  }
  func.func @transform_7(%arg0: i32) -> (i32, i32) {
    %c0_i32 = arith.constant 0 : i32
    %c0_i32_0 = arith.constant 0 : i32
    %c0_i32_1 = arith.constant 0 : i32
    return %c0_i32, %c0_i32_0 : i32, i32
  }
  func.func @transform_8(%arg0: i32) -> (i32, i32) {
    %c0_i32 = arith.constant 0 : i32
    %c0_i32_0 = arith.constant 0 : i32
    return %arg0, %c0_i32 : i32, i32
  }
  func.func @transform_9(%arg0: i32) -> (i32, i32) {
    %c0_i32 = arith.constant 0 : i32
    %c0_i32_0 = arith.constant 0 : i32
    return %arg0, %c0_i32 : i32, i32
  }
  func.func @transform_10(%arg0: i32) -> (i32, i32) {
    %c0_i32 = arith.constant 0 : i32
    %c0_i32_0 = arith.constant 0 : i32
    return %arg0, %c0_i32 : i32, i32
  }
}

module attributes {stable_mosaic.version = 14 : i64} {
  func.func @body(%arg0: i32, %arg1: memref<1000x128xf32, #tpu.memory_space<vmem>>, %arg2: memref<1000x64xf32, #tpu.memory_space<vmem>>, %arg3: memref<1000x64xf32, #tpu.memory_space<vmem>>, %arg4: memref<1000x16xf32, #tpu.memory_space<vmem>>, %arg5: memref<1000x16xf32, #tpu.memory_space<vmem>>, %arg6: memref<1000x128xf32, #tpu.memory_space<vmem>>) attributes {dimension_semantics = [#tpu.dimension_semantics<arbitrary>], iteration_bounds = array<i64: 10>, scalar_prefetch = 0 : i64, scratch_operands = 0 : i64, tpu.core_type = #tpu.core_type<tc>, window_params = [{transform_indices = @transform_0, window_bounds = array<i64: 1000, 128>}, {transform_indices = @transform_1, window_bounds = array<i64: 1000, 64>}, {transform_indices = @transform_2, window_bounds = array<i64: 1000, 64>}, {transform_indices = @transform_3, window_bounds = array<i64: 1000, 16>}, {transform_indices = @transform_4, window_bounds = array<i64: 1000, 16>}, {transform_indices = @transform_5, window_bounds = array<i64: 1000, 128>}]} {
    %get3A = arith.constant 0 : index
    %get3A_0 = arith.constant 0 : index
    %get3A_1 = vector.load %arg4[%get3A, %get3A_0] : memref<1000x16xf32, #tpu.memory_space<vmem>>, vector<1000x16xf32>
    %slice3A = vector.extract_strided_slice %get3A_1 {offsets = [0, 0], sizes = [1000, 1], strides = [1, 1]} : vector<1000x16xf32> to vector<1000x1xf32>
    %get3A_2 = arith.constant 0 : index
    %get3A_3 = arith.constant 0 : index
    %get3A_4 = vector.load %arg5[%get3A_2, %get3A_3] : memref<1000x16xf32, #tpu.memory_space<vmem>>, vector<1000x16xf32>
    %slice3A_5 = vector.extract_strided_slice %get3A_4 {offsets = [0, 0], sizes = [1000, 1], strides = [1, 1]} : vector<1000x16xf32> to vector<1000x1xf32>
    %add3A = arith.addf %slice3A, %slice3A_5 : vector<1000x1xf32>
    %max3A = arith.constant 1.000000e+00 : f32
    %max3A_6 = vector.broadcast %max3A : f32 to vector<1000x1xf32>
    %max3A_7 = arith.maximumf %add3A, %max3A_6 : vector<1000x1xf32>
    %div3A = arith.constant 1.000000e+00 : f32
    %div3A_8 = vector.broadcast %div3A : f32 to vector<1000x1xf32>
    %div3A_9 = arith.divf %div3A_8, %max3A_7 : vector<1000x1xf32>
    %get3A_10 = arith.constant 0 : index
    %get3A_11 = arith.constant 0 : index
    %get3A_12 = vector.load %arg2[%get3A_10, %get3A_11] : memref<1000x64xf32, #tpu.memory_space<vmem>>, vector<1000x64xf32>
    %get3A_13 = arith.constant 0 : index
    %get3A_14 = arith.constant 0 : index
    %get3A_15 = vector.load %arg3[%get3A_13, %get3A_14] : memref<1000x64xf32, #tpu.memory_space<vmem>>, vector<1000x64xf32>
    %concatenate3A = tpu.concatenate %get3A_12, %get3A_15 in 1 : vector<1000x64xf32>, vector<1000x64xf32> -> vector<1000x128xf32>
    %mul3A = vector.broadcast %div3A_9 : vector<1000x1xf32> to vector<1000x128xf32>
    %mul3A_16 = arith.mulf %concatenate3A, %mul3A : vector<1000x128xf32>
    %get3A_17 = arith.constant 0 : index
    %get3A_18 = arith.constant 0 : index
    %get3A_19 = vector.load %arg1[%get3A_17, %get3A_18] : memref<1000x128xf32, #tpu.memory_space<vmem>>, vector<1000x128xf32>
    %add3A_20 = arith.addf %get3A_19, %mul3A_16 : vector<1000x128xf32>
    %swap3A = arith.constant 0 : index
    %swap3A_21 = arith.constant 0 : index
    %swap3A_22 = vector.load %arg6[%swap3A, %swap3A_21] : memref<1000x128xf32, #tpu.memory_space<vmem>>, vector<1000x128xf32>
    tpu.vector_store %arg6[%swap3A, %swap3A_21], %add3A_20 {strides = array<i32>} : memref<1000x128xf32, #tpu.memory_space<vmem>>, vector<1000x128xf32>,
    return
  }
  func.func @transform_0(%arg0: i32) -> (i32, i32) {
    %c0_i32 = arith.constant 0 : i32
    %c0_i32_0 = arith.constant 0 : i32
    return %arg0, %c0_i32 : i32, i32
  }
  func.func @transform_1(%arg0: i32) -> (i32, i32) {
    %c0_i32 = arith.constant 0 : i32
    %c0_i32_0 = arith.constant 0 : i32
    return %arg0, %c0_i32 : i32, i32
  }
  func.func @transform_2(%arg0: i32) -> (i32, i32) {
    %c0_i32 = arith.constant 0 : i32
    %c0_i32_0 = arith.constant 0 : i32
    return %arg0, %c0_i32 : i32, i32
  }
  func.func @transform_3(%arg0: i32) -> (i32, i32) {
    %c0_i32 = arith.constant 0 : i32
    %c0_i32_0 = arith.constant 0 : i32
    return %arg0, %c0_i32 : i32, i32
  }
  func.func @transform_4(%arg0: i32) -> (i32, i32) {
    %c0_i32 = arith.constant 0 : i32
    %c0_i32_0 = arith.constant 0 : i32
    return %arg0, %c0_i32 : i32, i32
  }
  func.func @transform_5(%arg0: i32) -> (i32, i32) {
    %c0_i32 = arith.constant 0 : i32
    %c0_i32_0 = arith.constant 0 : i32
    return %arg0, %c0_i32 : i32, i32
  }
}

</mosaic_0001>

<sc_bundles>
// kernel: kernel.10.cloned.1.call-start
scs
__scs_entry_jumppad:
0x0: {  	(pc) =	sbr.rel $0x88, $3  }
0x1: {  	(tag) =	ssettag $0x0;
	lr =	simm.s32 $0x1  }
0x2: {  	[smem:$0x3F96] =	sst lr;
	_ =	strace $0xD0000000  }
0x3: {  	_ = 	snop  }
0x4: {  	_ = 	snop  }
0x5: {  	_ = 	snop  }
0x6: {  	_ = 	snop  }
0x7: {  	_ = 	snop  }
__scs_overlays_trampoline_lowered:
0x8: {  	[smem:$0x3FA5] =	sst s0  }
0x9: {  	[smem:$0x3FA6] =	sst s1  }
0xa: {  	[smem:$0x3FA7] =	sst s2  }
0xb: {  	[smem:$0x3FA8] =	sst s3  }
0xc: {  	[smem:$0x3FA9] =	sst s4  }
0xd: {  	[smem:$0x3FAA] =	sst s5  }
0xe: {  	[smem:$0x3FAB] =	sst s6  }
0xf: {  	[smem:$0x3FAC] =	sst s7  }
0x10: {  	[smem:$0x3FAD] =	sst s8  }
0x11: {  	[smem:$0x3FAE] =	sst s9;
	s0 =	simm.s32 @!p0 $0x0  }
0x12: {  	s1 =	sld [smem:$0x3F94];
	s0 =	simm.s32 @p0 $0x1  }
0x13: {  	[smem:$0x3FAF] =	sst s0;
	s0 =	simm.s32 @!p1 $0x0  }
0x14: {  	s2 =	sld [smem:$0x3F93];
	s0 =	simm.s32 @p1 $0x1  }
0x15: {  	[smem:$0x3FB0] =	sst s0;
	s0 =	simm.s32 @!p2 $0x0  }
0x16: {  	s3 =	sld [smem:$0x3FDB];
	s0 =	simm.s32 @p2 $0x1  }
0x17: {  	s4 =	simm.s32 $0x1BF5;
	[smem:$0x3FB2] =	sst s0  }
0x18: {  	s0 =	sld [smem:$0x3F95];
	_ =	swait.ge [sflag:s4], $0x0  }
0x19: {  	s7 =	sld [smem:$0x3F96]  }
0x1a: {  	s8 =	sadd.s32 $0xFFFFE003, lr  }
0x1b: {  	s9 =	sadd.s32 $0xFFFFFEF7, lr;
	s5 =	simm.s32 $0xFFFFFFFF;
	p2 =	slt.u32 s8, $0xFFFFF086  }
0x1c: {  	p1 =	slt.u32 s9, $0xF7A;
	s5 =	simm.s32 @!p2 $0x0  }
0x1d: {  	s5 =	simm.s32 @p1 $0x1;
	p0 =	seq.s32 s7, s2  }
0x1e: {  	s7 =	smul.u32 @!p0 $0xF7A, s2;
	p2 =	seq.s32 @!p0 s5, $0x0  }
0x1f: {  	s9 =	smul.u32 $0xF7A, s1;
	s8 =	simm.s32 @!p0 $0x1BF5;
	p2 =	por !p2, p0  }
0x20: {  	[sflag:s8] =	ssyncset.s32 @!p0 $0xFFFFF086;
	s6 =	sadd.s32 @!p0 s3, s7;
	s7 =	simm.s32 @!p0 $0x108  }
0x21: {  	s3 =	sadd.s32 s3, s9;
	s6 =	sadd.s32 @!p0 $0x88, s6;
	s7 =	simm.s32 @p2 $0x1082  }
0x22: {  	[simem:s7], [sflag:s8] =	dma.local @!p0 [hbm:s6], $0xF7A  }
0x23: {  	s9 =	sor.u32 $0xD0000000, s2;
	s6 =	simm.s32 $0x108;
	_ =	swait.ge @!p0 [sflag:s8], $0x0  }
0x24: {  	s3 =	sadd.s32 $0x88, s3;
	s6 =	simm.s32 @!p1 $0x1082;
	[sflag:s4] =	ssyncset.s32 $0xFFFFF086  }
0x25: {  	[simem:s6], [sflag:s4] =	dma.local [hbm:s3], $0xF7A  }
0x26: {  	[smem:$0x3F96] =	sst s1;
	(tag) =	ssettag s2;
	_ =	strace s9  }
0x27: {  	s1 =	sld [smem:$0x3FA6]  }
0x28: {  	s2 =	sld [smem:$0x3FA7]  }
0x29: {  	s4 =	sld [smem:$0x3FA9]  }
0x2a: {  	p0 =	seq.s32 s5, $0x0;
	s5 =	sld [smem:$0x3FAA]  }
0x2b: {  	s6 =	sld [smem:$0x3FAB]  }
0x2c: {  	s7 =	sld [smem:$0x3FAC]  }
0x2d: {  	s3 =	simm.s32 $0x108;
	s8 =	sld [smem:$0x3FAD]  }
0x2e: {  	s3 =	simm.s32 @!p0 $0x1082;
	s9 =	sld [smem:$0x3FAE]  }
0x2f: {  	lr =	sadd.s32 s0, s3;
	s0 =	sld [smem:$0x3FA5]  }
0x30: {  	s3 =	sld [smem:$0x3FA8]  }
0x31: {  	[smem:$0x3FB1] =	sst s10  }
0x32: {  	s10 =	sld [smem:$0x3FAF];
	_ =	sdelay $0x3  }
0x33: {  	p0 =	seq.s32 s10, $0x1;
	s10 =	sld [smem:$0x3FB1];
	_ =	sdelay $0x3  }
0x34: {  	[smem:$0x3FB1] =	sst s10  }
0x35: {  	s10 =	sld [smem:$0x3FB0];
	_ =	sdelay $0x3  }
0x36: {  	p1 =	seq.s32 s10, $0x1;
	s10 =	sld [smem:$0x3FB1];
	_ =	sdelay $0x3  }
0x37: {  	[smem:$0x3FB1] =	sst s10  }
0x38: {  	s10 =	sld [smem:$0x3FB2]  }
0x39: {  	_ = 	snop;
	(pc) =	sbr.ind lr, $3  }
0x3a: {  	_ = 	snop  }
0x3b: {  	_ = 	snop  }
0x3c: {  	p2 =	seq.s32 s10, $0x1;
	s10 =	sld [smem:$0x3FB1]  }
0x3d: {  	_ =	shalt  }
0x3e: {  	_ =	shalt  }
0x3f: {  	_ =	shalt  }
0x40: {  	_ =	shalt  }
0x41: {  	_ =	shalt  }
0x42: {  	_ =	shalt  }
0x43: {  	_ =	shalt  }
0x44: {  	_ =	shalt  }
0x45: {  	_ =	shalt  }
0x46: {  	_ =	shalt  }
0x47: {  	_ =	shalt  }
0x48: {  	_ =	shalt  }
0x49: {  	_ =	shalt  }
0x4a: {  	_ =	shalt  }
0x4b: {  	_ =	shalt  }
0x4c: {  	_ =	shalt  }
0x4d: {  	_ =	shalt  }
0x4e: {  	_ =	shalt  }
0x4f: {  	_ =	shalt  }
0x50: {  	_ =	shalt  }
0x51: {  	_ =	shalt  }
0x52: {  	_ =	shalt  }
0x53: {  	_ =	shalt  }
0x54: {  	_ =	shalt  }
0x55: {  	_ =	shalt  }
0x56: {  	_ =	shalt  }
0x57: {  	_ =	shalt  }
0x58: {  	_ =	shalt  }
0x59: {  	_ =	shalt  }
0x5a: {  	_ =	shalt  }
0x5b: {  	_ =	shalt  }
0x5c: {  	_ =	shalt  }
0x5d: {  	_ =	shalt  }
0x5e: {  	_ =	shalt  }
0x5f: {  	_ =	shalt  }
0x60: {  	_ =	shalt  }
0x61: {  	_ =	shalt  }
0x62: {  	_ =	shalt  }
0x63: {  	_ =	shalt  }
0x64: {  	_ =	shalt  }
0x65: {  	_ =	shalt  }
0x66: {  	_ =	shalt  }
0x67: {  	_ =	shalt  }
0x68: {  	_ =	shalt  }
0x69: {  	_ =	shalt  }
0x6a: {  	_ =	shalt  }
0x6b: {  	_ =	shalt  }
0x6c: {  	_ =	shalt  }
0x6d: {  	_ =	shalt  }
0x6e: {  	_ =	shalt  }
0x6f: {  	_ =	shalt  }
0x70: {  	_ =	shalt  }
0x71: {  	_ =	shalt  }
0x72: {  	_ =	shalt  }
0x73: {  	_ =	shalt  }
0x74: {  	_ =	shalt  }
0x75: {  	_ =	shalt  }
0x76: {  	_ =	shalt  }
0x77: {  	_ =	shalt  }
0x78: {  	_ =	shalt  }
0x79: {  	_ =	shalt  }
0x7a: {  	_ =	shalt  }
0x7b: {  	_ =	shalt  }
0x7c: {  	_ =	shalt  }
0x7d: {  	_ =	shalt  }
0x7e: {  	_ =	shalt  }
0x7f: {  	_ =	shalt  }
0x80: {  	_ =	shalt  }
0x81: {  	_ =	shalt  }
0x82: {  	_ =	shalt  }
0x83: {  	_ =	shalt  }
0x84: {  	_ =	shalt  }
0x85: {  	_ =	shalt  }
0x86: {  	_ =	shalt  }
0x87: {  	_ =	shalt  }
.Lfunc_end0:
.L_simem_size_0:
called_computation_lowered:
.L_overlay_start_0:
0x88: {  	s2 =	sld [smem:$0x3FD9]  }
0x89: {  	s3 =	sld [smem:$0x3FFE];
	_ =	sdelay $0x1  }
0x8a: {  	s1 =	srdreg.scid  }
0x8b: {  	s0 =	sand.u32 $0x1, s1  }
0x8c: {  	s16 =	sshll.u32 s0, $0xA;
	s2 =	sadd.s32 s3, s2  }
0x8d: {  	s2 =	sadd.s32 s2, s16  }
0x8e: {  	[smem:$0x3FBD] =	sst s2  }
0x8f: {  	_ = 	snop  }
0x90: {  	(tm) =	ssettm $0x1  }
0x91: {  	s17 =	sld [smem:$0x3FFB];
	_ =	sdelay $0x3  }
0x92: {  	_ =	strace s17  }
0x93: {  	s2 =	sld [smem:$0x3FFC];
	_ =	sdelay $0x3  }
0x94: {  	_ =	strace s2  }
0x95: {  	s2 =	sld [smem:$0x3FFD];
	_ =	sdelay $0x3  }
0x96: {  	_ =	strace s2  }
0x97: {  	_ =	strace $0x8FFFFFFF  }
0x98: {  	s18 =	sld [smem:$0x3FDB];
	_ =	sdelay $0x1  }
0x99: {  	s19 =	simm.s32 $_scs_section_size  }
0x9a: {  	s4 =	simm.s32 $_size__tile_overlayer_lowered;
	s5 =	simm.s32 $_tile_overlayer_lowered  }
0x9b: {  	s22 =	simm.s32 $0x1BFF;
	s21 =	sshll.u32 s5, $0x1;
	s2 =	sadd.s32 s19, s18  }
0x9c: {  	s6 =	simm.s32 $0x0;
	s20 =	sshll.u32 s4, $0x1;
	s4 =	sadd.s32 s21, s2  }
0x9d: {  	[timem:s6], [sflag:s22] =	dma.local [hbm:s4], s20  }
0x9e: {  	_ =	swait.ge [sflag:s22], s20  }
0x9f: {  	s3 =	ssub.s32 $0x0, s20;
	[sflag:s22] =	ssyncset.done $0x0  }
0xa0: {  	[sflag:s22] =	ssyncadd.s32 s3;
	_ =	sdelay $0x1  }
0xa1: {  	s23 =	simm.s32 $0x1B8B  }
0xa2: {  	_ =	swait.ge [sflag:s23], $0x1  }
0xa3: {  	[sflag:s23] =	ssyncset.done $0x0  }
0xa4: {  	s25 =	simm.s32 $0x1B8E;
	s24 =	sld [smem:$0x3FFE];
	[sflag:s23] =	ssyncadd.s32 $0xFFFFFFFF  }
0xa5: {  	s26 =	simm.s32 $execute0_lowered;
	[smem:$0x3FD2] =	sst s25  }
0xa6: {  	s4 =	sshll.u32 s26, $0x1;
	_ =	strace $0x80000046;
	[dreg:$0x1] =	wrdreg $0xFFFFFFFF  }
0xa7: {  	s28 =	simm.s32 $_size_execute0_lowered;
	s2 =	sadd.s32 s2, s4;
	[dreg:$0x0] =	wrdreg $0x0  }
0xa8: {  	s4 =	sshll.u32 s28, $0x1;
	[dreg:$0x2] =	wrdreg s2  }
0xa9: {  	[dreg:$0x3] =	wrdreg s4  }
0xaa: {  	[dreg:$0x4] =	wrdreg $0xC0  }
0xab: {  	_ =	task [dreg:s6], $0x5FFFF  }
0xac: {  	[dreg:$0x1] =	wrdreg $0xFFFFFFFF  }
0xad: {  	[dreg:$0x0] =	wrdreg $0x60  }
0xae: {  	[dreg:$0x2] =	wrdreg s24  }
0xaf: {  	[dreg:$0x3] =	wrdreg $0x0  }
0xb0: {  	[dreg:$0x4] =	wrdreg $0x9  }
0xb1: {  	_ =	task.clear_ibuf [dreg:s6], $0x5FFFF;
	_ =	strace $0x90000046  }
0xb2: {  	s29 =	simm.s32 $0x9;
	_ =	strace $0x80000048  }
0xb3: {  	_ =	swait.ge [sflag:s29], $0x1  }
0xb4: {  	[sflag:s29] =	ssyncadd.s32 $0xFFFFFFFF  }
0xb5: {  	_ =	strace $0x90000048  }
0xb6: {  	_ =	sfence  }
0xb7: {  	s30 =	sld [smem:$0x0];
	_ =	sdelay $0x2  }
0xb8: {  	s31 =	sshll.u32 s1, $0xD;
	s1 =	sshrl.u32 s1, $0x2  }
0xb9: {  	s3 =	sand.u32 $0x4000, s31;
	s1 =	sadd.s32 s1, s30  }
0xba: {  	s0 =	sor.u32 s3, s0;
	s1 =	sshll.u32 s1, $0x11  }
0xbb: {  	s0 =	sor.u32 s1, s0  }
0xbc: {  	s0 =	sadd.s32 $0x8F2B, s0  }
0xbd: {  	[sflag:s0] =	ssyncadd.remote.s32 $0x1  }
0xbe: {  	_ =	sfence.sel $0xFFFF  }
0xbf: {  	[dreg:$0x0] =	wrdreg $0xFFFFFFFF;
	(pc) =	sbr.abs _section_cstart, $3  }
0xc0: {  	[dreg:$0x1] =	wrdreg $0xFFFFFFFF  }
0xc1: {  	_ =	task.clear_ibuf [dreg:s6], $0x2FFFF;
	_ =	strace $0x9FFFFFFF  }
0xc2: {  	(tm) =	ssettm $0x7FFFFFFF  }
0xc3: {  	_ =	shalt  }
tec
execute0_lowered:
.L_overlay_start_1:
0x0: {  	(tag) =	ssettag $0x1  }
0x1: {  	s1 =	srdreg.scid;
	s8 =	rddreg [dreg:$0x0]  }
0x2: {  	s0 =	stileid.u32;
	s2 =	rddreg [dreg:$0x1]  }
0x3: {  	s3 =	simm.s32 $0x0;
	s14 =	simm.s32 $0x80;
	s15 =	simm.s32 $0x0  }
0x4: {  	s6 =	sand.u32 $0x1, s1;
	s4 =	smul.u32 $0x5000, s0;
	s1 =	rddreg [dreg:$0x2]  }
0x5: {  	[smem:$0x7FF] =	sst s3;
	s11 =	smul.u32 $0x2780, s0;
	s12 =	sshll.u32 s0, $0x6  }
0x6: {  	s5 =	smul.u32 $0x2800, s6;
	_ =	strace $0x80000047;
	s9 =	ssub.s32 $0x2, s6  }
0x7: {  	p0 =	seq.s32 s6, $0x1;
	s12 =	sor.u32 $0x1C01, s12;
	s10 =	sshrl.u32 s9, $0x1  }
0x8: {  	s13 =	sadd.s32 s11, s2;
	s11 =	sshrl.u32 s11, $0x3;
	s4 =	sadd.s32 s5, s4  }
0x9: {  	s5 =	sadd.s32 $0xE400, s8;
	s9 =	ssub.s32 s9, s10;
	s10 =	simm.s32 $0xEA00  }
0xa: {  	s13 =	sshrl.u32 s13, $0x3;
	s4 =	sshrl.u32 s4, $0x3;
	s10 =	simm.s32 @!p0 $0x13A00  }
0xb: {  	s7 =	sadd.s32 s4, s8;
	s4 =	sadd.s32 $0xE200, s8;
	s8 =	sadd.s32 s10, s8  }
0xc: {  	s10 =	simm.s32 $0x1;
	s6 =	sadd.s32 $0x4200, s7;
	s7 =	smax.u32 s9, $0x1  }
0xd: {  	s8 =	sadd.s32 s8, s11;
	s9 =	simm.s32 $0x2780;
	s11 =	simm.s32 $0x4F80  }
.LBB2_1:
0xe: {  	[tilespmem:s9], [sflag:$0x1] =	stream.linear.gather [hbm4b:s6+s3], $0x2800, $0x38;
	[tilespmem:$0x5780] =	vst v63  }
0xf: {  	_ =	swait.ge [sflag:s10], $0x2800  }
0x10: {  	[sflag:s10] =	ssyncset.done $0x0  }
0x11: {  	[sflag:s10] =	ssyncadd.s32 $0xFFFFD800  }
0x12: {  	[tilespmem:s11], [sflag:$0x1] =	stream.linear.gather [hbm4b:s4+s3], $0x800, $0x38;
	[tilespmem:$0x5780] =	vst v63  }
0x13: {  	_ =	swait.ge [sflag:s10], $0x800  }
0x14: {  	[sflag:s10] =	ssyncset.done $0x0  }
0x15: {  	[sflag:s10] =	ssyncadd.s32 $0xFFFFF800  }
0x16: {  	[spmem:s13], [sflag:s12] =	dma.local [hbm:s5], $0x4F0  }
0x17: {  	_ =	swait.ge [sflag:s10], $0x4F0  }
0x18: {  	[sflag:s10] =	ssyncset.done $0x0  }
0x19: {  	[sflag:s10] =	ssyncadd.s32 $0xFFFFFB10  }
0x1a: {  	s16 =	simm.s32 $0x2780;
	[bflag:$0x0] =	sbarrier.arrive $0xFFFF  }
0x1b: {  	[spmem:s2] =	stream.indirect.scatter.add.f32 [tilespmem:s11], [sflag:$0x1], $0x10, s16, s14, $0xb8;
	[tilespmem:$0x5780] =	vst v63  }
0x1c: {  	s16 =	simm.s32 $0x200;
	_ =	swait.ge [sflag:s10], $0x800  }
.LBB2_2:
0x1d: {  	s17 =	sshra.s32 s16, $0x2;
	[sflag:s10] =	ssyncset.done $0x0;
	p0 =	sne.s32 s16, $0x9E00  }
.Ltmp0:
0x1e: {  	s17 =	sadd.s32 $0x2780, s17;
	[sflag:s10] =	ssyncadd.s32 $0xFFFFF800;
	(pc) =	sbr.rel @p0 .LBB2_2-.Ltmp0, $3  }
0x1f: {  	[spmem:s2] =	stream.indirect.scatter.add.f32 [tilespmem:s11], [sflag:$0x1], $0x10, s17, s14, $0xb8;
	[tilespmem:$0x5780] =	vst v63  }
0x20: {  	s16 =	sadd.s32 $0x200, s16;
	_ =	sdelay $0x1  }
0x21: {  	_ =	swait.ge [sflag:s10], $0x800  }
0x22: {  	[sflag:s10] =	ssyncset.done $0x0;
	s15 =	sadd.s32 $0x1, s15  }
0x23: {  	[sflag:s10] =	ssyncadd.s32 $0xFFFFF800;
	p0 =	sne.s32 s15, s7  }
.Ltmp1:
0x24: {  	[bflag:$0x0] =	sbarrier.arrive $0xFFFF;
	(pc) =	sbr.rel @p0 .LBB2_1-.Ltmp1, $4  }
0x25: {  	[hbm:s8], [sflag:s12] =	dma.local [spmem:s13], $0x4F0  }
0x26: {  	_ =	swait.ge [sflag:s10], $0x4F0  }
0x27: {  	[sflag:s10] =	ssyncset.done $0x0  }
0x28: {  	[sflag:s10] =	ssyncadd.s32 $0xFFFFFB10  }
0x29: {  	_ =	sfence.sel $0x180000  }
0x2a: {  	[bflag:$0x0] =	sbarrier.arrive $0xFFFF  }
0x2b: {  	p0 =	sne.s32 s0, $0x0;
	_ =	strace $0x90000047  }
0x2c: {  	s0 =	sadd.s32 @!p0 $0x100000, s1;
	[bflag:$0x2] =	sbarrier.arrive $0xFFFF  }
0x2d: {  	[sflag:s0] =	ssyncadd.tile.s32 @!p0 $0x1;
	_ =	shalt  }
.Lfunc_end2:
_tile_overlayer_lowered:
.L_overlay_start_2:
0x2e: {  	(tag) =	ssettag $0x2  }
0x2f: {  	s0 =	rddreg [dreg:$0x0];
	s2 =	stileid.u32  }
0x30: {  	s1 =	rddreg [dreg:$0x1];
	p0 =	sne.s32 s2, $0x0  }
0x31: {  	s3 =	rddreg [dreg:$0x2];
	[bflag:$0x3] =	sbarrier.arrive $0xFFFF;
	s2 =	simm.s32 @!p0 $0x1C01  }
0x32: {  	[timem:s3], [sflag:s2] =	dma.local @!p0 [hbm:s0], s1  }
0x33: {  	s0 =	simm.s32 @!p0 $0x1  }
0x34: {  	_ =	swait.ge @!p0 [sflag:s0], s1  }
0x35: {  	s1 =	ssub.s32 @!p0 $0x0, s1;
	[sflag:s0] =	ssyncset.done @!p0 $0x0  }
0x36: {  	[sflag:s0] =	ssyncadd.s32 @!p0 s1  }
0x37: {  	[bflag:$0x3] =	sbarrier.arrive $0xFFFF  }
0x38: {  	_ =	shalt  }

// kernel: kernel.13.cloned.1.call-start
scs
__scs_entry_jumppad:
0x0: {  	(pc) =	sbr.rel $0x88, $3  }
0x1: {  	(tag) =	ssettag $0x0;
	lr =	simm.s32 $0x1  }
0x2: {  	[smem:$0x3F96] =	sst lr;
	_ =	strace $0xD0000000  }
0x3: {  	_ = 	snop  }
0x4: {  	_ = 	snop  }
0x5: {  	_ = 	snop  }
0x6: {  	_ = 	snop  }
0x7: {  	_ = 	snop  }
__scs_overlays_trampoline_lowered:
0x8: {  	[smem:$0x3FA5] =	sst s0  }
0x9: {  	[smem:$0x3FA6] =	sst s1  }
0xa: {  	[smem:$0x3FA7] =	sst s2  }
0xb: {  	[smem:$0x3FA8] =	sst s3  }
0xc: {  	[smem:$0x3FA9] =	sst s4  }
0xd: {  	[smem:$0x3FAA] =	sst s5  }
0xe: {  	[smem:$0x3FAB] =	sst s6  }
0xf: {  	[smem:$0x3FAC] =	sst s7  }
0x10: {  	[smem:$0x3FAD] =	sst s8  }
0x11: {  	[smem:$0x3FAE] =	sst s9;
	s0 =	simm.s32 @!p0 $0x0  }
0x12: {  	s1 =	sld [smem:$0x3F94];
	s0 =	simm.s32 @p0 $0x1  }
0x13: {  	[smem:$0x3FAF] =	sst s0;
	s0 =	simm.s32 @!p1 $0x0  }
0x14: {  	s2 =	sld [smem:$0x3F93];
	s0 =	simm.s32 @p1 $0x1  }
0x15: {  	[smem:$0x3FB0] =	sst s0;
	s0 =	simm.s32 @!p2 $0x0  }
0x16: {  	s3 =	sld [smem:$0x3FDB];
	s0 =	simm.s32 @p2 $0x1  }
0x17: {  	s4 =	simm.s32 $0x1BF5;
	[smem:$0x3FB2] =	sst s0  }
0x18: {  	s0 =	sld [smem:$0x3F95];
	_ =	swait.ge [sflag:s4], $0x0  }
0x19: {  	s7 =	sld [smem:$0x3F96]  }
0x1a: {  	s8 =	sadd.s32 $0xFFFFE003, lr  }
0x1b: {  	s9 =	sadd.s32 $0xFFFFFEF7, lr;
	s5 =	simm.s32 $0xFFFFFFFF;
	p2 =	slt.u32 s8, $0xFFFFF086  }
0x1c: {  	p1 =	slt.u32 s9, $0xF7A;
	s5 =	simm.s32 @!p2 $0x0  }
0x1d: {  	s5 =	simm.s32 @p1 $0x1;
	p0 =	seq.s32 s7, s2  }
0x1e: {  	s7 =	smul.u32 @!p0 $0xF7A, s2;
	p2 =	seq.s32 @!p0 s5, $0x0  }
0x1f: {  	s9 =	smul.u32 $0xF7A, s1;
	s8 =	simm.s32 @!p0 $0x1BF5;
	p2 =	por !p2, p0  }
0x20: {  	[sflag:s8] =	ssyncset.s32 @!p0 $0xFFFFF086;
	s6 =	sadd.s32 @!p0 s3, s7;
	s7 =	simm.s32 @!p0 $0x108  }
0x21: {  	s3 =	sadd.s32 s3, s9;
	s6 =	sadd.s32 @!p0 $0x88, s6;
	s7 =	simm.s32 @p2 $0x1082  }
0x22: {  	[simem:s7], [sflag:s8] =	dma.local @!p0 [hbm:s6], $0xF7A  }
0x23: {  	s9 =	sor.u32 $0xD0000000, s2;
	s6 =	simm.s32 $0x108;
	_ =	swait.ge @!p0 [sflag:s8], $0x0  }
0x24: {  	s3 =	sadd.s32 $0x88, s3;
	s6 =	simm.s32 @!p1 $0x1082;
	[sflag:s4] =	ssyncset.s32 $0xFFFFF086  }
0x25: {  	[simem:s6], [sflag:s4] =	dma.local [hbm:s3], $0xF7A  }
0x26: {  	[smem:$0x3F96] =	sst s1;
	(tag) =	ssettag s2;
	_ =	strace s9  }
0x27: {  	s1 =	sld [smem:$0x3FA6]  }
0x28: {  	s2 =	sld [smem:$0x3FA7]  }
0x29: {  	s4 =	sld [smem:$0x3FA9]  }
0x2a: {  	p0 =	seq.s32 s5, $0x0;
	s5 =	sld [smem:$0x3FAA]  }
0x2b: {  	s6 =	sld [smem:$0x3FAB]  }
0x2c: {  	s7 =	sld [smem:$0x3FAC]  }
0x2d: {  	s3 =	simm.s32 $0x108;
	s8 =	sld [smem:$0x3FAD]  }
0x2e: {  	s3 =	simm.s32 @!p0 $0x1082;
	s9 =	sld [smem:$0x3FAE]  }
0x2f: {  	lr =	sadd.s32 s0, s3;
	s0 =	sld [smem:$0x3FA5]  }
0x30: {  	s3 =	sld [smem:$0x3FA8]  }
0x31: {  	[smem:$0x3FB1] =	sst s10  }
0x32: {  	s10 =	sld [smem:$0x3FAF];
	_ =	sdelay $0x3  }
0x33: {  	p0 =	seq.s32 s10, $0x1;
	s10 =	sld [smem:$0x3FB1];
	_ =	sdelay $0x3  }
0x34: {  	[smem:$0x3FB1] =	sst s10  }
0x35: {  	s10 =	sld [smem:$0x3FB0];
	_ =	sdelay $0x3  }
0x36: {  	p1 =	seq.s32 s10, $0x1;
	s10 =	sld [smem:$0x3FB1];
	_ =	sdelay $0x3  }
0x37: {  	[smem:$0x3FB1] =	sst s10  }
0x38: {  	s10 =	sld [smem:$0x3FB2]  }
0x39: {  	_ = 	snop;
	(pc) =	sbr.ind lr, $3  }
0x3a: {  	_ = 	snop  }
0x3b: {  	_ = 	snop  }
0x3c: {  	p2 =	seq.s32 s10, $0x1;
	s10 =	sld [smem:$0x3FB1]  }
0x3d: {  	_ =	shalt  }
0x3e: {  	_ =	shalt  }
0x3f: {  	_ =	shalt  }
0x40: {  	_ =	shalt  }
0x41: {  	_ =	shalt  }
0x42: {  	_ =	shalt  }
0x43: {  	_ =	shalt  }
0x44: {  	_ =	shalt  }
0x45: {  	_ =	shalt  }
0x46: {  	_ =	shalt  }
0x47: {  	_ =	shalt  }
0x48: {  	_ =	shalt  }
0x49: {  	_ =	shalt  }
0x4a: {  	_ =	shalt  }
0x4b: {  	_ =	shalt  }
0x4c: {  	_ =	shalt  }
0x4d: {  	_ =	shalt  }
0x4e: {  	_ =	shalt  }
0x4f: {  	_ =	shalt  }
0x50: {  	_ =	shalt  }
0x51: {  	_ =	shalt  }
0x52: {  	_ =	shalt  }
0x53: {  	_ =	shalt  }
0x54: {  	_ =	shalt  }
0x55: {  	_ =	shalt  }
0x56: {  	_ =	shalt  }
0x57: {  	_ =	shalt  }
0x58: {  	_ =	shalt  }
0x59: {  	_ =	shalt  }
0x5a: {  	_ =	shalt  }
0x5b: {  	_ =	shalt  }
0x5c: {  	_ =	shalt  }
0x5d: {  	_ =	shalt  }
0x5e: {  	_ =	shalt  }
0x5f: {  	_ =	shalt  }
0x60: {  	_ =	shalt  }
0x61: {  	_ =	shalt  }
0x62: {  	_ =	shalt  }
0x63: {  	_ =	shalt  }
0x64: {  	_ =	shalt  }
0x65: {  	_ =	shalt  }
0x66: {  	_ =	shalt  }
0x67: {  	_ =	shalt  }
0x68: {  	_ =	shalt  }
0x69: {  	_ =	shalt  }
0x6a: {  	_ =	shalt  }
0x6b: {  	_ =	shalt  }
0x6c: {  	_ =	shalt  }
0x6d: {  	_ =	shalt  }
0x6e: {  	_ =	shalt  }
0x6f: {  	_ =	shalt  }
0x70: {  	_ =	shalt  }
0x71: {  	_ =	shalt  }
0x72: {  	_ =	shalt  }
0x73: {  	_ =	shalt  }
0x74: {  	_ =	shalt  }
0x75: {  	_ =	shalt  }
0x76: {  	_ =	shalt  }
0x77: {  	_ =	shalt  }
0x78: {  	_ =	shalt  }
0x79: {  	_ =	shalt  }
0x7a: {  	_ =	shalt  }
0x7b: {  	_ =	shalt  }
0x7c: {  	_ =	shalt  }
0x7d: {  	_ =	shalt  }
0x7e: {  	_ =	shalt  }
0x7f: {  	_ =	shalt  }
0x80: {  	_ =	shalt  }
0x81: {  	_ =	shalt  }
0x82: {  	_ =	shalt  }
0x83: {  	_ =	shalt  }
0x84: {  	_ =	shalt  }
0x85: {  	_ =	shalt  }
0x86: {  	_ =	shalt  }
0x87: {  	_ =	shalt  }
.Lfunc_end0:
.L_simem_size_0:
called_computation.1_lowered:
.L_overlay_start_0:
0x88: {  	s2 =	sld [smem:$0x3FD9]  }
0x89: {  	s3 =	sld [smem:$0x3FFE];
	_ =	sdelay $0x1  }
0x8a: {  	s1 =	srdreg.scid  }
0x8b: {  	s0 =	sand.u32 $0x1, s1  }
0x8c: {  	s17 =	sshll.u32 s0, $0xA;
	s2 =	sadd.s32 s3, s2  }
0x8d: {  	s2 =	sadd.s32 s2, s17  }
0x8e: {  	[smem:$0x3FBD] =	sst s2  }
0x8f: {  	_ = 	snop  }
0x90: {  	s18 =	sld [smem:$0x3FD0];
	(tm) =	ssettm $0x1  }
0x91: {  	s19 =	sld [smem:$0x3FFB];
	_ =	sdelay $0x3  }
0x92: {  	_ =	strace s19  }
0x93: {  	s2 =	sld [smem:$0x3FFC];
	_ =	sdelay $0x3  }
0x94: {  	_ =	strace s2  }
0x95: {  	s2 =	sld [smem:$0x3FFD];
	_ =	sdelay $0x3  }
0x96: {  	_ =	strace s2  }
0x97: {  	_ =	strace $0x8FFFFFFF  }
0x98: {  	s20 =	sld [smem:$0x3FDB];
	_ =	sdelay $0x1  }
0x99: {  	s4 =	simm.s32 $_scs_section_size  }
0x9a: {  	s5 =	simm.s32 $_size__tile_overlayer_lowered;
	s6 =	simm.s32 $_tile_overlayer_lowered  }
0x9b: {  	s7 =	simm.s32 $0x1BFF;
	s21 =	sshll.u32 s6, $0x1;
	s4 =	sadd.s32 s4, s20  }
0x9c: {  	s22 =	simm.s32 $0x0;
	s5 =	sshll.u32 s5, $0x1;
	s6 =	sadd.s32 s21, s4  }
0x9d: {  	[timem:s22], [sflag:s7] =	dma.local [hbm:s6], s5  }
0x9e: {  	_ =	swait.ge [sflag:s7], s5  }
0x9f: {  	s5 =	ssub.s32 $0x0, s5;
	[sflag:s7] =	ssyncset.done $0x0  }
0xa0: {  	[sflag:s7] =	ssyncadd.s32 s5;
	_ =	sdelay $0x1  }
0xa1: {  	s23 =	simm.s32 $0x1B8B  }
0xa2: {  	_ =	swait.ge [sflag:s23], $0x1  }
0xa3: {  	[sflag:s23] =	ssyncset.done $0x0  }
0xa4: {  	[sflag:s23] =	ssyncadd.s32 $0xFFFFFFFF  }
0xa5: {  	s5 =	sld [smem:$0x0]  }
0xa6: {  	s6 =	sand.u32 $0xFFFFFFFE, s1  }
0xa7: {  	p0 =	sne.s32 s1, s6  }
0xa8: {  	s6 =	sshll.u32 @p0 s6, $0xE  }
0xa9: {  	s6 =	sadd.s32 @p0 $0x11B8D, s6;
	s7 =	sshll.u32 @p0 s5, $0x11  }
0xaa: {  	s6 =	sor.u32 @p0 s7, s6  }
0xab: {  	[sflag:s6] =	ssyncadd.remote.s32 @p0 $0x1;
	_ =	sdelay $0x1  }
0xac: {  	s6 =	simm.s32 @p0 $0x1B8D  }
0xad: {  	_ =	swait.eq @p0 [sflag:s6], $0x1  }
0xae: {  	[sflag:s6] =	ssyncadd.s32 @p0 $0xFFFFFFFF  }
0xaf: {  	s7 =	sshll.u32 @!p0 s1, $0xE  }
0xb0: {  	s7 =	sor.u32 @!p0 $0x4000, s7;
	s6 =	simm.s32 @!p0 $0x1B8D  }
0xb1: {  	s5 =	sshll.u32 @!p0 s5, $0x11;
	s7 =	sadd.s32 @!p0 $0x11B8D, s7;
	_ =	swait.eq @!p0 [sflag:s6], $0x1  }
0xb2: {  	s5 =	sor.u32 @!p0 s5, s7;
	[sflag:s6] =	ssyncadd.s32 @!p0 $0xFFFFFFFF  }
0xb3: {  	s25 =	simm.s32 $0x1B8E;
	s24 =	sld [smem:$0x3FFE];
	[sflag:s5] =	ssyncadd.remote.s32 @!p0 $0x1  }
0xb4: {  	s26 =	simm.s32 $execute0_lowered;
	[smem:$0x3FD2] =	sst s25  }
0xb5: {  	s6 =	sshll.u32 s26, $0x1;
	_ =	strace $0x80000049;
	[dreg:$0x1] =	wrdreg $0xFFFFFFFF  }
0xb6: {  	s28 =	simm.s32 $_size_execute0_lowered;
	s4 =	sadd.s32 s4, s6;
	[dreg:$0x0] =	wrdreg $0x0  }
0xb7: {  	s6 =	sshll.u32 s28, $0x1;
	[dreg:$0x2] =	wrdreg s4  }
0xb8: {  	[dreg:$0x3] =	wrdreg s6  }
0xb9: {  	[dreg:$0x4] =	wrdreg $0xC0  }
0xba: {  	_ =	task [dreg:s22], $0x5FFFF  }
0xbb: {  	[dreg:$0x1] =	wrdreg $0xFFFFFFFF  }
0xbc: {  	[dreg:$0x0] =	wrdreg $0x60  }
0xbd: {  	[dreg:$0x2] =	wrdreg s24  }
0xbe: {  	[dreg:$0x3] =	wrdreg s18  }
0xbf: {  	[dreg:$0x4] =	wrdreg $0x9E000  }
0xc0: {  	[dreg:$0x5] =	wrdreg $0x0  }
0xc1: {  	[dreg:$0x6] =	wrdreg $0xA  }
0xc2: {  	_ =	task.clear_ibuf [dreg:s22], $0x7FFFF;
	_ =	strace $0x90000049  }
0xc3: {  	s29 =	simm.s32 $0xA;
	_ =	strace $0x8000004B  }
0xc4: {  	_ =	swait.ge [sflag:s29], $0x1  }
0xc5: {  	[sflag:s29] =	ssyncadd.s32 $0xFFFFFFFF  }
0xc6: {  	_ =	strace $0x9000004B  }
0xc7: {  	_ =	sfence  }
0xc8: {  	s30 =	sld [smem:$0x0];
	_ =	sdelay $0x2  }
0xc9: {  	s31 =	sshll.u32 s1, $0xD;
	s1 =	sshrl.u32 s1, $0x2  }
0xca: {  	s4 =	sand.u32 $0x4000, s31;
	s1 =	sadd.s32 s1, s30  }
0xcb: {  	s0 =	sor.u32 s4, s0;
	s1 =	sshll.u32 s1, $0x11  }
0xcc: {  	s0 =	sor.u32 s1, s0  }
0xcd: {  	s0 =	sadd.s32 $0x8F2B, s0  }
0xce: {  	[sflag:s0] =	ssyncadd.remote.s32 $0x1  }
0xcf: {  	_ =	sfence.sel $0xFFFF  }
0xd0: {  	[dreg:$0x0] =	wrdreg $0xFFFFFFFF;
	(pc) =	sbr.abs _section_cstart, $3  }
0xd1: {  	[dreg:$0x1] =	wrdreg $0xFFFFFFFF  }
0xd2: {  	_ =	task.clear_ibuf [dreg:s22], $0x2FFFF;
	_ =	strace $0x9FFFFFFF  }
0xd3: {  	(tm) =	ssettm $0x7FFFFFFF  }
tec
execute0_lowered:
.L_overlay_start_1:
0x0: {  	(tag) =	ssettag $0x1  }
0x1: {  	s0 =	rddreg [dreg:$0x0]  }
0x2: {  	s3 =	rddreg [dreg:$0x2]  }
0x3: {  	s7 =	stileid.u32;
	s4 =	rddreg [dreg:$0x3];
	s5 =	simm.s32 $0x0  }
0x4: {  	s6 =	srdreg.scid;
	s20 =	simm.s32 $0x13A40;
	s21 =	simm.s32 $0x3  }
0x5: {  	s22 =	simm.s32 $0x4;
	s23 =	simm.s32 $0x2;
	s28 =	simm.s32 $0x1  }
0x6: {  	s29 =	simm.s32 $0x0;
	s1 =	smul.u32 $0x9C40, s7;
	[smem:$0x7FF] =	sst s5  }
0x7: {  	s8 =	sand.u32 $0x1, s6;
	s9 =	sadd.s32 $0x3FE00, s0;
	s12 =	smul.u32 $0x5000, s7  }
0x8: {  	s14 =	sadd.s32 $0x4200, s0;
	s24 =	sadd.s32 $0x49E00, s0;
	s15 =	smul.u32 $0x9E00, s7  }
0x9: {  	_ =	strace $0x8000004A;
	s10 =	ssub.s32 $0x2, s8;
	[dreg:$0x5] =	wrdreg s24  }
0xa: {  	p0 =	seq.s32 s8, $0x1;
	s24 =	simm.s32 $0x80;
	s2 =	sshrl.u32 s1, $0x3  }
0xb: {  	s11 =	sshrl.u32 s10, $0x1;
	s8 =	sadd.s32 s1, s3;
	s26 =	sshrl.u32 s12, $0x3  }
0xc: {  	s2 =	sadd.s32 s2, s0;
	s0 =	sadd.s32 $0x4B200, s0;
	s25 =	ssub.s32 s10, s11  }
0xd: {  	s10 =	sadd.s32 s15, s4;
	s16 =	sadd.s32 $0x500, s26;
	s11 =	sadd.s32 s9, s26  }
.Ltmp0:
0xe: {  	s12 =	sadd.s32 s14, s26;
	s15 =	sshrl.u32 s15, $0x3;
	(pc) =	sbr.rel .LBB2_1-.Ltmp0, $4  }
0xf: {  	s26 =	simm.s32 $0x5;
	[dreg:$0x6] =	wrdreg s0;
	s30 =	sadd.s32 $0x18A00, s2  }
0x10: {  	s13 =	sadd.s32 s9, s16;
	s14 =	sadd.s32 s14, s16;
	s16 =	sshll.u32 s7, $0x6  }
0x11: {  	s31 =	sadd.s32 $0x2C400, s2;
	s18 =	smax.u32 s25, $0x1;
	[dreg:$0x7] =	wrdreg s30  }
0x12: {  	s25 =	simm.s32 $0x18A40;
	[dreg:$0x8] =	wrdreg s31;
	s19 =	sor.u32 $0x1C03, s16  }
.LBB2_11:
0x13: {  	p1 =	seq.s32 s9, $0x0;
	s1 =	sshll.u32 s2, $0x7  }
0x14: {  	[sflag:s0] =	ssyncset.done $0x0;
	s2 =	simm.s32 @p1 $0x80;
	s6 =	simm.s32 @p1 $0x18A40  }
0x15: {  	[sflag:s0] =	ssyncadd.s32 $0xFFFFE000;
	s0 =	sadd.s32 $0x13A40, s1;
	s1 =	simm.s32 @p1 $0x2  }
0x16: {  	[tilespmem:s6], [sflag:$0x1] =	stream.indirect.gather @p1 [spmem:s3], $0x40, s0, s2, $0xb8;
	[tilespmem:$0x1CA40] =	vst v63  }
0x17: {  	_ =	swait.ge @p1 [sflag:s1], $0x2000  }
0x18: {  	[sflag:s1] =	ssyncset.done @p1 $0x0  }
0x19: {  	s6 =	simm.s32 @p1 $0x1AA40;
	[sflag:s1] =	ssyncadd.s32 @p1 $0xFFFFE000  }
0x1a: {  	[spmem:s4] =	stream.indirect.scatter.add.f32 @p1 [tilespmem:s6], [sflag:$0x5], $0x40, s31, s2, $0xb8;
	[tilespmem:$0x1CA40] =	vst v63  }
0x1b: {  	s1 =	simm.s32 @!p1 $0x80;
	s2 =	simm.s32 @!p1 $0x1AA40;
	s6 =	simm.s32 @!p1 $0x1  }
0x1c: {  	[tilespmem:s2], [sflag:$0x2] =	stream.indirect.gather @!p1 [spmem:s3], $0x40, s0, s1, $0xb8;
	[tilespmem:$0x1CA40] =	vst v63  }
0x1d: {  	_ =	swait.ge @!p1 [sflag:s6], $0x2000  }
0x1e: {  	s0 =	simm.s32 @!p1 $0x6;
	[sflag:s6] =	ssyncset.done @!p1 $0x0  }
0x1f: {  	s2 =	simm.s32 @!p1 $0x18A40;
	s0 =	simm.s32 @p1 $0x5;
	[sflag:s6] =	ssyncadd.s32 @!p1 $0xFFFFE000  }
0x20: {  	[spmem:s4] =	stream.indirect.scatter.add.f32 @!p1 [tilespmem:s2], [sflag:$0x6], $0x40, s31, s1, $0xb8;
	[tilespmem:$0x1CA40] =	vst v63  }
0x21: {  	_ =	swait.ge [sflag:s0], $0x2000  }
0x22: {  	[sflag:s0] =	ssyncset.done $0x0  }
0x23: {  	[sflag:s0] =	ssyncadd.s32 $0xFFFFE000;
	s0 =	rddreg [dreg:$0x6]  }
.LBB2_12:
0x24: {  	_ =	swait.ge [sflag:s28], $0x2000  }
0x25: {  	s29 =	sadd.s32 $0x1, s29;
	[sflag:s28] =	ssyncset.done $0x0  }
0x26: {  	s0 =	sadd.s32 s0, s15;
	p1 =	sne.s32 s29, s18;
	[sflag:s28] =	ssyncadd.s32 $0xFFFFE000  }
.Ltmp1:
0x27: {  	s1 =	sor.u32 $0x1C05, s16;
	[bflag:$0x0] =	sbarrier.arrive $0xFFFF;
	(pc) =	sbr.rel @!p1 .LBB2_13-.Ltmp1, $4  }
0x28: {  	[hbm:s0], [sflag:s1] =	dma.local [spmem:s30], $0x13C0  }
0x29: {  	_ =	swait.ge [sflag:s26], $0x13C0  }
0x2a: {  	[sflag:s26] =	ssyncset.done $0x0  }
0x2b: {  	[sflag:s26] =	ssyncadd.s32 $0xFFFFEC40  }
.LBB2_1:
.Ltmp2:
0x2c: {  	(pc) =	sbr.rel @!p0 .LBB2_2-.Ltmp2, $2  }
0x2d: {  	_ =	sdelay $0x2  }
0x2e: {  	s0 =	sshrl.u32 s8, $0x3;
	s30 =	sshrl.u32 s10, $0x3;
	s1 =	sor.u32 $0x1C04, s16  }
0x2f: {  	s2 =	rddreg [dreg:$0x8]  }
0x30: {  	[spmem:s0], [sflag:s19] =	dma.local [hbm:s2], $0x1388  }
0x31: {  	s0 =	rddreg [dreg:$0x5]  }
0x32: {  	[spmem:s30], [sflag:s1] =	dma.local [hbm:s0], $0x13C0  }
0x33: {  	[tilespmem:s20], [sflag:$0x1] =	stream.linear.gather [hbm4b:s11+s5], $0x2800, $0x38;
	[tilespmem:$0x1CA40] =	vst v63  }
0x34: {  	s0 =	simm.s32 $0x16240  }
0x35: {  	[tilespmem:s0], [sflag:$0x2] =	stream.linear.gather [hbm4b:s12+s5], $0x2800, $0x38;
	[tilespmem:$0x1CA40] =	vst v63  }
0x36: {  	_ =	swait.ge [sflag:s21], $0x1388  }
0x37: {  	[sflag:s21] =	ssyncset.done $0x0  }
0x38: {  	[sflag:s21] =	ssyncadd.s32 $0xFFFFEC78  }
0x39: {  	_ =	swait.ge [sflag:s22], $0x13C0  }
0x3a: {  	[sflag:s22] =	ssyncset.done $0x0  }
0x3b: {  	s7 =	simm.s32 $0x1;
	[sflag:s22] =	ssyncadd.s32 $0xFFFFEC40  }
0x3c: {  	_ =	swait.ge [sflag:s7], $0x2800  }
0x3d: {  	[sflag:s7] =	ssyncset.done $0x0  }
0x3e: {  	[sflag:s7] =	ssyncadd.s32 $0xFFFFD800  }
0x3f: {  	_ =	swait.ge [sflag:s23], $0x2800  }
0x40: {  	s9 =	sand.u32 $0x1, s7;
	[sflag:s23] =	ssyncset.done $0x0  }
0x41: {  	p1 =	seq.s32 s9, $0x0;
	s1 =	smin.u32 s7, $0x4F;
	[sflag:s23] =	ssyncadd.s32 $0xFFFFD800  }
0x42: {  	s6 =	simm.s32 @p1 $0x2;
	s2 =	sshll.u32 @p1 s1, $0x7;
	[bflag:$0x0] =	sbarrier.arrive $0xFFFF  }
0x43: {  	[tilespmem:s25], [sflag:$0x1] =	stream.indirect.gather [spmem:s3], $0x40, s20, s24, $0xb8;
	[tilespmem:$0x1CA40] =	vst v63  }
0x44: {  	s9 =	simm.s32 @p1 $0x18A40;
	s2 =	sadd.s32 @p1 $0x13A40, s2;
	s7 =	simm.s32 @p1 $0x80  }
0x45: {  	[tilespmem:s9], [sflag:$0x1] =	stream.indirect.gather @p1 [spmem:s3], $0x40, s2, s7, $0xb8;
	[tilespmem:$0x1CA40] =	vst v63  }
0x46: {  	_ =	swait.ge @p1 [sflag:s6], $0x2000  }
0x47: {  	[sflag:s6] =	ssyncset.done @p1 $0x0;
	p1 =	por p1, p1  }
0x48: {  	[sflag:s6] =	ssyncadd.s32 @p1 $0xFFFFE000;
	s2 =	simm.s32 @p1 $0x1AA40;
	s6 =	simm.s32 @p1 $0x5  }
0x49: {  	[spmem:s4] =	stream.indirect.scatter.add.f32 @p1 [tilespmem:s2], [sflag:$0x5], $0x40, s0, s7, $0xb8;
	[tilespmem:$0x1CA40] =	vst v63  }
0x4a: {  	s1 =	sshll.u32 @!p1 s1, $0x7;
	_ =	swait.ge @p1 [sflag:s6], $0x2000  }
0x4b: {  	s2 =	simm.s32 @!p1 $0x1;
	s7 =	simm.s32 @!p1 $0x1AA40;
	[sflag:s6] =	ssyncset.done @p1 $0x0  }
0x4c: {  	s1 =	sadd.s32 @!p1 $0x13A40, s1;
	[sflag:s6] =	ssyncadd.s32 @p1 $0xFFFFE000;
	s6 =	simm.s32 @!p1 $0x80  }
0x4d: {  	[tilespmem:s7], [sflag:$0x2] =	stream.indirect.gather @!p1 [spmem:s3], $0x40, s1, s6, $0xb8;
	[tilespmem:$0x1CA40] =	vst v63  }
0x4e: {  	_ =	swait.ge @!p1 [sflag:s2], $0x2000  }
0x4f: {  	s31 =	simm.s32 $0x162C0;
	s9 =	simm.s32 @!p1 $0x18A40;
	[sflag:s2] =	ssyncset.done @!p1 $0x0  }
0x50: {  	s7 =	simm.s32 $0x2;
	[sflag:s2] =	ssyncadd.s32 @!p1 $0xFFFFE000;
	s2 =	simm.s32 @!p1 $0x6  }
0x51: {  	[spmem:s4] =	stream.indirect.scatter.add.f32 @!p1 [tilespmem:s9], [sflag:$0x6], $0x40, s0, s6, $0xb8;
	[tilespmem:$0x1CA40] =	vst v63  }
0x52: {  	s1 =	simm.s32 $0x3;
	s17 =	sand.u32 $0x1, s7;
	_ =	swait.ge @!p1 [sflag:s2], $0x2000  }
0x53: {  	p3 =	seq.s32 s17, $0x0;
	s0 =	smin.u32 s7, $0x4F;
	[sflag:s2] =	ssyncset.done @!p1 $0x0  }
.LBB2_8:
0x54: {  	s6 =	sshll.u32 @p3 s0, $0x7;
	s7 =	simm.s32 @p3 $0x2;
	[sflag:s2] =	ssyncadd.s32 @!p1 $0xFFFFE000  }
0x55: {  	s9 =	simm.s32 @p3 $0x18A40;
	s2 =	sadd.s32 @p3 $0x13A40, s6;
	s6 =	simm.s32 @p3 $0x80  }
0x56: {  	[tilespmem:s9], [sflag:$0x1] =	stream.indirect.gather @p3 [spmem:s3], $0x40, s2, s6, $0xb8;
	[tilespmem:$0x1CA40] =	vst v63  }
0x57: {  	s9 =	smov.u32 s1;
	s1 =	sadd.s32 $0x1, s1;
	_ =	swait.ge @p3 [sflag:s7], $0x2000  }
0x58: {  	p1 =	por p3, p3;
	p2 =	sne.s32 s1, $0x51;
	[sflag:s7] =	ssyncset.done @p3 $0x0  }
0x59: {  	s2 =	simm.s32 @p1 $0x1AA40;
	[sflag:s7] =	ssyncadd.s32 @p1 $0xFFFFE000;
	s7 =	simm.s32 @p1 $0x5  }
0x5a: {  	[spmem:s4] =	stream.indirect.scatter.add.f32 @p1 [tilespmem:s2], [sflag:$0x5], $0x40, s31, s6, $0xb8;
	[tilespmem:$0x1CA40] =	vst v63  }
0x5b: {  	s2 =	simm.s32 @!p1 $0x1;
	_ =	swait.ge @p1 [sflag:s7], $0x2000  }
0x5c: {  	s0 =	sshll.u32 @!p1 s0, $0x7;
	s6 =	simm.s32 @!p1 $0x1AA40;
	[sflag:s7] =	ssyncset.done @p1 $0x0  }
0x5d: {  	s0 =	sadd.s32 @!p1 $0x13A40, s0;
	[sflag:s7] =	ssyncadd.s32 @p1 $0xFFFFE000;
	s7 =	simm.s32 @!p1 $0x80  }
0x5e: {  	[tilespmem:s6], [sflag:$0x2] =	stream.indirect.gather @!p1 [spmem:s3], $0x40, s0, s7, $0xb8;
	[tilespmem:$0x1CA40] =	vst v63  }
0x5f: {  	_ =	swait.ge @!p1 [sflag:s2], $0x2000  }
.Ltmp3:
0x60: {  	[sflag:s2] =	ssyncset.done @!p1 $0x0;
	(pc) =	sbr.rel @p2 .LBB2_8-.Ltmp3, $4  }
0x61: {  	s0 =	simm.s32 @!p1 $0x18A40;
	[sflag:s2] =	ssyncadd.s32 @!p1 $0xFFFFE000;
	s2 =	simm.s32 @!p1 $0x6  }
0x62: {  	[spmem:s4] =	stream.indirect.scatter.add.f32 @!p1 [tilespmem:s0], [sflag:$0x6], $0x40, s31, s7, $0xb8;
	[tilespmem:$0x1CA40] =	vst v63  }
0x63: {  	s0 =	sand.u32 $0x1, s9;
	s31 =	sadd.s32 $0x80, s31;
	_ =	swait.ge @!p1 [sflag:s2], $0x2000  }
0x64: {  	p3 =	seq.s32 s0, $0x0;
	s0 =	smin.u32 s9, $0x4F;
	[sflag:s2] =	ssyncset.done @!p1 $0x0  }
0x65: {  	s1 =	sshll.u32 @p3 s0, $0x7;
	s6 =	simm.s32 @p3 $0x2;
	[sflag:s2] =	ssyncadd.s32 @!p1 $0xFFFFE000  }
0x66: {  	s2 =	simm.s32 @p3 $0x80;
	s7 =	simm.s32 @p3 $0x18A40;
	s1 =	sadd.s32 @p3 $0x13A40, s1  }
0x67: {  	[tilespmem:s7], [sflag:$0x1] =	stream.indirect.gather @p3 [spmem:s3], $0x40, s1, s2, $0xb8;
	[tilespmem:$0x1CA40] =	vst v63  }
0x68: {  	_ =	swait.ge @p3 [sflag:s6], $0x2000  }
0x69: {  	p1 =	por p3, p3;
	[sflag:s6] =	ssyncset.done @p3 $0x0  }
0x6a: {  	s1 =	simm.s32 @p1 $0x1AA40;
	[sflag:s6] =	ssyncadd.s32 @p1 $0xFFFFE000;
	s6 =	simm.s32 @p1 $0x5  }
0x6b: {  	[spmem:s4] =	stream.indirect.scatter.add.f32 @p1 [tilespmem:s1], [sflag:$0x5], $0x40, s31, s2, $0xb8;
	[tilespmem:$0x1CA40] =	vst v63  }
0x6c: {  	s0 =	sshll.u32 @!p1 s0, $0x7;
	_ =	swait.ge @p1 [sflag:s6], $0x2000  }
0x6d: {  	s0 =	sadd.s32 @!p1 $0x13A40, s0;
	s1 =	simm.s32 @!p1 $0x1;
	[sflag:s6] =	ssyncset.done @p1 $0x0  }
0x6e: {  	s2 =	simm.s32 @!p1 $0x1AA40;
	[sflag:s6] =	ssyncadd.s32 @p1 $0xFFFFE000;
	s6 =	simm.s32 @!p1 $0x80  }
0x6f: {  	[tilespmem:s2], [sflag:$0x2] =	stream.indirect.gather @!p1 [spmem:s3], $0x40, s0, s6, $0xb8;
	[tilespmem:$0x1CA40] =	vst v63  }
0x70: {  	_ =	swait.ge @!p1 [sflag:s1], $0x2000  }
0x71: {  	[sflag:s1] =	ssyncset.done @!p1 $0x0  }
0x72: {  	s0 =	simm.s32 @!p1 $0x18A40;
	[sflag:s1] =	ssyncadd.s32 @!p1 $0xFFFFE000;
	s1 =	simm.s32 @!p1 $0x6  }
0x73: {  	[spmem:s4] =	stream.indirect.scatter.add.f32 @!p1 [tilespmem:s0], [sflag:$0x6], $0x40, s31, s6, $0xb8;
	[tilespmem:$0x1CA40] =	vst v63  }
0x74: {  	_ =	swait.ge @!p1 [sflag:s1], $0x2000  }
0x75: {  	[sflag:s1] =	ssyncset.done @!p1 $0x0  }
0x76: {  	s7 =	simm.s32 $0x1;
	[sflag:s1] =	ssyncadd.s32 @!p1 $0xFFFFE000  }
0x77: {  	_ =	swait.ge [sflag:s7], $0x2000  }
0x78: {  	[sflag:s7] =	ssyncset.done $0x0  }
0x79: {  	[sflag:s7] =	ssyncadd.s32 $0xFFFFE000  }
0x7a: {  	[tilespmem:s20], [sflag:$0x5] =	stream.linear.gather [hbm4b:s13+s5], $0x2800, $0x38;
	[tilespmem:$0x1CA40] =	vst v63  }
0x7b: {  	_ =	swait.ge [sflag:s26], $0x2800  }
0x7c: {  	[sflag:s26] =	ssyncset.done $0x0  }
0x7d: {  	s1 =	simm.s32 $0x16240;
	[sflag:s26] =	ssyncadd.s32 $0xFFFFD800  }
0x7e: {  	[tilespmem:s1], [sflag:$0x5] =	stream.linear.gather [hbm4b:s14+s5], $0x2800, $0x38;
	[tilespmem:$0x1CA40] =	vst v63  }
0x7f: {  	s0 =	smin.u32 s7, $0x4F;
	_ =	swait.ge [sflag:s26], $0x2800  }
0x80: {  	s9 =	sand.u32 $0x1, s7;
	s0 =	sshll.u32 s0, $0x7;
	[sflag:s26] =	ssyncset.done $0x0  }
0x81: {  	s0 =	sadd.s32 $0x13A40, s0;
	p1 =	seq.s32 s9, $0x0;
	[sflag:s26] =	ssyncadd.s32 $0xFFFFD800  }
0x82: {  	[tilespmem:s25], [sflag:$0x1] =	stream.indirect.gather [spmem:s3], $0x40, s20, s24, $0xb8;
	[tilespmem:$0x1CA40] =	vst v63  }
0x83: {  	s2 =	simm.s32 @p1 $0x80;
	s6 =	simm.s32 @p1 $0x18A40;
	s7 =	simm.s32 @p1 $0x2  }
0x84: {  	[tilespmem:s6], [sflag:$0x1] =	stream.indirect.gather @p1 [spmem:s3], $0x40, s0, s2, $0xb8;
	[tilespmem:$0x1CA40] =	vst v63  }
0x85: {  	_ =	swait.ge @p1 [sflag:s7], $0x2000  }
0x86: {  	[sflag:s7] =	ssyncset.done @p1 $0x0  }
0x87: {  	s6 =	simm.s32 @p1 $0x1AA40;
	[sflag:s7] =	ssyncadd.s32 @p1 $0xFFFFE000  }
0x88: {  	[spmem:s4] =	stream.indirect.scatter.add.f32 @p1 [tilespmem:s6], [sflag:$0x5], $0x40, s1, s2, $0xb8;
	[tilespmem:$0x1CA40] =	vst v63  }
0x89: {  	s7 =	simm.s32 @!p1 $0x1;
	s2 =	simm.s32 @!p1 $0x80;
	s6 =	simm.s32 @!p1 $0x1AA40  }
0x8a: {  	[tilespmem:s6], [sflag:$0x2] =	stream.indirect.gather @!p1 [spmem:s3], $0x40, s0, s2, $0xb8;
	[tilespmem:$0x1CA40] =	vst v63  }
0x8b: {  	_ =	swait.ge @!p1 [sflag:s7], $0x2000  }
0x8c: {  	s17 =	simm.s32 $0x2;
	[sflag:s7] =	ssyncset.done @!p1 $0x0  }
0x8d: {  	s9 =	simm.s32 @!p1 $0x18A40;
	s0 =	simm.s32 @!p1 $0x6;
	[sflag:s7] =	ssyncadd.s32 @!p1 $0xFFFFE000  }
0x8e: {  	[spmem:s4] =	stream.indirect.scatter.add.f32 @!p1 [tilespmem:s9], [sflag:$0x6], $0x40, s1, s2, $0xb8;
	[tilespmem:$0x1CA40] =	vst v63  }
0x8f: {  	s31 =	simm.s32 $0x162C0;
	s0 =	simm.s32 @p1 $0x5;
	s1 =	simm.s32 $0x3  }
0x90: {  	s2 =	smin.u32 s17, $0x4F;
	s9 =	sand.u32 $0x1, s17;
	_ =	swait.ge [sflag:s0], $0x2000  }
.LBB2_10:
0x91: {  	p1 =	seq.s32 s9, $0x0;
	s2 =	sshll.u32 s2, $0x7  }
0x92: {  	[sflag:s0] =	ssyncset.done $0x0;
	s6 =	smov.u32 s1;
	s7 =	smov.u32 s31  }
0x93: {  	s9 =	simm.s32 @p1 $0x80;
	s17 =	simm.s32 @p1 $0x18A40;
	[sflag:s0] =	ssyncadd.s32 $0xFFFFE000  }
0x94: {  	s1 =	sadd.s32 $0x1, s1;
	s0 =	sadd.s32 $0x13A40, s2;
	s2 =	simm.s32 @p1 $0x2  }
0x95: {  	[tilespmem:s17], [sflag:$0x1] =	stream.indirect.gather @p1 [spmem:s3], $0x40, s0, s9, $0xb8;
	[tilespmem:$0x1CA40] =	vst v63  }
0x96: {  	p2 =	sne.s32 s1, $0x51;
	_ =	swait.ge @p1 [sflag:s2], $0x2000  }
0x97: {  	s17 =	simm.s32 @p1 $0x1AA40;
	[sflag:s2] =	ssyncset.done @p1 $0x0  }
0x98: {  	[sflag:s2] =	ssyncadd.s32 @p1 $0xFFFFE000;
	s2 =	simm.s32 @!p1 $0x80  }
0x99: {  	[spmem:s4] =	stream.indirect.scatter.add.f32 @p1 [tilespmem:s17], [sflag:$0x5], $0x40, s31, s9, $0xb8;
	[tilespmem:$0x1CA40] =	vst v63  }
0x9a: {  	s9 =	simm.s32 @!p1 $0x1AA40;
	s17 =	simm.s32 @!p1 $0x1  }
0x9b: {  	[tilespmem:s9], [sflag:$0x2] =	stream.indirect.gather @!p1 [spmem:s3], $0x40, s0, s2, $0xb8;
	[tilespmem:$0x1CA40] =	vst v63  }
.Ltmp4:
0x9c: {  	_ =	swait.ge @!p1 [sflag:s17], $0x2000;
	(pc) =	sbr.rel @p2 .LBB2_10-.Ltmp4, $4  }
0x9d: {  	s9 =	simm.s32 @!p1 $0x18A40;
	s0 =	simm.s32 @!p1 $0x6;
	[sflag:s17] =	ssyncset.done @!p1 $0x0  }
0x9e: {  	s31 =	sadd.s32 $0x80, s31;
	s0 =	simm.s32 @p1 $0x5;
	[sflag:s17] =	ssyncadd.s32 @!p1 $0xFFFFE000  }
0x9f: {  	[spmem:s4] =	stream.indirect.scatter.add.f32 @!p1 [tilespmem:s9], [sflag:$0x6], $0x40, s7, s2, $0xb8;
	[tilespmem:$0x1CA40] =	vst v63  }
0xa0: {  	s2 =	smin.u32 s6, $0x4F;
	s9 =	sand.u32 $0x1, s6;
	_ =	swait.ge [sflag:s0], $0x2000  }
.Ltmp5:
0xa1: {  	_ = 	snop;
	(pc) =	sbr.rel .LBB2_11-.Ltmp5, $1  }
0xa2: {  	_ =	sdelay $0x3  }
.LBB2_2:
0xa3: {  	s2 =	rddreg [dreg:$0x7]  }
0xa4: {  	[spmem:s0], [sflag:s19] =	dma.local [hbm:s2], $0x1388  }
0xa5: {  	s0 =	rddreg [dreg:$0x5]  }
0xa6: {  	[spmem:s30], [sflag:s1] =	dma.local [hbm:s0], $0x13C0  }
0xa7: {  	[tilespmem:s20], [sflag:$0x1] =	stream.linear.gather [hbm4b:s11+s5], $0x2800, $0x38;
	[tilespmem:$0x1CA40] =	vst v63  }
0xa8: {  	s0 =	simm.s32 $0x16240  }
0xa9: {  	[tilespmem:s0], [sflag:$0x2] =	stream.linear.gather [hbm4b:s12+s5], $0x2800, $0x38;
	[tilespmem:$0x1CA40] =	vst v63  }
0xaa: {  	_ =	swait.ge [sflag:s21], $0x1388  }
0xab: {  	[sflag:s21] =	ssyncset.done $0x0  }
0xac: {  	[sflag:s21] =	ssyncadd.s32 $0xFFFFEC78  }
0xad: {  	_ =	swait.ge [sflag:s22], $0x13C0  }
0xae: {  	[sflag:s22] =	ssyncset.done $0x0  }
0xaf: {  	s9 =	simm.s32 $0x1;
	[sflag:s22] =	ssyncadd.s32 $0xFFFFEC40  }
0xb0: {  	_ =	swait.ge [sflag:s9], $0x2800  }
0xb1: {  	[sflag:s9] =	ssyncset.done $0x0  }
0xb2: {  	[sflag:s9] =	ssyncadd.s32 $0xFFFFD800  }
0xb3: {  	_ =	swait.ge [sflag:s23], $0x2800  }
0xb4: {  	s17 =	sand.u32 $0x1, s9;
	[sflag:s23] =	ssyncset.done $0x0  }
0xb5: {  	p1 =	seq.s32 s17, $0x0;
	s1 =	smin.u32 s9, $0x4F;
	[sflag:s23] =	ssyncadd.s32 $0xFFFFD800  }
0xb6: {  	s31 =	simm.s32 @p1 $0x80;
	s2 =	sshll.u32 @p1 s1, $0x7;
	[bflag:$0x0] =	sbarrier.arrive $0xFFFF  }
0xb7: {  	[tilespmem:s25], [sflag:$0x1] =	stream.indirect.gather [spmem:s3], $0x40, s20, s24, $0xb8;
	[tilespmem:$0x1CA40] =	vst v63  }
0xb8: {  	s7 =	simm.s32 @p1 $0x18A40;
	s2 =	sadd.s32 @p1 $0x13A40, s2;
	s9 =	simm.s32 @p1 $0x2  }
0xb9: {  	[tilespmem:s7], [sflag:$0x1] =	stream.indirect.gather @p1 [spmem:s3], $0x40, s2, s31, $0xb8;
	[tilespmem:$0x1CA40] =	vst v63  }
0xba: {  	_ =	swait.ge @p1 [sflag:s9], $0x2000  }
0xbb: {  	[sflag:s9] =	ssyncset.done @p1 $0x0;
	p1 =	por p1, p1  }
0xbc: {  	[sflag:s9] =	ssyncadd.s32 @p1 $0xFFFFE000;
	s2 =	simm.s32 @p1 $0x1AA40;
	s7 =	simm.s32 @p1 $0x5  }
0xbd: {  	[spmem:s4] =	stream.indirect.scatter.add.f32 @p1 [tilespmem:s2], [sflag:$0x5], $0x40, s0, s31, $0xb8;
	[tilespmem:$0x1CA40] =	vst v63  }
0xbe: {  	s1 =	sshll.u32 @!p1 s1, $0x7;
	_ =	swait.ge @p1 [sflag:s7], $0x2000  }
0xbf: {  	s9 =	simm.s32 @!p1 $0x1AA40;
	s2 =	simm.s32 @!p1 $0x1;
	[sflag:s7] =	ssyncset.done @p1 $0x0  }
0xc0: {  	s1 =	sadd.s32 @!p1 $0x13A40, s1;
	[sflag:s7] =	ssyncadd.s32 @p1 $0xFFFFE000;
	s7 =	simm.s32 @!p1 $0x80  }
0xc1: {  	[tilespmem:s9], [sflag:$0x2] =	stream.indirect.gather @!p1 [spmem:s3], $0x40, s1, s7, $0xb8;
	[tilespmem:$0x1CA40] =	vst v63  }
0xc2: {  	s6 =	simm.s32 $0x2;
	_ =	swait.ge @!p1 [sflag:s2], $0x2000  }
0xc3: {  	s17 =	sand.u32 $0x1, s6;
	[sflag:s2] =	ssyncset.done @!p1 $0x0  }
0xc4: {  	s31 =	simm.s32 @!p1 $0x18A40;
	[sflag:s2] =	ssyncadd.s32 @!p1 $0xFFFFE000;
	s2 =	simm.s32 @!p1 $0x6  }
0xc5: {  	[spmem:s4] =	stream.indirect.scatter.add.f32 @!p1 [tilespmem:s31], [sflag:$0x6], $0x40, s0, s7, $0xb8;
	[tilespmem:$0x1CA40] =	vst v63  }
0xc6: {  	p3 =	seq.s32 s17, $0x0;
	s1 =	simm.s32 $0x3;
	_ =	swait.ge @!p1 [sflag:s2], $0x2000  }
0xc7: {  	s31 =	simm.s32 $0x162C0;
	s0 =	smin.u32 s6, $0x4F;
	[sflag:s2] =	ssyncset.done @!p1 $0x0  }
.LBB2_3:
0xc8: {  	s7 =	sshll.u32 @p3 s0, $0x7;
	s9 =	simm.s32 @p3 $0x2;
	[sflag:s2] =	ssyncadd.s32 @!p1 $0xFFFFE000  }
0xc9: {  	s17 =	simm.s32 @p3 $0x18A40;
	s2 =	sadd.s32 @p3 $0x13A40, s7;
	s7 =	simm.s32 @p3 $0x80  }
0xca: {  	[tilespmem:s17], [sflag:$0x1] =	stream.indirect.gather @p3 [spmem:s3], $0x40, s2, s7, $0xb8;
	[tilespmem:$0x1CA40] =	vst v63  }
0xcb: {  	s17 =	smov.u32 s1;
	s1 =	sadd.s32 $0x1, s1;
	_ =	swait.ge @p3 [sflag:s9], $0x2000  }
0xcc: {  	p1 =	por p3, p3;
	p2 =	sne.s32 s1, $0x51;
	[sflag:s9] =	ssyncset.done @p3 $0x0  }
0xcd: {  	s2 =	simm.s32 @p1 $0x1AA40;
	[sflag:s9] =	ssyncadd.s32 @p1 $0xFFFFE000;
	s9 =	simm.s32 @p1 $0x5  }
0xce: {  	[spmem:s4] =	stream.indirect.scatter.add.f32 @p1 [tilespmem:s2], [sflag:$0x5], $0x40, s31, s7, $0xb8;
	[tilespmem:$0x1CA40] =	vst v63  }
0xcf: {  	s2 =	simm.s32 @!p1 $0x1;
	_ =	swait.ge @p1 [sflag:s9], $0x2000  }
0xd0: {  	s0 =	sshll.u32 @!p1 s0, $0x7;
	s7 =	simm.s32 @!p1 $0x1AA40;
	[sflag:s9] =	ssyncset.done @p1 $0x0  }
0xd1: {  	s0 =	sadd.s32 @!p1 $0x13A40, s0;
	[sflag:s9] =	ssyncadd.s32 @p1 $0xFFFFE000;
	s9 =	simm.s32 @!p1 $0x80  }
0xd2: {  	[tilespmem:s7], [sflag:$0x2] =	stream.indirect.gather @!p1 [spmem:s3], $0x40, s0, s9, $0xb8;
	[tilespmem:$0x1CA40] =	vst v63  }
0xd3: {  	_ =	swait.ge @!p1 [sflag:s2], $0x2000  }
.Ltmp6:
0xd4: {  	[sflag:s2] =	ssyncset.done @!p1 $0x0;
	(pc) =	sbr.rel @p2 .LBB2_3-.Ltmp6, $4  }
0xd5: {  	s0 =	simm.s32 @!p1 $0x18A40;
	[sflag:s2] =	ssyncadd.s32 @!p1 $0xFFFFE000;
	s2 =	simm.s32 @!p1 $0x6  }
0xd6: {  	[spmem:s4] =	stream.indirect.scatter.add.f32 @!p1 [tilespmem:s0], [sflag:$0x6], $0x40, s31, s9, $0xb8;
	[tilespmem:$0x1CA40] =	vst v63  }
0xd7: {  	s0 =	sand.u32 $0x1, s17;
	s31 =	sadd.s32 $0x80, s31;
	_ =	swait.ge @!p1 [sflag:s2], $0x2000  }
0xd8: {  	p3 =	seq.s32 s0, $0x0;
	s0 =	smin.u32 s17, $0x4F;
	[sflag:s2] =	ssyncset.done @!p1 $0x0  }
0xd9: {  	s1 =	sshll.u32 @p3 s0, $0x7;
	s7 =	simm.s32 @p3 $0x2;
	[sflag:s2] =	ssyncadd.s32 @!p1 $0xFFFFE000  }
0xda: {  	s2 =	simm.s32 @p3 $0x80;
	s9 =	simm.s32 @p3 $0x18A40;
	s1 =	sadd.s32 @p3 $0x13A40, s1  }
0xdb: {  	[tilespmem:s9], [sflag:$0x1] =	stream.indirect.gather @p3 [spmem:s3], $0x40, s1, s2, $0xb8;
	[tilespmem:$0x1CA40] =	vst v63  }
0xdc: {  	_ =	swait.ge @p3 [sflag:s7], $0x2000  }
0xdd: {  	p1 =	por p3, p3;
	[sflag:s7] =	ssyncset.done @p3 $0x0  }
0xde: {  	s1 =	simm.s32 @p1 $0x1AA40;
	[sflag:s7] =	ssyncadd.s32 @p1 $0xFFFFE000;
	s7 =	simm.s32 @p1 $0x5  }
0xdf: {  	[spmem:s4] =	stream.indirect.scatter.add.f32 @p1 [tilespmem:s1], [sflag:$0x5], $0x40, s31, s2, $0xb8;
	[tilespmem:$0x1CA40] =	vst v63  }
0xe0: {  	s0 =	sshll.u32 @!p1 s0, $0x7;
	_ =	swait.ge @p1 [sflag:s7], $0x2000  }
0xe1: {  	s0 =	sadd.s32 @!p1 $0x13A40, s0;
	s1 =	simm.s32 @!p1 $0x1;
	[sflag:s7] =	ssyncset.done @p1 $0x0  }
0xe2: {  	s2 =	simm.s32 @!p1 $0x1AA40;
	[sflag:s7] =	ssyncadd.s32 @p1 $0xFFFFE000;
	s7 =	simm.s32 @!p1 $0x80  }
0xe3: {  	[tilespmem:s2], [sflag:$0x2] =	stream.indirect.gather @!p1 [spmem:s3], $0x40, s0, s7, $0xb8;
	[tilespmem:$0x1CA40] =	vst v63  }
0xe4: {  	_ =	swait.ge @!p1 [sflag:s1], $0x2000  }
0xe5: {  	[sflag:s1] =	ssyncset.done @!p1 $0x0  }
0xe6: {  	s0 =	simm.s32 @!p1 $0x18A40;
	[sflag:s1] =	ssyncadd.s32 @!p1 $0xFFFFE000;
	s1 =	simm.s32 @!p1 $0x6  }
0xe7: {  	[spmem:s4] =	stream.indirect.scatter.add.f32 @!p1 [tilespmem:s0], [sflag:$0x6], $0x40, s31, s7, $0xb8;
	[tilespmem:$0x1CA40] =	vst v63  }
0xe8: {  	_ =	swait.ge @!p1 [sflag:s1], $0x2000  }
0xe9: {  	[sflag:s1] =	ssyncset.done @!p1 $0x0  }
0xea: {  	s9 =	simm.s32 $0x1;
	[sflag:s1] =	ssyncadd.s32 @!p1 $0xFFFFE000  }
0xeb: {  	_ =	swait.ge [sflag:s9], $0x2000  }
0xec: {  	[sflag:s9] =	ssyncset.done $0x0  }
0xed: {  	[sflag:s9] =	ssyncadd.s32 $0xFFFFE000  }
0xee: {  	[tilespmem:s20], [sflag:$0x5] =	stream.linear.gather [hbm4b:s13+s5], $0x2800, $0x38;
	[tilespmem:$0x1CA40] =	vst v63  }
0xef: {  	_ =	swait.ge [sflag:s26], $0x2800  }
0xf0: {  	[sflag:s26] =	ssyncset.done $0x0  }
0xf1: {  	s1 =	simm.s32 $0x16240;
	[sflag:s26] =	ssyncadd.s32 $0xFFFFD800  }
0xf2: {  	[tilespmem:s1], [sflag:$0x5] =	stream.linear.gather [hbm4b:s14+s5], $0x2800, $0x38;
	[tilespmem:$0x1CA40] =	vst v63  }
0xf3: {  	s0 =	smin.u32 s9, $0x4F;
	_ =	swait.ge [sflag:s26], $0x2800  }
0xf4: {  	s17 =	sand.u32 $0x1, s9;
	s0 =	sshll.u32 s0, $0x7;
	[sflag:s26] =	ssyncset.done $0x0  }
0xf5: {  	s0 =	sadd.s32 $0x13A40, s0;
	p1 =	seq.s32 s17, $0x0;
	[sflag:s26] =	ssyncadd.s32 $0xFFFFD800  }
0xf6: {  	[tilespmem:s25], [sflag:$0x1] =	stream.indirect.gather [spmem:s3], $0x40, s20, s24, $0xb8;
	[tilespmem:$0x1CA40] =	vst v63  }
0xf7: {  	s2 =	simm.s32 @p1 $0x80;
	s7 =	simm.s32 @p1 $0x18A40;
	s9 =	simm.s32 @p1 $0x2  }
0xf8: {  	[tilespmem:s7], [sflag:$0x1] =	stream.indirect.gather @p1 [spmem:s3], $0x40, s0, s2, $0xb8;
	[tilespmem:$0x1CA40] =	vst v63  }
0xf9: {  	_ =	swait.ge @p1 [sflag:s9], $0x2000  }
0xfa: {  	[sflag:s9] =	ssyncset.done @p1 $0x0  }
0xfb: {  	s7 =	simm.s32 @p1 $0x1AA40;
	[sflag:s9] =	ssyncadd.s32 @p1 $0xFFFFE000  }
0xfc: {  	[spmem:s4] =	stream.indirect.scatter.add.f32 @p1 [tilespmem:s7], [sflag:$0x5], $0x40, s1, s2, $0xb8;
	[tilespmem:$0x1CA40] =	vst v63  }
0xfd: {  	s9 =	simm.s32 @!p1 $0x1;
	s2 =	simm.s32 @!p1 $0x80;
	s7 =	simm.s32 @!p1 $0x1AA40  }
0xfe: {  	[tilespmem:s7], [sflag:$0x2] =	stream.indirect.gather @!p1 [spmem:s3], $0x40, s0, s2, $0xb8;
	[tilespmem:$0x1CA40] =	vst v63  }
0xff: {  	s6 =	simm.s32 $0x2;
	s31 =	simm.s32 $0x162C0;
	_ =	swait.ge @!p1 [sflag:s9], $0x2000  }
0x100: {  	s17 =	simm.s32 @!p1 $0x18A40;
	s0 =	simm.s32 @!p1 $0x6;
	[sflag:s9] =	ssyncset.done @!p1 $0x0  }
0x101: {  	s0 =	simm.s32 @p1 $0x5;
	[sflag:s9] =	ssyncadd.s32 @!p1 $0xFFFFE000;
	s9 =	sand.u32 $0x1, s6  }
0x102: {  	[spmem:s4] =	stream.indirect.scatter.add.f32 @!p1 [tilespmem:s17], [sflag:$0x6], $0x40, s1, s2, $0xb8;
	[tilespmem:$0x1CA40] =	vst v63  }
0x103: {  	s1 =	simm.s32 $0x3;
	s2 =	smin.u32 s6, $0x4F;
	_ =	swait.ge [sflag:s0], $0x2000  }
.LBB2_5:
0x104: {  	p1 =	seq.s32 s9, $0x0;
	s2 =	sshll.u32 s2, $0x7  }
0x105: {  	[sflag:s0] =	ssyncset.done $0x0;
	s7 =	smov.u32 s1;
	s9 =	smov.u32 s31  }
0x106: {  	s17 =	simm.s32 @p1 $0x80;
	s6 =	simm.s32 @p1 $0x18A40;
	[sflag:s0] =	ssyncadd.s32 $0xFFFFE000  }
0x107: {  	s1 =	sadd.s32 $0x1, s1;
	s0 =	sadd.s32 $0x13A40, s2;
	s2 =	simm.s32 @p1 $0x2  }
0x108: {  	[tilespmem:s6], [sflag:$0x1] =	stream.indirect.gather @p1 [spmem:s3], $0x40, s0, s17, $0xb8;
	[tilespmem:$0x1CA40] =	vst v63  }
0x109: {  	p2 =	seq.s32 s1, $0x51;
	_ =	swait.ge @p1 [sflag:s2], $0x2000  }
0x10a: {  	s6 =	simm.s32 @p1 $0x1AA40;
	[sflag:s2] =	ssyncset.done @p1 $0x0  }
0x10b: {  	[sflag:s2] =	ssyncadd.s32 @p1 $0xFFFFE000;
	s2 =	simm.s32 @!p1 $0x80  }
0x10c: {  	[spmem:s4] =	stream.indirect.scatter.add.f32 @p1 [tilespmem:s6], [sflag:$0x5], $0x40, s31, s17, $0xb8;
	[tilespmem:$0x1CA40] =	vst v63  }
0x10d: {  	s6 =	simm.s32 @!p1 $0x1AA40;
	s17 =	simm.s32 @!p1 $0x1  }
0x10e: {  	[tilespmem:s6], [sflag:$0x2] =	stream.indirect.gather @!p1 [spmem:s3], $0x40, s0, s2, $0xb8;
	[tilespmem:$0x1CA40] =	vst v63  }
.Ltmp7:
0x10f: {  	_ =	swait.ge @!p1 [sflag:s17], $0x2000;
	(pc) =	sbr.rel @!p2 .LBB2_5-.Ltmp7, $4  }
0x110: {  	s6 =	simm.s32 @!p1 $0x18A40;
	s0 =	simm.s32 @!p1 $0x6;
	[sflag:s17] =	ssyncset.done @!p1 $0x0  }
0x111: {  	s31 =	sadd.s32 $0x80, s31;
	s0 =	simm.s32 @p1 $0x5;
	[sflag:s17] =	ssyncadd.s32 @!p1 $0xFFFFE000  }
0x112: {  	[spmem:s4] =	stream.indirect.scatter.add.f32 @!p1 [tilespmem:s6], [sflag:$0x6], $0x40, s9, s2, $0xb8;
	[tilespmem:$0x1CA40] =	vst v63  }
0x113: {  	s2 =	smin.u32 s7, $0x4F;
	s9 =	sand.u32 $0x1, s7;
	_ =	swait.ge [sflag:s0], $0x2000  }
0x114: {  	p1 =	seq.s32 s9, $0x0;
	s1 =	sshll.u32 s2, $0x7  }
0x115: {  	[sflag:s0] =	ssyncset.done $0x0;
	s2 =	simm.s32 @p1 $0x80;
	s6 =	simm.s32 @p1 $0x18A40  }
0x116: {  	[sflag:s0] =	ssyncadd.s32 $0xFFFFE000;
	s0 =	sadd.s32 $0x13A40, s1;
	s1 =	simm.s32 @p1 $0x2  }
0x117: {  	[tilespmem:s6], [sflag:$0x1] =	stream.indirect.gather @p1 [spmem:s3], $0x40, s0, s2, $0xb8;
	[tilespmem:$0x1CA40] =	vst v63  }
0x118: {  	_ =	swait.ge @p1 [sflag:s1], $0x2000  }
0x119: {  	[sflag:s1] =	ssyncset.done @p1 $0x0  }
0x11a: {  	s6 =	simm.s32 @p1 $0x1AA40;
	[sflag:s1] =	ssyncadd.s32 @p1 $0xFFFFE000  }
0x11b: {  	[spmem:s4] =	stream.indirect.scatter.add.f32 @p1 [tilespmem:s6], [sflag:$0x5], $0x40, s31, s2, $0xb8;
	[tilespmem:$0x1CA40] =	vst v63  }
0x11c: {  	s1 =	simm.s32 @!p1 $0x80;
	s2 =	simm.s32 @!p1 $0x1AA40;
	s6 =	simm.s32 @!p1 $0x1  }
0x11d: {  	[tilespmem:s2], [sflag:$0x2] =	stream.indirect.gather @!p1 [spmem:s3], $0x40, s0, s1, $0xb8;
	[tilespmem:$0x1CA40] =	vst v63  }
0x11e: {  	_ =	swait.ge @!p1 [sflag:s6], $0x2000  }
0x11f: {  	[sflag:s6] =	ssyncset.done @!p1 $0x0  }
0x120: {  	s0 =	simm.s32 @!p1 $0x6;
	s2 =	simm.s32 @!p1 $0x18A40;
	[sflag:s6] =	ssyncadd.s32 @!p1 $0xFFFFE000  }
0x121: {  	[spmem:s4] =	stream.indirect.scatter.add.f32 @!p1 [tilespmem:s2], [sflag:$0x6], $0x40, s31, s1, $0xb8;
	[tilespmem:$0x1CA40] =	vst v63  }
.Ltmp8:
0x122: {  	s0 =	simm.s32 @p1 $0x5;
	(pc) =	sbr.rel .LBB2_12-.Ltmp8, $4  }
0x123: {  	_ =	swait.ge [sflag:s0], $0x2000  }
0x124: {  	[sflag:s0] =	ssyncset.done $0x0  }
0x125: {  	[sflag:s0] =	ssyncadd.s32 $0xFFFFE000  }
0x126: {  	s0 =	rddreg [dreg:$0x1]  }
.LBB2_13:
0x127: {  	_ =	sfence.sel $0x180000  }
0x128: {  	[bflag:$0x0] =	sbarrier.arrive $0xFFFF  }
0x129: {  	_ =	strace $0x9000004A  }
0x12a: {  	s0 =	stileid.u32;
	[bflag:$0x2] =	sbarrier.arrive $0xFFFF  }
0x12b: {  	p0 =	sne.s32 s0, $0x0;
	s0 =	rddreg [dreg:$0x4]  }
0x12c: {  	s0 =	sadd.s32 @!p0 $0x100000, s0  }
0x12d: {  	[sflag:s0] =	ssyncadd.tile.s32 @!p0 $0x1;
	_ =	shalt  }
.Lfunc_end2:
_tile_overlayer_lowered:
.L_overlay_start_2:
0x12e: {  	(tag) =	ssettag $0x2  }
0x12f: {  	s0 =	rddreg [dreg:$0x0];
	s2 =	stileid.u32  }
0x130: {  	s1 =	rddreg [dreg:$0x1];
	p0 =	sne.s32 s2, $0x0  }
0x131: {  	s3 =	rddreg [dreg:$0x2];
	[bflag:$0x3] =	sbarrier.arrive $0xFFFF;
	s2 =	simm.s32 @!p0 $0x1C05  }
0x132: {  	[timem:s3], [sflag:s2] =	dma.local @!p0 [hbm:s0], s1  }
0x133: {  	s0 =	simm.s32 @!p0 $0x5  }
0x134: {  	_ =	swait.ge @!p0 [sflag:s0], s1  }
0x135: {  	s1 =	ssub.s32 @!p0 $0x0, s1;
	[sflag:s0] =	ssyncset.done @!p0 $0x0  }
0x136: {  	[sflag:s0] =	ssyncadd.s32 @!p0 s1  }
0x137: {  	[bflag:$0x3] =	sbarrier.arrive $0xFFFF  }
0x138: {  	_ =	shalt  }

// kernel: kernel.16.cloned.1.call-start
scs
__scs_entry_jumppad:
0x0: {  	(pc) =	sbr.rel $0x88, $3  }
0x1: {  	(tag) =	ssettag $0x0;
	lr =	simm.s32 $0x1  }
0x2: {  	[smem:$0x3F96] =	sst lr;
	_ =	strace $0xD0000000  }
0x3: {  	_ = 	snop  }
0x4: {  	_ = 	snop  }
0x5: {  	_ = 	snop  }
0x6: {  	_ = 	snop  }
0x7: {  	_ = 	snop  }
__scs_overlays_trampoline_lowered:
0x8: {  	[smem:$0x3FA5] =	sst s0  }
0x9: {  	[smem:$0x3FA6] =	sst s1  }
0xa: {  	[smem:$0x3FA7] =	sst s2  }
0xb: {  	[smem:$0x3FA8] =	sst s3  }
0xc: {  	[smem:$0x3FA9] =	sst s4  }
0xd: {  	[smem:$0x3FAA] =	sst s5  }
0xe: {  	[smem:$0x3FAB] =	sst s6  }
0xf: {  	[smem:$0x3FAC] =	sst s7  }
0x10: {  	[smem:$0x3FAD] =	sst s8  }
0x11: {  	[smem:$0x3FAE] =	sst s9;
	s0 =	simm.s32 @!p0 $0x0  }
0x12: {  	s1 =	sld [smem:$0x3F94];
	s0 =	simm.s32 @p0 $0x1  }
0x13: {  	[smem:$0x3FAF] =	sst s0;
	s0 =	simm.s32 @!p1 $0x0  }
0x14: {  	s2 =	sld [smem:$0x3F93];
	s0 =	simm.s32 @p1 $0x1  }
0x15: {  	[smem:$0x3FB0] =	sst s0;
	s0 =	simm.s32 @!p2 $0x0  }
0x16: {  	s3 =	sld [smem:$0x3FDB];
	s0 =	simm.s32 @p2 $0x1  }
0x17: {  	s4 =	simm.s32 $0x1BF5;
	[smem:$0x3FB2] =	sst s0  }
0x18: {  	s0 =	sld [smem:$0x3F95];
	_ =	swait.ge [sflag:s4], $0x0  }
0x19: {  	s7 =	sld [smem:$0x3F96]  }
0x1a: {  	s8 =	sadd.s32 $0xFFFFE003, lr  }
0x1b: {  	s9 =	sadd.s32 $0xFFFFFEF7, lr;
	s5 =	simm.s32 $0xFFFFFFFF;
	p2 =	slt.u32 s8, $0xFFFFF086  }
0x1c: {  	p1 =	slt.u32 s9, $0xF7A;
	s5 =	simm.s32 @!p2 $0x0  }
0x1d: {  	s5 =	simm.s32 @p1 $0x1;
	p0 =	seq.s32 s7, s2  }
0x1e: {  	s7 =	smul.u32 @!p0 $0xF7A, s2;
	p2 =	seq.s32 @!p0 s5, $0x0  }
0x1f: {  	s9 =	smul.u32 $0xF7A, s1;
	s8 =	simm.s32 @!p0 $0x1BF5;
	p2 =	por !p2, p0  }
0x20: {  	[sflag:s8] =	ssyncset.s32 @!p0 $0xFFFFF086;
	s6 =	sadd.s32 @!p0 s3, s7;
	s7 =	simm.s32 @!p0 $0x108  }
0x21: {  	s3 =	sadd.s32 s3, s9;
	s6 =	sadd.s32 @!p0 $0x88, s6;
	s7 =	simm.s32 @p2 $0x1082  }
0x22: {  	[simem:s7], [sflag:s8] =	dma.local @!p0 [hbm:s6], $0xF7A  }
0x23: {  	s9 =	sor.u32 $0xD0000000, s2;
	s6 =	simm.s32 $0x108;
	_ =	swait.ge @!p0 [sflag:s8], $0x0  }
0x24: {  	s3 =	sadd.s32 $0x88, s3;
	s6 =	simm.s32 @!p1 $0x1082;
	[sflag:s4] =	ssyncset.s32 $0xFFFFF086  }
0x25: {  	[simem:s6], [sflag:s4] =	dma.local [hbm:s3], $0xF7A  }
0x26: {  	[smem:$0x3F96] =	sst s1;
	(tag) =	ssettag s2;
	_ =	strace s9  }
0x27: {  	s1 =	sld [smem:$0x3FA6]  }
0x28: {  	s2 =	sld [smem:$0x3FA7]  }
0x29: {  	s4 =	sld [smem:$0x3FA9]  }
0x2a: {  	p0 =	seq.s32 s5, $0x0;
	s5 =	sld [smem:$0x3FAA]  }
0x2b: {  	s6 =	sld [smem:$0x3FAB]  }
0x2c: {  	s7 =	sld [smem:$0x3FAC]  }
0x2d: {  	s3 =	simm.s32 $0x108;
	s8 =	sld [smem:$0x3FAD]  }
0x2e: {  	s3 =	simm.s32 @!p0 $0x1082;
	s9 =	sld [smem:$0x3FAE]  }
0x2f: {  	lr =	sadd.s32 s0, s3;
	s0 =	sld [smem:$0x3FA5]  }
0x30: {  	s3 =	sld [smem:$0x3FA8]  }
0x31: {  	[smem:$0x3FB1] =	sst s10  }
0x32: {  	s10 =	sld [smem:$0x3FAF];
	_ =	sdelay $0x3  }
0x33: {  	p0 =	seq.s32 s10, $0x1;
	s10 =	sld [smem:$0x3FB1];
	_ =	sdelay $0x3  }
0x34: {  	[smem:$0x3FB1] =	sst s10  }
0x35: {  	s10 =	sld [smem:$0x3FB0];
	_ =	sdelay $0x3  }
0x36: {  	p1 =	seq.s32 s10, $0x1;
	s10 =	sld [smem:$0x3FB1];
	_ =	sdelay $0x3  }
0x37: {  	[smem:$0x3FB1] =	sst s10  }
0x38: {  	s10 =	sld [smem:$0x3FB2]  }
0x39: {  	_ = 	snop;
	(pc) =	sbr.ind lr, $3  }
0x3a: {  	_ = 	snop  }
0x3b: {  	_ = 	snop  }
0x3c: {  	p2 =	seq.s32 s10, $0x1;
	s10 =	sld [smem:$0x3FB1]  }
0x3d: {  	_ =	shalt  }
0x3e: {  	_ =	shalt  }
0x3f: {  	_ =	shalt  }
0x40: {  	_ =	shalt  }
0x41: {  	_ =	shalt  }
0x42: {  	_ =	shalt  }
0x43: {  	_ =	shalt  }
0x44: {  	_ =	shalt  }
0x45: {  	_ =	shalt  }
0x46: {  	_ =	shalt  }
0x47: {  	_ =	shalt  }
0x48: {  	_ =	shalt  }
0x49: {  	_ =	shalt  }
0x4a: {  	_ =	shalt  }
0x4b: {  	_ =	shalt  }
0x4c: {  	_ =	shalt  }
0x4d: {  	_ =	shalt  }
0x4e: {  	_ =	shalt  }
0x4f: {  	_ =	shalt  }
0x50: {  	_ =	shalt  }
0x51: {  	_ =	shalt  }
0x52: {  	_ =	shalt  }
0x53: {  	_ =	shalt  }
0x54: {  	_ =	shalt  }
0x55: {  	_ =	shalt  }
0x56: {  	_ =	shalt  }
0x57: {  	_ =	shalt  }
0x58: {  	_ =	shalt  }
0x59: {  	_ =	shalt  }
0x5a: {  	_ =	shalt  }
0x5b: {  	_ =	shalt  }
0x5c: {  	_ =	shalt  }
0x5d: {  	_ =	shalt  }
0x5e: {  	_ =	shalt  }
0x5f: {  	_ =	shalt  }
0x60: {  	_ =	shalt  }
0x61: {  	_ =	shalt  }
0x62: {  	_ =	shalt  }
0x63: {  	_ =	shalt  }
0x64: {  	_ =	shalt  }
0x65: {  	_ =	shalt  }
0x66: {  	_ =	shalt  }
0x67: {  	_ =	shalt  }
0x68: {  	_ =	shalt  }
0x69: {  	_ =	shalt  }
0x6a: {  	_ =	shalt  }
0x6b: {  	_ =	shalt  }
0x6c: {  	_ =	shalt  }
0x6d: {  	_ =	shalt  }
0x6e: {  	_ =	shalt  }
0x6f: {  	_ =	shalt  }
0x70: {  	_ =	shalt  }
0x71: {  	_ =	shalt  }
0x72: {  	_ =	shalt  }
0x73: {  	_ =	shalt  }
0x74: {  	_ =	shalt  }
0x75: {  	_ =	shalt  }
0x76: {  	_ =	shalt  }
0x77: {  	_ =	shalt  }
0x78: {  	_ =	shalt  }
0x79: {  	_ =	shalt  }
0x7a: {  	_ =	shalt  }
0x7b: {  	_ =	shalt  }
0x7c: {  	_ =	shalt  }
0x7d: {  	_ =	shalt  }
0x7e: {  	_ =	shalt  }
0x7f: {  	_ =	shalt  }
0x80: {  	_ =	shalt  }
0x81: {  	_ =	shalt  }
0x82: {  	_ =	shalt  }
0x83: {  	_ =	shalt  }
0x84: {  	_ =	shalt  }
0x85: {  	_ =	shalt  }
0x86: {  	_ =	shalt  }
0x87: {  	_ =	shalt  }
.Lfunc_end0:
.L_simem_size_0:
called_computation.2_lowered:
.L_overlay_start_0:
0x88: {  	s2 =	sld [smem:$0x3FD9]  }
0x89: {  	s3 =	sld [smem:$0x3FFE];
	_ =	sdelay $0x1  }
0x8a: {  	s1 =	srdreg.scid  }
0x8b: {  	s0 =	sand.u32 $0x1, s1  }
0x8c: {  	s17 =	sshll.u32 s0, $0xA;
	s2 =	sadd.s32 s3, s2  }
0x8d: {  	s2 =	sadd.s32 s2, s17  }
0x8e: {  	[smem:$0x3FBD] =	sst s2  }
0x8f: {  	_ = 	snop  }
0x90: {  	s2 =	sld [smem:$0x3FD0];
	(tm) =	ssettm $0x1  }
0x91: {  	s18 =	sld [smem:$0x3FFB];
	_ =	sdelay $0x3  }
0x92: {  	_ =	strace s18  }
0x93: {  	s3 =	sld [smem:$0x3FFC];
	_ =	sdelay $0x3  }
0x94: {  	_ =	strace s3  }
0x95: {  	s3 =	sld [smem:$0x3FFD];
	_ =	sdelay $0x3  }
0x96: {  	_ =	strace s3  }
0x97: {  	_ =	strace $0x8FFFFFFF  }
0x98: {  	s19 =	sld [smem:$0x3FDB];
	_ =	sdelay $0x1  }
0x99: {  	s4 =	simm.s32 $_scs_section_size  }
0x9a: {  	s5 =	simm.s32 $_size__tile_overlayer_lowered;
	s6 =	simm.s32 $_tile_overlayer_lowered  }
0x9b: {  	s22 =	simm.s32 $0x1BFF;
	s21 =	sshll.u32 s6, $0x1;
	s3 =	sadd.s32 s4, s19  }
0x9c: {  	s7 =	simm.s32 $0x0;
	s20 =	sshll.u32 s5, $0x1;
	s5 =	sadd.s32 s21, s3  }
0x9d: {  	[timem:s7], [sflag:s22] =	dma.local [hbm:s5], s20  }
0x9e: {  	_ =	swait.ge [sflag:s22], s20  }
0x9f: {  	s4 =	ssub.s32 $0x0, s20;
	[sflag:s22] =	ssyncset.done $0x0  }
0xa0: {  	[sflag:s22] =	ssyncadd.s32 s4;
	_ =	sdelay $0x1  }
0xa1: {  	s23 =	simm.s32 $0x1B8B  }
0xa2: {  	_ =	swait.ge [sflag:s23], $0x1  }
0xa3: {  	[sflag:s23] =	ssyncset.done $0x0  }
0xa4: {  	s25 =	simm.s32 $0x1B8E;
	s24 =	sld [smem:$0x3FFE];
	[sflag:s23] =	ssyncadd.s32 $0xFFFFFFFF  }
0xa5: {  	s26 =	simm.s32 $execute0_lowered;
	[smem:$0x3FD2] =	sst s25  }
0xa6: {  	s5 =	sshll.u32 s26, $0x1;
	_ =	strace $0x8000004C;
	[dreg:$0x1] =	wrdreg $0xFFFFFFFF  }
0xa7: {  	s28 =	simm.s32 $_size_execute0_lowered;
	s3 =	sadd.s32 s3, s5;
	[dreg:$0x0] =	wrdreg $0x0  }
0xa8: {  	s5 =	sshll.u32 s28, $0x1;
	[dreg:$0x2] =	wrdreg s3  }
0xa9: {  	[dreg:$0x3] =	wrdreg s5  }
0xaa: {  	[dreg:$0x4] =	wrdreg $0xC0  }
0xab: {  	_ =	task [dreg:s7], $0x5FFFF  }
0xac: {  	[dreg:$0x1] =	wrdreg $0xFFFFFFFF  }
0xad: {  	[dreg:$0x0] =	wrdreg $0x60  }
0xae: {  	[dreg:$0x2] =	wrdreg s24  }
0xaf: {  	[dreg:$0x3] =	wrdreg s2  }
0xb0: {  	[dreg:$0x4] =	wrdreg $0x9E000  }
0xb1: {  	[dreg:$0x5] =	wrdreg $0x0  }
0xb2: {  	[dreg:$0x6] =	wrdreg $0x9  }
0xb3: {  	_ =	task.clear_ibuf [dreg:s7], $0x7FFFF;
	_ =	strace $0x9000004C  }
0xb4: {  	s29 =	simm.s32 $0x9;
	_ =	strace $0x8000004E  }
0xb5: {  	_ =	swait.ge [sflag:s29], $0x1  }
0xb6: {  	[sflag:s29] =	ssyncadd.s32 $0xFFFFFFFF  }
0xb7: {  	_ =	strace $0x9000004E  }
0xb8: {  	_ =	sfence  }
0xb9: {  	s30 =	sld [smem:$0x0];
	_ =	sdelay $0x2  }
0xba: {  	s31 =	sshll.u32 s1, $0xD;
	s1 =	sshrl.u32 s1, $0x2  }
0xbb: {  	s3 =	sand.u32 $0x4000, s31;
	s1 =	sadd.s32 s1, s30  }
0xbc: {  	s0 =	sor.u32 s3, s0;
	s1 =	sshll.u32 s1, $0x11  }
0xbd: {  	s0 =	sor.u32 s1, s0  }
0xbe: {  	s0 =	sadd.s32 $0x8F2B, s0  }
0xbf: {  	[sflag:s0] =	ssyncadd.remote.s32 $0x1  }
0xc0: {  	_ =	sfence.sel $0xFFFF  }
0xc1: {  	[dreg:$0x0] =	wrdreg $0xFFFFFFFF;
	(pc) =	sbr.abs _section_cstart, $3  }
0xc2: {  	[dreg:$0x1] =	wrdreg $0xFFFFFFFF  }
0xc3: {  	_ =	task.clear_ibuf [dreg:s7], $0x2FFFF;
	_ =	strace $0x9FFFFFFF  }
0xc4: {  	(tm) =	ssettm $0x7FFFFFFF  }
0xc5: {  	_ =	shalt  }
tec
execute0_lowered:
.L_overlay_start_1:
0x0: {  	(tag) =	ssettag $0x1  }
0x1: {  	s0 =	rddreg [dreg:$0x0]  }
0x2: {  	s3 =	rddreg [dreg:$0x2]  }
0x3: {  	s7 =	stileid.u32;
	s4 =	rddreg [dreg:$0x3];
	s5 =	simm.s32 $0x0  }
0x4: {  	s6 =	srdreg.scid;
	s20 =	simm.s32 $0x13A40;
	s21 =	simm.s32 $0x3  }
0x5: {  	s22 =	simm.s32 $0x4;
	s23 =	simm.s32 $0x2;
	s28 =	simm.s32 $0x1  }
0x6: {  	s29 =	simm.s32 $0x0;
	s1 =	smul.u32 $0x9C40, s7;
	[smem:$0x7FF] =	sst s5  }
0x7: {  	s8 =	sand.u32 $0x1, s6;
	s9 =	sadd.s32 $0x3FE00, s0;
	s12 =	smul.u32 $0x5000, s7  }
0x8: {  	s14 =	sadd.s32 $0x4200, s0;
	s24 =	sadd.s32 $0x49E00, s0;
	s15 =	smul.u32 $0x9E00, s7  }
0x9: {  	_ =	strace $0x8000004D;
	s10 =	ssub.s32 $0x2, s8;
	[dreg:$0x5] =	wrdreg s24  }
0xa: {  	p0 =	seq.s32 s8, $0x1;
	s24 =	simm.s32 $0x80;
	s2 =	sshrl.u32 s1, $0x3  }
0xb: {  	s11 =	sshrl.u32 s10, $0x1;
	s8 =	sadd.s32 s1, s3;
	s26 =	sshrl.u32 s12, $0x3  }
0xc: {  	s2 =	sadd.s32 s2, s0;
	s0 =	sadd.s32 $0x21C00, s0;
	s25 =	ssub.s32 s10, s11  }
0xd: {  	s10 =	sadd.s32 s15, s4;
	s16 =	sadd.s32 $0x500, s26;
	s11 =	sadd.s32 s9, s26  }
.Ltmp0:
0xe: {  	s12 =	sadd.s32 s14, s26;
	s15 =	sshrl.u32 s15, $0x3;
	(pc) =	sbr.rel .LBB2_1-.Ltmp0, $4  }
0xf: {  	s26 =	simm.s32 $0x5;
	[dreg:$0x6] =	wrdreg s0;
	s30 =	sadd.s32 $0x4B200, s2  }
0x10: {  	s13 =	sadd.s32 s9, s16;
	s14 =	sadd.s32 s14, s16;
	s16 =	sshll.u32 s7, $0x6  }
0x11: {  	s31 =	sadd.s32 $0xE200, s2;
	s18 =	smax.u32 s25, $0x1;
	[dreg:$0x7] =	wrdreg s30  }
0x12: {  	s25 =	simm.s32 $0x18A40;
	[dreg:$0x8] =	wrdreg s31;
	s19 =	sor.u32 $0x1C03, s16  }
.LBB2_11:
0x13: {  	p1 =	seq.s32 s9, $0x0;
	s1 =	sshll.u32 s2, $0x7  }
0x14: {  	[sflag:s0] =	ssyncset.done $0x0;
	s2 =	simm.s32 @p1 $0x80;
	s6 =	simm.s32 @p1 $0x18A40  }
0x15: {  	[sflag:s0] =	ssyncadd.s32 $0xFFFFE000;
	s0 =	sadd.s32 $0x13A40, s1;
	s1 =	simm.s32 @p1 $0x2  }
0x16: {  	[tilespmem:s6], [sflag:$0x1] =	stream.indirect.gather @p1 [spmem:s3], $0x40, s0, s2, $0xb8;
	[tilespmem:$0x1CA40] =	vst v63  }
0x17: {  	_ =	swait.ge @p1 [sflag:s1], $0x2000  }
0x18: {  	[sflag:s1] =	ssyncset.done @p1 $0x0  }
0x19: {  	s6 =	simm.s32 @p1 $0x1AA40;
	[sflag:s1] =	ssyncadd.s32 @p1 $0xFFFFE000  }
0x1a: {  	[spmem:s4] =	stream.indirect.scatter.add.f32 @p1 [tilespmem:s6], [sflag:$0x5], $0x40, s31, s2, $0xb8;
	[tilespmem:$0x1CA40] =	vst v63  }
0x1b: {  	s1 =	simm.s32 @!p1 $0x80;
	s2 =	simm.s32 @!p1 $0x1AA40;
	s6 =	simm.s32 @!p1 $0x1  }
0x1c: {  	[tilespmem:s2], [sflag:$0x2] =	stream.indirect.gather @!p1 [spmem:s3], $0x40, s0, s1, $0xb8;
	[tilespmem:$0x1CA40] =	vst v63  }
0x1d: {  	_ =	swait.ge @!p1 [sflag:s6], $0x2000  }
0x1e: {  	s0 =	simm.s32 @!p1 $0x6;
	[sflag:s6] =	ssyncset.done @!p1 $0x0  }
0x1f: {  	s2 =	simm.s32 @!p1 $0x18A40;
	s0 =	simm.s32 @p1 $0x5;
	[sflag:s6] =	ssyncadd.s32 @!p1 $0xFFFFE000  }
0x20: {  	[spmem:s4] =	stream.indirect.scatter.add.f32 @!p1 [tilespmem:s2], [sflag:$0x6], $0x40, s31, s1, $0xb8;
	[tilespmem:$0x1CA40] =	vst v63  }
0x21: {  	_ =	swait.ge [sflag:s0], $0x2000  }
0x22: {  	[sflag:s0] =	ssyncset.done $0x0  }
0x23: {  	[sflag:s0] =	ssyncadd.s32 $0xFFFFE000;
	s0 =	rddreg [dreg:$0x6]  }
.LBB2_12:
0x24: {  	_ =	swait.ge [sflag:s28], $0x2000  }
0x25: {  	s29 =	sadd.s32 $0x1, s29;
	[sflag:s28] =	ssyncset.done $0x0  }
0x26: {  	s0 =	sadd.s32 s0, s15;
	p1 =	sne.s32 s29, s18;
	[sflag:s28] =	ssyncadd.s32 $0xFFFFE000  }
.Ltmp1:
0x27: {  	s1 =	sor.u32 $0x1C05, s16;
	[bflag:$0x0] =	sbarrier.arrive $0xFFFF;
	(pc) =	sbr.rel @!p1 .LBB2_13-.Ltmp1, $4  }
0x28: {  	[hbm:s0], [sflag:s1] =	dma.local [spmem:s30], $0x13C0  }
0x29: {  	_ =	swait.ge [sflag:s26], $0x13C0  }
0x2a: {  	[sflag:s26] =	ssyncset.done $0x0  }
0x2b: {  	[sflag:s26] =	ssyncadd.s32 $0xFFFFEC40  }
.LBB2_1:
.Ltmp2:
0x2c: {  	(pc) =	sbr.rel @!p0 .LBB2_2-.Ltmp2, $2  }
0x2d: {  	_ =	sdelay $0x2  }
0x2e: {  	s0 =	sshrl.u32 s8, $0x3;
	s30 =	sshrl.u32 s10, $0x3;
	s1 =	sor.u32 $0x1C04, s16  }
0x2f: {  	s2 =	rddreg [dreg:$0x8]  }
0x30: {  	[spmem:s0], [sflag:s19] =	dma.local [hbm:s2], $0x1388  }
0x31: {  	s0 =	rddreg [dreg:$0x5]  }
0x32: {  	[spmem:s30], [sflag:s1] =	dma.local [hbm:s0], $0x13C0  }
0x33: {  	[tilespmem:s20], [sflag:$0x1] =	stream.linear.gather [hbm4b:s11+s5], $0x2800, $0x38;
	[tilespmem:$0x1CA40] =	vst v63  }
0x34: {  	s0 =	simm.s32 $0x16240  }
0x35: {  	[tilespmem:s0], [sflag:$0x2] =	stream.linear.gather [hbm4b:s12+s5], $0x2800, $0x38;
	[tilespmem:$0x1CA40] =	vst v63  }
0x36: {  	_ =	swait.ge [sflag:s21], $0x1388  }
0x37: {  	[sflag:s21] =	ssyncset.done $0x0  }
0x38: {  	[sflag:s21] =	ssyncadd.s32 $0xFFFFEC78  }
0x39: {  	_ =	swait.ge [sflag:s22], $0x13C0  }
0x3a: {  	[sflag:s22] =	ssyncset.done $0x0  }
0x3b: {  	s7 =	simm.s32 $0x1;
	[sflag:s22] =	ssyncadd.s32 $0xFFFFEC40  }
0x3c: {  	_ =	swait.ge [sflag:s7], $0x2800  }
0x3d: {  	[sflag:s7] =	ssyncset.done $0x0  }
0x3e: {  	[sflag:s7] =	ssyncadd.s32 $0xFFFFD800  }
0x3f: {  	_ =	swait.ge [sflag:s23], $0x2800  }
0x40: {  	s9 =	sand.u32 $0x1, s7;
	[sflag:s23] =	ssyncset.done $0x0  }
0x41: {  	p1 =	seq.s32 s9, $0x0;
	s1 =	smin.u32 s7, $0x4F;
	[sflag:s23] =	ssyncadd.s32 $0xFFFFD800  }
0x42: {  	s6 =	simm.s32 @p1 $0x2;
	s2 =	sshll.u32 @p1 s1, $0x7;
	[bflag:$0x0] =	sbarrier.arrive $0xFFFF  }
0x43: {  	[tilespmem:s25], [sflag:$0x1] =	stream.indirect.gather [spmem:s3], $0x40, s20, s24, $0xb8;
	[tilespmem:$0x1CA40] =	vst v63  }
0x44: {  	s9 =	simm.s32 @p1 $0x18A40;
	s2 =	sadd.s32 @p1 $0x13A40, s2;
	s7 =	simm.s32 @p1 $0x80  }
0x45: {  	[tilespmem:s9], [sflag:$0x1] =	stream.indirect.gather @p1 [spmem:s3], $0x40, s2, s7, $0xb8;
	[tilespmem:$0x1CA40] =	vst v63  }
0x46: {  	_ =	swait.ge @p1 [sflag:s6], $0x2000  }
0x47: {  	[sflag:s6] =	ssyncset.done @p1 $0x0;
	p1 =	por p1, p1  }
0x48: {  	[sflag:s6] =	ssyncadd.s32 @p1 $0xFFFFE000;
	s2 =	simm.s32 @p1 $0x1AA40;
	s6 =	simm.s32 @p1 $0x5  }
0x49: {  	[spmem:s4] =	stream.indirect.scatter.add.f32 @p1 [tilespmem:s2], [sflag:$0x5], $0x40, s0, s7, $0xb8;
	[tilespmem:$0x1CA40] =	vst v63  }
0x4a: {  	s1 =	sshll.u32 @!p1 s1, $0x7;
	_ =	swait.ge @p1 [sflag:s6], $0x2000  }
0x4b: {  	s2 =	simm.s32 @!p1 $0x1;
	s7 =	simm.s32 @!p1 $0x1AA40;
	[sflag:s6] =	ssyncset.done @p1 $0x0  }
0x4c: {  	s1 =	sadd.s32 @!p1 $0x13A40, s1;
	[sflag:s6] =	ssyncadd.s32 @p1 $0xFFFFE000;
	s6 =	simm.s32 @!p1 $0x80  }
0x4d: {  	[tilespmem:s7], [sflag:$0x2] =	stream.indirect.gather @!p1 [spmem:s3], $0x40, s1, s6, $0xb8;
	[tilespmem:$0x1CA40] =	vst v63  }
0x4e: {  	_ =	swait.ge @!p1 [sflag:s2], $0x2000  }
0x4f: {  	s31 =	simm.s32 $0x162C0;
	s9 =	simm.s32 @!p1 $0x18A40;
	[sflag:s2] =	ssyncset.done @!p1 $0x0  }
0x50: {  	s7 =	simm.s32 $0x2;
	[sflag:s2] =	ssyncadd.s32 @!p1 $0xFFFFE000;
	s2 =	simm.s32 @!p1 $0x6  }
0x51: {  	[spmem:s4] =	stream.indirect.scatter.add.f32 @!p1 [tilespmem:s9], [sflag:$0x6], $0x40, s0, s6, $0xb8;
	[tilespmem:$0x1CA40] =	vst v63  }
0x52: {  	s1 =	simm.s32 $0x3;
	s17 =	sand.u32 $0x1, s7;
	_ =	swait.ge @!p1 [sflag:s2], $0x2000  }
0x53: {  	p3 =	seq.s32 s17, $0x0;
	s0 =	smin.u32 s7, $0x4F;
	[sflag:s2] =	ssyncset.done @!p1 $0x0  }
.LBB2_8:
0x54: {  	s6 =	sshll.u32 @p3 s0, $0x7;
	s7 =	simm.s32 @p3 $0x2;
	[sflag:s2] =	ssyncadd.s32 @!p1 $0xFFFFE000  }
0x55: {  	s9 =	simm.s32 @p3 $0x18A40;
	s2 =	sadd.s32 @p3 $0x13A40, s6;
	s6 =	simm.s32 @p3 $0x80  }
0x56: {  	[tilespmem:s9], [sflag:$0x1] =	stream.indirect.gather @p3 [spmem:s3], $0x40, s2, s6, $0xb8;
	[tilespmem:$0x1CA40] =	vst v63  }
0x57: {  	s9 =	smov.u32 s1;
	s1 =	sadd.s32 $0x1, s1;
	_ =	swait.ge @p3 [sflag:s7], $0x2000  }
0x58: {  	p1 =	por p3, p3;
	p2 =	sne.s32 s1, $0x51;
	[sflag:s7] =	ssyncset.done @p3 $0x0  }
0x59: {  	s2 =	simm.s32 @p1 $0x1AA40;
	[sflag:s7] =	ssyncadd.s32 @p1 $0xFFFFE000;
	s7 =	simm.s32 @p1 $0x5  }
0x5a: {  	[spmem:s4] =	stream.indirect.scatter.add.f32 @p1 [tilespmem:s2], [sflag:$0x5], $0x40, s31, s6, $0xb8;
	[tilespmem:$0x1CA40] =	vst v63  }
0x5b: {  	s2 =	simm.s32 @!p1 $0x1;
	_ =	swait.ge @p1 [sflag:s7], $0x2000  }
0x5c: {  	s0 =	sshll.u32 @!p1 s0, $0x7;
	s6 =	simm.s32 @!p1 $0x1AA40;
	[sflag:s7] =	ssyncset.done @p1 $0x0  }
0x5d: {  	s0 =	sadd.s32 @!p1 $0x13A40, s0;
	[sflag:s7] =	ssyncadd.s32 @p1 $0xFFFFE000;
	s7 =	simm.s32 @!p1 $0x80  }
0x5e: {  	[tilespmem:s6], [sflag:$0x2] =	stream.indirect.gather @!p1 [spmem:s3], $0x40, s0, s7, $0xb8;
	[tilespmem:$0x1CA40] =	vst v63  }
0x5f: {  	_ =	swait.ge @!p1 [sflag:s2], $0x2000  }
.Ltmp3:
0x60: {  	[sflag:s2] =	ssyncset.done @!p1 $0x0;
	(pc) =	sbr.rel @p2 .LBB2_8-.Ltmp3, $4  }
0x61: {  	s0 =	simm.s32 @!p1 $0x18A40;
	[sflag:s2] =	ssyncadd.s32 @!p1 $0xFFFFE000;
	s2 =	simm.s32 @!p1 $0x6  }
0x62: {  	[spmem:s4] =	stream.indirect.scatter.add.f32 @!p1 [tilespmem:s0], [sflag:$0x6], $0x40, s31, s7, $0xb8;
	[tilespmem:$0x1CA40] =	vst v63  }
0x63: {  	s0 =	sand.u32 $0x1, s9;
	s31 =	sadd.s32 $0x80, s31;
	_ =	swait.ge @!p1 [sflag:s2], $0x2000  }
0x64: {  	p3 =	seq.s32 s0, $0x0;
	s0 =	smin.u32 s9, $0x4F;
	[sflag:s2] =	ssyncset.done @!p1 $0x0  }
0x65: {  	s1 =	sshll.u32 @p3 s0, $0x7;
	s6 =	simm.s32 @p3 $0x2;
	[sflag:s2] =	ssyncadd.s32 @!p1 $0xFFFFE000  }
0x66: {  	s2 =	simm.s32 @p3 $0x80;
	s7 =	simm.s32 @p3 $0x18A40;
	s1 =	sadd.s32 @p3 $0x13A40, s1  }
0x67: {  	[tilespmem:s7], [sflag:$0x1] =	stream.indirect.gather @p3 [spmem:s3], $0x40, s1, s2, $0xb8;
	[tilespmem:$0x1CA40] =	vst v63  }
0x68: {  	_ =	swait.ge @p3 [sflag:s6], $0x2000  }
0x69: {  	p1 =	por p3, p3;
	[sflag:s6] =	ssyncset.done @p3 $0x0  }
0x6a: {  	s1 =	simm.s32 @p1 $0x1AA40;
	[sflag:s6] =	ssyncadd.s32 @p1 $0xFFFFE000;
	s6 =	simm.s32 @p1 $0x5  }
0x6b: {  	[spmem:s4] =	stream.indirect.scatter.add.f32 @p1 [tilespmem:s1], [sflag:$0x5], $0x40, s31, s2, $0xb8;
	[tilespmem:$0x1CA40] =	vst v63  }
0x6c: {  	s0 =	sshll.u32 @!p1 s0, $0x7;
	_ =	swait.ge @p1 [sflag:s6], $0x2000  }
0x6d: {  	s0 =	sadd.s32 @!p1 $0x13A40, s0;
	s1 =	simm.s32 @!p1 $0x1;
	[sflag:s6] =	ssyncset.done @p1 $0x0  }
0x6e: {  	s2 =	simm.s32 @!p1 $0x1AA40;
	[sflag:s6] =	ssyncadd.s32 @p1 $0xFFFFE000;
	s6 =	simm.s32 @!p1 $0x80  }
0x6f: {  	[tilespmem:s2], [sflag:$0x2] =	stream.indirect.gather @!p1 [spmem:s3], $0x40, s0, s6, $0xb8;
	[tilespmem:$0x1CA40] =	vst v63  }
0x70: {  	_ =	swait.ge @!p1 [sflag:s1], $0x2000  }
0x71: {  	[sflag:s1] =	ssyncset.done @!p1 $0x0  }
0x72: {  	s0 =	simm.s32 @!p1 $0x18A40;
	[sflag:s1] =	ssyncadd.s32 @!p1 $0xFFFFE000;
	s1 =	simm.s32 @!p1 $0x6  }
0x73: {  	[spmem:s4] =	stream.indirect.scatter.add.f32 @!p1 [tilespmem:s0], [sflag:$0x6], $0x40, s31, s6, $0xb8;
	[tilespmem:$0x1CA40] =	vst v63  }
0x74: {  	_ =	swait.ge @!p1 [sflag:s1], $0x2000  }
0x75: {  	[sflag:s1] =	ssyncset.done @!p1 $0x0  }
0x76: {  	s7 =	simm.s32 $0x1;
	[sflag:s1] =	ssyncadd.s32 @!p1 $0xFFFFE000  }
0x77: {  	_ =	swait.ge [sflag:s7], $0x2000  }
0x78: {  	[sflag:s7] =	ssyncset.done $0x0  }
0x79: {  	[sflag:s7] =	ssyncadd.s32 $0xFFFFE000  }
0x7a: {  	[tilespmem:s20], [sflag:$0x5] =	stream.linear.gather [hbm4b:s13+s5], $0x2800, $0x38;
	[tilespmem:$0x1CA40] =	vst v63  }
0x7b: {  	_ =	swait.ge [sflag:s26], $0x2800  }
0x7c: {  	[sflag:s26] =	ssyncset.done $0x0  }
0x7d: {  	s1 =	simm.s32 $0x16240;
	[sflag:s26] =	ssyncadd.s32 $0xFFFFD800  }
0x7e: {  	[tilespmem:s1], [sflag:$0x5] =	stream.linear.gather [hbm4b:s14+s5], $0x2800, $0x38;
	[tilespmem:$0x1CA40] =	vst v63  }
0x7f: {  	s0 =	smin.u32 s7, $0x4F;
	_ =	swait.ge [sflag:s26], $0x2800  }
0x80: {  	s9 =	sand.u32 $0x1, s7;
	s0 =	sshll.u32 s0, $0x7;
	[sflag:s26] =	ssyncset.done $0x0  }
0x81: {  	s0 =	sadd.s32 $0x13A40, s0;
	p1 =	seq.s32 s9, $0x0;
	[sflag:s26] =	ssyncadd.s32 $0xFFFFD800  }
0x82: {  	[tilespmem:s25], [sflag:$0x1] =	stream.indirect.gather [spmem:s3], $0x40, s20, s24, $0xb8;
	[tilespmem:$0x1CA40] =	vst v63  }
0x83: {  	s2 =	simm.s32 @p1 $0x80;
	s6 =	simm.s32 @p1 $0x18A40;
	s7 =	simm.s32 @p1 $0x2  }
0x84: {  	[tilespmem:s6], [sflag:$0x1] =	stream.indirect.gather @p1 [spmem:s3], $0x40, s0, s2, $0xb8;
	[tilespmem:$0x1CA40] =	vst v63  }
0x85: {  	_ =	swait.ge @p1 [sflag:s7], $0x2000  }
0x86: {  	[sflag:s7] =	ssyncset.done @p1 $0x0  }
0x87: {  	s6 =	simm.s32 @p1 $0x1AA40;
	[sflag:s7] =	ssyncadd.s32 @p1 $0xFFFFE000  }
0x88: {  	[spmem:s4] =	stream.indirect.scatter.add.f32 @p1 [tilespmem:s6], [sflag:$0x5], $0x40, s1, s2, $0xb8;
	[tilespmem:$0x1CA40] =	vst v63  }
0x89: {  	s7 =	simm.s32 @!p1 $0x1;
	s2 =	simm.s32 @!p1 $0x80;
	s6 =	simm.s32 @!p1 $0x1AA40  }
0x8a: {  	[tilespmem:s6], [sflag:$0x2] =	stream.indirect.gather @!p1 [spmem:s3], $0x40, s0, s2, $0xb8;
	[tilespmem:$0x1CA40] =	vst v63  }
0x8b: {  	_ =	swait.ge @!p1 [sflag:s7], $0x2000  }
0x8c: {  	s17 =	simm.s32 $0x2;
	[sflag:s7] =	ssyncset.done @!p1 $0x0  }
0x8d: {  	s9 =	simm.s32 @!p1 $0x18A40;
	s0 =	simm.s32 @!p1 $0x6;
	[sflag:s7] =	ssyncadd.s32 @!p1 $0xFFFFE000  }
0x8e: {  	[spmem:s4] =	stream.indirect.scatter.add.f32 @!p1 [tilespmem:s9], [sflag:$0x6], $0x40, s1, s2, $0xb8;
	[tilespmem:$0x1CA40] =	vst v63  }
0x8f: {  	s31 =	simm.s32 $0x162C0;
	s0 =	simm.s32 @p1 $0x5;
	s1 =	simm.s32 $0x3  }
0x90: {  	s2 =	smin.u32 s17, $0x4F;
	s9 =	sand.u32 $0x1, s17;
	_ =	swait.ge [sflag:s0], $0x2000  }
.LBB2_10:
0x91: {  	p1 =	seq.s32 s9, $0x0;
	s2 =	sshll.u32 s2, $0x7  }
0x92: {  	[sflag:s0] =	ssyncset.done $0x0;
	s6 =	smov.u32 s1;
	s7 =	smov.u32 s31  }
0x93: {  	s9 =	simm.s32 @p1 $0x80;
	s17 =	simm.s32 @p1 $0x18A40;
	[sflag:s0] =	ssyncadd.s32 $0xFFFFE000  }
0x94: {  	s1 =	sadd.s32 $0x1, s1;
	s0 =	sadd.s32 $0x13A40, s2;
	s2 =	simm.s32 @p1 $0x2  }
0x95: {  	[tilespmem:s17], [sflag:$0x1] =	stream.indirect.gather @p1 [spmem:s3], $0x40, s0, s9, $0xb8;
	[tilespmem:$0x1CA40] =	vst v63  }
0x96: {  	p2 =	sne.s32 s1, $0x51;
	_ =	swait.ge @p1 [sflag:s2], $0x2000  }
0x97: {  	s17 =	simm.s32 @p1 $0x1AA40;
	[sflag:s2] =	ssyncset.done @p1 $0x0  }
0x98: {  	[sflag:s2] =	ssyncadd.s32 @p1 $0xFFFFE000;
	s2 =	simm.s32 @!p1 $0x80  }
0x99: {  	[spmem:s4] =	stream.indirect.scatter.add.f32 @p1 [tilespmem:s17], [sflag:$0x5], $0x40, s31, s9, $0xb8;
	[tilespmem:$0x1CA40] =	vst v63  }
0x9a: {  	s9 =	simm.s32 @!p1 $0x1AA40;
	s17 =	simm.s32 @!p1 $0x1  }
0x9b: {  	[tilespmem:s9], [sflag:$0x2] =	stream.indirect.gather @!p1 [spmem:s3], $0x40, s0, s2, $0xb8;
	[tilespmem:$0x1CA40] =	vst v63  }
.Ltmp4:
0x9c: {  	_ =	swait.ge @!p1 [sflag:s17], $0x2000;
	(pc) =	sbr.rel @p2 .LBB2_10-.Ltmp4, $4  }
0x9d: {  	s9 =	simm.s32 @!p1 $0x18A40;
	s0 =	simm.s32 @!p1 $0x6;
	[sflag:s17] =	ssyncset.done @!p1 $0x0  }
0x9e: {  	s31 =	sadd.s32 $0x80, s31;
	s0 =	simm.s32 @p1 $0x5;
	[sflag:s17] =	ssyncadd.s32 @!p1 $0xFFFFE000  }
0x9f: {  	[spmem:s4] =	stream.indirect.scatter.add.f32 @!p1 [tilespmem:s9], [sflag:$0x6], $0x40, s7, s2, $0xb8;
	[tilespmem:$0x1CA40] =	vst v63  }
0xa0: {  	s2 =	smin.u32 s6, $0x4F;
	s9 =	sand.u32 $0x1, s6;
	_ =	swait.ge [sflag:s0], $0x2000  }
.Ltmp5:
0xa1: {  	_ = 	snop;
	(pc) =	sbr.rel .LBB2_11-.Ltmp5, $1  }
0xa2: {  	_ =	sdelay $0x3  }
.LBB2_2:
0xa3: {  	s2 =	rddreg [dreg:$0x7]  }
0xa4: {  	[spmem:s0], [sflag:s19] =	dma.local [hbm:s2], $0x1388  }
0xa5: {  	s0 =	rddreg [dreg:$0x5]  }
0xa6: {  	[spmem:s30], [sflag:s1] =	dma.local [hbm:s0], $0x13C0  }
0xa7: {  	[tilespmem:s20], [sflag:$0x1] =	stream.linear.gather [hbm4b:s11+s5], $0x2800, $0x38;
	[tilespmem:$0x1CA40] =	vst v63  }
0xa8: {  	s0 =	simm.s32 $0x16240  }
0xa9: {  	[tilespmem:s0], [sflag:$0x2] =	stream.linear.gather [hbm4b:s12+s5], $0x2800, $0x38;
	[tilespmem:$0x1CA40] =	vst v63  }
0xaa: {  	_ =	swait.ge [sflag:s21], $0x1388  }
0xab: {  	[sflag:s21] =	ssyncset.done $0x0  }
0xac: {  	[sflag:s21] =	ssyncadd.s32 $0xFFFFEC78  }
0xad: {  	_ =	swait.ge [sflag:s22], $0x13C0  }
0xae: {  	[sflag:s22] =	ssyncset.done $0x0  }
0xaf: {  	s9 =	simm.s32 $0x1;
	[sflag:s22] =	ssyncadd.s32 $0xFFFFEC40  }
0xb0: {  	_ =	swait.ge [sflag:s9], $0x2800  }
0xb1: {  	[sflag:s9] =	ssyncset.done $0x0  }
0xb2: {  	[sflag:s9] =	ssyncadd.s32 $0xFFFFD800  }
0xb3: {  	_ =	swait.ge [sflag:s23], $0x2800  }
0xb4: {  	s17 =	sand.u32 $0x1, s9;
	[sflag:s23] =	ssyncset.done $0x0  }
0xb5: {  	p1 =	seq.s32 s17, $0x0;
	s1 =	smin.u32 s9, $0x4F;
	[sflag:s23] =	ssyncadd.s32 $0xFFFFD800  }
0xb6: {  	s31 =	simm.s32 @p1 $0x80;
	s2 =	sshll.u32 @p1 s1, $0x7;
	[bflag:$0x0] =	sbarrier.arrive $0xFFFF  }
0xb7: {  	[tilespmem:s25], [sflag:$0x1] =	stream.indirect.gather [spmem:s3], $0x40, s20, s24, $0xb8;
	[tilespmem:$0x1CA40] =	vst v63  }
0xb8: {  	s7 =	simm.s32 @p1 $0x18A40;
	s2 =	sadd.s32 @p1 $0x13A40, s2;
	s9 =	simm.s32 @p1 $0x2  }
0xb9: {  	[tilespmem:s7], [sflag:$0x1] =	stream.indirect.gather @p1 [spmem:s3], $0x40, s2, s31, $0xb8;
	[tilespmem:$0x1CA40] =	vst v63  }
0xba: {  	_ =	swait.ge @p1 [sflag:s9], $0x2000  }
0xbb: {  	[sflag:s9] =	ssyncset.done @p1 $0x0;
	p1 =	por p1, p1  }
0xbc: {  	[sflag:s9] =	ssyncadd.s32 @p1 $0xFFFFE000;
	s2 =	simm.s32 @p1 $0x1AA40;
	s7 =	simm.s32 @p1 $0x5  }
0xbd: {  	[spmem:s4] =	stream.indirect.scatter.add.f32 @p1 [tilespmem:s2], [sflag:$0x5], $0x40, s0, s31, $0xb8;
	[tilespmem:$0x1CA40] =	vst v63  }
0xbe: {  	s1 =	sshll.u32 @!p1 s1, $0x7;
	_ =	swait.ge @p1 [sflag:s7], $0x2000  }
0xbf: {  	s9 =	simm.s32 @!p1 $0x1AA40;
	s2 =	simm.s32 @!p1 $0x1;
	[sflag:s7] =	ssyncset.done @p1 $0x0  }
0xc0: {  	s1 =	sadd.s32 @!p1 $0x13A40, s1;
	[sflag:s7] =	ssyncadd.s32 @p1 $0xFFFFE000;
	s7 =	simm.s32 @!p1 $0x80  }
0xc1: {  	[tilespmem:s9], [sflag:$0x2] =	stream.indirect.gather @!p1 [spmem:s3], $0x40, s1, s7, $0xb8;
	[tilespmem:$0x1CA40] =	vst v63  }
0xc2: {  	s6 =	simm.s32 $0x2;
	_ =	swait.ge @!p1 [sflag:s2], $0x2000  }
0xc3: {  	s17 =	sand.u32 $0x1, s6;
	[sflag:s2] =	ssyncset.done @!p1 $0x0  }
0xc4: {  	s31 =	simm.s32 @!p1 $0x18A40;
	[sflag:s2] =	ssyncadd.s32 @!p1 $0xFFFFE000;
	s2 =	simm.s32 @!p1 $0x6  }
0xc5: {  	[spmem:s4] =	stream.indirect.scatter.add.f32 @!p1 [tilespmem:s31], [sflag:$0x6], $0x40, s0, s7, $0xb8;
	[tilespmem:$0x1CA40] =	vst v63  }
0xc6: {  	p3 =	seq.s32 s17, $0x0;
	s1 =	simm.s32 $0x3;
	_ =	swait.ge @!p1 [sflag:s2], $0x2000  }
0xc7: {  	s31 =	simm.s32 $0x162C0;
	s0 =	smin.u32 s6, $0x4F;
	[sflag:s2] =	ssyncset.done @!p1 $0x0  }
.LBB2_3:
0xc8: {  	s7 =	sshll.u32 @p3 s0, $0x7;
	s9 =	simm.s32 @p3 $0x2;
	[sflag:s2] =	ssyncadd.s32 @!p1 $0xFFFFE000  }
0xc9: {  	s17 =	simm.s32 @p3 $0x18A40;
	s2 =	sadd.s32 @p3 $0x13A40, s7;
	s7 =	simm.s32 @p3 $0x80  }
0xca: {  	[tilespmem:s17], [sflag:$0x1] =	stream.indirect.gather @p3 [spmem:s3], $0x40, s2, s7, $0xb8;
	[tilespmem:$0x1CA40] =	vst v63  }
0xcb: {  	s17 =	smov.u32 s1;
	s1 =	sadd.s32 $0x1, s1;
	_ =	swait.ge @p3 [sflag:s9], $0x2000  }
0xcc: {  	p1 =	por p3, p3;
	p2 =	sne.s32 s1, $0x51;
	[sflag:s9] =	ssyncset.done @p3 $0x0  }
0xcd: {  	s2 =	simm.s32 @p1 $0x1AA40;
	[sflag:s9] =	ssyncadd.s32 @p1 $0xFFFFE000;
	s9 =	simm.s32 @p1 $0x5  }
0xce: {  	[spmem:s4] =	stream.indirect.scatter.add.f32 @p1 [tilespmem:s2], [sflag:$0x5], $0x40, s31, s7, $0xb8;
	[tilespmem:$0x1CA40] =	vst v63  }
0xcf: {  	s2 =	simm.s32 @!p1 $0x1;
	_ =	swait.ge @p1 [sflag:s9], $0x2000  }
0xd0: {  	s0 =	sshll.u32 @!p1 s0, $0x7;
	s7 =	simm.s32 @!p1 $0x1AA40;
	[sflag:s9] =	ssyncset.done @p1 $0x0  }
0xd1: {  	s0 =	sadd.s32 @!p1 $0x13A40, s0;
	[sflag:s9] =	ssyncadd.s32 @p1 $0xFFFFE000;
	s9 =	simm.s32 @!p1 $0x80  }
0xd2: {  	[tilespmem:s7], [sflag:$0x2] =	stream.indirect.gather @!p1 [spmem:s3], $0x40, s0, s9, $0xb8;
	[tilespmem:$0x1CA40] =	vst v63  }
0xd3: {  	_ =	swait.ge @!p1 [sflag:s2], $0x2000  }
.Ltmp6:
0xd4: {  	[sflag:s2] =	ssyncset.done @!p1 $0x0;
	(pc) =	sbr.rel @p2 .LBB2_3-.Ltmp6, $4  }
0xd5: {  	s0 =	simm.s32 @!p1 $0x18A40;
	[sflag:s2] =	ssyncadd.s32 @!p1 $0xFFFFE000;
	s2 =	simm.s32 @!p1 $0x6  }
0xd6: {  	[spmem:s4] =	stream.indirect.scatter.add.f32 @!p1 [tilespmem:s0], [sflag:$0x6], $0x40, s31, s9, $0xb8;
	[tilespmem:$0x1CA40] =	vst v63  }
0xd7: {  	s0 =	sand.u32 $0x1, s17;
	s31 =	sadd.s32 $0x80, s31;
	_ =	swait.ge @!p1 [sflag:s2], $0x2000  }
0xd8: {  	p3 =	seq.s32 s0, $0x0;
	s0 =	smin.u32 s17, $0x4F;
	[sflag:s2] =	ssyncset.done @!p1 $0x0  }
0xd9: {  	s1 =	sshll.u32 @p3 s0, $0x7;
	s7 =	simm.s32 @p3 $0x2;
	[sflag:s2] =	ssyncadd.s32 @!p1 $0xFFFFE000  }
0xda: {  	s2 =	simm.s32 @p3 $0x80;
	s9 =	simm.s32 @p3 $0x18A40;
	s1 =	sadd.s32 @p3 $0x13A40, s1  }
0xdb: {  	[tilespmem:s9], [sflag:$0x1] =	stream.indirect.gather @p3 [spmem:s3], $0x40, s1, s2, $0xb8;
	[tilespmem:$0x1CA40] =	vst v63  }
0xdc: {  	_ =	swait.ge @p3 [sflag:s7], $0x2000  }
0xdd: {  	p1 =	por p3, p3;
	[sflag:s7] =	ssyncset.done @p3 $0x0  }
0xde: {  	s1 =	simm.s32 @p1 $0x1AA40;
	[sflag:s7] =	ssyncadd.s32 @p1 $0xFFFFE000;
	s7 =	simm.s32 @p1 $0x5  }
0xdf: {  	[spmem:s4] =	stream.indirect.scatter.add.f32 @p1 [tilespmem:s1], [sflag:$0x5], $0x40, s31, s2, $0xb8;
	[tilespmem:$0x1CA40] =	vst v63  }
0xe0: {  	s0 =	sshll.u32 @!p1 s0, $0x7;
	_ =	swait.ge @p1 [sflag:s7], $0x2000  }
0xe1: {  	s0 =	sadd.s32 @!p1 $0x13A40, s0;
	s1 =	simm.s32 @!p1 $0x1;
	[sflag:s7] =	ssyncset.done @p1 $0x0  }
0xe2: {  	s2 =	simm.s32 @!p1 $0x1AA40;
	[sflag:s7] =	ssyncadd.s32 @p1 $0xFFFFE000;
	s7 =	simm.s32 @!p1 $0x80  }
0xe3: {  	[tilespmem:s2], [sflag:$0x2] =	stream.indirect.gather @!p1 [spmem:s3], $0x40, s0, s7, $0xb8;
	[tilespmem:$0x1CA40] =	vst v63  }
0xe4: {  	_ =	swait.ge @!p1 [sflag:s1], $0x2000  }
0xe5: {  	[sflag:s1] =	ssyncset.done @!p1 $0x0  }
0xe6: {  	s0 =	simm.s32 @!p1 $0x18A40;
	[sflag:s1] =	ssyncadd.s32 @!p1 $0xFFFFE000;
	s1 =	simm.s32 @!p1 $0x6  }
0xe7: {  	[spmem:s4] =	stream.indirect.scatter.add.f32 @!p1 [tilespmem:s0], [sflag:$0x6], $0x40, s31, s7, $0xb8;
	[tilespmem:$0x1CA40] =	vst v63  }
0xe8: {  	_ =	swait.ge @!p1 [sflag:s1], $0x2000  }
0xe9: {  	[sflag:s1] =	ssyncset.done @!p1 $0x0  }
0xea: {  	s9 =	simm.s32 $0x1;
	[sflag:s1] =	ssyncadd.s32 @!p1 $0xFFFFE000  }
0xeb: {  	_ =	swait.ge [sflag:s9], $0x2000  }
0xec: {  	[sflag:s9] =	ssyncset.done $0x0  }
0xed: {  	[sflag:s9] =	ssyncadd.s32 $0xFFFFE000  }
0xee: {  	[tilespmem:s20], [sflag:$0x5] =	stream.linear.gather [hbm4b:s13+s5], $0x2800, $0x38;
	[tilespmem:$0x1CA40] =	vst v63  }
0xef: {  	_ =	swait.ge [sflag:s26], $0x2800  }
0xf0: {  	[sflag:s26] =	ssyncset.done $0x0  }
0xf1: {  	s1 =	simm.s32 $0x16240;
	[sflag:s26] =	ssyncadd.s32 $0xFFFFD800  }
0xf2: {  	[tilespmem:s1], [sflag:$0x5] =	stream.linear.gather [hbm4b:s14+s5], $0x2800, $0x38;
	[tilespmem:$0x1CA40] =	vst v63  }
0xf3: {  	s0 =	smin.u32 s9, $0x4F;
	_ =	swait.ge [sflag:s26], $0x2800  }
0xf4: {  	s17 =	sand.u32 $0x1, s9;
	s0 =	sshll.u32 s0, $0x7;
	[sflag:s26] =	ssyncset.done $0x0  }
0xf5: {  	s0 =	sadd.s32 $0x13A40, s0;
	p1 =	seq.s32 s17, $0x0;
	[sflag:s26] =	ssyncadd.s32 $0xFFFFD800  }
0xf6: {  	[tilespmem:s25], [sflag:$0x1] =	stream.indirect.gather [spmem:s3], $0x40, s20, s24, $0xb8;
	[tilespmem:$0x1CA40] =	vst v63  }
0xf7: {  	s2 =	simm.s32 @p1 $0x80;
	s7 =	simm.s32 @p1 $0x18A40;
	s9 =	simm.s32 @p1 $0x2  }
0xf8: {  	[tilespmem:s7], [sflag:$0x1] =	stream.indirect.gather @p1 [spmem:s3], $0x40, s0, s2, $0xb8;
	[tilespmem:$0x1CA40] =	vst v63  }
0xf9: {  	_ =	swait.ge @p1 [sflag:s9], $0x2000  }
0xfa: {  	[sflag:s9] =	ssyncset.done @p1 $0x0  }
0xfb: {  	s7 =	simm.s32 @p1 $0x1AA40;
	[sflag:s9] =	ssyncadd.s32 @p1 $0xFFFFE000  }
0xfc: {  	[spmem:s4] =	stream.indirect.scatter.add.f32 @p1 [tilespmem:s7], [sflag:$0x5], $0x40, s1, s2, $0xb8;
	[tilespmem:$0x1CA40] =	vst v63  }
0xfd: {  	s9 =	simm.s32 @!p1 $0x1;
	s2 =	simm.s32 @!p1 $0x80;
	s7 =	simm.s32 @!p1 $0x1AA40  }
0xfe: {  	[tilespmem:s7], [sflag:$0x2] =	stream.indirect.gather @!p1 [spmem:s3], $0x40, s0, s2, $0xb8;
	[tilespmem:$0x1CA40] =	vst v63  }
0xff: {  	s6 =	simm.s32 $0x2;
	s31 =	simm.s32 $0x162C0;
	_ =	swait.ge @!p1 [sflag:s9], $0x2000  }
0x100: {  	s17 =	simm.s32 @!p1 $0x18A40;
	s0 =	simm.s32 @!p1 $0x6;
	[sflag:s9] =	ssyncset.done @!p1 $0x0  }
0x101: {  	s0 =	simm.s32 @p1 $0x5;
	[sflag:s9] =	ssyncadd.s32 @!p1 $0xFFFFE000;
	s9 =	sand.u32 $0x1, s6  }
0x102: {  	[spmem:s4] =	stream.indirect.scatter.add.f32 @!p1 [tilespmem:s17], [sflag:$0x6], $0x40, s1, s2, $0xb8;
	[tilespmem:$0x1CA40] =	vst v63  }
0x103: {  	s1 =	simm.s32 $0x3;
	s2 =	smin.u32 s6, $0x4F;
	_ =	swait.ge [sflag:s0], $0x2000  }
.LBB2_5:
0x104: {  	p1 =	seq.s32 s9, $0x0;
	s2 =	sshll.u32 s2, $0x7  }
0x105: {  	[sflag:s0] =	ssyncset.done $0x0;
	s7 =	smov.u32 s1;
	s9 =	smov.u32 s31  }
0x106: {  	s17 =	simm.s32 @p1 $0x80;
	s6 =	simm.s32 @p1 $0x18A40;
	[sflag:s0] =	ssyncadd.s32 $0xFFFFE000  }
0x107: {  	s1 =	sadd.s32 $0x1, s1;
	s0 =	sadd.s32 $0x13A40, s2;
	s2 =	simm.s32 @p1 $0x2  }
0x108: {  	[tilespmem:s6], [sflag:$0x1] =	stream.indirect.gather @p1 [spmem:s3], $0x40, s0, s17, $0xb8;
	[tilespmem:$0x1CA40] =	vst v63  }
0x109: {  	p2 =	seq.s32 s1, $0x51;
	_ =	swait.ge @p1 [sflag:s2], $0x2000  }
0x10a: {  	s6 =	simm.s32 @p1 $0x1AA40;
	[sflag:s2] =	ssyncset.done @p1 $0x0  }
0x10b: {  	[sflag:s2] =	ssyncadd.s32 @p1 $0xFFFFE000;
	s2 =	simm.s32 @!p1 $0x80  }
0x10c: {  	[spmem:s4] =	stream.indirect.scatter.add.f32 @p1 [tilespmem:s6], [sflag:$0x5], $0x40, s31, s17, $0xb8;
	[tilespmem:$0x1CA40] =	vst v63  }
0x10d: {  	s6 =	simm.s32 @!p1 $0x1AA40;
	s17 =	simm.s32 @!p1 $0x1  }
0x10e: {  	[tilespmem:s6], [sflag:$0x2] =	stream.indirect.gather @!p1 [spmem:s3], $0x40, s0, s2, $0xb8;
	[tilespmem:$0x1CA40] =	vst v63  }
.Ltmp7:
0x10f: {  	_ =	swait.ge @!p1 [sflag:s17], $0x2000;
	(pc) =	sbr.rel @!p2 .LBB2_5-.Ltmp7, $4  }
0x110: {  	s6 =	simm.s32 @!p1 $0x18A40;
	s0 =	simm.s32 @!p1 $0x6;
	[sflag:s17] =	ssyncset.done @!p1 $0x0  }
0x111: {  	s31 =	sadd.s32 $0x80, s31;
	s0 =	simm.s32 @p1 $0x5;
	[sflag:s17] =	ssyncadd.s32 @!p1 $0xFFFFE000  }
0x112: {  	[spmem:s4] =	stream.indirect.scatter.add.f32 @!p1 [tilespmem:s6], [sflag:$0x6], $0x40, s9, s2, $0xb8;
	[tilespmem:$0x1CA40] =	vst v63  }
0x113: {  	s2 =	smin.u32 s7, $0x4F;
	s9 =	sand.u32 $0x1, s7;
	_ =	swait.ge [sflag:s0], $0x2000  }
0x114: {  	p1 =	seq.s32 s9, $0x0;
	s1 =	sshll.u32 s2, $0x7  }
0x115: {  	[sflag:s0] =	ssyncset.done $0x0;
	s2 =	simm.s32 @p1 $0x80;
	s6 =	simm.s32 @p1 $0x18A40  }
0x116: {  	[sflag:s0] =	ssyncadd.s32 $0xFFFFE000;
	s0 =	sadd.s32 $0x13A40, s1;
	s1 =	simm.s32 @p1 $0x2  }
0x117: {  	[tilespmem:s6], [sflag:$0x1] =	stream.indirect.gather @p1 [spmem:s3], $0x40, s0, s2, $0xb8;
	[tilespmem:$0x1CA40] =	vst v63  }
0x118: {  	_ =	swait.ge @p1 [sflag:s1], $0x2000  }
0x119: {  	[sflag:s1] =	ssyncset.done @p1 $0x0  }
0x11a: {  	s6 =	simm.s32 @p1 $0x1AA40;
	[sflag:s1] =	ssyncadd.s32 @p1 $0xFFFFE000  }
0x11b: {  	[spmem:s4] =	stream.indirect.scatter.add.f32 @p1 [tilespmem:s6], [sflag:$0x5], $0x40, s31, s2, $0xb8;
	[tilespmem:$0x1CA40] =	vst v63  }
0x11c: {  	s1 =	simm.s32 @!p1 $0x80;
	s2 =	simm.s32 @!p1 $0x1AA40;
	s6 =	simm.s32 @!p1 $0x1  }
0x11d: {  	[tilespmem:s2], [sflag:$0x2] =	stream.indirect.gather @!p1 [spmem:s3], $0x40, s0, s1, $0xb8;
	[tilespmem:$0x1CA40] =	vst v63  }
0x11e: {  	_ =	swait.ge @!p1 [sflag:s6], $0x2000  }
0x11f: {  	[sflag:s6] =	ssyncset.done @!p1 $0x0  }
0x120: {  	s0 =	simm.s32 @!p1 $0x6;
	s2 =	simm.s32 @!p1 $0x18A40;
	[sflag:s6] =	ssyncadd.s32 @!p1 $0xFFFFE000  }
0x121: {  	[spmem:s4] =	stream.indirect.scatter.add.f32 @!p1 [tilespmem:s2], [sflag:$0x6], $0x40, s31, s1, $0xb8;
	[tilespmem:$0x1CA40] =	vst v63  }
.Ltmp8:
0x122: {  	s0 =	simm.s32 @p1 $0x5;
	(pc) =	sbr.rel .LBB2_12-.Ltmp8, $4  }
0x123: {  	_ =	swait.ge [sflag:s0], $0x2000  }
0x124: {  	[sflag:s0] =	ssyncset.done $0x0  }
0x125: {  	[sflag:s0] =	ssyncadd.s32 $0xFFFFE000  }
0x126: {  	s0 =	rddreg [dreg:$0x1]  }
.LBB2_13:
0x127: {  	_ =	sfence.sel $0x180000  }
0x128: {  	[bflag:$0x0] =	sbarrier.arrive $0xFFFF  }
0x129: {  	_ =	strace $0x9000004D  }
0x12a: {  	s0 =	stileid.u32;
	[bflag:$0x2] =	sbarrier.arrive $0xFFFF  }
0x12b: {  	p0 =	sne.s32 s0, $0x0;
	s0 =	rddreg [dreg:$0x4]  }
0x12c: {  	s0 =	sadd.s32 @!p0 $0x100000, s0  }
0x12d: {  	[sflag:s0] =	ssyncadd.tile.s32 @!p0 $0x1;
	_ =	shalt  }
.Lfunc_end2:
_tile_overlayer_lowered:
.L_overlay_start_2:
0x12e: {  	(tag) =	ssettag $0x2  }
0x12f: {  	s0 =	rddreg [dreg:$0x0];
	s2 =	stileid.u32  }
0x130: {  	s1 =	rddreg [dreg:$0x1];
	p0 =	sne.s32 s2, $0x0  }
0x131: {  	s3 =	rddreg [dreg:$0x2];
	[bflag:$0x3] =	sbarrier.arrive $0xFFFF;
	s2 =	simm.s32 @!p0 $0x1C05  }
0x132: {  	[timem:s3], [sflag:s2] =	dma.local @!p0 [hbm:s0], s1  }
0x133: {  	s0 =	simm.s32 @!p0 $0x5  }
0x134: {  	_ =	swait.ge @!p0 [sflag:s0], s1  }
0x135: {  	s1 =	ssub.s32 @!p0 $0x0, s1;
	[sflag:s0] =	ssyncset.done @!p0 $0x0  }
0x136: {  	[sflag:s0] =	ssyncadd.s32 @!p0 s1  }
0x137: {  	[bflag:$0x3] =	sbarrier.arrive $0xFFFF  }
0x138: {  	_ =	shalt  }

// kernel: kernel.19.cloned.1.call-start
scs
__scs_entry_jumppad:
0x0: {  	(pc) =	sbr.rel $0x88, $3  }
0x1: {  	(tag) =	ssettag $0x0;
	lr =	simm.s32 $0x1  }
0x2: {  	[smem:$0x3F96] =	sst lr;
	_ =	strace $0xD0000000  }
0x3: {  	_ = 	snop  }
0x4: {  	_ = 	snop  }
0x5: {  	_ = 	snop  }
0x6: {  	_ = 	snop  }
0x7: {  	_ = 	snop  }
__scs_overlays_trampoline_lowered:
0x8: {  	[smem:$0x3FA5] =	sst s0  }
0x9: {  	[smem:$0x3FA6] =	sst s1  }
0xa: {  	[smem:$0x3FA7] =	sst s2  }
0xb: {  	[smem:$0x3FA8] =	sst s3  }
0xc: {  	[smem:$0x3FA9] =	sst s4  }
0xd: {  	[smem:$0x3FAA] =	sst s5  }
0xe: {  	[smem:$0x3FAB] =	sst s6  }
0xf: {  	[smem:$0x3FAC] =	sst s7  }
0x10: {  	[smem:$0x3FAD] =	sst s8  }
0x11: {  	[smem:$0x3FAE] =	sst s9;
	s0 =	simm.s32 @!p0 $0x0  }
0x12: {  	s1 =	sld [smem:$0x3F94];
	s0 =	simm.s32 @p0 $0x1  }
0x13: {  	[smem:$0x3FAF] =	sst s0;
	s0 =	simm.s32 @!p1 $0x0  }
0x14: {  	s2 =	sld [smem:$0x3F93];
	s0 =	simm.s32 @p1 $0x1  }
0x15: {  	[smem:$0x3FB0] =	sst s0;
	s0 =	simm.s32 @!p2 $0x0  }
0x16: {  	s3 =	sld [smem:$0x3FDB];
	s0 =	simm.s32 @p2 $0x1  }
0x17: {  	s4 =	simm.s32 $0x1BF5;
	[smem:$0x3FB2] =	sst s0  }
0x18: {  	s0 =	sld [smem:$0x3F95];
	_ =	swait.ge [sflag:s4], $0x0  }
0x19: {  	s7 =	sld [smem:$0x3F96]  }
0x1a: {  	s8 =	sadd.s32 $0xFFFFE003, lr  }
0x1b: {  	s9 =	sadd.s32 $0xFFFFFEF7, lr;
	s5 =	simm.s32 $0xFFFFFFFF;
	p2 =	slt.u32 s8, $0xFFFFF086  }
0x1c: {  	p1 =	slt.u32 s9, $0xF7A;
	s5 =	simm.s32 @!p2 $0x0  }
0x1d: {  	s5 =	simm.s32 @p1 $0x1;
	p0 =	seq.s32 s7, s2  }
0x1e: {  	s7 =	smul.u32 @!p0 $0xF7A, s2;
	p2 =	seq.s32 @!p0 s5, $0x0  }
0x1f: {  	s9 =	smul.u32 $0xF7A, s1;
	s8 =	simm.s32 @!p0 $0x1BF5;
	p2 =	por !p2, p0  }
0x20: {  	[sflag:s8] =	ssyncset.s32 @!p0 $0xFFFFF086;
	s6 =	sadd.s32 @!p0 s3, s7;
	s7 =	simm.s32 @!p0 $0x108  }
0x21: {  	s3 =	sadd.s32 s3, s9;
	s6 =	sadd.s32 @!p0 $0x88, s6;
	s7 =	simm.s32 @p2 $0x1082  }
0x22: {  	[simem:s7], [sflag:s8] =	dma.local @!p0 [hbm:s6], $0xF7A  }
0x23: {  	s9 =	sor.u32 $0xD0000000, s2;
	s6 =	simm.s32 $0x108;
	_ =	swait.ge @!p0 [sflag:s8], $0x0  }
0x24: {  	s3 =	sadd.s32 $0x88, s3;
	s6 =	simm.s32 @!p1 $0x1082;
	[sflag:s4] =	ssyncset.s32 $0xFFFFF086  }
0x25: {  	[simem:s6], [sflag:s4] =	dma.local [hbm:s3], $0xF7A  }
0x26: {  	[smem:$0x3F96] =	sst s1;
	(tag) =	ssettag s2;
	_ =	strace s9  }
0x27: {  	s1 =	sld [smem:$0x3FA6]  }
0x28: {  	s2 =	sld [smem:$0x3FA7]  }
0x29: {  	s4 =	sld [smem:$0x3FA9]  }
0x2a: {  	p0 =	seq.s32 s5, $0x0;
	s5 =	sld [smem:$0x3FAA]  }
0x2b: {  	s6 =	sld [smem:$0x3FAB]  }
0x2c: {  	s7 =	sld [smem:$0x3FAC]  }
0x2d: {  	s3 =	simm.s32 $0x108;
	s8 =	sld [smem:$0x3FAD]  }
0x2e: {  	s3 =	simm.s32 @!p0 $0x1082;
	s9 =	sld [smem:$0x3FAE]  }
0x2f: {  	lr =	sadd.s32 s0, s3;
	s0 =	sld [smem:$0x3FA5]  }
0x30: {  	s3 =	sld [smem:$0x3FA8]  }
0x31: {  	[smem:$0x3FB1] =	sst s10  }
0x32: {  	s10 =	sld [smem:$0x3FAF];
	_ =	sdelay $0x3  }
0x33: {  	p0 =	seq.s32 s10, $0x1;
	s10 =	sld [smem:$0x3FB1];
	_ =	sdelay $0x3  }
0x34: {  	[smem:$0x3FB1] =	sst s10  }
0x35: {  	s10 =	sld [smem:$0x3FB0];
	_ =	sdelay $0x3  }
0x36: {  	p1 =	seq.s32 s10, $0x1;
	s10 =	sld [smem:$0x3FB1];
	_ =	sdelay $0x3  }
0x37: {  	[smem:$0x3FB1] =	sst s10  }
0x38: {  	s10 =	sld [smem:$0x3FB2]  }
0x39: {  	_ = 	snop;
	(pc) =	sbr.ind lr, $3  }
0x3a: {  	_ = 	snop  }
0x3b: {  	_ = 	snop  }
0x3c: {  	p2 =	seq.s32 s10, $0x1;
	s10 =	sld [smem:$0x3FB1]  }
0x3d: {  	_ =	shalt  }
0x3e: {  	_ =	shalt  }
0x3f: {  	_ =	shalt  }
0x40: {  	_ =	shalt  }
0x41: {  	_ =	shalt  }
0x42: {  	_ =	shalt  }
0x43: {  	_ =	shalt  }
0x44: {  	_ =	shalt  }
0x45: {  	_ =	shalt  }
0x46: {  	_ =	shalt  }
0x47: {  	_ =	shalt  }
0x48: {  	_ =	shalt  }
0x49: {  	_ =	shalt  }
0x4a: {  	_ =	shalt  }
0x4b: {  	_ =	shalt  }
0x4c: {  	_ =	shalt  }
0x4d: {  	_ =	shalt  }
0x4e: {  	_ =	shalt  }
0x4f: {  	_ =	shalt  }
0x50: {  	_ =	shalt  }
0x51: {  	_ =	shalt  }
0x52: {  	_ =	shalt  }
0x53: {  	_ =	shalt  }
0x54: {  	_ =	shalt  }
0x55: {  	_ =	shalt  }
0x56: {  	_ =	shalt  }
0x57: {  	_ =	shalt  }
0x58: {  	_ =	shalt  }
0x59: {  	_ =	shalt  }
0x5a: {  	_ =	shalt  }
0x5b: {  	_ =	shalt  }
0x5c: {  	_ =	shalt  }
0x5d: {  	_ =	shalt  }
0x5e: {  	_ =	shalt  }
0x5f: {  	_ =	shalt  }
0x60: {  	_ =	shalt  }
0x61: {  	_ =	shalt  }
0x62: {  	_ =	shalt  }
0x63: {  	_ =	shalt  }
0x64: {  	_ =	shalt  }
0x65: {  	_ =	shalt  }
0x66: {  	_ =	shalt  }
0x67: {  	_ =	shalt  }
0x68: {  	_ =	shalt  }
0x69: {  	_ =	shalt  }
0x6a: {  	_ =	shalt  }
0x6b: {  	_ =	shalt  }
0x6c: {  	_ =	shalt  }
0x6d: {  	_ =	shalt  }
0x6e: {  	_ =	shalt  }
0x6f: {  	_ =	shalt  }
0x70: {  	_ =	shalt  }
0x71: {  	_ =	shalt  }
0x72: {  	_ =	shalt  }
0x73: {  	_ =	shalt  }
0x74: {  	_ =	shalt  }
0x75: {  	_ =	shalt  }
0x76: {  	_ =	shalt  }
0x77: {  	_ =	shalt  }
0x78: {  	_ =	shalt  }
0x79: {  	_ =	shalt  }
0x7a: {  	_ =	shalt  }
0x7b: {  	_ =	shalt  }
0x7c: {  	_ =	shalt  }
0x7d: {  	_ =	shalt  }
0x7e: {  	_ =	shalt  }
0x7f: {  	_ =	shalt  }
0x80: {  	_ =	shalt  }
0x81: {  	_ =	shalt  }
0x82: {  	_ =	shalt  }
0x83: {  	_ =	shalt  }
0x84: {  	_ =	shalt  }
0x85: {  	_ =	shalt  }
0x86: {  	_ =	shalt  }
0x87: {  	_ =	shalt  }
.Lfunc_end0:
.L_simem_size_0:
called_computation.3_lowered:
.L_overlay_start_0:
0x88: {  	s2 =	sld [smem:$0x3FD9]  }
0x89: {  	s3 =	sld [smem:$0x3FFE];
	_ =	sdelay $0x1  }
0x8a: {  	s1 =	srdreg.scid  }
0x8b: {  	s0 =	sand.u32 $0x1, s1  }
0x8c: {  	s17 =	sshll.u32 s0, $0xA;
	s2 =	sadd.s32 s3, s2  }
0x8d: {  	s2 =	sadd.s32 s2, s17  }
0x8e: {  	[smem:$0x3FBD] =	sst s2  }
0x8f: {  	_ = 	snop  }
0x90: {  	s2 =	sld [smem:$0x3FD0];
	(tm) =	ssettm $0x1  }
0x91: {  	s18 =	sld [smem:$0x3FFB];
	_ =	sdelay $0x3  }
0x92: {  	_ =	strace s18  }
0x93: {  	s3 =	sld [smem:$0x3FFC];
	_ =	sdelay $0x3  }
0x94: {  	_ =	strace s3  }
0x95: {  	s3 =	sld [smem:$0x3FFD];
	_ =	sdelay $0x3  }
0x96: {  	_ =	strace s3  }
0x97: {  	_ =	strace $0x8FFFFFFF  }
0x98: {  	s19 =	sld [smem:$0x3FDB];
	_ =	sdelay $0x1  }
0x99: {  	s4 =	simm.s32 $_scs_section_size  }
0x9a: {  	s5 =	simm.s32 $_size__tile_overlayer_lowered;
	s6 =	simm.s32 $_tile_overlayer_lowered  }
0x9b: {  	s22 =	simm.s32 $0x1BFF;
	s21 =	sshll.u32 s6, $0x1;
	s3 =	sadd.s32 s4, s19  }
0x9c: {  	s7 =	simm.s32 $0x0;
	s20 =	sshll.u32 s5, $0x1;
	s5 =	sadd.s32 s21, s3  }
0x9d: {  	[timem:s7], [sflag:s22] =	dma.local [hbm:s5], s20  }
0x9e: {  	_ =	swait.ge [sflag:s22], s20  }
0x9f: {  	s4 =	ssub.s32 $0x0, s20;
	[sflag:s22] =	ssyncset.done $0x0  }
0xa0: {  	[sflag:s22] =	ssyncadd.s32 s4;
	_ =	sdelay $0x1  }
0xa1: {  	s23 =	simm.s32 $0x1B8B  }
0xa2: {  	_ =	swait.ge [sflag:s23], $0x1  }
0xa3: {  	[sflag:s23] =	ssyncset.done $0x0  }
0xa4: {  	s25 =	simm.s32 $0x1B8E;
	s24 =	sld [smem:$0x3FFE];
	[sflag:s23] =	ssyncadd.s32 $0xFFFFFFFF  }
0xa5: {  	s26 =	simm.s32 $execute0_lowered;
	[smem:$0x3FD2] =	sst s25  }
0xa6: {  	s5 =	sshll.u32 s26, $0x1;
	_ =	strace $0x8000004F;
	[dreg:$0x1] =	wrdreg $0xFFFFFFFF  }
0xa7: {  	s28 =	simm.s32 $_size_execute0_lowered;
	s3 =	sadd.s32 s3, s5;
	[dreg:$0x0] =	wrdreg $0x0  }
0xa8: {  	s5 =	sshll.u32 s28, $0x1;
	[dreg:$0x2] =	wrdreg s3  }
0xa9: {  	[dreg:$0x3] =	wrdreg s5  }
0xaa: {  	[dreg:$0x4] =	wrdreg $0xC0  }
0xab: {  	_ =	task [dreg:s7], $0x5FFFF  }
0xac: {  	[dreg:$0x1] =	wrdreg $0xFFFFFFFF  }
0xad: {  	[dreg:$0x0] =	wrdreg $0x60  }
0xae: {  	[dreg:$0x2] =	wrdreg s24  }
0xaf: {  	[dreg:$0x3] =	wrdreg s2  }
0xb0: {  	[dreg:$0x4] =	wrdreg $0x9E000  }
0xb1: {  	[dreg:$0x5] =	wrdreg $0x0  }
0xb2: {  	[dreg:$0x6] =	wrdreg $0x9  }
0xb3: {  	_ =	task.clear_ibuf [dreg:s7], $0x7FFFF;
	_ =	strace $0x9000004F  }
0xb4: {  	s29 =	simm.s32 $0x9;
	_ =	strace $0x80000051  }
0xb5: {  	_ =	swait.ge [sflag:s29], $0x1  }
0xb6: {  	[sflag:s29] =	ssyncadd.s32 $0xFFFFFFFF  }
0xb7: {  	_ =	strace $0x90000051  }
0xb8: {  	_ =	sfence  }
0xb9: {  	s30 =	sld [smem:$0x0];
	_ =	sdelay $0x2  }
0xba: {  	s31 =	sshll.u32 s1, $0xD;
	s1 =	sshrl.u32 s1, $0x2  }
0xbb: {  	s3 =	sand.u32 $0x4000, s31;
	s1 =	sadd.s32 s1, s30  }
0xbc: {  	s0 =	sor.u32 s3, s0;
	s1 =	sshll.u32 s1, $0x11  }
0xbd: {  	s0 =	sor.u32 s1, s0  }
0xbe: {  	s0 =	sadd.s32 $0x8F2B, s0  }
0xbf: {  	[sflag:s0] =	ssyncadd.remote.s32 $0x1  }
0xc0: {  	_ =	sfence.sel $0xFFFF  }
0xc1: {  	[dreg:$0x0] =	wrdreg $0xFFFFFFFF;
	(pc) =	sbr.abs _section_cstart, $3  }
0xc2: {  	[dreg:$0x1] =	wrdreg $0xFFFFFFFF  }
0xc3: {  	_ =	task.clear_ibuf [dreg:s7], $0x2FFFF;
	_ =	strace $0x9FFFFFFF  }
0xc4: {  	(tm) =	ssettm $0x7FFFFFFF  }
0xc5: {  	_ =	shalt  }
tec
execute0_lowered:
.L_overlay_start_1:
0x0: {  	(tag) =	ssettag $0x1  }
0x1: {  	s0 =	rddreg [dreg:$0x0]  }
0x2: {  	s3 =	rddreg [dreg:$0x2]  }
0x3: {  	s7 =	stileid.u32;
	s4 =	rddreg [dreg:$0x3];
	s5 =	simm.s32 $0x0  }
0x4: {  	s6 =	srdreg.scid;
	s20 =	simm.s32 $0x13A40;
	s21 =	simm.s32 $0x3  }
0x5: {  	s22 =	simm.s32 $0x4;
	s23 =	simm.s32 $0x2;
	s28 =	simm.s32 $0x1  }
0x6: {  	s29 =	simm.s32 $0x0;
	s1 =	smul.u32 $0x9C40, s7;
	[smem:$0x7FF] =	sst s5  }
0x7: {  	s8 =	sand.u32 $0x1, s6;
	s9 =	sadd.s32 $0x3FE00, s0;
	s12 =	smul.u32 $0x5000, s7  }
0x8: {  	s14 =	sadd.s32 $0x4200, s0;
	s24 =	sadd.s32 $0x49E00, s0;
	s15 =	smul.u32 $0x9E00, s7  }
0x9: {  	_ =	strace $0x80000050;
	s10 =	ssub.s32 $0x2, s8;
	[dreg:$0x5] =	wrdreg s24  }
0xa: {  	p0 =	seq.s32 s8, $0x1;
	s24 =	simm.s32 $0x80;
	s2 =	sshrl.u32 s1, $0x3  }
0xb: {  	s11 =	sshrl.u32 s10, $0x1;
	s8 =	sadd.s32 s1, s3;
	s26 =	sshrl.u32 s12, $0x3  }
0xc: {  	s2 =	sadd.s32 s2, s0;
	s0 =	sadd.s32 $0x21C00, s0;
	s25 =	ssub.s32 s10, s11  }
0xd: {  	s10 =	sadd.s32 s15, s4;
	s16 =	sadd.s32 $0x500, s26;
	s11 =	sadd.s32 s9, s26  }
.Ltmp0:
0xe: {  	s12 =	sadd.s32 s14, s26;
	s15 =	sshrl.u32 s15, $0x3;
	(pc) =	sbr.rel .LBB2_1-.Ltmp0, $4  }
0xf: {  	s26 =	simm.s32 $0x5;
	[dreg:$0x6] =	wrdreg s0;
	s30 =	sadd.s32 $0x4B200, s2  }
0x10: {  	s13 =	sadd.s32 s9, s16;
	s14 =	sadd.s32 s14, s16;
	s16 =	sshll.u32 s7, $0x6  }
0x11: {  	s31 =	sadd.s32 $0xE200, s2;
	s18 =	smax.u32 s25, $0x1;
	[dreg:$0x7] =	wrdreg s30  }
0x12: {  	s25 =	simm.s32 $0x18A40;
	[dreg:$0x8] =	wrdreg s31;
	s19 =	sor.u32 $0x1C03, s16  }
.LBB2_11:
0x13: {  	p1 =	seq.s32 s9, $0x0;
	s1 =	sshll.u32 s2, $0x7  }
0x14: {  	[sflag:s0] =	ssyncset.done $0x0;
	s2 =	simm.s32 @p1 $0x80;
	s6 =	simm.s32 @p1 $0x18A40  }
0x15: {  	[sflag:s0] =	ssyncadd.s32 $0xFFFFE000;
	s0 =	sadd.s32 $0x13A40, s1;
	s1 =	simm.s32 @p1 $0x2  }
0x16: {  	[tilespmem:s6], [sflag:$0x1] =	stream.indirect.gather @p1 [spmem:s3], $0x40, s0, s2, $0xb8;
	[tilespmem:$0x1CA40] =	vst v63  }
0x17: {  	_ =	swait.ge @p1 [sflag:s1], $0x2000  }
0x18: {  	[sflag:s1] =	ssyncset.done @p1 $0x0  }
0x19: {  	s6 =	simm.s32 @p1 $0x1AA40;
	[sflag:s1] =	ssyncadd.s32 @p1 $0xFFFFE000  }
0x1a: {  	[spmem:s4] =	stream.indirect.scatter.add.f32 @p1 [tilespmem:s6], [sflag:$0x5], $0x40, s31, s2, $0xb8;
	[tilespmem:$0x1CA40] =	vst v63  }
0x1b: {  	s1 =	simm.s32 @!p1 $0x80;
	s2 =	simm.s32 @!p1 $0x1AA40;
	s6 =	simm.s32 @!p1 $0x1  }
0x1c: {  	[tilespmem:s2], [sflag:$0x2] =	stream.indirect.gather @!p1 [spmem:s3], $0x40, s0, s1, $0xb8;
	[tilespmem:$0x1CA40] =	vst v63  }
0x1d: {  	_ =	swait.ge @!p1 [sflag:s6], $0x2000  }
0x1e: {  	s0 =	simm.s32 @!p1 $0x6;
	[sflag:s6] =	ssyncset.done @!p1 $0x0  }
0x1f: {  	s2 =	simm.s32 @!p1 $0x18A40;
	s0 =	simm.s32 @p1 $0x5;
	[sflag:s6] =	ssyncadd.s32 @!p1 $0xFFFFE000  }
0x20: {  	[spmem:s4] =	stream.indirect.scatter.add.f32 @!p1 [tilespmem:s2], [sflag:$0x6], $0x40, s31, s1, $0xb8;
	[tilespmem:$0x1CA40] =	vst v63  }
0x21: {  	_ =	swait.ge [sflag:s0], $0x2000  }
0x22: {  	[sflag:s0] =	ssyncset.done $0x0  }
0x23: {  	[sflag:s0] =	ssyncadd.s32 $0xFFFFE000;
	s0 =	rddreg [dreg:$0x6]  }
.LBB2_12:
0x24: {  	_ =	swait.ge [sflag:s28], $0x2000  }
0x25: {  	s29 =	sadd.s32 $0x1, s29;
	[sflag:s28] =	ssyncset.done $0x0  }
0x26: {  	s0 =	sadd.s32 s0, s15;
	p1 =	sne.s32 s29, s18;
	[sflag:s28] =	ssyncadd.s32 $0xFFFFE000  }
.Ltmp1:
0x27: {  	s1 =	sor.u32 $0x1C05, s16;
	[bflag:$0x0] =	sbarrier.arrive $0xFFFF;
	(pc) =	sbr.rel @!p1 .LBB2_13-.Ltmp1, $4  }
0x28: {  	[hbm:s0], [sflag:s1] =	dma.local [spmem:s30], $0x13C0  }
0x29: {  	_ =	swait.ge [sflag:s26], $0x13C0  }
0x2a: {  	[sflag:s26] =	ssyncset.done $0x0  }
0x2b: {  	[sflag:s26] =	ssyncadd.s32 $0xFFFFEC40  }
.LBB2_1:
.Ltmp2:
0x2c: {  	(pc) =	sbr.rel @!p0 .LBB2_2-.Ltmp2, $2  }
0x2d: {  	_ =	sdelay $0x2  }
0x2e: {  	s0 =	sshrl.u32 s8, $0x3;
	s30 =	sshrl.u32 s10, $0x3;
	s1 =	sor.u32 $0x1C04, s16  }
0x2f: {  	s2 =	rddreg [dreg:$0x8]  }
0x30: {  	[spmem:s0], [sflag:s19] =	dma.local [hbm:s2], $0x1388  }
0x31: {  	s0 =	rddreg [dreg:$0x5]  }
0x32: {  	[spmem:s30], [sflag:s1] =	dma.local [hbm:s0], $0x13C0  }
0x33: {  	[tilespmem:s20], [sflag:$0x1] =	stream.linear.gather [hbm4b:s11+s5], $0x2800, $0x38;
	[tilespmem:$0x1CA40] =	vst v63  }
0x34: {  	s0 =	simm.s32 $0x16240  }
0x35: {  	[tilespmem:s0], [sflag:$0x2] =	stream.linear.gather [hbm4b:s12+s5], $0x2800, $0x38;
	[tilespmem:$0x1CA40] =	vst v63  }
0x36: {  	_ =	swait.ge [sflag:s21], $0x1388  }
0x37: {  	[sflag:s21] =	ssyncset.done $0x0  }
0x38: {  	[sflag:s21] =	ssyncadd.s32 $0xFFFFEC78  }
0x39: {  	_ =	swait.ge [sflag:s22], $0x13C0  }
0x3a: {  	[sflag:s22] =	ssyncset.done $0x0  }
0x3b: {  	s7 =	simm.s32 $0x1;
	[sflag:s22] =	ssyncadd.s32 $0xFFFFEC40  }
0x3c: {  	_ =	swait.ge [sflag:s7], $0x2800  }
0x3d: {  	[sflag:s7] =	ssyncset.done $0x0  }
0x3e: {  	[sflag:s7] =	ssyncadd.s32 $0xFFFFD800  }
0x3f: {  	_ =	swait.ge [sflag:s23], $0x2800  }
0x40: {  	s9 =	sand.u32 $0x1, s7;
	[sflag:s23] =	ssyncset.done $0x0  }
0x41: {  	p1 =	seq.s32 s9, $0x0;
	s1 =	smin.u32 s7, $0x4F;
	[sflag:s23] =	ssyncadd.s32 $0xFFFFD800  }
0x42: {  	s6 =	simm.s32 @p1 $0x2;
	s2 =	sshll.u32 @p1 s1, $0x7;
	[bflag:$0x0] =	sbarrier.arrive $0xFFFF  }
0x43: {  	[tilespmem:s25], [sflag:$0x1] =	stream.indirect.gather [spmem:s3], $0x40, s20, s24, $0xb8;
	[tilespmem:$0x1CA40] =	vst v63  }
0x44: {  	s9 =	simm.s32 @p1 $0x18A40;
	s2 =	sadd.s32 @p1 $0x13A40, s2;
	s7 =	simm.s32 @p1 $0x80  }
0x45: {  	[tilespmem:s9], [sflag:$0x1] =	stream.indirect.gather @p1 [spmem:s3], $0x40, s2, s7, $0xb8;
	[tilespmem:$0x1CA40] =	vst v63  }
0x46: {  	_ =	swait.ge @p1 [sflag:s6], $0x2000  }
0x47: {  	[sflag:s6] =	ssyncset.done @p1 $0x0;
	p1 =	por p1, p1  }
0x48: {  	[sflag:s6] =	ssyncadd.s32 @p1 $0xFFFFE000;
	s2 =	simm.s32 @p1 $0x1AA40;
	s6 =	simm.s32 @p1 $0x5  }
0x49: {  	[spmem:s4] =	stream.indirect.scatter.add.f32 @p1 [tilespmem:s2], [sflag:$0x5], $0x40, s0, s7, $0xb8;
	[tilespmem:$0x1CA40] =	vst v63  }
0x4a: {  	s1 =	sshll.u32 @!p1 s1, $0x7;
	_ =	swait.ge @p1 [sflag:s6], $0x2000  }
0x4b: {  	s2 =	simm.s32 @!p1 $0x1;
	s7 =	simm.s32 @!p1 $0x1AA40;
	[sflag:s6] =	ssyncset.done @p1 $0x0  }
0x4c: {  	s1 =	sadd.s32 @!p1 $0x13A40, s1;
	[sflag:s6] =	ssyncadd.s32 @p1 $0xFFFFE000;
	s6 =	simm.s32 @!p1 $0x80  }
0x4d: {  	[tilespmem:s7], [sflag:$0x2] =	stream.indirect.gather @!p1 [spmem:s3], $0x40, s1, s6, $0xb8;
	[tilespmem:$0x1CA40] =	vst v63  }
0x4e: {  	_ =	swait.ge @!p1 [sflag:s2], $0x2000  }
0x4f: {  	s31 =	simm.s32 $0x162C0;
	s9 =	simm.s32 @!p1 $0x18A40;
	[sflag:s2] =	ssyncset.done @!p1 $0x0  }
0x50: {  	s7 =	simm.s32 $0x2;
	[sflag:s2] =	ssyncadd.s32 @!p1 $0xFFFFE000;
	s2 =	simm.s32 @!p1 $0x6  }
0x51: {  	[spmem:s4] =	stream.indirect.scatter.add.f32 @!p1 [tilespmem:s9], [sflag:$0x6], $0x40, s0, s6, $0xb8;
	[tilespmem:$0x1CA40] =	vst v63  }
0x52: {  	s1 =	simm.s32 $0x3;
	s17 =	sand.u32 $0x1, s7;
	_ =	swait.ge @!p1 [sflag:s2], $0x2000  }
0x53: {  	p3 =	seq.s32 s17, $0x0;
	s0 =	smin.u32 s7, $0x4F;
	[sflag:s2] =	ssyncset.done @!p1 $0x0  }
.LBB2_8:
0x54: {  	s6 =	sshll.u32 @p3 s0, $0x7;
	s7 =	simm.s32 @p3 $0x2;
	[sflag:s2] =	ssyncadd.s32 @!p1 $0xFFFFE000  }
0x55: {  	s9 =	simm.s32 @p3 $0x18A40;
	s2 =	sadd.s32 @p3 $0x13A40, s6;
	s6 =	simm.s32 @p3 $0x80  }
0x56: {  	[tilespmem:s9], [sflag:$0x1] =	stream.indirect.gather @p3 [spmem:s3], $0x40, s2, s6, $0xb8;
	[tilespmem:$0x1CA40] =	vst v63  }
0x57: {  	s9 =	smov.u32 s1;
	s1 =	sadd.s32 $0x1, s1;
	_ =	swait.ge @p3 [sflag:s7], $0x2000  }
0x58: {  	p1 =	por p3, p3;
	p2 =	sne.s32 s1, $0x51;
	[sflag:s7] =	ssyncset.done @p3 $0x0  }
0x59: {  	s2 =	simm.s32 @p1 $0x1AA40;
	[sflag:s7] =	ssyncadd.s32 @p1 $0xFFFFE000;
	s7 =	simm.s32 @p1 $0x5  }
0x5a: {  	[spmem:s4] =	stream.indirect.scatter.add.f32 @p1 [tilespmem:s2], [sflag:$0x5], $0x40, s31, s6, $0xb8;
	[tilespmem:$0x1CA40] =	vst v63  }
0x5b: {  	s2 =	simm.s32 @!p1 $0x1;
	_ =	swait.ge @p1 [sflag:s7], $0x2000  }
0x5c: {  	s0 =	sshll.u32 @!p1 s0, $0x7;
	s6 =	simm.s32 @!p1 $0x1AA40;
	[sflag:s7] =	ssyncset.done @p1 $0x0  }
0x5d: {  	s0 =	sadd.s32 @!p1 $0x13A40, s0;
	[sflag:s7] =	ssyncadd.s32 @p1 $0xFFFFE000;
	s7 =	simm.s32 @!p1 $0x80  }
0x5e: {  	[tilespmem:s6], [sflag:$0x2] =	stream.indirect.gather @!p1 [spmem:s3], $0x40, s0, s7, $0xb8;
	[tilespmem:$0x1CA40] =	vst v63  }
0x5f: {  	_ =	swait.ge @!p1 [sflag:s2], $0x2000  }
.Ltmp3:
0x60: {  	[sflag:s2] =	ssyncset.done @!p1 $0x0;
	(pc) =	sbr.rel @p2 .LBB2_8-.Ltmp3, $4  }
0x61: {  	s0 =	simm.s32 @!p1 $0x18A40;
	[sflag:s2] =	ssyncadd.s32 @!p1 $0xFFFFE000;
	s2 =	simm.s32 @!p1 $0x6  }
0x62: {  	[spmem:s4] =	stream.indirect.scatter.add.f32 @!p1 [tilespmem:s0], [sflag:$0x6], $0x40, s31, s7, $0xb8;
	[tilespmem:$0x1CA40] =	vst v63  }
0x63: {  	s0 =	sand.u32 $0x1, s9;
	s31 =	sadd.s32 $0x80, s31;
	_ =	swait.ge @!p1 [sflag:s2], $0x2000  }
0x64: {  	p3 =	seq.s32 s0, $0x0;
	s0 =	smin.u32 s9, $0x4F;
	[sflag:s2] =	ssyncset.done @!p1 $0x0  }
0x65: {  	s1 =	sshll.u32 @p3 s0, $0x7;
	s6 =	simm.s32 @p3 $0x2;
	[sflag:s2] =	ssyncadd.s32 @!p1 $0xFFFFE000  }
0x66: {  	s2 =	simm.s32 @p3 $0x80;
	s7 =	simm.s32 @p3 $0x18A40;
	s1 =	sadd.s32 @p3 $0x13A40, s1  }
0x67: {  	[tilespmem:s7], [sflag:$0x1] =	stream.indirect.gather @p3 [spmem:s3], $0x40, s1, s2, $0xb8;
	[tilespmem:$0x1CA40] =	vst v63  }
0x68: {  	_ =	swait.ge @p3 [sflag:s6], $0x2000  }
0x69: {  	p1 =	por p3, p3;
	[sflag:s6] =	ssyncset.done @p3 $0x0  }
0x6a: {  	s1 =	simm.s32 @p1 $0x1AA40;
	[sflag:s6] =	ssyncadd.s32 @p1 $0xFFFFE000;
	s6 =	simm.s32 @p1 $0x5  }
0x6b: {  	[spmem:s4] =	stream.indirect.scatter.add.f32 @p1 [tilespmem:s1], [sflag:$0x5], $0x40, s31, s2, $0xb8;
	[tilespmem:$0x1CA40] =	vst v63  }
0x6c: {  	s0 =	sshll.u32 @!p1 s0, $0x7;
	_ =	swait.ge @p1 [sflag:s6], $0x2000  }
0x6d: {  	s0 =	sadd.s32 @!p1 $0x13A40, s0;
	s1 =	simm.s32 @!p1 $0x1;
	[sflag:s6] =	ssyncset.done @p1 $0x0  }
0x6e: {  	s2 =	simm.s32 @!p1 $0x1AA40;
	[sflag:s6] =	ssyncadd.s32 @p1 $0xFFFFE000;
	s6 =	simm.s32 @!p1 $0x80  }
0x6f: {  	[tilespmem:s2], [sflag:$0x2] =	stream.indirect.gather @!p1 [spmem:s3], $0x40, s0, s6, $0xb8;
	[tilespmem:$0x1CA40] =	vst v63  }
0x70: {  	_ =	swait.ge @!p1 [sflag:s1], $0x2000  }
0x71: {  	[sflag:s1] =	ssyncset.done @!p1 $0x0  }
0x72: {  	s0 =	simm.s32 @!p1 $0x18A40;
	[sflag:s1] =	ssyncadd.s32 @!p1 $0xFFFFE000;
	s1 =	simm.s32 @!p1 $0x6  }
0x73: {  	[spmem:s4] =	stream.indirect.scatter.add.f32 @!p1 [tilespmem:s0], [sflag:$0x6], $0x40, s31, s6, $0xb8;
	[tilespmem:$0x1CA40] =	vst v63  }
0x74: {  	_ =	swait.ge @!p1 [sflag:s1], $0x2000  }
0x75: {  	[sflag:s1] =	ssyncset.done @!p1 $0x0  }
0x76: {  	s7 =	simm.s32 $0x1;
	[sflag:s1] =	ssyncadd.s32 @!p1 $0xFFFFE000  }
0x77: {  	_ =	swait.ge [sflag:s7], $0x2000  }
0x78: {  	[sflag:s7] =	ssyncset.done $0x0  }
0x79: {  	[sflag:s7] =	ssyncadd.s32 $0xFFFFE000  }
0x7a: {  	[tilespmem:s20], [sflag:$0x5] =	stream.linear.gather [hbm4b:s13+s5], $0x2800, $0x38;
	[tilespmem:$0x1CA40] =	vst v63  }
0x7b: {  	_ =	swait.ge [sflag:s26], $0x2800  }
0x7c: {  	[sflag:s26] =	ssyncset.done $0x0  }
0x7d: {  	s1 =	simm.s32 $0x16240;
	[sflag:s26] =	ssyncadd.s32 $0xFFFFD800  }
0x7e: {  	[tilespmem:s1], [sflag:$0x5] =	stream.linear.gather [hbm4b:s14+s5], $0x2800, $0x38;
	[tilespmem:$0x1CA40] =	vst v63  }
0x7f: {  	s0 =	smin.u32 s7, $0x4F;
	_ =	swait.ge [sflag:s26], $0x2800  }
0x80: {  	s9 =	sand.u32 $0x1, s7;
	s0 =	sshll.u32 s0, $0x7;
	[sflag:s26] =	ssyncset.done $0x0  }
0x81: {  	s0 =	sadd.s32 $0x13A40, s0;
	p1 =	seq.s32 s9, $0x0;
	[sflag:s26] =	ssyncadd.s32 $0xFFFFD800  }
0x82: {  	[tilespmem:s25], [sflag:$0x1] =	stream.indirect.gather [spmem:s3], $0x40, s20, s24, $0xb8;
	[tilespmem:$0x1CA40] =	vst v63  }
0x83: {  	s2 =	simm.s32 @p1 $0x80;
	s6 =	simm.s32 @p1 $0x18A40;
	s7 =	simm.s32 @p1 $0x2  }
0x84: {  	[tilespmem:s6], [sflag:$0x1] =	stream.indirect.gather @p1 [spmem:s3], $0x40, s0, s2, $0xb8;
	[tilespmem:$0x1CA40] =	vst v63  }
0x85: {  	_ =	swait.ge @p1 [sflag:s7], $0x2000  }
0x86: {  	[sflag:s7] =	ssyncset.done @p1 $0x0  }
0x87: {  	s6 =	simm.s32 @p1 $0x1AA40;
	[sflag:s7] =	ssyncadd.s32 @p1 $0xFFFFE000  }
0x88: {  	[spmem:s4] =	stream.indirect.scatter.add.f32 @p1 [tilespmem:s6], [sflag:$0x5], $0x40, s1, s2, $0xb8;
	[tilespmem:$0x1CA40] =	vst v63  }
0x89: {  	s7 =	simm.s32 @!p1 $0x1;
	s2 =	simm.s32 @!p1 $0x80;
	s6 =	simm.s32 @!p1 $0x1AA40  }
0x8a: {  	[tilespmem:s6], [sflag:$0x2] =	stream.indirect.gather @!p1 [spmem:s3], $0x40, s0, s2, $0xb8;
	[tilespmem:$0x1CA40] =	vst v63  }
0x8b: {  	_ =	swait.ge @!p1 [sflag:s7], $0x2000  }
0x8c: {  	s17 =	simm.s32 $0x2;
	[sflag:s7] =	ssyncset.done @!p1 $0x0  }
0x8d: {  	s9 =	simm.s32 @!p1 $0x18A40;
	s0 =	simm.s32 @!p1 $0x6;
	[sflag:s7] =	ssyncadd.s32 @!p1 $0xFFFFE000  }
0x8e: {  	[spmem:s4] =	stream.indirect.scatter.add.f32 @!p1 [tilespmem:s9], [sflag:$0x6], $0x40, s1, s2, $0xb8;
	[tilespmem:$0x1CA40] =	vst v63  }
0x8f: {  	s31 =	simm.s32 $0x162C0;
	s0 =	simm.s32 @p1 $0x5;
	s1 =	simm.s32 $0x3  }
0x90: {  	s2 =	smin.u32 s17, $0x4F;
	s9 =	sand.u32 $0x1, s17;
	_ =	swait.ge [sflag:s0], $0x2000  }
.LBB2_10:
0x91: {  	p1 =	seq.s32 s9, $0x0;
	s2 =	sshll.u32 s2, $0x7  }
0x92: {  	[sflag:s0] =	ssyncset.done $0x0;
	s6 =	smov.u32 s1;
	s7 =	smov.u32 s31  }
0x93: {  	s9 =	simm.s32 @p1 $0x80;
	s17 =	simm.s32 @p1 $0x18A40;
	[sflag:s0] =	ssyncadd.s32 $0xFFFFE000  }
0x94: {  	s1 =	sadd.s32 $0x1, s1;
	s0 =	sadd.s32 $0x13A40, s2;
	s2 =	simm.s32 @p1 $0x2  }
0x95: {  	[tilespmem:s17], [sflag:$0x1] =	stream.indirect.gather @p1 [spmem:s3], $0x40, s0, s9, $0xb8;
	[tilespmem:$0x1CA40] =	vst v63  }
0x96: {  	p2 =	sne.s32 s1, $0x51;
	_ =	swait.ge @p1 [sflag:s2], $0x2000  }
0x97: {  	s17 =	simm.s32 @p1 $0x1AA40;
	[sflag:s2] =	ssyncset.done @p1 $0x0  }
0x98: {  	[sflag:s2] =	ssyncadd.s32 @p1 $0xFFFFE000;
	s2 =	simm.s32 @!p1 $0x80  }
0x99: {  	[spmem:s4] =	stream.indirect.scatter.add.f32 @p1 [tilespmem:s17], [sflag:$0x5], $0x40, s31, s9, $0xb8;
	[tilespmem:$0x1CA40] =	vst v63  }
0x9a: {  	s9 =	simm.s32 @!p1 $0x1AA40;
	s17 =	simm.s32 @!p1 $0x1  }
0x9b: {  	[tilespmem:s9], [sflag:$0x2] =	stream.indirect.gather @!p1 [spmem:s3], $0x40, s0, s2, $0xb8;
	[tilespmem:$0x1CA40] =	vst v63  }
.Ltmp4:
0x9c: {  	_ =	swait.ge @!p1 [sflag:s17], $0x2000;
	(pc) =	sbr.rel @p2 .LBB2_10-.Ltmp4, $4  }
0x9d: {  	s9 =	simm.s32 @!p1 $0x18A40;
	s0 =	simm.s32 @!p1 $0x6;
	[sflag:s17] =	ssyncset.done @!p1 $0x0  }
0x9e: {  	s31 =	sadd.s32 $0x80, s31;
	s0 =	simm.s32 @p1 $0x5;
	[sflag:s17] =	ssyncadd.s32 @!p1 $0xFFFFE000  }
0x9f: {  	[spmem:s4] =	stream.indirect.scatter.add.f32 @!p1 [tilespmem:s9], [sflag:$0x6], $0x40, s7, s2, $0xb8;
	[tilespmem:$0x1CA40] =	vst v63  }
0xa0: {  	s2 =	smin.u32 s6, $0x4F;
	s9 =	sand.u32 $0x1, s6;
	_ =	swait.ge [sflag:s0], $0x2000  }
.Ltmp5:
0xa1: {  	_ = 	snop;
	(pc) =	sbr.rel .LBB2_11-.Ltmp5, $1  }
0xa2: {  	_ =	sdelay $0x3  }
.LBB2_2:
0xa3: {  	s2 =	rddreg [dreg:$0x7]  }
0xa4: {  	[spmem:s0], [sflag:s19] =	dma.local [hbm:s2], $0x1388  }
0xa5: {  	s0 =	rddreg [dreg:$0x5]  }
0xa6: {  	[spmem:s30], [sflag:s1] =	dma.local [hbm:s0], $0x13C0  }
0xa7: {  	[tilespmem:s20], [sflag:$0x1] =	stream.linear.gather [hbm4b:s11+s5], $0x2800, $0x38;
	[tilespmem:$0x1CA40] =	vst v63  }
0xa8: {  	s0 =	simm.s32 $0x16240  }
0xa9: {  	[tilespmem:s0], [sflag:$0x2] =	stream.linear.gather [hbm4b:s12+s5], $0x2800, $0x38;
	[tilespmem:$0x1CA40] =	vst v63  }
0xaa: {  	_ =	swait.ge [sflag:s21], $0x1388  }
0xab: {  	[sflag:s21] =	ssyncset.done $0x0  }
0xac: {  	[sflag:s21] =	ssyncadd.s32 $0xFFFFEC78  }
0xad: {  	_ =	swait.ge [sflag:s22], $0x13C0  }
0xae: {  	[sflag:s22] =	ssyncset.done $0x0  }
0xaf: {  	s9 =	simm.s32 $0x1;
	[sflag:s22] =	ssyncadd.s32 $0xFFFFEC40  }
0xb0: {  	_ =	swait.ge [sflag:s9], $0x2800  }
0xb1: {  	[sflag:s9] =	ssyncset.done $0x0  }
0xb2: {  	[sflag:s9] =	ssyncadd.s32 $0xFFFFD800  }
0xb3: {  	_ =	swait.ge [sflag:s23], $0x2800  }
0xb4: {  	s17 =	sand.u32 $0x1, s9;
	[sflag:s23] =	ssyncset.done $0x0  }
0xb5: {  	p1 =	seq.s32 s17, $0x0;
	s1 =	smin.u32 s9, $0x4F;
	[sflag:s23] =	ssyncadd.s32 $0xFFFFD800  }
0xb6: {  	s31 =	simm.s32 @p1 $0x80;
	s2 =	sshll.u32 @p1 s1, $0x7;
	[bflag:$0x0] =	sbarrier.arrive $0xFFFF  }
0xb7: {  	[tilespmem:s25], [sflag:$0x1] =	stream.indirect.gather [spmem:s3], $0x40, s20, s24, $0xb8;
	[tilespmem:$0x1CA40] =	vst v63  }
0xb8: {  	s7 =	simm.s32 @p1 $0x18A40;
	s2 =	sadd.s32 @p1 $0x13A40, s2;
	s9 =	simm.s32 @p1 $0x2  }
0xb9: {  	[tilespmem:s7], [sflag:$0x1] =	stream.indirect.gather @p1 [spmem:s3], $0x40, s2, s31, $0xb8;
	[tilespmem:$0x1CA40] =	vst v63  }
0xba: {  	_ =	swait.ge @p1 [sflag:s9], $0x2000  }
0xbb: {  	[sflag:s9] =	ssyncset.done @p1 $0x0;
	p1 =	por p1, p1  }
0xbc: {  	[sflag:s9] =	ssyncadd.s32 @p1 $0xFFFFE000;
	s2 =	simm.s32 @p1 $0x1AA40;
	s7 =	simm.s32 @p1 $0x5  }
0xbd: {  	[spmem:s4] =	stream.indirect.scatter.add.f32 @p1 [tilespmem:s2], [sflag:$0x5], $0x40, s0, s31, $0xb8;
	[tilespmem:$0x1CA40] =	vst v63  }
0xbe: {  	s1 =	sshll.u32 @!p1 s1, $0x7;
	_ =	swait.ge @p1 [sflag:s7], $0x2000  }
0xbf: {  	s9 =	simm.s32 @!p1 $0x1AA40;
	s2 =	simm.s32 @!p1 $0x1;
	[sflag:s7] =	ssyncset.done @p1 $0x0  }
0xc0: {  	s1 =	sadd.s32 @!p1 $0x13A40, s1;
	[sflag:s7] =	ssyncadd.s32 @p1 $0xFFFFE000;
	s7 =	simm.s32 @!p1 $0x80  }
0xc1: {  	[tilespmem:s9], [sflag:$0x2] =	stream.indirect.gather @!p1 [spmem:s3], $0x40, s1, s7, $0xb8;
	[tilespmem:$0x1CA40] =	vst v63  }
0xc2: {  	s6 =	simm.s32 $0x2;
	_ =	swait.ge @!p1 [sflag:s2], $0x2000  }
0xc3: {  	s17 =	sand.u32 $0x1, s6;
	[sflag:s2] =	ssyncset.done @!p1 $0x0  }
0xc4: {  	s31 =	simm.s32 @!p1 $0x18A40;
	[sflag:s2] =	ssyncadd.s32 @!p1 $0xFFFFE000;
	s2 =	simm.s32 @!p1 $0x6  }
0xc5: {  	[spmem:s4] =	stream.indirect.scatter.add.f32 @!p1 [tilespmem:s31], [sflag:$0x6], $0x40, s0, s7, $0xb8;
	[tilespmem:$0x1CA40] =	vst v63  }
0xc6: {  	p3 =	seq.s32 s17, $0x0;
	s1 =	simm.s32 $0x3;
	_ =	swait.ge @!p1 [sflag:s2], $0x2000  }
0xc7: {  	s31 =	simm.s32 $0x162C0;
	s0 =	smin.u32 s6, $0x4F;
	[sflag:s2] =	ssyncset.done @!p1 $0x0  }
.LBB2_3:
0xc8: {  	s7 =	sshll.u32 @p3 s0, $0x7;
	s9 =	simm.s32 @p3 $0x2;
	[sflag:s2] =	ssyncadd.s32 @!p1 $0xFFFFE000  }
0xc9: {  	s17 =	simm.s32 @p3 $0x18A40;
	s2 =	sadd.s32 @p3 $0x13A40, s7;
	s7 =	simm.s32 @p3 $0x80  }
0xca: {  	[tilespmem:s17], [sflag:$0x1] =	stream.indirect.gather @p3 [spmem:s3], $0x40, s2, s7, $0xb8;
	[tilespmem:$0x1CA40] =	vst v63  }
0xcb: {  	s17 =	smov.u32 s1;
	s1 =	sadd.s32 $0x1, s1;
	_ =	swait.ge @p3 [sflag:s9], $0x2000  }
0xcc: {  	p1 =	por p3, p3;
	p2 =	sne.s32 s1, $0x51;
	[sflag:s9] =	ssyncset.done @p3 $0x0  }
0xcd: {  	s2 =	simm.s32 @p1 $0x1AA40;
	[sflag:s9] =	ssyncadd.s32 @p1 $0xFFFFE000;
	s9 =	simm.s32 @p1 $0x5  }
0xce: {  	[spmem:s4] =	stream.indirect.scatter.add.f32 @p1 [tilespmem:s2], [sflag:$0x5], $0x40, s31, s7, $0xb8;
	[tilespmem:$0x1CA40] =	vst v63  }
0xcf: {  	s2 =	simm.s32 @!p1 $0x1;
	_ =	swait.ge @p1 [sflag:s9], $0x2000  }
0xd0: {  	s0 =	sshll.u32 @!p1 s0, $0x7;
	s7 =	simm.s32 @!p1 $0x1AA40;
	[sflag:s9] =	ssyncset.done @p1 $0x0  }
0xd1: {  	s0 =	sadd.s32 @!p1 $0x13A40, s0;
	[sflag:s9] =	ssyncadd.s32 @p1 $0xFFFFE000;
	s9 =	simm.s32 @!p1 $0x80  }
0xd2: {  	[tilespmem:s7], [sflag:$0x2] =	stream.indirect.gather @!p1 [spmem:s3], $0x40, s0, s9, $0xb8;
	[tilespmem:$0x1CA40] =	vst v63  }
0xd3: {  	_ =	swait.ge @!p1 [sflag:s2], $0x2000  }
.Ltmp6:
0xd4: {  	[sflag:s2] =	ssyncset.done @!p1 $0x0;
	(pc) =	sbr.rel @p2 .LBB2_3-.Ltmp6, $4  }
0xd5: {  	s0 =	simm.s32 @!p1 $0x18A40;
	[sflag:s2] =	ssyncadd.s32 @!p1 $0xFFFFE000;
	s2 =	simm.s32 @!p1 $0x6  }
0xd6: {  	[spmem:s4] =	stream.indirect.scatter.add.f32 @!p1 [tilespmem:s0], [sflag:$0x6], $0x40, s31, s9, $0xb8;
	[tilespmem:$0x1CA40] =	vst v63  }
0xd7: {  	s0 =	sand.u32 $0x1, s17;
	s31 =	sadd.s32 $0x80, s31;
	_ =	swait.ge @!p1 [sflag:s2], $0x2000  }
0xd8: {  	p3 =	seq.s32 s0, $0x0;
	s0 =	smin.u32 s17, $0x4F;
	[sflag:s2] =	ssyncset.done @!p1 $0x0  }
0xd9: {  	s1 =	sshll.u32 @p3 s0, $0x7;
	s7 =	simm.s32 @p3 $0x2;
	[sflag:s2] =	ssyncadd.s32 @!p1 $0xFFFFE000  }
0xda: {  	s2 =	simm.s32 @p3 $0x80;
	s9 =	simm.s32 @p3 $0x18A40;
	s1 =	sadd.s32 @p3 $0x13A40, s1  }
0xdb: {  	[tilespmem:s9], [sflag:$0x1] =	stream.indirect.gather @p3 [spmem:s3], $0x40, s1, s2, $0xb8;
	[tilespmem:$0x1CA40] =	vst v63  }
0xdc: {  	_ =	swait.ge @p3 [sflag:s7], $0x2000  }
0xdd: {  	p1 =	por p3, p3;
	[sflag:s7] =	ssyncset.done @p3 $0x0  }
0xde: {  	s1 =	simm.s32 @p1 $0x1AA40;
	[sflag:s7] =	ssyncadd.s32 @p1 $0xFFFFE000;
	s7 =	simm.s32 @p1 $0x5  }
0xdf: {  	[spmem:s4] =	stream.indirect.scatter.add.f32 @p1 [tilespmem:s1], [sflag:$0x5], $0x40, s31, s2, $0xb8;
	[tilespmem:$0x1CA40] =	vst v63  }
0xe0: {  	s0 =	sshll.u32 @!p1 s0, $0x7;
	_ =	swait.ge @p1 [sflag:s7], $0x2000  }
0xe1: {  	s0 =	sadd.s32 @!p1 $0x13A40, s0;
	s1 =	simm.s32 @!p1 $0x1;
	[sflag:s7] =	ssyncset.done @p1 $0x0  }
0xe2: {  	s2 =	simm.s32 @!p1 $0x1AA40;
	[sflag:s7] =	ssyncadd.s32 @p1 $0xFFFFE000;
	s7 =	simm.s32 @!p1 $0x80  }
0xe3: {  	[tilespmem:s2], [sflag:$0x2] =	stream.indirect.gather @!p1 [spmem:s3], $0x40, s0, s7, $0xb8;
	[tilespmem:$0x1CA40] =	vst v63  }
0xe4: {  	_ =	swait.ge @!p1 [sflag:s1], $0x2000  }
0xe5: {  	[sflag:s1] =	ssyncset.done @!p1 $0x0  }
0xe6: {  	s0 =	simm.s32 @!p1 $0x18A40;
	[sflag:s1] =	ssyncadd.s32 @!p1 $0xFFFFE000;
	s1 =	simm.s32 @!p1 $0x6  }
0xe7: {  	[spmem:s4] =	stream.indirect.scatter.add.f32 @!p1 [tilespmem:s0], [sflag:$0x6], $0x40, s31, s7, $0xb8;
	[tilespmem:$0x1CA40] =	vst v63  }
0xe8: {  	_ =	swait.ge @!p1 [sflag:s1], $0x2000  }
0xe9: {  	[sflag:s1] =	ssyncset.done @!p1 $0x0  }
0xea: {  	s9 =	simm.s32 $0x1;
	[sflag:s1] =	ssyncadd.s32 @!p1 $0xFFFFE000  }
0xeb: {  	_ =	swait.ge [sflag:s9], $0x2000  }
0xec: {  	[sflag:s9] =	ssyncset.done $0x0  }
0xed: {  	[sflag:s9] =	ssyncadd.s32 $0xFFFFE000  }
0xee: {  	[tilespmem:s20], [sflag:$0x5] =	stream.linear.gather [hbm4b:s13+s5], $0x2800, $0x38;
	[tilespmem:$0x1CA40] =	vst v63  }
0xef: {  	_ =	swait.ge [sflag:s26], $0x2800  }
0xf0: {  	[sflag:s26] =	ssyncset.done $0x0  }
0xf1: {  	s1 =	simm.s32 $0x16240;
	[sflag:s26] =	ssyncadd.s32 $0xFFFFD800  }
0xf2: {  	[tilespmem:s1], [sflag:$0x5] =	stream.linear.gather [hbm4b:s14+s5], $0x2800, $0x38;
	[tilespmem:$0x1CA40] =	vst v63  }
0xf3: {  	s0 =	smin.u32 s9, $0x4F;
	_ =	swait.ge [sflag:s26], $0x2800  }
0xf4: {  	s17 =	sand.u32 $0x1, s9;
	s0 =	sshll.u32 s0, $0x7;
	[sflag:s26] =	ssyncset.done $0x0  }
0xf5: {  	s0 =	sadd.s32 $0x13A40, s0;
	p1 =	seq.s32 s17, $0x0;
	[sflag:s26] =	ssyncadd.s32 $0xFFFFD800  }
0xf6: {  	[tilespmem:s25], [sflag:$0x1] =	stream.indirect.gather [spmem:s3], $0x40, s20, s24, $0xb8;
	[tilespmem:$0x1CA40] =	vst v63  }
0xf7: {  	s2 =	simm.s32 @p1 $0x80;
	s7 =	simm.s32 @p1 $0x18A40;
	s9 =	simm.s32 @p1 $0x2  }
0xf8: {  	[tilespmem:s7], [sflag:$0x1] =	stream.indirect.gather @p1 [spmem:s3], $0x40, s0, s2, $0xb8;
	[tilespmem:$0x1CA40] =	vst v63  }
0xf9: {  	_ =	swait.ge @p1 [sflag:s9], $0x2000  }
0xfa: {  	[sflag:s9] =	ssyncset.done @p1 $0x0  }
0xfb: {  	s7 =	simm.s32 @p1 $0x1AA40;
	[sflag:s9] =	ssyncadd.s32 @p1 $0xFFFFE000  }
0xfc: {  	[spmem:s4] =	stream.indirect.scatter.add.f32 @p1 [tilespmem:s7], [sflag:$0x5], $0x40, s1, s2, $0xb8;
	[tilespmem:$0x1CA40] =	vst v63  }
0xfd: {  	s9 =	simm.s32 @!p1 $0x1;
	s2 =	simm.s32 @!p1 $0x80;
	s7 =	simm.s32 @!p1 $0x1AA40  }
0xfe: {  	[tilespmem:s7], [sflag:$0x2] =	stream.indirect.gather @!p1 [spmem:s3], $0x40, s0, s2, $0xb8;
	[tilespmem:$0x1CA40] =	vst v63  }
0xff: {  	s6 =	simm.s32 $0x2;
	s31 =	simm.s32 $0x162C0;
	_ =	swait.ge @!p1 [sflag:s9], $0x2000  }
0x100: {  	s17 =	simm.s32 @!p1 $0x18A40;
	s0 =	simm.s32 @!p1 $0x6;
	[sflag:s9] =	ssyncset.done @!p1 $0x0  }
0x101: {  	s0 =	simm.s32 @p1 $0x5;
	[sflag:s9] =	ssyncadd.s32 @!p1 $0xFFFFE000;
	s9 =	sand.u32 $0x1, s6  }
0x102: {  	[spmem:s4] =	stream.indirect.scatter.add.f32 @!p1 [tilespmem:s17], [sflag:$0x6], $0x40, s1, s2, $0xb8;
	[tilespmem:$0x1CA40] =	vst v63  }
0x103: {  	s1 =	simm.s32 $0x3;
	s2 =	smin.u32 s6, $0x4F;
	_ =	swait.ge [sflag:s0], $0x2000  }
.LBB2_5:
0x104: {  	p1 =	seq.s32 s9, $0x0;
	s2 =	sshll.u32 s2, $0x7  }
0x105: {  	[sflag:s0] =	ssyncset.done $0x0;
	s7 =	smov.u32 s1;
	s9 =	smov.u32 s31  }
0x106: {  	s17 =	simm.s32 @p1 $0x80;
	s6 =	simm.s32 @p1 $0x18A40;
	[sflag:s0] =	ssyncadd.s32 $0xFFFFE000  }
0x107: {  	s1 =	sadd.s32 $0x1, s1;
	s0 =	sadd.s32 $0x13A40, s2;
	s2 =	simm.s32 @p1 $0x2  }
0x108: {  	[tilespmem:s6], [sflag:$0x1] =	stream.indirect.gather @p1 [spmem:s3], $0x40, s0, s17, $0xb8;
	[tilespmem:$0x1CA40] =	vst v63  }
0x109: {  	p2 =	seq.s32 s1, $0x51;
	_ =	swait.ge @p1 [sflag:s2], $0x2000  }
0x10a: {  	s6 =	simm.s32 @p1 $0x1AA40;
	[sflag:s2] =	ssyncset.done @p1 $0x0  }
0x10b: {  	[sflag:s2] =	ssyncadd.s32 @p1 $0xFFFFE000;
	s2 =	simm.s32 @!p1 $0x80  }
0x10c: {  	[spmem:s4] =	stream.indirect.scatter.add.f32 @p1 [tilespmem:s6], [sflag:$0x5], $0x40, s31, s17, $0xb8;
	[tilespmem:$0x1CA40] =	vst v63  }
0x10d: {  	s6 =	simm.s32 @!p1 $0x1AA40;
	s17 =	simm.s32 @!p1 $0x1  }
0x10e: {  	[tilespmem:s6], [sflag:$0x2] =	stream.indirect.gather @!p1 [spmem:s3], $0x40, s0, s2, $0xb8;
	[tilespmem:$0x1CA40] =	vst v63  }
.Ltmp7:
0x10f: {  	_ =	swait.ge @!p1 [sflag:s17], $0x2000;
	(pc) =	sbr.rel @!p2 .LBB2_5-.Ltmp7, $4  }
0x110: {  	s6 =	simm.s32 @!p1 $0x18A40;
	s0 =	simm.s32 @!p1 $0x6;
	[sflag:s17] =	ssyncset.done @!p1 $0x0  }
0x111: {  	s31 =	sadd.s32 $0x80, s31;
	s0 =	simm.s32 @p1 $0x5;
	[sflag:s17] =	ssyncadd.s32 @!p1 $0xFFFFE000  }
0x112: {  	[spmem:s4] =	stream.indirect.scatter.add.f32 @!p1 [tilespmem:s6], [sflag:$0x6], $0x40, s9, s2, $0xb8;
	[tilespmem:$0x1CA40] =	vst v63  }
0x113: {  	s2 =	smin.u32 s7, $0x4F;
	s9 =	sand.u32 $0x1, s7;
	_ =	swait.ge [sflag:s0], $0x2000  }
0x114: {  	p1 =	seq.s32 s9, $0x0;
	s1 =	sshll.u32 s2, $0x7  }
0x115: {  	[sflag:s0] =	ssyncset.done $0x0;
	s2 =	simm.s32 @p1 $0x80;
	s6 =	simm.s32 @p1 $0x18A40  }
0x116: {  	[sflag:s0] =	ssyncadd.s32 $0xFFFFE000;
	s0 =	sadd.s32 $0x13A40, s1;
	s1 =	simm.s32 @p1 $0x2  }
0x117: {  	[tilespmem:s6], [sflag:$0x1] =	stream.indirect.gather @p1 [spmem:s3], $0x40, s0, s2, $0xb8;
	[tilespmem:$0x1CA40] =	vst v63  }
0x118: {  	_ =	swait.ge @p1 [sflag:s1], $0x2000  }
0x119: {  	[sflag:s1] =	ssyncset.done @p1 $0x0  }
0x11a: {  	s6 =	simm.s32 @p1 $0x1AA40;
	[sflag:s1] =	ssyncadd.s32 @p1 $0xFFFFE000  }
0x11b: {  	[spmem:s4] =	stream.indirect.scatter.add.f32 @p1 [tilespmem:s6], [sflag:$0x5], $0x40, s31, s2, $0xb8;
	[tilespmem:$0x1CA40] =	vst v63  }
0x11c: {  	s1 =	simm.s32 @!p1 $0x80;
	s2 =	simm.s32 @!p1 $0x1AA40;
	s6 =	simm.s32 @!p1 $0x1  }
0x11d: {  	[tilespmem:s2], [sflag:$0x2] =	stream.indirect.gather @!p1 [spmem:s3], $0x40, s0, s1, $0xb8;
	[tilespmem:$0x1CA40] =	vst v63  }
0x11e: {  	_ =	swait.ge @!p1 [sflag:s6], $0x2000  }
0x11f: {  	[sflag:s6] =	ssyncset.done @!p1 $0x0  }
0x120: {  	s0 =	simm.s32 @!p1 $0x6;
	s2 =	simm.s32 @!p1 $0x18A40;
	[sflag:s6] =	ssyncadd.s32 @!p1 $0xFFFFE000  }
0x121: {  	[spmem:s4] =	stream.indirect.scatter.add.f32 @!p1 [tilespmem:s2], [sflag:$0x6], $0x40, s31, s1, $0xb8;
	[tilespmem:$0x1CA40] =	vst v63  }
.Ltmp8:
0x122: {  	s0 =	simm.s32 @p1 $0x5;
	(pc) =	sbr.rel .LBB2_12-.Ltmp8, $4  }
0x123: {  	_ =	swait.ge [sflag:s0], $0x2000  }
0x124: {  	[sflag:s0] =	ssyncset.done $0x0  }
0x125: {  	[sflag:s0] =	ssyncadd.s32 $0xFFFFE000  }
0x126: {  	s0 =	rddreg [dreg:$0x1]  }
.LBB2_13:
0x127: {  	_ =	sfence.sel $0x180000  }
0x128: {  	[bflag:$0x0] =	sbarrier.arrive $0xFFFF  }
0x129: {  	_ =	strace $0x90000050  }
0x12a: {  	s0 =	stileid.u32;
	[bflag:$0x2] =	sbarrier.arrive $0xFFFF  }
0x12b: {  	p0 =	sne.s32 s0, $0x0;
	s0 =	rddreg [dreg:$0x4]  }
0x12c: {  	s0 =	sadd.s32 @!p0 $0x100000, s0  }
0x12d: {  	[sflag:s0] =	ssyncadd.tile.s32 @!p0 $0x1;
	_ =	shalt  }
.Lfunc_end2:
_tile_overlayer_lowered:
.L_overlay_start_2:
0x12e: {  	(tag) =	ssettag $0x2  }
0x12f: {  	s0 =	rddreg [dreg:$0x0];
	s2 =	stileid.u32  }
0x130: {  	s1 =	rddreg [dreg:$0x1];
	p0 =	sne.s32 s2, $0x0  }
0x131: {  	s3 =	rddreg [dreg:$0x2];
	[bflag:$0x3] =	sbarrier.arrive $0xFFFF;
	s2 =	simm.s32 @!p0 $0x1C05  }
0x132: {  	[timem:s3], [sflag:s2] =	dma.local @!p0 [hbm:s0], s1  }
0x133: {  	s0 =	simm.s32 @!p0 $0x5  }
0x134: {  	_ =	swait.ge @!p0 [sflag:s0], s1  }
0x135: {  	s1 =	ssub.s32 @!p0 $0x0, s1;
	[sflag:s0] =	ssyncset.done @!p0 $0x0  }
0x136: {  	[sflag:s0] =	ssyncadd.s32 @!p0 s1  }
0x137: {  	[bflag:$0x3] =	sbarrier.arrive $0xFFFF  }
0x138: {  	_ =	shalt  }

</sc_bundles>
